<compile_context>
chip_gen: v7x
topology: tpu7x:2x2x1
jax: 0.10.2.dev20260603
libtpu: 0.0.44.dev20260713+nightly
codegen_flags: <defaults>
</compile_context>

<pallas_src>
import functools

import jax
import jax.numpy as jnp
from jax import lax
from jax.experimental import pallas as pl
from jax.experimental.pallas import tpu as pltpu
from jax.experimental.pallas import tpu_sc as plsc

N = 10000
NP = 10112
D = 128
E = 320000
NWORK = 32
EPT = 10240
GPT = EPT // 128
EPAD = NWORK * EPT
ROWS_PT = NP // 16
EPS = 1e-5

_mesh = plsc.VectorSubcoreMesh(core_axis_name="c", subcore_axis_name="s")


def _acc_chunks():
    off = 0
    for sz in (128, 128, 128, 128, 120):
        yield off, sz
        off += sz


@functools.partial(
    pl.kernel,
    out_type=jax.ShapeDtypeStruct((2, NP, D), jnp.float32),
    mesh=_mesh,
    scratch_types=[
        pltpu.VMEM((GPT // 2, 128), jnp.int32),
        pltpu.VMEM((GPT, 128), jnp.int32),
        pltpu.VMEM((128, D), jnp.float32),
        pltpu.VMEM((128, D), jnp.float32),
        pltpu.VMEM_SHARED((NP, D), jnp.float32),
        pltpu.SemaphoreType.DMA,
        pltpu.SemaphoreType.DMA,
    ],
)
def _sc_prop(hp_hbm, src_hbm, dst_hbm, zeros_hbm, out_hbm,
             sidx_v, didx_v, rows_v, rowsB_v, acc_sh, sem, semB):
    c = lax.axis_index("c")
    s = lax.axis_index("s")
    wid = c * 16 + s
    pltpu.sync_copy(dst_hbm.at[pl.ds(wid * GPT, GPT)], didx_v)
    pltpu.sync_copy(zeros_hbm, rows_v)
    base = s * ROWS_PT
    for off, sz in _acc_chunks():
        pltpu.sync_copy(rows_v.at[pl.ds(0, sz)], acc_sh.at[pl.ds(base + off, sz)])
    plsc.subcore_barrier()

    H = GPT // 2
    for half in range(2):
        pltpu.sync_copy(src_hbm.at[pl.ds(wid * GPT + half * H, H)], sidx_v)

        def body(j, carry, _hb=half * H):
            @pl.when((j < H) & (j % 2 == 0))
            def _():
                pltpu.async_copy(hp_hbm.at[sidx_v.at[j]], rows_v, sem)

            @pl.when((j < H) & (j % 2 == 1))
            def _():
                pltpu.async_copy(hp_hbm.at[sidx_v.at[j]], rowsB_v, semB)

            @pl.when((j >= 1) & (j % 2 == 1))
            def _():
                pltpu.make_async_copy(hp_hbm.at[sidx_v.at[j - 1]], rows_v, sem).wait()
                pltpu.sync_copy(rows_v, acc_sh.at[didx_v.at[_hb + j - 1]], add=True)

            @pl.when((j >= 1) & (j % 2 == 0))
            def _():
                pltpu.make_async_copy(hp_hbm.at[sidx_v.at[j - 1]], rowsB_v, semB).wait()
                pltpu.sync_copy(rowsB_v, acc_sh.at[didx_v.at[_hb + j - 1]], add=True)

            return carry

        lax.fori_loop(0, H + 1, body, 0)
    plsc.subcore_barrier()
    for off, sz in _acc_chunks():
        pltpu.sync_copy(acc_sh.at[pl.ds(base + off, sz)], rows_v.at[pl.ds(0, sz)])
        pltpu.sync_copy(rows_v.at[pl.ds(0, sz)], out_hbm.at[c, pl.ds(base + off, sz)])


@functools.partial(
    pl.kernel,
    out_type=jax.ShapeDtypeStruct((2, NP, D), jnp.float32),
    mesh=_mesh,
    scratch_types=[
        pltpu.VMEM((GPT // 2, 128), jnp.int32),
        pltpu.VMEM((128, D), jnp.float32),
        pltpu.VMEM_SHARED((NP, D), jnp.float32),
        pltpu.SemaphoreType.DMA,
    ],
)
def _sc_deg(dst_hbm, ones_hbm, zeros_hbm, out_hbm, didx_v, ones_v, acc_sh, sem):
    c = lax.axis_index("c")
    s = lax.axis_index("s")
    wid = c * 16 + s
    pltpu.sync_copy(dst_hbm.at[pl.ds(wid * GPT, GPT // 2)], didx_v)
    pltpu.sync_copy(zeros_hbm, ones_v)
    base = s * ROWS_PT
    for off, sz in _acc_chunks():
        pltpu.sync_copy(ones_v.at[pl.ds(0, sz)], acc_sh.at[pl.ds(base + off, sz)])
    pltpu.sync_copy(ones_hbm, ones_v)
    plsc.subcore_barrier()

    def fire(j, carry):
        pltpu.async_copy(ones_v, acc_sh.at[didx_v.at[j]], sem, add=True)
        return carry

    def drain(j, carry):
        pltpu.make_async_copy(ones_v, acc_sh.at[didx_v.at[j]], sem).wait()
        return carry

    lax.fori_loop(0, GPT // 2, fire, 0)
    lax.fori_loop(0, GPT // 2, drain, 0)
    pltpu.sync_copy(dst_hbm.at[pl.ds(wid * GPT + GPT // 2, GPT // 2)], didx_v)
    lax.fori_loop(0, GPT // 2, fire, 0)
    lax.fori_loop(0, GPT // 2, drain, 0)
    plsc.subcore_barrier()
    for off, sz in _acc_chunks():
        pltpu.sync_copy(acc_sh.at[pl.ds(base + off, sz)], ones_v.at[pl.ds(0, sz)])
        pltpu.sync_copy(ones_v.at[pl.ds(0, sz)], out_hbm.at[c, pl.ds(base + off, sz)])


_R = 1000
_HIGH = lax.Precision.HIGHEST


def _tc_mm_body(x_ref, w_ref, o_ref):
    o_ref[...] = jnp.dot(x_ref[...], w_ref[...], precision=_HIGH,
                         preferred_element_type=jnp.float32)


def _tc_mm(x, w):
    m = x.shape[0]
    return pl.pallas_call(
        _tc_mm_body,
        grid=(m // _R,),
        in_specs=[
            pl.BlockSpec((_R, x.shape[1]), lambda i: (i, 0)),
            pl.BlockSpec(w.shape, lambda i: (0, 0)),
        ],
        out_specs=pl.BlockSpec((_R, w.shape[1]), lambda i: (i, 0)),
        out_shape=jax.ShapeDtypeStruct((m, w.shape[1]), jnp.float32),
    )(x, w)


def _tc_dinv_body(degp_ref, xw_ref, dinvb_ref, hp_ref):
    cnt = (degp_ref[0] + degp_ref[1])[:, :1] + 1.0
    dinv = lax.rsqrt(cnt)
    dinvb = jnp.broadcast_to(dinv, (_R, D))
    dinvb_ref[...] = dinvb
    hp_ref[...] = dinvb * xw_ref[...]


def _tc_dinv_scale(degp, xw):
    blk = pl.BlockSpec((_R, D), lambda i: (i, 0))
    return pl.pallas_call(
        _tc_dinv_body,
        grid=(N // _R,),
        in_specs=[pl.BlockSpec((2, _R, D), lambda i: (0, i, 0)), blk],
        out_specs=[blk, blk],
        out_shape=[jax.ShapeDtypeStruct((N, D), jnp.float32),
                   jax.ShapeDtypeStruct((N, D), jnp.float32)],
    )(degp, xw)


def _tc_layer_body(agg_ref, hp_ref, dinvb_ref, b_ref, g_ref, be_ref, w_ref,
                   x_out_ref, hp_out_ref):
    dinvb = dinvb_ref[...]
    agg = agg_ref[0] + agg_ref[1] + hp_ref[...]
    conv = dinvb * agg + b_ref[...]
    scale = g_ref[...] * lax.rsqrt(jnp.float32(1.0 + EPS))
    xl = jnp.maximum(conv * scale + be_ref[...], 0.0)
    x_out_ref[...] = xl
    hp_out_ref[...] = dinvb * jnp.dot(xl, w_ref[...], precision=_HIGH,
                                      preferred_element_type=jnp.float32)


def _tc_layer(aggp, hp, dinvb, b, g, be, w):
    return pl.pallas_call(
        _tc_layer_body,
        grid=(N // _R,),
        in_specs=[
            pl.BlockSpec((2, _R, D), lambda i: (0, i, 0)),
            pl.BlockSpec((_R, D), lambda i: (i, 0)),
            pl.BlockSpec((_R, D), lambda i: (i, 0)),
            pl.BlockSpec((1, D), lambda i: (0, 0)),
            pl.BlockSpec((1, D), lambda i: (0, 0)),
            pl.BlockSpec((1, D), lambda i: (0, 0)),
            pl.BlockSpec((D, D), lambda i: (0, 0)),
        ],
        out_specs=[
            pl.BlockSpec((_R, D), lambda i: (i, 0)),
            pl.BlockSpec((_R, D), lambda i: (i, 0)),
        ],
        out_shape=[
            jax.ShapeDtypeStruct((N, D), jnp.float32),
            jax.ShapeDtypeStruct((N, D), jnp.float32),
        ],
    )(aggp, hp, dinvb, b, g, be, w)


def _tc_final_body(agg_ref, hp_ref, dinvb_ref, b_ref, g_ref, be_ref,
                   x1_ref, lw1a_ref, lw1b_ref, lb1_ref, lw2_ref, lb2_ref,
                   o_ref):
    dinvb = dinvb_ref[...]
    agg = agg_ref[0] + agg_ref[1] + hp_ref[...]
    conv = dinvb * agg + b_ref[...]
    scale = g_ref[...] * lax.rsqrt(jnp.float32(1.0 + EPS))
    x2 = jnp.maximum(conv * scale + be_ref[...], 0.0)
    h = jnp.dot(x1_ref[...], lw1a_ref[...], precision=_HIGH,
                preferred_element_type=jnp.float32)
    h += jnp.dot(x2, lw1b_ref[...], precision=_HIGH,
                 preferred_element_type=jnp.float32)
    h = jnp.maximum(h + lb1_ref[...], 0.0)
    o_ref[...] = jnp.dot(h, lw2_ref[...], precision=_HIGH,
                         preferred_element_type=jnp.float32) + lb2_ref[...]


def _tc_final(aggp, hp, dinvb, b, g, be, x1, lw1a, lw1b, lb1, lw2, lb2):
    vec = pl.BlockSpec((1, D), lambda i: (0, 0))
    mat = pl.BlockSpec((D, D), lambda i: (0, 0))
    blk = pl.BlockSpec((_R, D), lambda i: (i, 0))
    return pl.pallas_call(
        _tc_final_body,
        grid=(N // _R,),
        in_specs=[pl.BlockSpec((2, _R, D), lambda i: (0, i, 0)),
                  blk, blk, vec, vec, vec, blk, mat, mat, vec, mat, vec],
        out_specs=blk,
        out_shape=jax.ShapeDtypeStruct((N, D), jnp.float32),
    )(aggp, hp, dinvb, b, g, be, x1, lw1a, lw1b, lb1, lw2, lb2)


def kernel(x, edge_index, W1, b1, g1, be1, W2, b2, g2, be2, LW1, Lb1, LW2, Lb2):
    src = edge_index[0]
    dst = edge_index[1]
    pad = EPAD - E
    ar = jnp.arange(pad, dtype=jnp.int32)
    src_p = jnp.concatenate([src, (ar * 79) % N]).reshape(EPAD // 128, 128)
    dst_p = jnp.concatenate([dst, N + ar % (NP - N)]).reshape(EPAD // 128, 128)
    zerosD = jnp.zeros((128, D), jnp.float32)
    onesND = jnp.ones((N, D), jnp.float32)

    degp = _sc_deg(dst_p, onesND[:128], zerosD)
    xw1 = _tc_mm(x, W1)
    dinvb, h1p = _tc_dinv_scale(degp, xw1)
    agg1 = _sc_prop(h1p, src_p, dst_p, zerosD)
    x1, h2p = _tc_layer(agg1, h1p, dinvb,
                        b1.reshape(1, D), g1.reshape(1, D), be1.reshape(1, D), W2)
    agg2 = _sc_prop(h2p, src_p, dst_p, zerosD)
    out = _tc_final(agg2, h2p, dinvb,
                    b2.reshape(1, D), g2.reshape(1, D), be2.reshape(1, D),
                    x1, LW1[:D], LW1[D:], Lb1.reshape(1, D), LW2, Lb2.reshape(1, D))
    return out

# --- scband reference (transcript-rebuilt; emitter-appended) ---
"""Pipeline reference for scband-jknet-6828998001541 (READ-ONLY COPY).

The authoritative reference and input builder live on the scoring server;
editing this copy changes nothing except your own understanding.
"""

import jax, jax.numpy as jnp
import numpy as np

N = 10000
E = 320000
D_IN = 128
HID = 128
OUT = 128
NUM_LAYERS = 2
EPS = 1e-5


def gcn_conv(x, src, dst, W, b):
    # PyG GCNConv: x' = D^{-1/2} (A + I) D^{-1/2} (x W) + b
    h = x @ W
    n = h.shape[0]
    loop = jnp.arange(n, dtype=src.dtype)
    s = jnp.concatenate([src, loop])
    d = jnp.concatenate([dst, loop])
    deg = jnp.zeros((n,), h.dtype).at[d].add(1.0)
    dinv = jnp.where(deg > 0, jax.lax.rsqrt(deg), 0.0)
    norm = dinv[s] * dinv[d]
    msg = h[s] * norm[:, None]
    out = jnp.zeros_like(h).at[d].add(msg)
    return out + b


def bn_eval(x, g, be):
    # eval-mode BatchNorm1d with fresh running stats (mean=0, var=1)
    return x * (g * jax.lax.rsqrt(jnp.float32(1.0 + EPS))) + be


def setup_inputs(seed: int = 0):
    key = jax.random.key(seed)
    ks = jax.random.split(key, 8)

    def w(k, fi, fo):
        return (jax.random.normal(k, (fi, fo), jnp.float32) / np.sqrt(fi)).astype(jnp.float32)

    return {
        "x": jax.random.normal(ks[0], (N, D_IN), jnp.float32),
        "edge_index": jax.random.randint(ks[1], (2, E), 0, N, dtype=jnp.int32),
        "W1": w(ks[2], D_IN, HID),
        "b1": jnp.zeros((HID,), jnp.float32),
        "g1": jnp.ones((HID,), jnp.float32),
        "be1": jnp.zeros((HID,), jnp.float32),
        "W2": w(ks[3], HID, HID),
        "b2": jnp.zeros((HID,), jnp.float32),
        "g2": jnp.ones((HID,), jnp.float32),
        "be2": jnp.zeros((HID,), jnp.float32),
        "LW1": w(ks[4], NUM_LAYERS * HID, HID),
        "Lb1": jnp.zeros((HID,), jnp.float32),
        "LW2": w(ks[5], HID, OUT),
        "Lb2": jnp.zeros((OUT,), jnp.float32),
    }


def reference(x, edge_index, W1, b1, g1, be1, W2, b2, g2, be2, LW1, Lb1, LW2, Lb2):
    # eval mode: dropout is identity
    src, dst = edge_index[0], edge_index[1]
    h = gcn_conv(x, src, dst, W1, b1)
    h = bn_eval(h, g1, be1)
    h = jax.nn.relu(h)
    x1 = h
    h = gcn_conv(h, src, dst, W2, b2)
    h = bn_eval(h, g2, be2)
    h = jax.nn.relu(h)
    x2 = h
    j = jnp.concatenate([x1, x2], axis=1)  # JumpingKnowledge mode='cat'
    h = jax.nn.relu(j @ LW1 + Lb1)
    out = h @ LW2 + Lb2
    return out

if __name__ == "__main__":
    import jax
    _d = setup_inputs()
    print(jax.jit(kernel)(*tuple(_d.values())))

</pallas_src>

<mosaic_0001>
#map = affine_map<(d0, d1) -> (0, 0)>
#map1 = affine_map<(d0, d1) -> (0, 0, 0)>
module attributes {stable_mosaic.version = 14 : i64} {
  func.func @_sc_deg(%arg0: i32, %arg1: i32, %arg2: memref<2560x128xi32, #tpu.memory_space<hbm>>, %arg3: memref<128x128xf32, #tpu.memory_space<hbm>>, %arg4: memref<128x128xf32, #tpu.memory_space<hbm>>, %arg5: memref<2x10112x128xf32, #tpu.memory_space<hbm>>, %arg6: memref<40x128xi32, #tpu.memory_space<vmem>>, %arg7: memref<128x128xf32, #tpu.memory_space<vmem>>, %arg8: memref<10112x128xf32, #tpu.memory_space<vmem_shared>>, %arg9: memref<!tpu.dma_semaphore, #tpu.memory_space<semaphore_mem>>) attributes {dimension_semantics = [#tpu.dimension_semantics<core_parallel>, #tpu.dimension_semantics<subcore_parallel>], iteration_bounds = array<i64: 2, 16>, scalar_prefetch = 0 : i64, scratch_operands = 4 : i64, tpu.core_type = #tpu.core_type<sc_vector_subcore>, window_params = [{transform_indices = #map}, {transform_indices = #map}, {transform_indices = #map}, {transform_indices = #map1}]} {
    %mul3A = arith.constant 16 : i32
    %mul3A_0 = arith.muli %arg0, %mul3A : i32
    %add3A = arith.addi %mul3A_0, %arg1 : i32
    %mul3A_1 = arith.constant 80 : i32
    %mul3A_2 = arith.muli %add3A, %mul3A_1 : i32
    "tpu.region"() ({
      %run_scoped3A = tpu.sem_alloc : memref<!tpu.dma_semaphore, #tpu.memory_space<semaphore_mem>>
      %dma_start3A = arith.constant 0 : i32
      %dma_start3A_63 = tpu.memref_slice %arg2[%mul3A_2, %dma_start3A] : memref<2560x128xi32, #tpu.memory_space<hbm>> -> memref<40x128xi32, #tpu.memory_space<hbm>>
      %dma_start3A_64 = arith.constant 0 : i32
      %dma_start3A_65 = tpu.memref_slice %arg2[%mul3A_2, %dma_start3A_64] : memref<2560x128xi32, #tpu.memory_space<hbm>> -> memref<40x128xi32, #tpu.memory_space<hbm>>
      tpu.enqueue_dma source(%dma_start3A_65 : memref<40x128xi32, #tpu.memory_space<hbm>>) target(%arg6 : memref<40x128xi32, #tpu.memory_space<vmem>>) target_semaphore(%run_scoped3A : memref<!tpu.dma_semaphore, #tpu.memory_space<semaphore_mem>>)
      %dma_wait3A = arith.constant 0 : i32
      %dma_wait3A_66 = tpu.memref_slice %arg2[%mul3A_2, %dma_wait3A] : memref<2560x128xi32, #tpu.memory_space<hbm>> -> memref<40x128xi32, #tpu.memory_space<hbm>>
      %dma_wait3A_67 = arith.constant 0 : i32
      %dma_wait3A_68 = tpu.memref_slice %arg2[%mul3A_2, %dma_wait3A_67] : memref<2560x128xi32, #tpu.memory_space<hbm>> -> memref<40x128xi32, #tpu.memory_space<hbm>>
      tpu.wait_dma2 semaphore(%run_scoped3A : memref<!tpu.dma_semaphore, #tpu.memory_space<semaphore_mem>>) src(%dma_wait3A_68 : memref<40x128xi32, #tpu.memory_space<hbm>>) dst(%arg6 : memref<40x128xi32, #tpu.memory_space<vmem>>)
      tpu.yield
    }) : () -> ()
    "tpu.region"() ({
      %run_scoped3A = tpu.sem_alloc : memref<!tpu.dma_semaphore, #tpu.memory_space<semaphore_mem>>
      tpu.enqueue_dma source(%arg4 : memref<128x128xf32, #tpu.memory_space<hbm>>) target(%arg7 : memref<128x128xf32, #tpu.memory_space<vmem>>) target_semaphore(%run_scoped3A : memref<!tpu.dma_semaphore, #tpu.memory_space<semaphore_mem>>)
      tpu.wait_dma2 semaphore(%run_scoped3A : memref<!tpu.dma_semaphore, #tpu.memory_space<semaphore_mem>>) src(%arg4 : memref<128x128xf32, #tpu.memory_space<hbm>>) dst(%arg7 : memref<128x128xf32, #tpu.memory_space<vmem>>)
      tpu.yield
    }) : () -> ()
    %mul3A_3 = arith.constant 632 : i32
    %mul3A_4 = arith.muli %arg1, %mul3A_3 : i32
    %add3A_5 = arith.constant 0 : i32
    %add3A_6 = arith.addi %mul3A_4, %add3A_5 : i32
    "tpu.region"() ({
      %run_scoped3A = tpu.sem_alloc : memref<!tpu.dma_semaphore, #tpu.memory_space<semaphore_mem>>
      %dma_start3A = arith.constant 0 : i32
      %dma_start3A_63 = arith.constant 0 : i32
      %dma_start3A_64 = tpu.memref_slice %arg7[%dma_start3A, %dma_start3A_63] : memref<128x128xf32, #tpu.memory_space<vmem>> -> memref<128x128xf32, #tpu.memory_space<vmem>>
      %dma_start3A_65 = arith.constant 0 : i32
      %dma_start3A_66 = tpu.memref_slice %arg8[%add3A_6, %dma_start3A_65] : memref<10112x128xf32, #tpu.memory_space<vmem_shared>> -> memref<128x128xf32, #tpu.memory_space<vmem_shared>>
      %dma_start3A_67 = arith.constant 0 : i32
      %dma_start3A_68 = tpu.memref_slice %arg8[%add3A_6, %dma_start3A_67] : memref<10112x128xf32, #tpu.memory_space<vmem_shared>> -> memref<128x128xf32, #tpu.memory_space<vmem_shared>>
      %dma_start3A_69 = arith.constant 0 : i32
      %dma_start3A_70 = arith.constant 0 : i32
      %dma_start3A_71 = tpu.memref_slice %arg7[%dma_start3A_69, %dma_start3A_70] : memref<128x128xf32, #tpu.memory_space<vmem>> -> memref<128x128xf32, #tpu.memory_space<vmem>>
      tpu.enqueue_dma source(%dma_start3A_71 : memref<128x128xf32, #tpu.memory_space<vmem>>) target(%dma_start3A_68 : memref<128x128xf32, #tpu.memory_space<vmem_shared>>) target_semaphore(%run_scoped3A : memref<!tpu.dma_semaphore, #tpu.memory_space<semaphore_mem>>)
      %dma_wait3A = arith.constant 0 : i32
      %dma_wait3A_72 = arith.constant 0 : i32
      %dma_wait3A_73 = tpu.memref_slice %arg7[%dma_wait3A, %dma_wait3A_72] : memref<128x128xf32, #tpu.memory_space<vmem>> -> memref<128x128xf32, #tpu.memory_space<vmem>>
      %dma_wait3A_74 = arith.constant 0 : i32
      %dma_wait3A_75 = tpu.memref_slice %arg8[%add3A_6, %dma_wait3A_74] : memref<10112x128xf32, #tpu.memory_space<vmem_shared>> -> memref<128x128xf32, #tpu.memory_space<vmem_shared>>
      %dma_wait3A_76 = arith.constant 0 : i32
      %dma_wait3A_77 = tpu.memref_slice %arg8[%add3A_6, %dma_wait3A_76] : memref<10112x128xf32, #tpu.memory_space<vmem_shared>> -> memref<128x128xf32, #tpu.memory_space<vmem_shared>>
      %dma_wait3A_78 = arith.constant 0 : i32
      %dma_wait3A_79 = arith.constant 0 : i32
      %dma_wait3A_80 = tpu.memref_slice %arg7[%dma_wait3A_78, %dma_wait3A_79] : memref<128x128xf32, #tpu.memory_space<vmem>> -> memref<128x128xf32, #tpu.memory_space<vmem>>
      tpu.wait_dma2 semaphore(%run_scoped3A : memref<!tpu.dma_semaphore, #tpu.memory_space<semaphore_mem>>) src(%dma_wait3A_80 : memref<128x128xf32, #tpu.memory_space<vmem>>) dst(%dma_wait3A_77 : memref<128x128xf32, #tpu.memory_space<vmem_shared>>)
      tpu.yield
    }) : () -> ()
    %add3A_7 = arith.constant 128 : i32
    %add3A_8 = arith.addi %mul3A_4, %add3A_7 : i32
    "tpu.region"() ({
      %run_scoped3A = tpu.sem_alloc : memref<!tpu.dma_semaphore, #tpu.memory_space<semaphore_mem>>
      %dma_start3A = arith.constant 0 : i32
      %dma_start3A_63 = arith.constant 0 : i32
      %dma_start3A_64 = tpu.memref_slice %arg7[%dma_start3A, %dma_start3A_63] : memref<128x128xf32, #tpu.memory_space<vmem>> -> memref<128x128xf32, #tpu.memory_space<vmem>>
      %dma_start3A_65 = arith.constant 0 : i32
      %dma_start3A_66 = tpu.memref_slice %arg8[%add3A_8, %dma_start3A_65] : memref<10112x128xf32, #tpu.memory_space<vmem_shared>> -> memref<128x128xf32, #tpu.memory_space<vmem_shared>>
      %dma_start3A_67 = arith.constant 0 : i32
      %dma_start3A_68 = tpu.memref_slice %arg8[%add3A_8, %dma_start3A_67] : memref<10112x128xf32, #tpu.memory_space<vmem_shared>> -> memref<128x128xf32, #tpu.memory_space<vmem_shared>>
      %dma_start3A_69 = arith.constant 0 : i32
      %dma_start3A_70 = arith.constant 0 : i32
      %dma_start3A_71 = tpu.memref_slice %arg7[%dma_start3A_69, %dma_start3A_70] : memref<128x128xf32, #tpu.memory_space<vmem>> -> memref<128x128xf32, #tpu.memory_space<vmem>>
      tpu.enqueue_dma source(%dma_start3A_71 : memref<128x128xf32, #tpu.memory_space<vmem>>) target(%dma_start3A_68 : memref<128x128xf32, #tpu.memory_space<vmem_shared>>) target_semaphore(%run_scoped3A : memref<!tpu.dma_semaphore, #tpu.memory_space<semaphore_mem>>)
      %dma_wait3A = arith.constant 0 : i32
      %dma_wait3A_72 = arith.constant 0 : i32
      %dma_wait3A_73 = tpu.memref_slice %arg7[%dma_wait3A, %dma_wait3A_72] : memref<128x128xf32, #tpu.memory_space<vmem>> -> memref<128x128xf32, #tpu.memory_space<vmem>>
      %dma_wait3A_74 = arith.constant 0 : i32
      %dma_wait3A_75 = tpu.memref_slice %arg8[%add3A_8, %dma_wait3A_74] : memref<10112x128xf32, #tpu.memory_space<vmem_shared>> -> memref<128x128xf32, #tpu.memory_space<vmem_shared>>
      %dma_wait3A_76 = arith.constant 0 : i32
      %dma_wait3A_77 = tpu.memref_slice %arg8[%add3A_8, %dma_wait3A_76] : memref<10112x128xf32, #tpu.memory_space<vmem_shared>> -> memref<128x128xf32, #tpu.memory_space<vmem_shared>>
      %dma_wait3A_78 = arith.constant 0 : i32
      %dma_wait3A_79 = arith.constant 0 : i32
      %dma_wait3A_80 = tpu.memref_slice %arg7[%dma_wait3A_78, %dma_wait3A_79] : memref<128x128xf32, #tpu.memory_space<vmem>> -> memref<128x128xf32, #tpu.memory_space<vmem>>
      tpu.wait_dma2 semaphore(%run_scoped3A : memref<!tpu.dma_semaphore, #tpu.memory_space<semaphore_mem>>) src(%dma_wait3A_80 : memref<128x128xf32, #tpu.memory_space<vmem>>) dst(%dma_wait3A_77 : memref<128x128xf32, #tpu.memory_space<vmem_shared>>)
      tpu.yield
    }) : () -> ()
    %add3A_9 = arith.constant 256 : i32
    %add3A_10 = arith.addi %mul3A_4, %add3A_9 : i32
    "tpu.region"() ({
      %run_scoped3A = tpu.sem_alloc : memref<!tpu.dma_semaphore, #tpu.memory_space<semaphore_mem>>
      %dma_start3A = arith.constant 0 : i32
      %dma_start3A_63 = arith.constant 0 : i32
      %dma_start3A_64 = tpu.memref_slice %arg7[%dma_start3A, %dma_start3A_63] : memref<128x128xf32, #tpu.memory_space<vmem>> -> memref<128x128xf32, #tpu.memory_space<vmem>>
      %dma_start3A_65 = arith.constant 0 : i32
      %dma_start3A_66 = tpu.memref_slice %arg8[%add3A_10, %dma_start3A_65] : memref<10112x128xf32, #tpu.memory_space<vmem_shared>> -> memref<128x128xf32, #tpu.memory_space<vmem_shared>>
      %dma_start3A_67 = arith.constant 0 : i32
      %dma_start3A_68 = tpu.memref_slice %arg8[%add3A_10, %dma_start3A_67] : memref<10112x128xf32, #tpu.memory_space<vmem_shared>> -> memref<128x128xf32, #tpu.memory_space<vmem_shared>>
      %dma_start3A_69 = arith.constant 0 : i32
      %dma_start3A_70 = arith.constant 0 : i32
      %dma_start3A_71 = tpu.memref_slice %arg7[%dma_start3A_69, %dma_start3A_70] : memref<128x128xf32, #tpu.memory_space<vmem>> -> memref<128x128xf32, #tpu.memory_space<vmem>>
      tpu.enqueue_dma source(%dma_start3A_71 : memref<128x128xf32, #tpu.memory_space<vmem>>) target(%dma_start3A_68 : memref<128x128xf32, #tpu.memory_space<vmem_shared>>) target_semaphore(%run_scoped3A : memref<!tpu.dma_semaphore, #tpu.memory_space<semaphore_mem>>)
      %dma_wait3A = arith.constant 0 : i32
      %dma_wait3A_72 = arith.constant 0 : i32
      %dma_wait3A_73 = tpu.memref_slice %arg7[%dma_wait3A, %dma_wait3A_72] : memref<128x128xf32, #tpu.memory_space<vmem>> -> memref<128x128xf32, #tpu.memory_space<vmem>>
      %dma_wait3A_74 = arith.constant 0 : i32
      %dma_wait3A_75 = tpu.memref_slice %arg8[%add3A_10, %dma_wait3A_74] : memref<10112x128xf32, #tpu.memory_space<vmem_shared>> -> memref<128x128xf32, #tpu.memory_space<vmem_shared>>
      %dma_wait3A_76 = arith.constant 0 : i32
      %dma_wait3A_77 = tpu.memref_slice %arg8[%add3A_10, %dma_wait3A_76] : memref<10112x128xf32, #tpu.memory_space<vmem_shared>> -> memref<128x128xf32, #tpu.memory_space<vmem_shared>>
      %dma_wait3A_78 = arith.constant 0 : i32
      %dma_wait3A_79 = arith.constant 0 : i32
      %dma_wait3A_80 = tpu.memref_slice %arg7[%dma_wait3A_78, %dma_wait3A_79] : memref<128x128xf32, #tpu.memory_space<vmem>> -> memref<128x128xf32, #tpu.memory_space<vmem>>
      tpu.wait_dma2 semaphore(%run_scoped3A : memref<!tpu.dma_semaphore, #tpu.memory_space<semaphore_mem>>) src(%dma_wait3A_80 : memref<128x128xf32, #tpu.memory_space<vmem>>) dst(%dma_wait3A_77 : memref<128x128xf32, #tpu.memory_space<vmem_shared>>)
      tpu.yield
    }) : () -> ()
    %add3A_11 = arith.constant 384 : i32
    %add3A_12 = arith.addi %mul3A_4, %add3A_11 : i32
    "tpu.region"() ({
      %run_scoped3A = tpu.sem_alloc : memref<!tpu.dma_semaphore, #tpu.memory_space<semaphore_mem>>
      %dma_start3A = arith.constant 0 : i32
      %dma_start3A_63 = arith.constant 0 : i32
      %dma_start3A_64 = tpu.memref_slice %arg7[%dma_start3A, %dma_start3A_63] : memref<128x128xf32, #tpu.memory_space<vmem>> -> memref<128x128xf32, #tpu.memory_space<vmem>>
      %dma_start3A_65 = arith.constant 0 : i32
      %dma_start3A_66 = tpu.memref_slice %arg8[%add3A_12, %dma_start3A_65] : memref<10112x128xf32, #tpu.memory_space<vmem_shared>> -> memref<128x128xf32, #tpu.memory_space<vmem_shared>>
      %dma_start3A_67 = arith.constant 0 : i32
      %dma_start3A_68 = tpu.memref_slice %arg8[%add3A_12, %dma_start3A_67] : memref<10112x128xf32, #tpu.memory_space<vmem_shared>> -> memref<128x128xf32, #tpu.memory_space<vmem_shared>>
      %dma_start3A_69 = arith.constant 0 : i32
      %dma_start3A_70 = arith.constant 0 : i32
      %dma_start3A_71 = tpu.memref_slice %arg7[%dma_start3A_69, %dma_start3A_70] : memref<128x128xf32, #tpu.memory_space<vmem>> -> memref<128x128xf32, #tpu.memory_space<vmem>>
      tpu.enqueue_dma source(%dma_start3A_71 : memref<128x128xf32, #tpu.memory_space<vmem>>) target(%dma_start3A_68 : memref<128x128xf32, #tpu.memory_space<vmem_shared>>) target_semaphore(%run_scoped3A : memref<!tpu.dma_semaphore, #tpu.memory_space<semaphore_mem>>)
      %dma_wait3A = arith.constant 0 : i32
      %dma_wait3A_72 = arith.constant 0 : i32
      %dma_wait3A_73 = tpu.memref_slice %arg7[%dma_wait3A, %dma_wait3A_72] : memref<128x128xf32, #tpu.memory_space<vmem>> -> memref<128x128xf32, #tpu.memory_space<vmem>>
      %dma_wait3A_74 = arith.constant 0 : i32
      %dma_wait3A_75 = tpu.memref_slice %arg8[%add3A_12, %dma_wait3A_74] : memref<10112x128xf32, #tpu.memory_space<vmem_shared>> -> memref<128x128xf32, #tpu.memory_space<vmem_shared>>
      %dma_wait3A_76 = arith.constant 0 : i32
      %dma_wait3A_77 = tpu.memref_slice %arg8[%add3A_12, %dma_wait3A_76] : memref<10112x128xf32, #tpu.memory_space<vmem_shared>> -> memref<128x128xf32, #tpu.memory_space<vmem_shared>>
      %dma_wait3A_78 = arith.constant 0 : i32
      %dma_wait3A_79 = arith.constant 0 : i32
      %dma_wait3A_80 = tpu.memref_slice %arg7[%dma_wait3A_78, %dma_wait3A_79] : memref<128x128xf32, #tpu.memory_space<vmem>> -> memref<128x128xf32, #tpu.memory_space<vmem>>
      tpu.wait_dma2 semaphore(%run_scoped3A : memref<!tpu.dma_semaphore, #tpu.memory_space<semaphore_mem>>) src(%dma_wait3A_80 : memref<128x128xf32, #tpu.memory_space<vmem>>) dst(%dma_wait3A_77 : memref<128x128xf32, #tpu.memory_space<vmem_shared>>)
      tpu.yield
    }) : () -> ()
    %add3A_13 = arith.constant 512 : i32
    %add3A_14 = arith.addi %mul3A_4, %add3A_13 : i32
    "tpu.region"() ({
      %run_scoped3A = tpu.sem_alloc : memref<!tpu.dma_semaphore, #tpu.memory_space<semaphore_mem>>
      %dma_start3A = arith.constant 0 : i32
      %dma_start3A_63 = arith.constant 0 : i32
      %dma_start3A_64 = tpu.memref_slice %arg7[%dma_start3A, %dma_start3A_63] : memref<128x128xf32, #tpu.memory_space<vmem>> -> memref<120x128xf32, #tpu.memory_space<vmem>>
      %dma_start3A_65 = arith.constant 0 : i32
      %dma_start3A_66 = tpu.memref_slice %arg8[%add3A_14, %dma_start3A_65] : memref<10112x128xf32, #tpu.memory_space<vmem_shared>> -> memref<120x128xf32, #tpu.memory_space<vmem_shared>>
      %dma_start3A_67 = arith.constant 0 : i32
      %dma_start3A_68 = tpu.memref_slice %arg8[%add3A_14, %dma_start3A_67] : memref<10112x128xf32, #tpu.memory_space<vmem_shared>> -> memref<120x128xf32, #tpu.memory_space<vmem_shared>>
      %dma_start3A_69 = arith.constant 0 : i32
      %dma_start3A_70 = arith.constant 0 : i32
      %dma_start3A_71 = tpu.memref_slice %arg7[%dma_start3A_69, %dma_start3A_70] : memref<128x128xf32, #tpu.memory_space<vmem>> -> memref<120x128xf32, #tpu.memory_space<vmem>>
      tpu.enqueue_dma source(%dma_start3A_71 : memref<120x128xf32, #tpu.memory_space<vmem>>) target(%dma_start3A_68 : memref<120x128xf32, #tpu.memory_space<vmem_shared>>) target_semaphore(%run_scoped3A : memref<!tpu.dma_semaphore, #tpu.memory_space<semaphore_mem>>)
      %dma_wait3A = arith.constant 0 : i32
      %dma_wait3A_72 = arith.constant 0 : i32
      %dma_wait3A_73 = tpu.memref_slice %arg7[%dma_wait3A, %dma_wait3A_72] : memref<128x128xf32, #tpu.memory_space<vmem>> -> memref<120x128xf32, #tpu.memory_space<vmem>>
      %dma_wait3A_74 = arith.constant 0 : i32
      %dma_wait3A_75 = tpu.memref_slice %arg8[%add3A_14, %dma_wait3A_74] : memref<10112x128xf32, #tpu.memory_space<vmem_shared>> -> memref<120x128xf32, #tpu.memory_space<vmem_shared>>
      %dma_wait3A_76 = arith.constant 0 : i32
      %dma_wait3A_77 = tpu.memref_slice %arg8[%add3A_14, %dma_wait3A_76] : memref<10112x128xf32, #tpu.memory_space<vmem_shared>> -> memref<120x128xf32, #tpu.memory_space<vmem_shared>>
      %dma_wait3A_78 = arith.constant 0 : i32
      %dma_wait3A_79 = arith.constant 0 : i32
      %dma_wait3A_80 = tpu.memref_slice %arg7[%dma_wait3A_78, %dma_wait3A_79] : memref<128x128xf32, #tpu.memory_space<vmem>> -> memref<120x128xf32, #tpu.memory_space<vmem>>
      tpu.wait_dma2 semaphore(%run_scoped3A : memref<!tpu.dma_semaphore, #tpu.memory_space<semaphore_mem>>) src(%dma_wait3A_80 : memref<120x128xf32, #tpu.memory_space<vmem>>) dst(%dma_wait3A_77 : memref<120x128xf32, #tpu.memory_space<vmem_shared>>)
      tpu.yield
    }) : () -> ()
    "tpu.region"() ({
      %run_scoped3A = tpu.sem_alloc : memref<!tpu.dma_semaphore, #tpu.memory_space<semaphore_mem>>
      tpu.enqueue_dma source(%arg3 : memref<128x128xf32, #tpu.memory_space<hbm>>) target(%arg7 : memref<128x128xf32, #tpu.memory_space<vmem>>) target_semaphore(%run_scoped3A : memref<!tpu.dma_semaphore, #tpu.memory_space<semaphore_mem>>)
      tpu.wait_dma2 semaphore(%run_scoped3A : memref<!tpu.dma_semaphore, #tpu.memory_space<semaphore_mem>>) src(%arg3 : memref<128x128xf32, #tpu.memory_space<hbm>>) dst(%arg7 : memref<128x128xf32, #tpu.memory_space<vmem>>)
      tpu.yield
    }) : () -> ()
    %barrier3A = arith.constant 0 : index
    tpu.barrier barrier_id(%barrier3A)
    %scan3A = arith.constant 0 : i32
    %scan3A_15 = arith.constant 0 : i32
    %scan3A_16 = arith.constant 40 : i32
    %scan3A_17 = arith.addi %scan3A_15, %scan3A_16 : i32
    %scan3A_18 = arith.constant 1 : i32
    scf.for %scan3A_63 = %scan3A_15 to %scan3A_17 step %scan3A_18  : i32 {
      %dma_start3A = arith.constant 0 : i32
      %dma_start3A_64 = tpu.memref_slice %arg6[%scan3A_63, %dma_start3A] : memref<40x128xi32, #tpu.memory_space<vmem>> -> memref<1x128xi32, #tpu.memory_space<vmem>>
      %dma_start3A_65 = tpu.memref_squeeze %dma_start3A_64 : memref<1x128xi32, #tpu.memory_space<vmem>> -> memref<128xi32, #tpu.memory_space<vmem>>
      %dma_start3A_66 = arith.constant 0 : i32
      %dma_start3A_67 = arith.constant 0 : i32
      %dma_start3A_68 = tpu.memref_slice %arg8[%dma_start3A_66, %dma_start3A_67] : memref<10112x128xf32, #tpu.memory_space<vmem_shared>> -> memref<10112x128xf32, #tpu.memory_space<vmem_shared>>
      tpu.enqueue_indirect_dma source(%arg7 : memref<128x128xf32, #tpu.memory_space<vmem>>) target(%dma_start3A_68 : memref<10112x128xf32, #tpu.memory_space<vmem_shared>>) offsets(%dma_start3A_65 : memref<128xi32, #tpu.memory_space<vmem>>) semaphore(%arg9 : memref<!tpu.dma_semaphore, #tpu.memory_space<semaphore_mem>>) {add = true}
    }
    %scan3A_19 = arith.constant 40 : i32
    %scan3A_20 = arith.constant 0 : i32
    %scan3A_21 = arith.constant 0 : i32
    %scan3A_22 = arith.constant 40 : i32
    %scan3A_23 = arith.addi %scan3A_21, %scan3A_22 : i32
    %scan3A_24 = arith.constant 1 : i32
    scf.for %scan3A_63 = %scan3A_21 to %scan3A_23 step %scan3A_24  : i32 {
      %dma_wait3A = arith.constant 0 : i32
      %dma_wait3A_64 = tpu.memref_slice %arg6[%scan3A_63, %dma_wait3A] : memref<40x128xi32, #tpu.memory_space<vmem>> -> memref<1x128xi32, #tpu.memory_space<vmem>>
      %dma_wait3A_65 = tpu.memref_squeeze %dma_wait3A_64 : memref<1x128xi32, #tpu.memory_space<vmem>> -> memref<128xi32, #tpu.memory_space<vmem>>
      %dma_wait3A_66 = arith.constant 0 : i32
      %dma_wait3A_67 = arith.constant 0 : i32
      %dma_wait3A_68 = tpu.memref_slice %arg8[%dma_wait3A_66, %dma_wait3A_67] : memref<10112x128xf32, #tpu.memory_space<vmem_shared>> -> memref<10112x128xf32, #tpu.memory_space<vmem_shared>>
      tpu.wait_indirect_dma semaphore(%arg9 : memref<!tpu.dma_semaphore, #tpu.memory_space<semaphore_mem>>) src(%arg7 : memref<128x128xf32, #tpu.memory_space<vmem>>) dst(%dma_wait3A_68 : memref<10112x128xf32, #tpu.memory_space<vmem_shared>>)
    }
    %scan3A_25 = arith.constant 40 : i32
    %mul3A_26 = arith.constant 80 : i32
    %mul3A_27 = arith.muli %add3A, %mul3A_26 : i32
    %add3A_28 = arith.constant 40 : i32
    %add3A_29 = arith.addi %mul3A_27, %add3A_28 : i32
    "tpu.region"() ({
      %run_scoped3A = tpu.sem_alloc : memref<!tpu.dma_semaphore, #tpu.memory_space<semaphore_mem>>
      %dma_start3A = arith.constant 0 : i32
      %dma_start3A_63 = tpu.memref_slice %arg2[%add3A_29, %dma_start3A] : memref<2560x128xi32, #tpu.memory_space<hbm>> -> memref<40x128xi32, #tpu.memory_space<hbm>>
      %dma_start3A_64 = arith.constant 0 : i32
      %dma_start3A_65 = tpu.memref_slice %arg2[%add3A_29, %dma_start3A_64] : memref<2560x128xi32, #tpu.memory_space<hbm>> -> memref<40x128xi32, #tpu.memory_space<hbm>>
      tpu.enqueue_dma source(%dma_start3A_65 : memref<40x128xi32, #tpu.memory_space<hbm>>) target(%arg6 : memref<40x128xi32, #tpu.memory_space<vmem>>) target_semaphore(%run_scoped3A : memref<!tpu.dma_semaphore, #tpu.memory_space<semaphore_mem>>)
      %dma_wait3A = arith.constant 0 : i32
      %dma_wait3A_66 = tpu.memref_slice %arg2[%add3A_29, %dma_wait3A] : memref<2560x128xi32, #tpu.memory_space<hbm>> -> memref<40x128xi32, #tpu.memory_space<hbm>>
      %dma_wait3A_67 = arith.constant 0 : i32
      %dma_wait3A_68 = tpu.memref_slice %arg2[%add3A_29, %dma_wait3A_67] : memref<2560x128xi32, #tpu.memory_space<hbm>> -> memref<40x128xi32, #tpu.memory_space<hbm>>
      tpu.wait_dma2 semaphore(%run_scoped3A : memref<!tpu.dma_semaphore, #tpu.memory_space<semaphore_mem>>) src(%dma_wait3A_68 : memref<40x128xi32, #tpu.memory_space<hbm>>) dst(%arg6 : memref<40x128xi32, #tpu.memory_space<vmem>>)
      tpu.yield
    }) : () -> ()
    %scan3A_30 = arith.constant 0 : i32
    %scan3A_31 = arith.constant 0 : i32
    %scan3A_32 = arith.constant 40 : i32
    %scan3A_33 = arith.addi %scan3A_31, %scan3A_32 : i32
    %scan3A_34 = arith.constant 1 : i32
    scf.for %scan3A_63 = %scan3A_31 to %scan3A_33 step %scan3A_34  : i32 {
      %dma_start3A = arith.constant 0 : i32
      %dma_start3A_64 = tpu.memref_slice %arg6[%scan3A_63, %dma_start3A] : memref<40x128xi32, #tpu.memory_space<vmem>> -> memref<1x128xi32, #tpu.memory_space<vmem>>
      %dma_start3A_65 = tpu.memref_squeeze %dma_start3A_64 : memref<1x128xi32, #tpu.memory_space<vmem>> -> memref<128xi32, #tpu.memory_space<vmem>>
      %dma_start3A_66 = arith.constant 0 : i32
      %dma_start3A_67 = arith.constant 0 : i32
      %dma_start3A_68 = tpu.memref_slice %arg8[%dma_start3A_66, %dma_start3A_67] : memref<10112x128xf32, #tpu.memory_space<vmem_shared>> -> memref<10112x128xf32, #tpu.memory_space<vmem_shared>>
      tpu.enqueue_indirect_dma source(%arg7 : memref<128x128xf32, #tpu.memory_space<vmem>>) target(%dma_start3A_68 : memref<10112x128xf32, #tpu.memory_space<vmem_shared>>) offsets(%dma_start3A_65 : memref<128xi32, #tpu.memory_space<vmem>>) semaphore(%arg9 : memref<!tpu.dma_semaphore, #tpu.memory_space<semaphore_mem>>) {add = true}
    }
    %scan3A_35 = arith.constant 40 : i32
    %scan3A_36 = arith.constant 0 : i32
    %scan3A_37 = arith.constant 0 : i32
    %scan3A_38 = arith.constant 40 : i32
    %scan3A_39 = arith.addi %scan3A_37, %scan3A_38 : i32
    %scan3A_40 = arith.constant 1 : i32
    scf.for %scan3A_63 = %scan3A_37 to %scan3A_39 step %scan3A_40  : i32 {
      %dma_wait3A = arith.constant 0 : i32
      %dma_wait3A_64 = tpu.memref_slice %arg6[%scan3A_63, %dma_wait3A] : memref<40x128xi32, #tpu.memory_space<vmem>> -> memref<1x128xi32, #tpu.memory_space<vmem>>
      %dma_wait3A_65 = tpu.memref_squeeze %dma_wait3A_64 : memref<1x128xi32, #tpu.memory_space<vmem>> -> memref<128xi32, #tpu.memory_space<vmem>>
      %dma_wait3A_66 = arith.constant 0 : i32
      %dma_wait3A_67 = arith.constant 0 : i32
      %dma_wait3A_68 = tpu.memref_slice %arg8[%dma_wait3A_66, %dma_wait3A_67] : memref<10112x128xf32, #tpu.memory_space<vmem_shared>> -> memref<10112x128xf32, #tpu.memory_space<vmem_shared>>
      tpu.wait_indirect_dma semaphore(%arg9 : memref<!tpu.dma_semaphore, #tpu.memory_space<semaphore_mem>>) src(%arg7 : memref<128x128xf32, #tpu.memory_space<vmem>>) dst(%dma_wait3A_68 : memref<10112x128xf32, #tpu.memory_space<vmem_shared>>)
    }
    %scan3A_41 = arith.constant 40 : i32
    %barrier3A_42 = arith.constant 0 : index
    tpu.barrier barrier_id(%barrier3A_42)
    %add3A_43 = arith.constant 0 : i32
    %add3A_44 = arith.addi %mul3A_4, %add3A_43 : i32
    "tpu.region"() ({
      %run_scoped3A = tpu.sem_alloc : memref<!tpu.dma_semaphore, #tpu.memory_space<semaphore_mem>>
      %dma_start3A = arith.constant 0 : i32
      %dma_start3A_63 = arith.constant 0 : i32
      %dma_start3A_64 = tpu.memref_slice %arg7[%dma_start3A, %dma_start3A_63] : memref<128x128xf32, #tpu.memory_space<vmem>> -> memref<128x128xf32, #tpu.memory_space<vmem>>
      %dma_start3A_65 = arith.constant 0 : i32
      %dma_start3A_66 = tpu.memref_slice %arg8[%add3A_44, %dma_start3A_65] : memref<10112x128xf32, #tpu.memory_space<vmem_shared>> -> memref<128x128xf32, #tpu.memory_space<vmem_shared>>
      %dma_start3A_67 = arith.constant 0 : i32
      %dma_start3A_68 = arith.constant 0 : i32
      %dma_start3A_69 = tpu.memref_slice %arg7[%dma_start3A_67, %dma_start3A_68] : memref<128x128xf32, #tpu.memory_space<vmem>> -> memref<128x128xf32, #tpu.memory_space<vmem>>
      %dma_start3A_70 = arith.constant 0 : i32
      %dma_start3A_71 = tpu.memref_slice %arg8[%add3A_44, %dma_start3A_70] : memref<10112x128xf32, #tpu.memory_space<vmem_shared>> -> memref<128x128xf32, #tpu.memory_space<vmem_shared>>
      tpu.enqueue_dma source(%dma_start3A_71 : memref<128x128xf32, #tpu.memory_space<vmem_shared>>) target(%dma_start3A_69 : memref<128x128xf32, #tpu.memory_space<vmem>>) target_semaphore(%run_scoped3A : memref<!tpu.dma_semaphore, #tpu.memory_space<semaphore_mem>>)
      %dma_wait3A = arith.constant 0 : i32
      %dma_wait3A_72 = arith.constant 0 : i32
      %dma_wait3A_73 = tpu.memref_slice %arg7[%dma_wait3A, %dma_wait3A_72] : memref<128x128xf32, #tpu.memory_space<vmem>> -> memref<128x128xf32, #tpu.memory_space<vmem>>
      %dma_wait3A_74 = arith.constant 0 : i32
      %dma_wait3A_75 = tpu.memref_slice %arg8[%add3A_44, %dma_wait3A_74] : memref<10112x128xf32, #tpu.memory_space<vmem_shared>> -> memref<128x128xf32, #tpu.memory_space<vmem_shared>>
      %dma_wait3A_76 = arith.constant 0 : i32
      %dma_wait3A_77 = arith.constant 0 : i32
      %dma_wait3A_78 = tpu.memref_slice %arg7[%dma_wait3A_76, %dma_wait3A_77] : memref<128x128xf32, #tpu.memory_space<vmem>> -> memref<128x128xf32, #tpu.memory_space<vmem>>
      %dma_wait3A_79 = arith.constant 0 : i32
      %dma_wait3A_80 = tpu.memref_slice %arg8[%add3A_44, %dma_wait3A_79] : memref<10112x128xf32, #tpu.memory_space<vmem_shared>> -> memref<128x128xf32, #tpu.memory_space<vmem_shared>>
      tpu.wait_dma2 semaphore(%run_scoped3A : memref<!tpu.dma_semaphore, #tpu.memory_space<semaphore_mem>>) src(%dma_wait3A_80 : memref<128x128xf32, #tpu.memory_space<vmem_shared>>) dst(%dma_wait3A_78 : memref<128x128xf32, #tpu.memory_space<vmem>>)
      tpu.yield
    }) : () -> ()
    %add3A_45 = arith.constant 0 : i32
    %add3A_46 = arith.addi %mul3A_4, %add3A_45 : i32
    "tpu.region"() ({
      %run_scoped3A = tpu.sem_alloc : memref<!tpu.dma_semaphore, #tpu.memory_space<semaphore_mem>>
      %dma_start3A = arith.constant 0 : i32
      %dma_start3A_63 = arith.constant 0 : i32
      %dma_start3A_64 = tpu.memref_slice %arg7[%dma_start3A, %dma_start3A_63] : memref<128x128xf32, #tpu.memory_space<vmem>> -> memref<128x128xf32, #tpu.memory_space<vmem>>
      %dma_start3A_65 = arith.constant 0 : i32
      %dma_start3A_66 = tpu.memref_slice %arg5[%arg0, %add3A_46, %dma_start3A_65] : memref<2x10112x128xf32, #tpu.memory_space<hbm>> -> memref<1x128x128xf32, #tpu.memory_space<hbm>>
      %dma_start3A_67 = tpu.memref_squeeze %dma_start3A_66 : memref<1x128x128xf32, #tpu.memory_space<hbm>> -> memref<128x128xf32, #tpu.memory_space<hbm>>
      %dma_start3A_68 = arith.constant 0 : i32
      %dma_start3A_69 = tpu.memref_slice %arg5[%arg0, %add3A_46, %dma_start3A_68] : memref<2x10112x128xf32, #tpu.memory_space<hbm>> -> memref<1x128x128xf32, #tpu.memory_space<hbm>>
      %dma_start3A_70 = tpu.memref_squeeze %dma_start3A_69 : memref<1x128x128xf32, #tpu.memory_space<hbm>> -> memref<128x128xf32, #tpu.memory_space<hbm>>
      %dma_start3A_71 = arith.constant 0 : i32
      %dma_start3A_72 = arith.constant 0 : i32
      %dma_start3A_73 = tpu.memref_slice %arg7[%dma_start3A_71, %dma_start3A_72] : memref<128x128xf32, #tpu.memory_space<vmem>> -> memref<128x128xf32, #tpu.memory_space<vmem>>
      tpu.enqueue_dma source(%dma_start3A_73 : memref<128x128xf32, #tpu.memory_space<vmem>>) target(%dma_start3A_70 : memref<128x128xf32, #tpu.memory_space<hbm>>) target_semaphore(%run_scoped3A : memref<!tpu.dma_semaphore, #tpu.memory_space<semaphore_mem>>)
      %dma_wait3A = arith.constant 0 : i32
      %dma_wait3A_74 = arith.constant 0 : i32
      %dma_wait3A_75 = tpu.memref_slice %arg7[%dma_wait3A, %dma_wait3A_74] : memref<128x128xf32, #tpu.memory_space<vmem>> -> memref<128x128xf32, #tpu.memory_space<vmem>>
      %dma_wait3A_76 = arith.constant 0 : i32
      %dma_wait3A_77 = tpu.memref_slice %arg5[%arg0, %add3A_46, %dma_wait3A_76] : memref<2x10112x128xf32, #tpu.memory_space<hbm>> -> memref<1x128x128xf32, #tpu.memory_space<hbm>>
      %dma_wait3A_78 = tpu.memref_squeeze %dma_wait3A_77 : memref<1x128x128xf32, #tpu.memory_space<hbm>> -> memref<128x128xf32, #tpu.memory_space<hbm>>
      %dma_wait3A_79 = arith.constant 0 : i32
      %dma_wait3A_80 = tpu.memref_slice %arg5[%arg0, %add3A_46, %dma_wait3A_79] : memref<2x10112x128xf32, #tpu.memory_space<hbm>> -> memref<1x128x128xf32, #tpu.memory_space<hbm>>
      %dma_wait3A_81 = tpu.memref_squeeze %dma_wait3A_80 : memref<1x128x128xf32, #tpu.memory_space<hbm>> -> memref<128x128xf32, #tpu.memory_space<hbm>>
      %dma_wait3A_82 = arith.constant 0 : i32
      %dma_wait3A_83 = arith.constant 0 : i32
      %dma_wait3A_84 = tpu.memref_slice %arg7[%dma_wait3A_82, %dma_wait3A_83] : memref<128x128xf32, #tpu.memory_space<vmem>> -> memref<128x128xf32, #tpu.memory_space<vmem>>
      tpu.wait_dma2 semaphore(%run_scoped3A : memref<!tpu.dma_semaphore, #tpu.memory_space<semaphore_mem>>) src(%dma_wait3A_84 : memref<128x128xf32, #tpu.memory_space<vmem>>) dst(%dma_wait3A_81 : memref<128x128xf32, #tpu.memory_space<hbm>>)
      tpu.yield
    }) : () -> ()
    %add3A_47 = arith.constant 128 : i32
    %add3A_48 = arith.addi %mul3A_4, %add3A_47 : i32
    "tpu.region"() ({
      %run_scoped3A = tpu.sem_alloc : memref<!tpu.dma_semaphore, #tpu.memory_space<semaphore_mem>>
      %dma_start3A = arith.constant 0 : i32
      %dma_start3A_63 = arith.constant 0 : i32
      %dma_start3A_64 = tpu.memref_slice %arg7[%dma_start3A, %dma_start3A_63] : memref<128x128xf32, #tpu.memory_space<vmem>> -> memref<128x128xf32, #tpu.memory_space<vmem>>
      %dma_start3A_65 = arith.constant 0 : i32
      %dma_start3A_66 = tpu.memref_slice %arg8[%add3A_48, %dma_start3A_65] : memref<10112x128xf32, #tpu.memory_space<vmem_shared>> -> memref<128x128xf32, #tpu.memory_space<vmem_shared>>
      %dma_start3A_67 = arith.constant 0 : i32
      %dma_start3A_68 = arith.constant 0 : i32
      %dma_start3A_69 = tpu.memref_slice %arg7[%dma_start3A_67, %dma_start3A_68] : memref<128x128xf32, #tpu.memory_space<vmem>> -> memref<128x128xf32, #tpu.memory_space<vmem>>
      %dma_start3A_70 = arith.constant 0 : i32
      %dma_start3A_71 = tpu.memref_slice %arg8[%add3A_48, %dma_start3A_70] : memref<10112x128xf32, #tpu.memory_space<vmem_shared>> -> memref<128x128xf32, #tpu.memory_space<vmem_shared>>
      tpu.enqueue_dma source(%dma_start3A_71 : memref<128x128xf32, #tpu.memory_space<vmem_shared>>) target(%dma_start3A_69 : memref<128x128xf32, #tpu.memory_space<vmem>>) target_semaphore(%run_scoped3A : memref<!tpu.dma_semaphore, #tpu.memory_space<semaphore_mem>>)
      %dma_wait3A = arith.constant 0 : i32
      %dma_wait3A_72 = arith.constant 0 : i32
      %dma_wait3A_73 = tpu.memref_slice %arg7[%dma_wait3A, %dma_wait3A_72] : memref<128x128xf32, #tpu.memory_space<vmem>> -> memref<128x128xf32, #tpu.memory_space<vmem>>
      %dma_wait3A_74 = arith.constant 0 : i32
      %dma_wait3A_75 = tpu.memref_slice %arg8[%add3A_48, %dma_wait3A_74] : memref<10112x128xf32, #tpu.memory_space<vmem_shared>> -> memref<128x128xf32, #tpu.memory_space<vmem_shared>>
      %dma_wait3A_76 = arith.constant 0 : i32
      %dma_wait3A_77 = arith.constant 0 : i32
      %dma_wait3A_78 = tpu.memref_slice %arg7[%dma_wait3A_76, %dma_wait3A_77] : memref<128x128xf32, #tpu.memory_space<vmem>> -> memref<128x128xf32, #tpu.memory_space<vmem>>
      %dma_wait3A_79 = arith.constant 0 : i32
      %dma_wait3A_80 = tpu.memref_slice %arg8[%add3A_48, %dma_wait3A_79] : memref<10112x128xf32, #tpu.memory_space<vmem_shared>> -> memref<128x128xf32, #tpu.memory_space<vmem_shared>>
      tpu.wait_dma2 semaphore(%run_scoped3A : memref<!tpu.dma_semaphore, #tpu.memory_space<semaphore_mem>>) src(%dma_wait3A_80 : memref<128x128xf32, #tpu.memory_space<vmem_shared>>) dst(%dma_wait3A_78 : memref<128x128xf32, #tpu.memory_space<vmem>>)
      tpu.yield
    }) : () -> ()
    %add3A_49 = arith.constant 128 : i32
    %add3A_50 = arith.addi %mul3A_4, %add3A_49 : i32
    "tpu.region"() ({
      %run_scoped3A = tpu.sem_alloc : memref<!tpu.dma_semaphore, #tpu.memory_space<semaphore_mem>>
      %dma_start3A = arith.constant 0 : i32
      %dma_start3A_63 = arith.constant 0 : i32
      %dma_start3A_64 = tpu.memref_slice %arg7[%dma_start3A, %dma_start3A_63] : memref<128x128xf32, #tpu.memory_space<vmem>> -> memref<128x128xf32, #tpu.memory_space<vmem>>
      %dma_start3A_65 = arith.constant 0 : i32
      %dma_start3A_66 = tpu.memref_slice %arg5[%arg0, %add3A_50, %dma_start3A_65] : memref<2x10112x128xf32, #tpu.memory_space<hbm>> -> memref<1x128x128xf32, #tpu.memory_space<hbm>>
      %dma_start3A_67 = tpu.memref_squeeze %dma_start3A_66 : memref<1x128x128xf32, #tpu.memory_space<hbm>> -> memref<128x128xf32, #tpu.memory_space<hbm>>
      %dma_start3A_68 = arith.constant 0 : i32
      %dma_start3A_69 = tpu.memref_slice %arg5[%arg0, %add3A_50, %dma_start3A_68] : memref<2x10112x128xf32, #tpu.memory_space<hbm>> -> memref<1x128x128xf32, #tpu.memory_space<hbm>>
      %dma_start3A_70 = tpu.memref_squeeze %dma_start3A_69 : memref<1x128x128xf32, #tpu.memory_space<hbm>> -> memref<128x128xf32, #tpu.memory_space<hbm>>
      %dma_start3A_71 = arith.constant 0 : i32
      %dma_start3A_72 = arith.constant 0 : i32
      %dma_start3A_73 = tpu.memref_slice %arg7[%dma_start3A_71, %dma_start3A_72] : memref<128x128xf32, #tpu.memory_space<vmem>> -> memref<128x128xf32, #tpu.memory_space<vmem>>
      tpu.enqueue_dma source(%dma_start3A_73 : memref<128x128xf32, #tpu.memory_space<vmem>>) target(%dma_start3A_70 : memref<128x128xf32, #tpu.memory_space<hbm>>) target_semaphore(%run_scoped3A : memref<!tpu.dma_semaphore, #tpu.memory_space<semaphore_mem>>)
      %dma_wait3A = arith.constant 0 : i32
      %dma_wait3A_74 = arith.constant 0 : i32
      %dma_wait3A_75 = tpu.memref_slice %arg7[%dma_wait3A, %dma_wait3A_74] : memref<128x128xf32, #tpu.memory_space<vmem>> -> memref<128x128xf32, #tpu.memory_space<vmem>>
      %dma_wait3A_76 = arith.constant 0 : i32
      %dma_wait3A_77 = tpu.memref_slice %arg5[%arg0, %add3A_50, %dma_wait3A_76] : memref<2x10112x128xf32, #tpu.memory_space<hbm>> -> memref<1x128x128xf32, #tpu.memory_space<hbm>>
      %dma_wait3A_78 = tpu.memref_squeeze %dma_wait3A_77 : memref<1x128x128xf32, #tpu.memory_space<hbm>> -> memref<128x128xf32, #tpu.memory_space<hbm>>
      %dma_wait3A_79 = arith.constant 0 : i32
      %dma_wait3A_80 = tpu.memref_slice %arg5[%arg0, %add3A_50, %dma_wait3A_79] : memref<2x10112x128xf32, #tpu.memory_space<hbm>> -> memref<1x128x128xf32, #tpu.memory_space<hbm>>
      %dma_wait3A_81 = tpu.memref_squeeze %dma_wait3A_80 : memref<1x128x128xf32, #tpu.memory_space<hbm>> -> memref<128x128xf32, #tpu.memory_space<hbm>>
      %dma_wait3A_82 = arith.constant 0 : i32
      %dma_wait3A_83 = arith.constant 0 : i32
      %dma_wait3A_84 = tpu.memref_slice %arg7[%dma_wait3A_82, %dma_wait3A_83] : memref<128x128xf32, #tpu.memory_space<vmem>> -> memref<128x128xf32, #tpu.memory_space<vmem>>
      tpu.wait_dma2 semaphore(%run_scoped3A : memref<!tpu.dma_semaphore, #tpu.memory_space<semaphore_mem>>) src(%dma_wait3A_84 : memref<128x128xf32, #tpu.memory_space<vmem>>) dst(%dma_wait3A_81 : memref<128x128xf32, #tpu.memory_space<hbm>>)
      tpu.yield
    }) : () -> ()
    %add3A_51 = arith.constant 256 : i32
    %add3A_52 = arith.addi %mul3A_4, %add3A_51 : i32
    "tpu.region"() ({
      %run_scoped3A = tpu.sem_alloc : memref<!tpu.dma_semaphore, #tpu.memory_space<semaphore_mem>>
      %dma_start3A = arith.constant 0 : i32
      %dma_start3A_63 = arith.constant 0 : i32
      %dma_start3A_64 = tpu.memref_slice %arg7[%dma_start3A, %dma_start3A_63] : memref<128x128xf32, #tpu.memory_space<vmem>> -> memref<128x128xf32, #tpu.memory_space<vmem>>
      %dma_start3A_65 = arith.constant 0 : i32
      %dma_start3A_66 = tpu.memref_slice %arg8[%add3A_52, %dma_start3A_65] : memref<10112x128xf32, #tpu.memory_space<vmem_shared>> -> memref<128x128xf32, #tpu.memory_space<vmem_shared>>
      %dma_start3A_67 = arith.constant 0 : i32
      %dma_start3A_68 = arith.constant 0 : i32
      %dma_start3A_69 = tpu.memref_slice %arg7[%dma_start3A_67, %dma_start3A_68] : memref<128x128xf32, #tpu.memory_space<vmem>> -> memref<128x128xf32, #tpu.memory_space<vmem>>
      %dma_start3A_70 = arith.constant 0 : i32
      %dma_start3A_71 = tpu.memref_slice %arg8[%add3A_52, %dma_start3A_70] : memref<10112x128xf32, #tpu.memory_space<vmem_shared>> -> memref<128x128xf32, #tpu.memory_space<vmem_shared>>
      tpu.enqueue_dma source(%dma_start3A_71 : memref<128x128xf32, #tpu.memory_space<vmem_shared>>) target(%dma_start3A_69 : memref<128x128xf32, #tpu.memory_space<vmem>>) target_semaphore(%run_scoped3A : memref<!tpu.dma_semaphore, #tpu.memory_space<semaphore_mem>>)
      %dma_wait3A = arith.constant 0 : i32
      %dma_wait3A_72 = arith.constant 0 : i32
      %dma_wait3A_73 = tpu.memref_slice %arg7[%dma_wait3A, %dma_wait3A_72] : memref<128x128xf32, #tpu.memory_space<vmem>> -> memref<128x128xf32, #tpu.memory_space<vmem>>
      %dma_wait3A_74 = arith.constant 0 : i32
      %dma_wait3A_75 = tpu.memref_slice %arg8[%add3A_52, %dma_wait3A_74] : memref<10112x128xf32, #tpu.memory_space<vmem_shared>> -> memref<128x128xf32, #tpu.memory_space<vmem_shared>>
      %dma_wait3A_76 = arith.constant 0 : i32
      %dma_wait3A_77 = arith.constant 0 : i32
      %dma_wait3A_78 = tpu.memref_slice %arg7[%dma_wait3A_76, %dma_wait3A_77] : memref<128x128xf32, #tpu.memory_space<vmem>> -> memref<128x128xf32, #tpu.memory_space<vmem>>
      %dma_wait3A_79 = arith.constant 0 : i32
      %dma_wait3A_80 = tpu.memref_slice %arg8[%add3A_52, %dma_wait3A_79] : memref<10112x128xf32, #tpu.memory_space<vmem_shared>> -> memref<128x128xf32, #tpu.memory_space<vmem_shared>>
      tpu.wait_dma2 semaphore(%run_scoped3A : memref<!tpu.dma_semaphore, #tpu.memory_space<semaphore_mem>>) src(%dma_wait3A_80 : memref<128x128xf32, #tpu.memory_space<vmem_shared>>) dst(%dma_wait3A_78 : memref<128x128xf32, #tpu.memory_space<vmem>>)
      tpu.yield
    }) : () -> ()
    %add3A_53 = arith.constant 256 : i32
    %add3A_54 = arith.addi %mul3A_4, %add3A_53 : i32
    "tpu.region"() ({
      %run_scoped3A = tpu.sem_alloc : memref<!tpu.dma_semaphore, #tpu.memory_space<semaphore_mem>>
      %dma_start3A = arith.constant 0 : i32
      %dma_start3A_63 = arith.constant 0 : i32
      %dma_start3A_64 = tpu.memref_slice %arg7[%dma_start3A, %dma_start3A_63] : memref<128x128xf32, #tpu.memory_space<vmem>> -> memref<128x128xf32, #tpu.memory_space<vmem>>
      %dma_start3A_65 = arith.constant 0 : i32
      %dma_start3A_66 = tpu.memref_slice %arg5[%arg0, %add3A_54, %dma_start3A_65] : memref<2x10112x128xf32, #tpu.memory_space<hbm>> -> memref<1x128x128xf32, #tpu.memory_space<hbm>>
      %dma_start3A_67 = tpu.memref_squeeze %dma_start3A_66 : memref<1x128x128xf32, #tpu.memory_space<hbm>> -> memref<128x128xf32, #tpu.memory_space<hbm>>
      %dma_start3A_68 = arith.constant 0 : i32
      %dma_start3A_69 = tpu.memref_slice %arg5[%arg0, %add3A_54, %dma_start3A_68] : memref<2x10112x128xf32, #tpu.memory_space<hbm>> -> memref<1x128x128xf32, #tpu.memory_space<hbm>>
      %dma_start3A_70 = tpu.memref_squeeze %dma_start3A_69 : memref<1x128x128xf32, #tpu.memory_space<hbm>> -> memref<128x128xf32, #tpu.memory_space<hbm>>
      %dma_start3A_71 = arith.constant 0 : i32
      %dma_start3A_72 = arith.constant 0 : i32
      %dma_start3A_73 = tpu.memref_slice %arg7[%dma_start3A_71, %dma_start3A_72] : memref<128x128xf32, #tpu.memory_space<vmem>> -> memref<128x128xf32, #tpu.memory_space<vmem>>
      tpu.enqueue_dma source(%dma_start3A_73 : memref<128x128xf32, #tpu.memory_space<vmem>>) target(%dma_start3A_70 : memref<128x128xf32, #tpu.memory_space<hbm>>) target_semaphore(%run_scoped3A : memref<!tpu.dma_semaphore, #tpu.memory_space<semaphore_mem>>)
      %dma_wait3A = arith.constant 0 : i32
      %dma_wait3A_74 = arith.constant 0 : i32
      %dma_wait3A_75 = tpu.memref_slice %arg7[%dma_wait3A, %dma_wait3A_74] : memref<128x128xf32, #tpu.memory_space<vmem>> -> memref<128x128xf32, #tpu.memory_space<vmem>>
      %dma_wait3A_76 = arith.constant 0 : i32
      %dma_wait3A_77 = tpu.memref_slice %arg5[%arg0, %add3A_54, %dma_wait3A_76] : memref<2x10112x128xf32, #tpu.memory_space<hbm>> -> memref<1x128x128xf32, #tpu.memory_space<hbm>>
      %dma_wait3A_78 = tpu.memref_squeeze %dma_wait3A_77 : memref<1x128x128xf32, #tpu.memory_space<hbm>> -> memref<128x128xf32, #tpu.memory_space<hbm>>
      %dma_wait3A_79 = arith.constant 0 : i32
      %dma_wait3A_80 = tpu.memref_slice %arg5[%arg0, %add3A_54, %dma_wait3A_79] : memref<2x10112x128xf32, #tpu.memory_space<hbm>> -> memref<1x128x128xf32, #tpu.memory_space<hbm>>
      %dma_wait3A_81 = tpu.memref_squeeze %dma_wait3A_80 : memref<1x128x128xf32, #tpu.memory_space<hbm>> -> memref<128x128xf32, #tpu.memory_space<hbm>>
      %dma_wait3A_82 = arith.constant 0 : i32
      %dma_wait3A_83 = arith.constant 0 : i32
      %dma_wait3A_84 = tpu.memref_slice %arg7[%dma_wait3A_82, %dma_wait3A_83] : memref<128x128xf32, #tpu.memory_space<vmem>> -> memref<128x128xf32, #tpu.memory_space<vmem>>
      tpu.wait_dma2 semaphore(%run_scoped3A : memref<!tpu.dma_semaphore, #tpu.memory_space<semaphore_mem>>) src(%dma_wait3A_84 : memref<128x128xf32, #tpu.memory_space<vmem>>) dst(%dma_wait3A_81 : memref<128x128xf32, #tpu.memory_space<hbm>>)
      tpu.yield
    }) : () -> ()
    %add3A_55 = arith.constant 384 : i32
    %add3A_56 = arith.addi %mul3A_4, %add3A_55 : i32
    "tpu.region"() ({
      %run_scoped3A = tpu.sem_alloc : memref<!tpu.dma_semaphore, #tpu.memory_space<semaphore_mem>>
      %dma_start3A = arith.constant 0 : i32
      %dma_start3A_63 = arith.constant 0 : i32
      %dma_start3A_64 = tpu.memref_slice %arg7[%dma_start3A, %dma_start3A_63] : memref<128x128xf32, #tpu.memory_space<vmem>> -> memref<128x128xf32, #tpu.memory_space<vmem>>
      %dma_start3A_65 = arith.constant 0 : i32
      %dma_start3A_66 = tpu.memref_slice %arg8[%add3A_56, %dma_start3A_65] : memref<10112x128xf32, #tpu.memory_space<vmem_shared>> -> memref<128x128xf32, #tpu.memory_space<vmem_shared>>
      %dma_start3A_67 = arith.constant 0 : i32
      %dma_start3A_68 = arith.constant 0 : i32
      %dma_start3A_69 = tpu.memref_slice %arg7[%dma_start3A_67, %dma_start3A_68] : memref<128x128xf32, #tpu.memory_space<vmem>> -> memref<128x128xf32, #tpu.memory_space<vmem>>
      %dma_start3A_70 = arith.constant 0 : i32
      %dma_start3A_71 = tpu.memref_slice %arg8[%add3A_56, %dma_start3A_70] : memref<10112x128xf32, #tpu.memory_space<vmem_shared>> -> memref<128x128xf32, #tpu.memory_space<vmem_shared>>
      tpu.enqueue_dma source(%dma_start3A_71 : memref<128x128xf32, #tpu.memory_space<vmem_shared>>) target(%dma_start3A_69 : memref<128x128xf32, #tpu.memory_space<vmem>>) target_semaphore(%run_scoped3A : memref<!tpu.dma_semaphore, #tpu.memory_space<semaphore_mem>>)
      %dma_wait3A = arith.constant 0 : i32
      %dma_wait3A_72 = arith.constant 0 : i32
      %dma_wait3A_73 = tpu.memref_slice %arg7[%dma_wait3A, %dma_wait3A_72] : memref<128x128xf32, #tpu.memory_space<vmem>> -> memref<128x128xf32, #tpu.memory_space<vmem>>
      %dma_wait3A_74 = arith.constant 0 : i32
      %dma_wait3A_75 = tpu.memref_slice %arg8[%add3A_56, %dma_wait3A_74] : memref<10112x128xf32, #tpu.memory_space<vmem_shared>> -> memref<128x128xf32, #tpu.memory_space<vmem_shared>>
      %dma_wait3A_76 = arith.constant 0 : i32
      %dma_wait3A_77 = arith.constant 0 : i32
      %dma_wait3A_78 = tpu.memref_slice %arg7[%dma_wait3A_76, %dma_wait3A_77] : memref<128x128xf32, #tpu.memory_space<vmem>> -> memref<128x128xf32, #tpu.memory_space<vmem>>
      %dma_wait3A_79 = arith.constant 0 : i32
      %dma_wait3A_80 = tpu.memref_slice %arg8[%add3A_56, %dma_wait3A_79] : memref<10112x128xf32, #tpu.memory_space<vmem_shared>> -> memref<128x128xf32, #tpu.memory_space<vmem_shared>>
      tpu.wait_dma2 semaphore(%run_scoped3A : memref<!tpu.dma_semaphore, #tpu.memory_space<semaphore_mem>>) src(%dma_wait3A_80 : memref<128x128xf32, #tpu.memory_space<vmem_shared>>) dst(%dma_wait3A_78 : memref<128x128xf32, #tpu.memory_space<vmem>>)
      tpu.yield
    }) : () -> ()
    %add3A_57 = arith.constant 384 : i32
    %add3A_58 = arith.addi %mul3A_4, %add3A_57 : i32
    "tpu.region"() ({
      %run_scoped3A = tpu.sem_alloc : memref<!tpu.dma_semaphore, #tpu.memory_space<semaphore_mem>>
      %dma_start3A = arith.constant 0 : i32
      %dma_start3A_63 = arith.constant 0 : i32
      %dma_start3A_64 = tpu.memref_slice %arg7[%dma_start3A, %dma_start3A_63] : memref<128x128xf32, #tpu.memory_space<vmem>> -> memref<128x128xf32, #tpu.memory_space<vmem>>
      %dma_start3A_65 = arith.constant 0 : i32
      %dma_start3A_66 = tpu.memref_slice %arg5[%arg0, %add3A_58, %dma_start3A_65] : memref<2x10112x128xf32, #tpu.memory_space<hbm>> -> memref<1x128x128xf32, #tpu.memory_space<hbm>>
      %dma_start3A_67 = tpu.memref_squeeze %dma_start3A_66 : memref<1x128x128xf32, #tpu.memory_space<hbm>> -> memref<128x128xf32, #tpu.memory_space<hbm>>
      %dma_start3A_68 = arith.constant 0 : i32
      %dma_start3A_69 = tpu.memref_slice %arg5[%arg0, %add3A_58, %dma_start3A_68] : memref<2x10112x128xf32, #tpu.memory_space<hbm>> -> memref<1x128x128xf32, #tpu.memory_space<hbm>>
      %dma_start3A_70 = tpu.memref_squeeze %dma_start3A_69 : memref<1x128x128xf32, #tpu.memory_space<hbm>> -> memref<128x128xf32, #tpu.memory_space<hbm>>
      %dma_start3A_71 = arith.constant 0 : i32
      %dma_start3A_72 = arith.constant 0 : i32
      %dma_start3A_73 = tpu.memref_slice %arg7[%dma_start3A_71, %dma_start3A_72] : memref<128x128xf32, #tpu.memory_space<vmem>> -> memref<128x128xf32, #tpu.memory_space<vmem>>
      tpu.enqueue_dma source(%dma_start3A_73 : memref<128x128xf32, #tpu.memory_space<vmem>>) target(%dma_start3A_70 : memref<128x128xf32, #tpu.memory_space<hbm>>) target_semaphore(%run_scoped3A : memref<!tpu.dma_semaphore, #tpu.memory_space<semaphore_mem>>)
      %dma_wait3A = arith.constant 0 : i32
      %dma_wait3A_74 = arith.constant 0 : i32
      %dma_wait3A_75 = tpu.memref_slice %arg7[%dma_wait3A, %dma_wait3A_74] : memref<128x128xf32, #tpu.memory_space<vmem>> -> memref<128x128xf32, #tpu.memory_space<vmem>>
      %dma_wait3A_76 = arith.constant 0 : i32
      %dma_wait3A_77 = tpu.memref_slice %arg5[%arg0, %add3A_58, %dma_wait3A_76] : memref<2x10112x128xf32, #tpu.memory_space<hbm>> -> memref<1x128x128xf32, #tpu.memory_space<hbm>>
      %dma_wait3A_78 = tpu.memref_squeeze %dma_wait3A_77 : memref<1x128x128xf32, #tpu.memory_space<hbm>> -> memref<128x128xf32, #tpu.memory_space<hbm>>
      %dma_wait3A_79 = arith.constant 0 : i32
      %dma_wait3A_80 = tpu.memref_slice %arg5[%arg0, %add3A_58, %dma_wait3A_79] : memref<2x10112x128xf32, #tpu.memory_space<hbm>> -> memref<1x128x128xf32, #tpu.memory_space<hbm>>
      %dma_wait3A_81 = tpu.memref_squeeze %dma_wait3A_80 : memref<1x128x128xf32, #tpu.memory_space<hbm>> -> memref<128x128xf32, #tpu.memory_space<hbm>>
      %dma_wait3A_82 = arith.constant 0 : i32
      %dma_wait3A_83 = arith.constant 0 : i32
      %dma_wait3A_84 = tpu.memref_slice %arg7[%dma_wait3A_82, %dma_wait3A_83] : memref<128x128xf32, #tpu.memory_space<vmem>> -> memref<128x128xf32, #tpu.memory_space<vmem>>
      tpu.wait_dma2 semaphore(%run_scoped3A : memref<!tpu.dma_semaphore, #tpu.memory_space<semaphore_mem>>) src(%dma_wait3A_84 : memref<128x128xf32, #tpu.memory_space<vmem>>) dst(%dma_wait3A_81 : memref<128x128xf32, #tpu.memory_space<hbm>>)
      tpu.yield
    }) : () -> ()
    %add3A_59 = arith.constant 512 : i32
    %add3A_60 = arith.addi %mul3A_4, %add3A_59 : i32
    "tpu.region"() ({
      %run_scoped3A = tpu.sem_alloc : memref<!tpu.dma_semaphore, #tpu.memory_space<semaphore_mem>>
      %dma_start3A = arith.constant 0 : i32
      %dma_start3A_63 = arith.constant 0 : i32
      %dma_start3A_64 = tpu.memref_slice %arg7[%dma_start3A, %dma_start3A_63] : memref<128x128xf32, #tpu.memory_space<vmem>> -> memref<120x128xf32, #tpu.memory_space<vmem>>
      %dma_start3A_65 = arith.constant 0 : i32
      %dma_start3A_66 = tpu.memref_slice %arg8[%add3A_60, %dma_start3A_65] : memref<10112x128xf32, #tpu.memory_space<vmem_shared>> -> memref<120x128xf32, #tpu.memory_space<vmem_shared>>
      %dma_start3A_67 = arith.constant 0 : i32
      %dma_start3A_68 = arith.constant 0 : i32
      %dma_start3A_69 = tpu.memref_slice %arg7[%dma_start3A_67, %dma_start3A_68] : memref<128x128xf32, #tpu.memory_space<vmem>> -> memref<120x128xf32, #tpu.memory_space<vmem>>
      %dma_start3A_70 = arith.constant 0 : i32
      %dma_start3A_71 = tpu.memref_slice %arg8[%add3A_60, %dma_start3A_70] : memref<10112x128xf32, #tpu.memory_space<vmem_shared>> -> memref<120x128xf32, #tpu.memory_space<vmem_shared>>
      tpu.enqueue_dma source(%dma_start3A_71 : memref<120x128xf32, #tpu.memory_space<vmem_shared>>) target(%dma_start3A_69 : memref<120x128xf32, #tpu.memory_space<vmem>>) target_semaphore(%run_scoped3A : memref<!tpu.dma_semaphore, #tpu.memory_space<semaphore_mem>>)
      %dma_wait3A = arith.constant 0 : i32
      %dma_wait3A_72 = arith.constant 0 : i32
      %dma_wait3A_73 = tpu.memref_slice %arg7[%dma_wait3A, %dma_wait3A_72] : memref<128x128xf32, #tpu.memory_space<vmem>> -> memref<120x128xf32, #tpu.memory_space<vmem>>
      %dma_wait3A_74 = arith.constant 0 : i32
      %dma_wait3A_75 = tpu.memref_slice %arg8[%add3A_60, %dma_wait3A_74] : memref<10112x128xf32, #tpu.memory_space<vmem_shared>> -> memref<120x128xf32, #tpu.memory_space<vmem_shared>>
      %dma_wait3A_76 = arith.constant 0 : i32
      %dma_wait3A_77 = arith.constant 0 : i32
      %dma_wait3A_78 = tpu.memref_slice %arg7[%dma_wait3A_76, %dma_wait3A_77] : memref<128x128xf32, #tpu.memory_space<vmem>> -> memref<120x128xf32, #tpu.memory_space<vmem>>
      %dma_wait3A_79 = arith.constant 0 : i32
      %dma_wait3A_80 = tpu.memref_slice %arg8[%add3A_60, %dma_wait3A_79] : memref<10112x128xf32, #tpu.memory_space<vmem_shared>> -> memref<120x128xf32, #tpu.memory_space<vmem_shared>>
      tpu.wait_dma2 semaphore(%run_scoped3A : memref<!tpu.dma_semaphore, #tpu.memory_space<semaphore_mem>>) src(%dma_wait3A_80 : memref<120x128xf32, #tpu.memory_space<vmem_shared>>) dst(%dma_wait3A_78 : memref<120x128xf32, #tpu.memory_space<vmem>>)
      tpu.yield
    }) : () -> ()
    %add3A_61 = arith.constant 512 : i32
    %add3A_62 = arith.addi %mul3A_4, %add3A_61 : i32
    "tpu.region"() ({
      %run_scoped3A = tpu.sem_alloc : memref<!tpu.dma_semaphore, #tpu.memory_space<semaphore_mem>>
      %dma_start3A = arith.constant 0 : i32
      %dma_start3A_63 = arith.constant 0 : i32
      %dma_start3A_64 = tpu.memref_slice %arg7[%dma_start3A, %dma_start3A_63] : memref<128x128xf32, #tpu.memory_space<vmem>> -> memref<120x128xf32, #tpu.memory_space<vmem>>
      %dma_start3A_65 = arith.constant 0 : i32
      %dma_start3A_66 = tpu.memref_slice %arg5[%arg0, %add3A_62, %dma_start3A_65] : memref<2x10112x128xf32, #tpu.memory_space<hbm>> -> memref<1x120x128xf32, #tpu.memory_space<hbm>>
      %dma_start3A_67 = tpu.memref_squeeze %dma_start3A_66 : memref<1x120x128xf32, #tpu.memory_space<hbm>> -> memref<120x128xf32, #tpu.memory_space<hbm>>
      %dma_start3A_68 = arith.constant 0 : i32
      %dma_start3A_69 = tpu.memref_slice %arg5[%arg0, %add3A_62, %dma_start3A_68] : memref<2x10112x128xf32, #tpu.memory_space<hbm>> -> memref<1x120x128xf32, #tpu.memory_space<hbm>>
      %dma_start3A_70 = tpu.memref_squeeze %dma_start3A_69 : memref<1x120x128xf32, #tpu.memory_space<hbm>> -> memref<120x128xf32, #tpu.memory_space<hbm>>
      %dma_start3A_71 = arith.constant 0 : i32
      %dma_start3A_72 = arith.constant 0 : i32
      %dma_start3A_73 = tpu.memref_slice %arg7[%dma_start3A_71, %dma_start3A_72] : memref<128x128xf32, #tpu.memory_space<vmem>> -> memref<120x128xf32, #tpu.memory_space<vmem>>
      tpu.enqueue_dma source(%dma_start3A_73 : memref<120x128xf32, #tpu.memory_space<vmem>>) target(%dma_start3A_70 : memref<120x128xf32, #tpu.memory_space<hbm>>) target_semaphore(%run_scoped3A : memref<!tpu.dma_semaphore, #tpu.memory_space<semaphore_mem>>)
      %dma_wait3A = arith.constant 0 : i32
      %dma_wait3A_74 = arith.constant 0 : i32
      %dma_wait3A_75 = tpu.memref_slice %arg7[%dma_wait3A, %dma_wait3A_74] : memref<128x128xf32, #tpu.memory_space<vmem>> -> memref<120x128xf32, #tpu.memory_space<vmem>>
      %dma_wait3A_76 = arith.constant 0 : i32
      %dma_wait3A_77 = tpu.memref_slice %arg5[%arg0, %add3A_62, %dma_wait3A_76] : memref<2x10112x128xf32, #tpu.memory_space<hbm>> -> memref<1x120x128xf32, #tpu.memory_space<hbm>>
      %dma_wait3A_78 = tpu.memref_squeeze %dma_wait3A_77 : memref<1x120x128xf32, #tpu.memory_space<hbm>> -> memref<120x128xf32, #tpu.memory_space<hbm>>
      %dma_wait3A_79 = arith.constant 0 : i32
      %dma_wait3A_80 = tpu.memref_slice %arg5[%arg0, %add3A_62, %dma_wait3A_79] : memref<2x10112x128xf32, #tpu.memory_space<hbm>> -> memref<1x120x128xf32, #tpu.memory_space<hbm>>
      %dma_wait3A_81 = tpu.memref_squeeze %dma_wait3A_80 : memref<1x120x128xf32, #tpu.memory_space<hbm>> -> memref<120x128xf32, #tpu.memory_space<hbm>>
      %dma_wait3A_82 = arith.constant 0 : i32
      %dma_wait3A_83 = arith.constant 0 : i32
      %dma_wait3A_84 = tpu.memref_slice %arg7[%dma_wait3A_82, %dma_wait3A_83] : memref<128x128xf32, #tpu.memory_space<vmem>> -> memref<120x128xf32, #tpu.memory_space<vmem>>
      tpu.wait_dma2 semaphore(%run_scoped3A : memref<!tpu.dma_semaphore, #tpu.memory_space<semaphore_mem>>) src(%dma_wait3A_84 : memref<120x128xf32, #tpu.memory_space<vmem>>) dst(%dma_wait3A_81 : memref<120x128xf32, #tpu.memory_space<hbm>>)
      tpu.yield
    }) : () -> ()
    return
  }
}

#map = affine_map<(d0, d1) -> (0, 0)>
#map1 = affine_map<(d0, d1) -> (0, 0, 0)>
module attributes {stable_mosaic.version = 14 : i64} {
  func.func @_sc_prop(%arg0: i32, %arg1: i32, %arg2: memref<10000x128xf32, #tpu.memory_space<hbm>>, %arg3: memref<2560x128xi32, #tpu.memory_space<hbm>>, %arg4: memref<2560x128xi32, #tpu.memory_space<hbm>>, %arg5: memref<128x128xf32, #tpu.memory_space<hbm>>, %arg6: memref<2x10112x128xf32, #tpu.memory_space<hbm>>, %arg7: memref<40x128xi32, #tpu.memory_space<vmem>>, %arg8: memref<80x128xi32, #tpu.memory_space<vmem>>, %arg9: memref<128x128xf32, #tpu.memory_space<vmem>>, %arg10: memref<128x128xf32, #tpu.memory_space<vmem>>, %arg11: memref<10112x128xf32, #tpu.memory_space<vmem_shared>>, %arg12: memref<!tpu.dma_semaphore, #tpu.memory_space<semaphore_mem>>, %arg13: memref<!tpu.dma_semaphore, #tpu.memory_space<semaphore_mem>>) attributes {dimension_semantics = [#tpu.dimension_semantics<core_parallel>, #tpu.dimension_semantics<subcore_parallel>], iteration_bounds = array<i64: 2, 16>, scalar_prefetch = 0 : i64, scratch_operands = 7 : i64, tpu.core_type = #tpu.core_type<sc_vector_subcore>, window_params = [{transform_indices = #map}, {transform_indices = #map}, {transform_indices = #map}, {transform_indices = #map}, {transform_indices = #map1}]} {
    %mul3A = arith.constant 16 : i32
    %mul3A_0 = arith.muli %arg0, %mul3A : i32
    %add3A = arith.addi %mul3A_0, %arg1 : i32
    %mul3A_1 = arith.constant 80 : i32
    %mul3A_2 = arith.muli %add3A, %mul3A_1 : i32
    "tpu.region"() ({
      %run_scoped3A = tpu.sem_alloc : memref<!tpu.dma_semaphore, #tpu.memory_space<semaphore_mem>>
      %dma_start3A = arith.constant 0 : i32
      %dma_start3A_55 = tpu.memref_slice %arg4[%mul3A_2, %dma_start3A] : memref<2560x128xi32, #tpu.memory_space<hbm>> -> memref<80x128xi32, #tpu.memory_space<hbm>>
      %dma_start3A_56 = arith.constant 0 : i32
      %dma_start3A_57 = tpu.memref_slice %arg4[%mul3A_2, %dma_start3A_56] : memref<2560x128xi32, #tpu.memory_space<hbm>> -> memref<80x128xi32, #tpu.memory_space<hbm>>
      tpu.enqueue_dma source(%dma_start3A_57 : memref<80x128xi32, #tpu.memory_space<hbm>>) target(%arg8 : memref<80x128xi32, #tpu.memory_space<vmem>>) target_semaphore(%run_scoped3A : memref<!tpu.dma_semaphore, #tpu.memory_space<semaphore_mem>>)
      %dma_wait3A = arith.constant 0 : i32
      %dma_wait3A_58 = tpu.memref_slice %arg4[%mul3A_2, %dma_wait3A] : memref<2560x128xi32, #tpu.memory_space<hbm>> -> memref<80x128xi32, #tpu.memory_space<hbm>>
      %dma_wait3A_59 = arith.constant 0 : i32
      %dma_wait3A_60 = tpu.memref_slice %arg4[%mul3A_2, %dma_wait3A_59] : memref<2560x128xi32, #tpu.memory_space<hbm>> -> memref<80x128xi32, #tpu.memory_space<hbm>>
      tpu.wait_dma2 semaphore(%run_scoped3A : memref<!tpu.dma_semaphore, #tpu.memory_space<semaphore_mem>>) src(%dma_wait3A_60 : memref<80x128xi32, #tpu.memory_space<hbm>>) dst(%arg8 : memref<80x128xi32, #tpu.memory_space<vmem>>)
      tpu.yield
    }) : () -> ()
    "tpu.region"() ({
      %run_scoped3A = tpu.sem_alloc : memref<!tpu.dma_semaphore, #tpu.memory_space<semaphore_mem>>
      tpu.enqueue_dma source(%arg5 : memref<128x128xf32, #tpu.memory_space<hbm>>) target(%arg9 : memref<128x128xf32, #tpu.memory_space<vmem>>) target_semaphore(%run_scoped3A : memref<!tpu.dma_semaphore, #tpu.memory_space<semaphore_mem>>)
      tpu.wait_dma2 semaphore(%run_scoped3A : memref<!tpu.dma_semaphore, #tpu.memory_space<semaphore_mem>>) src(%arg5 : memref<128x128xf32, #tpu.memory_space<hbm>>) dst(%arg9 : memref<128x128xf32, #tpu.memory_space<vmem>>)
      tpu.yield
    }) : () -> ()
    %mul3A_3 = arith.constant 632 : i32
    %mul3A_4 = arith.muli %arg1, %mul3A_3 : i32
    %add3A_5 = arith.constant 0 : i32
    %add3A_6 = arith.addi %mul3A_4, %add3A_5 : i32
    "tpu.region"() ({
      %run_scoped3A = tpu.sem_alloc : memref<!tpu.dma_semaphore, #tpu.memory_space<semaphore_mem>>
      %dma_start3A = arith.constant 0 : i32
      %dma_start3A_55 = arith.constant 0 : i32
      %dma_start3A_56 = tpu.memref_slice %arg9[%dma_start3A, %dma_start3A_55] : memref<128x128xf32, #tpu.memory_space<vmem>> -> memref<128x128xf32, #tpu.memory_space<vmem>>
      %dma_start3A_57 = arith.constant 0 : i32
      %dma_start3A_58 = tpu.memref_slice %arg11[%add3A_6, %dma_start3A_57] : memref<10112x128xf32, #tpu.memory_space<vmem_shared>> -> memref<128x128xf32, #tpu.memory_space<vmem_shared>>
      %dma_start3A_59 = arith.constant 0 : i32
      %dma_start3A_60 = tpu.memref_slice %arg11[%add3A_6, %dma_start3A_59] : memref<10112x128xf32, #tpu.memory_space<vmem_shared>> -> memref<128x128xf32, #tpu.memory_space<vmem_shared>>
      %dma_start3A_61 = arith.constant 0 : i32
      %dma_start3A_62 = arith.constant 0 : i32
      %dma_start3A_63 = tpu.memref_slice %arg9[%dma_start3A_61, %dma_start3A_62] : memref<128x128xf32, #tpu.memory_space<vmem>> -> memref<128x128xf32, #tpu.memory_space<vmem>>
      tpu.enqueue_dma source(%dma_start3A_63 : memref<128x128xf32, #tpu.memory_space<vmem>>) target(%dma_start3A_60 : memref<128x128xf32, #tpu.memory_space<vmem_shared>>) target_semaphore(%run_scoped3A : memref<!tpu.dma_semaphore, #tpu.memory_space<semaphore_mem>>)
      %dma_wait3A = arith.constant 0 : i32
      %dma_wait3A_64 = arith.constant 0 : i32
      %dma_wait3A_65 = tpu.memref_slice %arg9[%dma_wait3A, %dma_wait3A_64] : memref<128x128xf32, #tpu.memory_space<vmem>> -> memref<128x128xf32, #tpu.memory_space<vmem>>
      %dma_wait3A_66 = arith.constant 0 : i32
      %dma_wait3A_67 = tpu.memref_slice %arg11[%add3A_6, %dma_wait3A_66] : memref<10112x128xf32, #tpu.memory_space<vmem_shared>> -> memref<128x128xf32, #tpu.memory_space<vmem_shared>>
      %dma_wait3A_68 = arith.constant 0 : i32
      %dma_wait3A_69 = tpu.memref_slice %arg11[%add3A_6, %dma_wait3A_68] : memref<10112x128xf32, #tpu.memory_space<vmem_shared>> -> memref<128x128xf32, #tpu.memory_space<vmem_shared>>
      %dma_wait3A_70 = arith.constant 0 : i32
      %dma_wait3A_71 = arith.constant 0 : i32
      %dma_wait3A_72 = tpu.memref_slice %arg9[%dma_wait3A_70, %dma_wait3A_71] : memref<128x128xf32, #tpu.memory_space<vmem>> -> memref<128x128xf32, #tpu.memory_space<vmem>>
      tpu.wait_dma2 semaphore(%run_scoped3A : memref<!tpu.dma_semaphore, #tpu.memory_space<semaphore_mem>>) src(%dma_wait3A_72 : memref<128x128xf32, #tpu.memory_space<vmem>>) dst(%dma_wait3A_69 : memref<128x128xf32, #tpu.memory_space<vmem_shared>>)
      tpu.yield
    }) : () -> ()
    %add3A_7 = arith.constant 128 : i32
    %add3A_8 = arith.addi %mul3A_4, %add3A_7 : i32
    "tpu.region"() ({
      %run_scoped3A = tpu.sem_alloc : memref<!tpu.dma_semaphore, #tpu.memory_space<semaphore_mem>>
      %dma_start3A = arith.constant 0 : i32
      %dma_start3A_55 = arith.constant 0 : i32
      %dma_start3A_56 = tpu.memref_slice %arg9[%dma_start3A, %dma_start3A_55] : memref<128x128xf32, #tpu.memory_space<vmem>> -> memref<128x128xf32, #tpu.memory_space<vmem>>
      %dma_start3A_57 = arith.constant 0 : i32
      %dma_start3A_58 = tpu.memref_slice %arg11[%add3A_8, %dma_start3A_57] : memref<10112x128xf32, #tpu.memory_space<vmem_shared>> -> memref<128x128xf32, #tpu.memory_space<vmem_shared>>
      %dma_start3A_59 = arith.constant 0 : i32
      %dma_start3A_60 = tpu.memref_slice %arg11[%add3A_8, %dma_start3A_59] : memref<10112x128xf32, #tpu.memory_space<vmem_shared>> -> memref<128x128xf32, #tpu.memory_space<vmem_shared>>
      %dma_start3A_61 = arith.constant 0 : i32
      %dma_start3A_62 = arith.constant 0 : i32
      %dma_start3A_63 = tpu.memref_slice %arg9[%dma_start3A_61, %dma_start3A_62] : memref<128x128xf32, #tpu.memory_space<vmem>> -> memref<128x128xf32, #tpu.memory_space<vmem>>
      tpu.enqueue_dma source(%dma_start3A_63 : memref<128x128xf32, #tpu.memory_space<vmem>>) target(%dma_start3A_60 : memref<128x128xf32, #tpu.memory_space<vmem_shared>>) target_semaphore(%run_scoped3A : memref<!tpu.dma_semaphore, #tpu.memory_space<semaphore_mem>>)
      %dma_wait3A = arith.constant 0 : i32
      %dma_wait3A_64 = arith.constant 0 : i32
      %dma_wait3A_65 = tpu.memref_slice %arg9[%dma_wait3A, %dma_wait3A_64] : memref<128x128xf32, #tpu.memory_space<vmem>> -> memref<128x128xf32, #tpu.memory_space<vmem>>
      %dma_wait3A_66 = arith.constant 0 : i32
      %dma_wait3A_67 = tpu.memref_slice %arg11[%add3A_8, %dma_wait3A_66] : memref<10112x128xf32, #tpu.memory_space<vmem_shared>> -> memref<128x128xf32, #tpu.memory_space<vmem_shared>>
      %dma_wait3A_68 = arith.constant 0 : i32
      %dma_wait3A_69 = tpu.memref_slice %arg11[%add3A_8, %dma_wait3A_68] : memref<10112x128xf32, #tpu.memory_space<vmem_shared>> -> memref<128x128xf32, #tpu.memory_space<vmem_shared>>
      %dma_wait3A_70 = arith.constant 0 : i32
      %dma_wait3A_71 = arith.constant 0 : i32
      %dma_wait3A_72 = tpu.memref_slice %arg9[%dma_wait3A_70, %dma_wait3A_71] : memref<128x128xf32, #tpu.memory_space<vmem>> -> memref<128x128xf32, #tpu.memory_space<vmem>>
      tpu.wait_dma2 semaphore(%run_scoped3A : memref<!tpu.dma_semaphore, #tpu.memory_space<semaphore_mem>>) src(%dma_wait3A_72 : memref<128x128xf32, #tpu.memory_space<vmem>>) dst(%dma_wait3A_69 : memref<128x128xf32, #tpu.memory_space<vmem_shared>>)
      tpu.yield
    }) : () -> ()
    %add3A_9 = arith.constant 256 : i32
    %add3A_10 = arith.addi %mul3A_4, %add3A_9 : i32
    "tpu.region"() ({
      %run_scoped3A = tpu.sem_alloc : memref<!tpu.dma_semaphore, #tpu.memory_space<semaphore_mem>>
      %dma_start3A = arith.constant 0 : i32
      %dma_start3A_55 = arith.constant 0 : i32
      %dma_start3A_56 = tpu.memref_slice %arg9[%dma_start3A, %dma_start3A_55] : memref<128x128xf32, #tpu.memory_space<vmem>> -> memref<128x128xf32, #tpu.memory_space<vmem>>
      %dma_start3A_57 = arith.constant 0 : i32
      %dma_start3A_58 = tpu.memref_slice %arg11[%add3A_10, %dma_start3A_57] : memref<10112x128xf32, #tpu.memory_space<vmem_shared>> -> memref<128x128xf32, #tpu.memory_space<vmem_shared>>
      %dma_start3A_59 = arith.constant 0 : i32
      %dma_start3A_60 = tpu.memref_slice %arg11[%add3A_10, %dma_start3A_59] : memref<10112x128xf32, #tpu.memory_space<vmem_shared>> -> memref<128x128xf32, #tpu.memory_space<vmem_shared>>
      %dma_start3A_61 = arith.constant 0 : i32
      %dma_start3A_62 = arith.constant 0 : i32
      %dma_start3A_63 = tpu.memref_slice %arg9[%dma_start3A_61, %dma_start3A_62] : memref<128x128xf32, #tpu.memory_space<vmem>> -> memref<128x128xf32, #tpu.memory_space<vmem>>
      tpu.enqueue_dma source(%dma_start3A_63 : memref<128x128xf32, #tpu.memory_space<vmem>>) target(%dma_start3A_60 : memref<128x128xf32, #tpu.memory_space<vmem_shared>>) target_semaphore(%run_scoped3A : memref<!tpu.dma_semaphore, #tpu.memory_space<semaphore_mem>>)
      %dma_wait3A = arith.constant 0 : i32
      %dma_wait3A_64 = arith.constant 0 : i32
      %dma_wait3A_65 = tpu.memref_slice %arg9[%dma_wait3A, %dma_wait3A_64] : memref<128x128xf32, #tpu.memory_space<vmem>> -> memref<128x128xf32, #tpu.memory_space<vmem>>
      %dma_wait3A_66 = arith.constant 0 : i32
      %dma_wait3A_67 = tpu.memref_slice %arg11[%add3A_10, %dma_wait3A_66] : memref<10112x128xf32, #tpu.memory_space<vmem_shared>> -> memref<128x128xf32, #tpu.memory_space<vmem_shared>>
      %dma_wait3A_68 = arith.constant 0 : i32
      %dma_wait3A_69 = tpu.memref_slice %arg11[%add3A_10, %dma_wait3A_68] : memref<10112x128xf32, #tpu.memory_space<vmem_shared>> -> memref<128x128xf32, #tpu.memory_space<vmem_shared>>
      %dma_wait3A_70 = arith.constant 0 : i32
      %dma_wait3A_71 = arith.constant 0 : i32
      %dma_wait3A_72 = tpu.memref_slice %arg9[%dma_wait3A_70, %dma_wait3A_71] : memref<128x128xf32, #tpu.memory_space<vmem>> -> memref<128x128xf32, #tpu.memory_space<vmem>>
      tpu.wait_dma2 semaphore(%run_scoped3A : memref<!tpu.dma_semaphore, #tpu.memory_space<semaphore_mem>>) src(%dma_wait3A_72 : memref<128x128xf32, #tpu.memory_space<vmem>>) dst(%dma_wait3A_69 : memref<128x128xf32, #tpu.memory_space<vmem_shared>>)
      tpu.yield
    }) : () -> ()
    %add3A_11 = arith.constant 384 : i32
    %add3A_12 = arith.addi %mul3A_4, %add3A_11 : i32
    "tpu.region"() ({
      %run_scoped3A = tpu.sem_alloc : memref<!tpu.dma_semaphore, #tpu.memory_space<semaphore_mem>>
      %dma_start3A = arith.constant 0 : i32
      %dma_start3A_55 = arith.constant 0 : i32
      %dma_start3A_56 = tpu.memref_slice %arg9[%dma_start3A, %dma_start3A_55] : memref<128x128xf32, #tpu.memory_space<vmem>> -> memref<128x128xf32, #tpu.memory_space<vmem>>
      %dma_start3A_57 = arith.constant 0 : i32
      %dma_start3A_58 = tpu.memref_slice %arg11[%add3A_12, %dma_start3A_57] : memref<10112x128xf32, #tpu.memory_space<vmem_shared>> -> memref<128x128xf32, #tpu.memory_space<vmem_shared>>
      %dma_start3A_59 = arith.constant 0 : i32
      %dma_start3A_60 = tpu.memref_slice %arg11[%add3A_12, %dma_start3A_59] : memref<10112x128xf32, #tpu.memory_space<vmem_shared>> -> memref<128x128xf32, #tpu.memory_space<vmem_shared>>
      %dma_start3A_61 = arith.constant 0 : i32
      %dma_start3A_62 = arith.constant 0 : i32
      %dma_start3A_63 = tpu.memref_slice %arg9[%dma_start3A_61, %dma_start3A_62] : memref<128x128xf32, #tpu.memory_space<vmem>> -> memref<128x128xf32, #tpu.memory_space<vmem>>
      tpu.enqueue_dma source(%dma_start3A_63 : memref<128x128xf32, #tpu.memory_space<vmem>>) target(%dma_start3A_60 : memref<128x128xf32, #tpu.memory_space<vmem_shared>>) target_semaphore(%run_scoped3A : memref<!tpu.dma_semaphore, #tpu.memory_space<semaphore_mem>>)
      %dma_wait3A = arith.constant 0 : i32
      %dma_wait3A_64 = arith.constant 0 : i32
      %dma_wait3A_65 = tpu.memref_slice %arg9[%dma_wait3A, %dma_wait3A_64] : memref<128x128xf32, #tpu.memory_space<vmem>> -> memref<128x128xf32, #tpu.memory_space<vmem>>
      %dma_wait3A_66 = arith.constant 0 : i32
      %dma_wait3A_67 = tpu.memref_slice %arg11[%add3A_12, %dma_wait3A_66] : memref<10112x128xf32, #tpu.memory_space<vmem_shared>> -> memref<128x128xf32, #tpu.memory_space<vmem_shared>>
      %dma_wait3A_68 = arith.constant 0 : i32
      %dma_wait3A_69 = tpu.memref_slice %arg11[%add3A_12, %dma_wait3A_68] : memref<10112x128xf32, #tpu.memory_space<vmem_shared>> -> memref<128x128xf32, #tpu.memory_space<vmem_shared>>
      %dma_wait3A_70 = arith.constant 0 : i32
      %dma_wait3A_71 = arith.constant 0 : i32
      %dma_wait3A_72 = tpu.memref_slice %arg9[%dma_wait3A_70, %dma_wait3A_71] : memref<128x128xf32, #tpu.memory_space<vmem>> -> memref<128x128xf32, #tpu.memory_space<vmem>>
      tpu.wait_dma2 semaphore(%run_scoped3A : memref<!tpu.dma_semaphore, #tpu.memory_space<semaphore_mem>>) src(%dma_wait3A_72 : memref<128x128xf32, #tpu.memory_space<vmem>>) dst(%dma_wait3A_69 : memref<128x128xf32, #tpu.memory_space<vmem_shared>>)
      tpu.yield
    }) : () -> ()
    %add3A_13 = arith.constant 512 : i32
    %add3A_14 = arith.addi %mul3A_4, %add3A_13 : i32
    "tpu.region"() ({
      %run_scoped3A = tpu.sem_alloc : memref<!tpu.dma_semaphore, #tpu.memory_space<semaphore_mem>>
      %dma_start3A = arith.constant 0 : i32
      %dma_start3A_55 = arith.constant 0 : i32
      %dma_start3A_56 = tpu.memref_slice %arg9[%dma_start3A, %dma_start3A_55] : memref<128x128xf32, #tpu.memory_space<vmem>> -> memref<120x128xf32, #tpu.memory_space<vmem>>
      %dma_start3A_57 = arith.constant 0 : i32
      %dma_start3A_58 = tpu.memref_slice %arg11[%add3A_14, %dma_start3A_57] : memref<10112x128xf32, #tpu.memory_space<vmem_shared>> -> memref<120x128xf32, #tpu.memory_space<vmem_shared>>
      %dma_start3A_59 = arith.constant 0 : i32
      %dma_start3A_60 = tpu.memref_slice %arg11[%add3A_14, %dma_start3A_59] : memref<10112x128xf32, #tpu.memory_space<vmem_shared>> -> memref<120x128xf32, #tpu.memory_space<vmem_shared>>
      %dma_start3A_61 = arith.constant 0 : i32
      %dma_start3A_62 = arith.constant 0 : i32
      %dma_start3A_63 = tpu.memref_slice %arg9[%dma_start3A_61, %dma_start3A_62] : memref<128x128xf32, #tpu.memory_space<vmem>> -> memref<120x128xf32, #tpu.memory_space<vmem>>
      tpu.enqueue_dma source(%dma_start3A_63 : memref<120x128xf32, #tpu.memory_space<vmem>>) target(%dma_start3A_60 : memref<120x128xf32, #tpu.memory_space<vmem_shared>>) target_semaphore(%run_scoped3A : memref<!tpu.dma_semaphore, #tpu.memory_space<semaphore_mem>>)
      %dma_wait3A = arith.constant 0 : i32
      %dma_wait3A_64 = arith.constant 0 : i32
      %dma_wait3A_65 = tpu.memref_slice %arg9[%dma_wait3A, %dma_wait3A_64] : memref<128x128xf32, #tpu.memory_space<vmem>> -> memref<120x128xf32, #tpu.memory_space<vmem>>
      %dma_wait3A_66 = arith.constant 0 : i32
      %dma_wait3A_67 = tpu.memref_slice %arg11[%add3A_14, %dma_wait3A_66] : memref<10112x128xf32, #tpu.memory_space<vmem_shared>> -> memref<120x128xf32, #tpu.memory_space<vmem_shared>>
      %dma_wait3A_68 = arith.constant 0 : i32
      %dma_wait3A_69 = tpu.memref_slice %arg11[%add3A_14, %dma_wait3A_68] : memref<10112x128xf32, #tpu.memory_space<vmem_shared>> -> memref<120x128xf32, #tpu.memory_space<vmem_shared>>
      %dma_wait3A_70 = arith.constant 0 : i32
      %dma_wait3A_71 = arith.constant 0 : i32
      %dma_wait3A_72 = tpu.memref_slice %arg9[%dma_wait3A_70, %dma_wait3A_71] : memref<128x128xf32, #tpu.memory_space<vmem>> -> memref<120x128xf32, #tpu.memory_space<vmem>>
      tpu.wait_dma2 semaphore(%run_scoped3A : memref<!tpu.dma_semaphore, #tpu.memory_space<semaphore_mem>>) src(%dma_wait3A_72 : memref<120x128xf32, #tpu.memory_space<vmem>>) dst(%dma_wait3A_69 : memref<120x128xf32, #tpu.memory_space<vmem_shared>>)
      tpu.yield
    }) : () -> ()
    %barrier3A = arith.constant 0 : index
    tpu.barrier barrier_id(%barrier3A)
    %mul3A_15 = arith.constant 80 : i32
    %mul3A_16 = arith.muli %add3A, %mul3A_15 : i32
    %add3A_17 = arith.constant 0 : i32
    %add3A_18 = arith.addi %mul3A_16, %add3A_17 : i32
    "tpu.region"() ({
      %run_scoped3A = tpu.sem_alloc : memref<!tpu.dma_semaphore, #tpu.memory_space<semaphore_mem>>
      %dma_start3A = arith.constant 0 : i32
      %dma_start3A_55 = tpu.memref_slice %arg3[%add3A_18, %dma_start3A] : memref<2560x128xi32, #tpu.memory_space<hbm>> -> memref<40x128xi32, #tpu.memory_space<hbm>>
      %dma_start3A_56 = arith.constant 0 : i32
      %dma_start3A_57 = tpu.memref_slice %arg3[%add3A_18, %dma_start3A_56] : memref<2560x128xi32, #tpu.memory_space<hbm>> -> memref<40x128xi32, #tpu.memory_space<hbm>>
      tpu.enqueue_dma source(%dma_start3A_57 : memref<40x128xi32, #tpu.memory_space<hbm>>) target(%arg7 : memref<40x128xi32, #tpu.memory_space<vmem>>) target_semaphore(%run_scoped3A : memref<!tpu.dma_semaphore, #tpu.memory_space<semaphore_mem>>)
      %dma_wait3A = arith.constant 0 : i32
      %dma_wait3A_58 = tpu.memref_slice %arg3[%add3A_18, %dma_wait3A] : memref<2560x128xi32, #tpu.memory_space<hbm>> -> memref<40x128xi32, #tpu.memory_space<hbm>>
      %dma_wait3A_59 = arith.constant 0 : i32
      %dma_wait3A_60 = tpu.memref_slice %arg3[%add3A_18, %dma_wait3A_59] : memref<2560x128xi32, #tpu.memory_space<hbm>> -> memref<40x128xi32, #tpu.memory_space<hbm>>
      tpu.wait_dma2 semaphore(%run_scoped3A : memref<!tpu.dma_semaphore, #tpu.memory_space<semaphore_mem>>) src(%dma_wait3A_60 : memref<40x128xi32, #tpu.memory_space<hbm>>) dst(%arg7 : memref<40x128xi32, #tpu.memory_space<vmem>>)
      tpu.yield
    }) : () -> ()
    %scan3A = arith.constant 0 : i32
    %scan3A_19 = arith.constant 0 : i32
    %scan3A_20 = arith.constant 41 : i32
    %scan3A_21 = arith.addi %scan3A_19, %scan3A_20 : i32
    %scan3A_22 = arith.constant 1 : i32
    scf.for %scan3A_55 = %scan3A_19 to %scan3A_21 step %scan3A_22  : i32 {
      %lt3A = arith.constant 40 : i32
      %lt3A_56 = arith.cmpi slt, %scan3A_55, %lt3A : i32
      %jit3A = arith.constant 2 : i32
      %eq3A = arith.constant 0 : i32
      %eq3A_57 = arith.cmpi eq, %jit3A, %eq3A : i32
      %jit3A_58 = arith.constant 1 : i32
      %select_n3A = arith.select %eq3A_57, %jit3A_58, %jit3A : i32
      %rem3A = arith.remsi %scan3A_55, %select_n3A : i32
      %ne3A = arith.constant 0 : i32
      %ne3A_59 = arith.cmpi ne, %rem3A, %ne3A : i32
      %lt3A_60 = arith.constant 0 : i32
      %lt3A_61 = arith.cmpi slt, %rem3A, %lt3A_60 : i32
      %lt3A_62 = arith.constant 0 : i32
      %lt3A_63 = arith.cmpi slt, %select_n3A, %lt3A_62 : i32
      %ne3A_64 = arith.xori %lt3A_61, %lt3A_63 : i1
      %and3A = arith.andi %ne3A_64, %ne3A_59 : i1
      %add3A_65 = arith.addi %rem3A, %select_n3A : i32
      %select_n3A_66 = arith.select %and3A, %add3A_65, %rem3A : i32
      %eq3A_67 = arith.constant 0 : i32
      %eq3A_68 = arith.cmpi eq, %select_n3A_66, %eq3A_67 : i32
      %and3A_69 = arith.andi %lt3A_56, %eq3A_68 : i1
      %convert_element_type3A = arith.extui %and3A_69 : i1 to i32
      %cond3A = arith.constant 0 : i32
      %cond3A_70 = arith.cmpi ne, %convert_element_type3A, %cond3A : i32
      scf.if %cond3A_70 {
        %dma_start3A = arith.constant 0 : i32
        %dma_start3A_142 = tpu.memref_slice %arg7[%scan3A_55, %dma_start3A] : memref<40x128xi32, #tpu.memory_space<vmem>> -> memref<1x128xi32, #tpu.memory_space<vmem>>
        %dma_start3A_143 = tpu.memref_squeeze %dma_start3A_142 : memref<1x128xi32, #tpu.memory_space<vmem>> -> memref<128xi32, #tpu.memory_space<vmem>>
        %dma_start3A_144 = arith.constant 0 : i32
        %dma_start3A_145 = arith.constant 0 : i32
        %dma_start3A_146 = tpu.memref_slice %arg2[%dma_start3A_144, %dma_start3A_145] : memref<10000x128xf32, #tpu.memory_space<hbm>> -> memref<10000x128xf32, #tpu.memory_space<hbm>>
        tpu.enqueue_indirect_dma source(%dma_start3A_146 : memref<10000x128xf32, #tpu.memory_space<hbm>>) target(%arg9 : memref<128x128xf32, #tpu.memory_space<vmem>>) offsets(%dma_start3A_143 : memref<128xi32, #tpu.memory_space<vmem>>) semaphore(%arg12 : memref<!tpu.dma_semaphore, #tpu.memory_space<semaphore_mem>>)
      } else {
      }
      %lt3A_71 = arith.constant 40 : i32
      %lt3A_72 = arith.cmpi slt, %scan3A_55, %lt3A_71 : i32
      %jit3A_73 = arith.constant 2 : i32
      %eq3A_74 = arith.constant 0 : i32
      %eq3A_75 = arith.cmpi eq, %jit3A_73, %eq3A_74 : i32
      %jit3A_76 = arith.constant 1 : i32
      %select_n3A_77 = arith.select %eq3A_75, %jit3A_76, %jit3A_73 : i32
      %rem3A_78 = arith.remsi %scan3A_55, %select_n3A_77 : i32
      %ne3A_79 = arith.constant 0 : i32
      %ne3A_80 = arith.cmpi ne, %rem3A_78, %ne3A_79 : i32
      %lt3A_81 = arith.constant 0 : i32
      %lt3A_82 = arith.cmpi slt, %rem3A_78, %lt3A_81 : i32
      %lt3A_83 = arith.constant 0 : i32
      %lt3A_84 = arith.cmpi slt, %select_n3A_77, %lt3A_83 : i32
      %ne3A_85 = arith.xori %lt3A_82, %lt3A_84 : i1
      %and3A_86 = arith.andi %ne3A_85, %ne3A_80 : i1
      %add3A_87 = arith.addi %rem3A_78, %select_n3A_77 : i32
      %select_n3A_88 = arith.select %and3A_86, %add3A_87, %rem3A_78 : i32
      %eq3A_89 = arith.constant 1 : i32
      %eq3A_90 = arith.cmpi eq, %select_n3A_88, %eq3A_89 : i32
      %and3A_91 = arith.andi %lt3A_72, %eq3A_90 : i1
      %convert_element_type3A_92 = arith.extui %and3A_91 : i1 to i32
      %cond3A_93 = arith.constant 0 : i32
      %cond3A_94 = arith.cmpi ne, %convert_element_type3A_92, %cond3A_93 : i32
      scf.if %cond3A_94 {
        %dma_start3A = arith.constant 0 : i32
        %dma_start3A_142 = tpu.memref_slice %arg7[%scan3A_55, %dma_start3A] : memref<40x128xi32, #tpu.memory_space<vmem>> -> memref<1x128xi32, #tpu.memory_space<vmem>>
        %dma_start3A_143 = tpu.memref_squeeze %dma_start3A_142 : memref<1x128xi32, #tpu.memory_space<vmem>> -> memref<128xi32, #tpu.memory_space<vmem>>
        %dma_start3A_144 = arith.constant 0 : i32
        %dma_start3A_145 = arith.constant 0 : i32
        %dma_start3A_146 = tpu.memref_slice %arg2[%dma_start3A_144, %dma_start3A_145] : memref<10000x128xf32, #tpu.memory_space<hbm>> -> memref<10000x128xf32, #tpu.memory_space<hbm>>
        tpu.enqueue_indirect_dma source(%dma_start3A_146 : memref<10000x128xf32, #tpu.memory_space<hbm>>) target(%arg10 : memref<128x128xf32, #tpu.memory_space<vmem>>) offsets(%dma_start3A_143 : memref<128xi32, #tpu.memory_space<vmem>>) semaphore(%arg13 : memref<!tpu.dma_semaphore, #tpu.memory_space<semaphore_mem>>)
      } else {
      }
      %ge3A = arith.constant 1 : i32
      %ge3A_95 = arith.cmpi sge, %scan3A_55, %ge3A : i32
      %jit3A_96 = arith.constant 2 : i32
      %eq3A_97 = arith.constant 0 : i32
      %eq3A_98 = arith.cmpi eq, %jit3A_96, %eq3A_97 : i32
      %jit3A_99 = arith.constant 1 : i32
      %select_n3A_100 = arith.select %eq3A_98, %jit3A_99, %jit3A_96 : i32
      %rem3A_101 = arith.remsi %scan3A_55, %select_n3A_100 : i32
      %ne3A_102 = arith.constant 0 : i32
      %ne3A_103 = arith.cmpi ne, %rem3A_101, %ne3A_102 : i32
      %lt3A_104 = arith.constant 0 : i32
      %lt3A_105 = arith.cmpi slt, %rem3A_101, %lt3A_104 : i32
      %lt3A_106 = arith.constant 0 : i32
      %lt3A_107 = arith.cmpi slt, %select_n3A_100, %lt3A_106 : i32
      %ne3A_108 = arith.xori %lt3A_105, %lt3A_107 : i1
      %and3A_109 = arith.andi %ne3A_108, %ne3A_103 : i1
      %add3A_110 = arith.addi %rem3A_101, %select_n3A_100 : i32
      %select_n3A_111 = arith.select %and3A_109, %add3A_110, %rem3A_101 : i32
      %eq3A_112 = arith.constant 1 : i32
      %eq3A_113 = arith.cmpi eq, %select_n3A_111, %eq3A_112 : i32
      %and3A_114 = arith.andi %ge3A_95, %eq3A_113 : i1
      %convert_element_type3A_115 = arith.extui %and3A_114 : i1 to i32
      %cond3A_116 = arith.constant 0 : i32
      %cond3A_117 = arith.cmpi ne, %convert_element_type3A_115, %cond3A_116 : i32
      scf.if %cond3A_117 {
        %sub3A = arith.constant 1 : i32
        %sub3A_142 = arith.subi %scan3A_55, %sub3A : i32
        %dma_wait3A = arith.constant 0 : i32
        %dma_wait3A_143 = tpu.memref_slice %arg7[%sub3A_142, %dma_wait3A] : memref<40x128xi32, #tpu.memory_space<vmem>> -> memref<1x128xi32, #tpu.memory_space<vmem>>
        %dma_wait3A_144 = tpu.memref_squeeze %dma_wait3A_143 : memref<1x128xi32, #tpu.memory_space<vmem>> -> memref<128xi32, #tpu.memory_space<vmem>>
        %dma_wait3A_145 = arith.constant 0 : i32
        %dma_wait3A_146 = arith.constant 0 : i32
        %dma_wait3A_147 = tpu.memref_slice %arg2[%dma_wait3A_145, %dma_wait3A_146] : memref<10000x128xf32, #tpu.memory_space<hbm>> -> memref<10000x128xf32, #tpu.memory_space<hbm>>
        tpu.wait_indirect_dma semaphore(%arg12 : memref<!tpu.dma_semaphore, #tpu.memory_space<semaphore_mem>>) src(%dma_wait3A_147 : memref<10000x128xf32, #tpu.memory_space<hbm>>) dst(%arg9 : memref<128x128xf32, #tpu.memory_space<vmem>>)
        %add3A_148 = arith.constant 0 : i32
        %add3A_149 = arith.addi %add3A_148, %scan3A_55 : i32
        %sub3A_150 = arith.constant 1 : i32
        %sub3A_151 = arith.subi %add3A_149, %sub3A_150 : i32
        "tpu.region"() ({
          %run_scoped3A = tpu.sem_alloc : memref<!tpu.dma_semaphore, #tpu.memory_space<semaphore_mem>>
          %dma_start3A = arith.constant 0 : i32
          %dma_start3A_152 = tpu.memref_slice %arg8[%sub3A_151, %dma_start3A] : memref<80x128xi32, #tpu.memory_space<vmem>> -> memref<1x128xi32, #tpu.memory_space<vmem>>
          %dma_start3A_153 = tpu.memref_squeeze %dma_start3A_152 : memref<1x128xi32, #tpu.memory_space<vmem>> -> memref<128xi32, #tpu.memory_space<vmem>>
          %dma_start3A_154 = arith.constant 0 : i32
          %dma_start3A_155 = arith.constant 0 : i32
          %dma_start3A_156 = tpu.memref_slice %arg11[%dma_start3A_154, %dma_start3A_155] : memref<10112x128xf32, #tpu.memory_space<vmem_shared>> -> memref<10112x128xf32, #tpu.memory_space<vmem_shared>>
          tpu.enqueue_indirect_dma source(%arg9 : memref<128x128xf32, #tpu.memory_space<vmem>>) target(%dma_start3A_156 : memref<10112x128xf32, #tpu.memory_space<vmem_shared>>) offsets(%dma_start3A_153 : memref<128xi32, #tpu.memory_space<vmem>>) semaphore(%run_scoped3A : memref<!tpu.dma_semaphore, #tpu.memory_space<semaphore_mem>>) {add = true}
          %dma_wait3A_157 = arith.constant 0 : i32
          %dma_wait3A_158 = tpu.memref_slice %arg8[%sub3A_151, %dma_wait3A_157] : memref<80x128xi32, #tpu.memory_space<vmem>> -> memref<1x128xi32, #tpu.memory_space<vmem>>
          %dma_wait3A_159 = tpu.memref_squeeze %dma_wait3A_158 : memref<1x128xi32, #tpu.memory_space<vmem>> -> memref<128xi32, #tpu.memory_space<vmem>>
          %dma_wait3A_160 = arith.constant 0 : i32
          %dma_wait3A_161 = arith.constant 0 : i32
          %dma_wait3A_162 = tpu.memref_slice %arg11[%dma_wait3A_160, %dma_wait3A_161] : memref<10112x128xf32, #tpu.memory_space<vmem_shared>> -> memref<10112x128xf32, #tpu.memory_space<vmem_shared>>
          tpu.wait_indirect_dma semaphore(%run_scoped3A : memref<!tpu.dma_semaphore, #tpu.memory_space<semaphore_mem>>) src(%arg9 : memref<128x128xf32, #tpu.memory_space<vmem>>) dst(%dma_wait3A_162 : memref<10112x128xf32, #tpu.memory_space<vmem_shared>>)
          tpu.yield
        }) : () -> ()
      } else {
      }
      %ge3A_118 = arith.constant 1 : i32
      %ge3A_119 = arith.cmpi sge, %scan3A_55, %ge3A_118 : i32
      %jit3A_120 = arith.constant 2 : i32
      %eq3A_121 = arith.constant 0 : i32
      %eq3A_122 = arith.cmpi eq, %jit3A_120, %eq3A_121 : i32
      %jit3A_123 = arith.constant 1 : i32
      %select_n3A_124 = arith.select %eq3A_122, %jit3A_123, %jit3A_120 : i32
      %rem3A_125 = arith.remsi %scan3A_55, %select_n3A_124 : i32
      %ne3A_126 = arith.constant 0 : i32
      %ne3A_127 = arith.cmpi ne, %rem3A_125, %ne3A_126 : i32
      %lt3A_128 = arith.constant 0 : i32
      %lt3A_129 = arith.cmpi slt, %rem3A_125, %lt3A_128 : i32
      %lt3A_130 = arith.constant 0 : i32
      %lt3A_131 = arith.cmpi slt, %select_n3A_124, %lt3A_130 : i32
      %ne3A_132 = arith.xori %lt3A_129, %lt3A_131 : i1
      %and3A_133 = arith.andi %ne3A_132, %ne3A_127 : i1
      %add3A_134 = arith.addi %rem3A_125, %select_n3A_124 : i32
      %select_n3A_135 = arith.select %and3A_133, %add3A_134, %rem3A_125 : i32
      %eq3A_136 = arith.constant 0 : i32
      %eq3A_137 = arith.cmpi eq, %select_n3A_135, %eq3A_136 : i32
      %and3A_138 = arith.andi %ge3A_119, %eq3A_137 : i1
      %convert_element_type3A_139 = arith.extui %and3A_138 : i1 to i32
      %cond3A_140 = arith.constant 0 : i32
      %cond3A_141 = arith.cmpi ne, %convert_element_type3A_139, %cond3A_140 : i32
      scf.if %cond3A_141 {
        %sub3A = arith.constant 1 : i32
        %sub3A_142 = arith.subi %scan3A_55, %sub3A : i32
        %dma_wait3A = arith.constant 0 : i32
        %dma_wait3A_143 = tpu.memref_slice %arg7[%sub3A_142, %dma_wait3A] : memref<40x128xi32, #tpu.memory_space<vmem>> -> memref<1x128xi32, #tpu.memory_space<vmem>>
        %dma_wait3A_144 = tpu.memref_squeeze %dma_wait3A_143 : memref<1x128xi32, #tpu.memory_space<vmem>> -> memref<128xi32, #tpu.memory_space<vmem>>
        %dma_wait3A_145 = arith.constant 0 : i32
        %dma_wait3A_146 = arith.constant 0 : i32
        %dma_wait3A_147 = tpu.memref_slice %arg2[%dma_wait3A_145, %dma_wait3A_146] : memref<10000x128xf32, #tpu.memory_space<hbm>> -> memref<10000x128xf32, #tpu.memory_space<hbm>>
        tpu.wait_indirect_dma semaphore(%arg13 : memref<!tpu.dma_semaphore, #tpu.memory_space<semaphore_mem>>) src(%dma_wait3A_147 : memref<10000x128xf32, #tpu.memory_space<hbm>>) dst(%arg10 : memref<128x128xf32, #tpu.memory_space<vmem>>)
        %add3A_148 = arith.constant 0 : i32
        %add3A_149 = arith.addi %add3A_148, %scan3A_55 : i32
        %sub3A_150 = arith.constant 1 : i32
        %sub3A_151 = arith.subi %add3A_149, %sub3A_150 : i32
        "tpu.region"() ({
          %run_scoped3A = tpu.sem_alloc : memref<!tpu.dma_semaphore, #tpu.memory_space<semaphore_mem>>
          %dma_start3A = arith.constant 0 : i32
          %dma_start3A_152 = tpu.memref_slice %arg8[%sub3A_151, %dma_start3A] : memref<80x128xi32, #tpu.memory_space<vmem>> -> memref<1x128xi32, #tpu.memory_space<vmem>>
          %dma_start3A_153 = tpu.memref_squeeze %dma_start3A_152 : memref<1x128xi32, #tpu.memory_space<vmem>> -> memref<128xi32, #tpu.memory_space<vmem>>
          %dma_start3A_154 = arith.constant 0 : i32
          %dma_start3A_155 = arith.constant 0 : i32
          %dma_start3A_156 = tpu.memref_slice %arg11[%dma_start3A_154, %dma_start3A_155] : memref<10112x128xf32, #tpu.memory_space<vmem_shared>> -> memref<10112x128xf32, #tpu.memory_space<vmem_shared>>
          tpu.enqueue_indirect_dma source(%arg10 : memref<128x128xf32, #tpu.memory_space<vmem>>) target(%dma_start3A_156 : memref<10112x128xf32, #tpu.memory_space<vmem_shared>>) offsets(%dma_start3A_153 : memref<128xi32, #tpu.memory_space<vmem>>) semaphore(%run_scoped3A : memref<!tpu.dma_semaphore, #tpu.memory_space<semaphore_mem>>) {add = true}
          %dma_wait3A_157 = arith.constant 0 : i32
          %dma_wait3A_158 = tpu.memref_slice %arg8[%sub3A_151, %dma_wait3A_157] : memref<80x128xi32, #tpu.memory_space<vmem>> -> memref<1x128xi32, #tpu.memory_space<vmem>>
          %dma_wait3A_159 = tpu.memref_squeeze %dma_wait3A_158 : memref<1x128xi32, #tpu.memory_space<vmem>> -> memref<128xi32, #tpu.memory_space<vmem>>
          %dma_wait3A_160 = arith.constant 0 : i32
          %dma_wait3A_161 = arith.constant 0 : i32
          %dma_wait3A_162 = tpu.memref_slice %arg11[%dma_wait3A_160, %dma_wait3A_161] : memref<10112x128xf32, #tpu.memory_space<vmem_shared>> -> memref<10112x128xf32, #tpu.memory_space<vmem_shared>>
          tpu.wait_indirect_dma semaphore(%run_scoped3A : memref<!tpu.dma_semaphore, #tpu.memory_space<semaphore_mem>>) src(%arg10 : memref<128x128xf32, #tpu.memory_space<vmem>>) dst(%dma_wait3A_162 : memref<10112x128xf32, #tpu.memory_space<vmem_shared>>)
          tpu.yield
        }) : () -> ()
      } else {
      }
    }
    %scan3A_23 = arith.constant 41 : i32
    %mul3A_24 = arith.constant 80 : i32
    %mul3A_25 = arith.muli %add3A, %mul3A_24 : i32
    %add3A_26 = arith.constant 40 : i32
    %add3A_27 = arith.addi %mul3A_25, %add3A_26 : i32
    "tpu.region"() ({
      %run_scoped3A = tpu.sem_alloc : memref<!tpu.dma_semaphore, #tpu.memory_space<semaphore_mem>>
      %dma_start3A = arith.constant 0 : i32
      %dma_start3A_55 = tpu.memref_slice %arg3[%add3A_27, %dma_start3A] : memref<2560x128xi32, #tpu.memory_space<hbm>> -> memref<40x128xi32, #tpu.memory_space<hbm>>
      %dma_start3A_56 = arith.constant 0 : i32
      %dma_start3A_57 = tpu.memref_slice %arg3[%add3A_27, %dma_start3A_56] : memref<2560x128xi32, #tpu.memory_space<hbm>> -> memref<40x128xi32, #tpu.memory_space<hbm>>
      tpu.enqueue_dma source(%dma_start3A_57 : memref<40x128xi32, #tpu.memory_space<hbm>>) target(%arg7 : memref<40x128xi32, #tpu.memory_space<vmem>>) target_semaphore(%run_scoped3A : memref<!tpu.dma_semaphore, #tpu.memory_space<semaphore_mem>>)
      %dma_wait3A = arith.constant 0 : i32
      %dma_wait3A_58 = tpu.memref_slice %arg3[%add3A_27, %dma_wait3A] : memref<2560x128xi32, #tpu.memory_space<hbm>> -> memref<40x128xi32, #tpu.memory_space<hbm>>
      %dma_wait3A_59 = arith.constant 0 : i32
      %dma_wait3A_60 = tpu.memref_slice %arg3[%add3A_27, %dma_wait3A_59] : memref<2560x128xi32, #tpu.memory_space<hbm>> -> memref<40x128xi32, #tpu.memory_space<hbm>>
      tpu.wait_dma2 semaphore(%run_scoped3A : memref<!tpu.dma_semaphore, #tpu.memory_space<semaphore_mem>>) src(%dma_wait3A_60 : memref<40x128xi32, #tpu.memory_space<hbm>>) dst(%arg7 : memref<40x128xi32, #tpu.memory_space<vmem>>)
      tpu.yield
    }) : () -> ()
    %scan3A_28 = arith.constant 0 : i32
    %scan3A_29 = arith.constant 0 : i32
    %scan3A_30 = arith.constant 41 : i32
    %scan3A_31 = arith.addi %scan3A_29, %scan3A_30 : i32
    %scan3A_32 = arith.constant 1 : i32
    scf.for %scan3A_55 = %scan3A_29 to %scan3A_31 step %scan3A_32  : i32 {
      %lt3A = arith.constant 40 : i32
      %lt3A_56 = arith.cmpi slt, %scan3A_55, %lt3A : i32
      %jit3A = arith.constant 2 : i32
      %eq3A = arith.constant 0 : i32
      %eq3A_57 = arith.cmpi eq, %jit3A, %eq3A : i32
      %jit3A_58 = arith.constant 1 : i32
      %select_n3A = arith.select %eq3A_57, %jit3A_58, %jit3A : i32
      %rem3A = arith.remsi %scan3A_55, %select_n3A : i32
      %ne3A = arith.constant 0 : i32
      %ne3A_59 = arith.cmpi ne, %rem3A, %ne3A : i32
      %lt3A_60 = arith.constant 0 : i32
      %lt3A_61 = arith.cmpi slt, %rem3A, %lt3A_60 : i32
      %lt3A_62 = arith.constant 0 : i32
      %lt3A_63 = arith.cmpi slt, %select_n3A, %lt3A_62 : i32
      %ne3A_64 = arith.xori %lt3A_61, %lt3A_63 : i1
      %and3A = arith.andi %ne3A_64, %ne3A_59 : i1
      %add3A_65 = arith.addi %rem3A, %select_n3A : i32
      %select_n3A_66 = arith.select %and3A, %add3A_65, %rem3A : i32
      %eq3A_67 = arith.constant 0 : i32
      %eq3A_68 = arith.cmpi eq, %select_n3A_66, %eq3A_67 : i32
      %and3A_69 = arith.andi %lt3A_56, %eq3A_68 : i1
      %convert_element_type3A = arith.extui %and3A_69 : i1 to i32
      %cond3A = arith.constant 0 : i32
      %cond3A_70 = arith.cmpi ne, %convert_element_type3A, %cond3A : i32
      scf.if %cond3A_70 {
        %dma_start3A = arith.constant 0 : i32
        %dma_start3A_142 = tpu.memref_slice %arg7[%scan3A_55, %dma_start3A] : memref<40x128xi32, #tpu.memory_space<vmem>> -> memref<1x128xi32, #tpu.memory_space<vmem>>
        %dma_start3A_143 = tpu.memref_squeeze %dma_start3A_142 : memref<1x128xi32, #tpu.memory_space<vmem>> -> memref<128xi32, #tpu.memory_space<vmem>>
        %dma_start3A_144 = arith.constant 0 : i32
        %dma_start3A_145 = arith.constant 0 : i32
        %dma_start3A_146 = tpu.memref_slice %arg2[%dma_start3A_144, %dma_start3A_145] : memref<10000x128xf32, #tpu.memory_space<hbm>> -> memref<10000x128xf32, #tpu.memory_space<hbm>>
        tpu.enqueue_indirect_dma source(%dma_start3A_146 : memref<10000x128xf32, #tpu.memory_space<hbm>>) target(%arg9 : memref<128x128xf32, #tpu.memory_space<vmem>>) offsets(%dma_start3A_143 : memref<128xi32, #tpu.memory_space<vmem>>) semaphore(%arg12 : memref<!tpu.dma_semaphore, #tpu.memory_space<semaphore_mem>>)
      } else {
      }
      %lt3A_71 = arith.constant 40 : i32
      %lt3A_72 = arith.cmpi slt, %scan3A_55, %lt3A_71 : i32
      %jit3A_73 = arith.constant 2 : i32
      %eq3A_74 = arith.constant 0 : i32
      %eq3A_75 = arith.cmpi eq, %jit3A_73, %eq3A_74 : i32
      %jit3A_76 = arith.constant 1 : i32
      %select_n3A_77 = arith.select %eq3A_75, %jit3A_76, %jit3A_73 : i32
      %rem3A_78 = arith.remsi %scan3A_55, %select_n3A_77 : i32
      %ne3A_79 = arith.constant 0 : i32
      %ne3A_80 = arith.cmpi ne, %rem3A_78, %ne3A_79 : i32
      %lt3A_81 = arith.constant 0 : i32
      %lt3A_82 = arith.cmpi slt, %rem3A_78, %lt3A_81 : i32
      %lt3A_83 = arith.constant 0 : i32
      %lt3A_84 = arith.cmpi slt, %select_n3A_77, %lt3A_83 : i32
      %ne3A_85 = arith.xori %lt3A_82, %lt3A_84 : i1
      %and3A_86 = arith.andi %ne3A_85, %ne3A_80 : i1
      %add3A_87 = arith.addi %rem3A_78, %select_n3A_77 : i32
      %select_n3A_88 = arith.select %and3A_86, %add3A_87, %rem3A_78 : i32
      %eq3A_89 = arith.constant 1 : i32
      %eq3A_90 = arith.cmpi eq, %select_n3A_88, %eq3A_89 : i32
      %and3A_91 = arith.andi %lt3A_72, %eq3A_90 : i1
      %convert_element_type3A_92 = arith.extui %and3A_91 : i1 to i32
      %cond3A_93 = arith.constant 0 : i32
      %cond3A_94 = arith.cmpi ne, %convert_element_type3A_92, %cond3A_93 : i32
      scf.if %cond3A_94 {
        %dma_start3A = arith.constant 0 : i32
        %dma_start3A_142 = tpu.memref_slice %arg7[%scan3A_55, %dma_start3A] : memref<40x128xi32, #tpu.memory_space<vmem>> -> memref<1x128xi32, #tpu.memory_space<vmem>>
        %dma_start3A_143 = tpu.memref_squeeze %dma_start3A_142 : memref<1x128xi32, #tpu.memory_space<vmem>> -> memref<128xi32, #tpu.memory_space<vmem>>
        %dma_start3A_144 = arith.constant 0 : i32
        %dma_start3A_145 = arith.constant 0 : i32
        %dma_start3A_146 = tpu.memref_slice %arg2[%dma_start3A_144, %dma_start3A_145] : memref<10000x128xf32, #tpu.memory_space<hbm>> -> memref<10000x128xf32, #tpu.memory_space<hbm>>
        tpu.enqueue_indirect_dma source(%dma_start3A_146 : memref<10000x128xf32, #tpu.memory_space<hbm>>) target(%arg10 : memref<128x128xf32, #tpu.memory_space<vmem>>) offsets(%dma_start3A_143 : memref<128xi32, #tpu.memory_space<vmem>>) semaphore(%arg13 : memref<!tpu.dma_semaphore, #tpu.memory_space<semaphore_mem>>)
      } else {
      }
      %ge3A = arith.constant 1 : i32
      %ge3A_95 = arith.cmpi sge, %scan3A_55, %ge3A : i32
      %jit3A_96 = arith.constant 2 : i32
      %eq3A_97 = arith.constant 0 : i32
      %eq3A_98 = arith.cmpi eq, %jit3A_96, %eq3A_97 : i32
      %jit3A_99 = arith.constant 1 : i32
      %select_n3A_100 = arith.select %eq3A_98, %jit3A_99, %jit3A_96 : i32
      %rem3A_101 = arith.remsi %scan3A_55, %select_n3A_100 : i32
      %ne3A_102 = arith.constant 0 : i32
      %ne3A_103 = arith.cmpi ne, %rem3A_101, %ne3A_102 : i32
      %lt3A_104 = arith.constant 0 : i32
      %lt3A_105 = arith.cmpi slt, %rem3A_101, %lt3A_104 : i32
      %lt3A_106 = arith.constant 0 : i32
      %lt3A_107 = arith.cmpi slt, %select_n3A_100, %lt3A_106 : i32
      %ne3A_108 = arith.xori %lt3A_105, %lt3A_107 : i1
      %and3A_109 = arith.andi %ne3A_108, %ne3A_103 : i1
      %add3A_110 = arith.addi %rem3A_101, %select_n3A_100 : i32
      %select_n3A_111 = arith.select %and3A_109, %add3A_110, %rem3A_101 : i32
      %eq3A_112 = arith.constant 1 : i32
      %eq3A_113 = arith.cmpi eq, %select_n3A_111, %eq3A_112 : i32
      %and3A_114 = arith.andi %ge3A_95, %eq3A_113 : i1
      %convert_element_type3A_115 = arith.extui %and3A_114 : i1 to i32
      %cond3A_116 = arith.constant 0 : i32
      %cond3A_117 = arith.cmpi ne, %convert_element_type3A_115, %cond3A_116 : i32
      scf.if %cond3A_117 {
        %sub3A = arith.constant 1 : i32
        %sub3A_142 = arith.subi %scan3A_55, %sub3A : i32
        %dma_wait3A = arith.constant 0 : i32
        %dma_wait3A_143 = tpu.memref_slice %arg7[%sub3A_142, %dma_wait3A] : memref<40x128xi32, #tpu.memory_space<vmem>> -> memref<1x128xi32, #tpu.memory_space<vmem>>
        %dma_wait3A_144 = tpu.memref_squeeze %dma_wait3A_143 : memref<1x128xi32, #tpu.memory_space<vmem>> -> memref<128xi32, #tpu.memory_space<vmem>>
        %dma_wait3A_145 = arith.constant 0 : i32
        %dma_wait3A_146 = arith.constant 0 : i32
        %dma_wait3A_147 = tpu.memref_slice %arg2[%dma_wait3A_145, %dma_wait3A_146] : memref<10000x128xf32, #tpu.memory_space<hbm>> -> memref<10000x128xf32, #tpu.memory_space<hbm>>
        tpu.wait_indirect_dma semaphore(%arg12 : memref<!tpu.dma_semaphore, #tpu.memory_space<semaphore_mem>>) src(%dma_wait3A_147 : memref<10000x128xf32, #tpu.memory_space<hbm>>) dst(%arg9 : memref<128x128xf32, #tpu.memory_space<vmem>>)
        %add3A_148 = arith.constant 40 : i32
        %add3A_149 = arith.addi %add3A_148, %scan3A_55 : i32
        %sub3A_150 = arith.constant 1 : i32
        %sub3A_151 = arith.subi %add3A_149, %sub3A_150 : i32
        "tpu.region"() ({
          %run_scoped3A = tpu.sem_alloc : memref<!tpu.dma_semaphore, #tpu.memory_space<semaphore_mem>>
          %dma_start3A = arith.constant 0 : i32
          %dma_start3A_152 = tpu.memref_slice %arg8[%sub3A_151, %dma_start3A] : memref<80x128xi32, #tpu.memory_space<vmem>> -> memref<1x128xi32, #tpu.memory_space<vmem>>
          %dma_start3A_153 = tpu.memref_squeeze %dma_start3A_152 : memref<1x128xi32, #tpu.memory_space<vmem>> -> memref<128xi32, #tpu.memory_space<vmem>>
          %dma_start3A_154 = arith.constant 0 : i32
          %dma_start3A_155 = arith.constant 0 : i32
          %dma_start3A_156 = tpu.memref_slice %arg11[%dma_start3A_154, %dma_start3A_155] : memref<10112x128xf32, #tpu.memory_space<vmem_shared>> -> memref<10112x128xf32, #tpu.memory_space<vmem_shared>>
          tpu.enqueue_indirect_dma source(%arg9 : memref<128x128xf32, #tpu.memory_space<vmem>>) target(%dma_start3A_156 : memref<10112x128xf32, #tpu.memory_space<vmem_shared>>) offsets(%dma_start3A_153 : memref<128xi32, #tpu.memory_space<vmem>>) semaphore(%run_scoped3A : memref<!tpu.dma_semaphore, #tpu.memory_space<semaphore_mem>>) {add = true}
          %dma_wait3A_157 = arith.constant 0 : i32
          %dma_wait3A_158 = tpu.memref_slice %arg8[%sub3A_151, %dma_wait3A_157] : memref<80x128xi32, #tpu.memory_space<vmem>> -> memref<1x128xi32, #tpu.memory_space<vmem>>
          %dma_wait3A_159 = tpu.memref_squeeze %dma_wait3A_158 : memref<1x128xi32, #tpu.memory_space<vmem>> -> memref<128xi32, #tpu.memory_space<vmem>>
          %dma_wait3A_160 = arith.constant 0 : i32
          %dma_wait3A_161 = arith.constant 0 : i32
          %dma_wait3A_162 = tpu.memref_slice %arg11[%dma_wait3A_160, %dma_wait3A_161] : memref<10112x128xf32, #tpu.memory_space<vmem_shared>> -> memref<10112x128xf32, #tpu.memory_space<vmem_shared>>
          tpu.wait_indirect_dma semaphore(%run_scoped3A : memref<!tpu.dma_semaphore, #tpu.memory_space<semaphore_mem>>) src(%arg9 : memref<128x128xf32, #tpu.memory_space<vmem>>) dst(%dma_wait3A_162 : memref<10112x128xf32, #tpu.memory_space<vmem_shared>>)
          tpu.yield
        }) : () -> ()
      } else {
      }
      %ge3A_118 = arith.constant 1 : i32
      %ge3A_119 = arith.cmpi sge, %scan3A_55, %ge3A_118 : i32
      %jit3A_120 = arith.constant 2 : i32
      %eq3A_121 = arith.constant 0 : i32
      %eq3A_122 = arith.cmpi eq, %jit3A_120, %eq3A_121 : i32
      %jit3A_123 = arith.constant 1 : i32
      %select_n3A_124 = arith.select %eq3A_122, %jit3A_123, %jit3A_120 : i32
      %rem3A_125 = arith.remsi %scan3A_55, %select_n3A_124 : i32
      %ne3A_126 = arith.constant 0 : i32
      %ne3A_127 = arith.cmpi ne, %rem3A_125, %ne3A_126 : i32
      %lt3A_128 = arith.constant 0 : i32
      %lt3A_129 = arith.cmpi slt, %rem3A_125, %lt3A_128 : i32
      %lt3A_130 = arith.constant 0 : i32
      %lt3A_131 = arith.cmpi slt, %select_n3A_124, %lt3A_130 : i32
      %ne3A_132 = arith.xori %lt3A_129, %lt3A_131 : i1
      %and3A_133 = arith.andi %ne3A_132, %ne3A_127 : i1
      %add3A_134 = arith.addi %rem3A_125, %select_n3A_124 : i32
      %select_n3A_135 = arith.select %and3A_133, %add3A_134, %rem3A_125 : i32
      %eq3A_136 = arith.constant 0 : i32
      %eq3A_137 = arith.cmpi eq, %select_n3A_135, %eq3A_136 : i32
      %and3A_138 = arith.andi %ge3A_119, %eq3A_137 : i1
      %convert_element_type3A_139 = arith.extui %and3A_138 : i1 to i32
      %cond3A_140 = arith.constant 0 : i32
      %cond3A_141 = arith.cmpi ne, %convert_element_type3A_139, %cond3A_140 : i32
      scf.if %cond3A_141 {
        %sub3A = arith.constant 1 : i32
        %sub3A_142 = arith.subi %scan3A_55, %sub3A : i32
        %dma_wait3A = arith.constant 0 : i32
        %dma_wait3A_143 = tpu.memref_slice %arg7[%sub3A_142, %dma_wait3A] : memref<40x128xi32, #tpu.memory_space<vmem>> -> memref<1x128xi32, #tpu.memory_space<vmem>>
        %dma_wait3A_144 = tpu.memref_squeeze %dma_wait3A_143 : memref<1x128xi32, #tpu.memory_space<vmem>> -> memref<128xi32, #tpu.memory_space<vmem>>
        %dma_wait3A_145 = arith.constant 0 : i32
        %dma_wait3A_146 = arith.constant 0 : i32
        %dma_wait3A_147 = tpu.memref_slice %arg2[%dma_wait3A_145, %dma_wait3A_146] : memref<10000x128xf32, #tpu.memory_space<hbm>> -> memref<10000x128xf32, #tpu.memory_space<hbm>>
        tpu.wait_indirect_dma semaphore(%arg13 : memref<!tpu.dma_semaphore, #tpu.memory_space<semaphore_mem>>) src(%dma_wait3A_147 : memref<10000x128xf32, #tpu.memory_space<hbm>>) dst(%arg10 : memref<128x128xf32, #tpu.memory_space<vmem>>)
        %add3A_148 = arith.constant 40 : i32
        %add3A_149 = arith.addi %add3A_148, %scan3A_55 : i32
        %sub3A_150 = arith.constant 1 : i32
        %sub3A_151 = arith.subi %add3A_149, %sub3A_150 : i32
        "tpu.region"() ({
          %run_scoped3A = tpu.sem_alloc : memref<!tpu.dma_semaphore, #tpu.memory_space<semaphore_mem>>
          %dma_start3A = arith.constant 0 : i32
          %dma_start3A_152 = tpu.memref_slice %arg8[%sub3A_151, %dma_start3A] : memref<80x128xi32, #tpu.memory_space<vmem>> -> memref<1x128xi32, #tpu.memory_space<vmem>>
          %dma_start3A_153 = tpu.memref_squeeze %dma_start3A_152 : memref<1x128xi32, #tpu.memory_space<vmem>> -> memref<128xi32, #tpu.memory_space<vmem>>
          %dma_start3A_154 = arith.constant 0 : i32
          %dma_start3A_155 = arith.constant 0 : i32
          %dma_start3A_156 = tpu.memref_slice %arg11[%dma_start3A_154, %dma_start3A_155] : memref<10112x128xf32, #tpu.memory_space<vmem_shared>> -> memref<10112x128xf32, #tpu.memory_space<vmem_shared>>
          tpu.enqueue_indirect_dma source(%arg10 : memref<128x128xf32, #tpu.memory_space<vmem>>) target(%dma_start3A_156 : memref<10112x128xf32, #tpu.memory_space<vmem_shared>>) offsets(%dma_start3A_153 : memref<128xi32, #tpu.memory_space<vmem>>) semaphore(%run_scoped3A : memref<!tpu.dma_semaphore, #tpu.memory_space<semaphore_mem>>) {add = true}
          %dma_wait3A_157 = arith.constant 0 : i32
          %dma_wait3A_158 = tpu.memref_slice %arg8[%sub3A_151, %dma_wait3A_157] : memref<80x128xi32, #tpu.memory_space<vmem>> -> memref<1x128xi32, #tpu.memory_space<vmem>>
          %dma_wait3A_159 = tpu.memref_squeeze %dma_wait3A_158 : memref<1x128xi32, #tpu.memory_space<vmem>> -> memref<128xi32, #tpu.memory_space<vmem>>
          %dma_wait3A_160 = arith.constant 0 : i32
          %dma_wait3A_161 = arith.constant 0 : i32
          %dma_wait3A_162 = tpu.memref_slice %arg11[%dma_wait3A_160, %dma_wait3A_161] : memref<10112x128xf32, #tpu.memory_space<vmem_shared>> -> memref<10112x128xf32, #tpu.memory_space<vmem_shared>>
          tpu.wait_indirect_dma semaphore(%run_scoped3A : memref<!tpu.dma_semaphore, #tpu.memory_space<semaphore_mem>>) src(%arg10 : memref<128x128xf32, #tpu.memory_space<vmem>>) dst(%dma_wait3A_162 : memref<10112x128xf32, #tpu.memory_space<vmem_shared>>)
          tpu.yield
        }) : () -> ()
      } else {
      }
    }
    %scan3A_33 = arith.constant 41 : i32
    %barrier3A_34 = arith.constant 0 : index
    tpu.barrier barrier_id(%barrier3A_34)
    %add3A_35 = arith.constant 0 : i32
    %add3A_36 = arith.addi %mul3A_4, %add3A_35 : i32
    "tpu.region"() ({
      %run_scoped3A = tpu.sem_alloc : memref<!tpu.dma_semaphore, #tpu.memory_space<semaphore_mem>>
      %dma_start3A = arith.constant 0 : i32
      %dma_start3A_55 = arith.constant 0 : i32
      %dma_start3A_56 = tpu.memref_slice %arg9[%dma_start3A, %dma_start3A_55] : memref<128x128xf32, #tpu.memory_space<vmem>> -> memref<128x128xf32, #tpu.memory_space<vmem>>
      %dma_start3A_57 = arith.constant 0 : i32
      %dma_start3A_58 = tpu.memref_slice %arg11[%add3A_36, %dma_start3A_57] : memref<10112x128xf32, #tpu.memory_space<vmem_shared>> -> memref<128x128xf32, #tpu.memory_space<vmem_shared>>
      %dma_start3A_59 = arith.constant 0 : i32
      %dma_start3A_60 = arith.constant 0 : i32
      %dma_start3A_61 = tpu.memref_slice %arg9[%dma_start3A_59, %dma_start3A_60] : memref<128x128xf32, #tpu.memory_space<vmem>> -> memref<128x128xf32, #tpu.memory_space<vmem>>
      %dma_start3A_62 = arith.constant 0 : i32
      %dma_start3A_63 = tpu.memref_slice %arg11[%add3A_36, %dma_start3A_62] : memref<10112x128xf32, #tpu.memory_space<vmem_shared>> -> memref<128x128xf32, #tpu.memory_space<vmem_shared>>
      tpu.enqueue_dma source(%dma_start3A_63 : memref<128x128xf32, #tpu.memory_space<vmem_shared>>) target(%dma_start3A_61 : memref<128x128xf32, #tpu.memory_space<vmem>>) target_semaphore(%run_scoped3A : memref<!tpu.dma_semaphore, #tpu.memory_space<semaphore_mem>>)
      %dma_wait3A = arith.constant 0 : i32
      %dma_wait3A_64 = arith.constant 0 : i32
      %dma_wait3A_65 = tpu.memref_slice %arg9[%dma_wait3A, %dma_wait3A_64] : memref<128x128xf32, #tpu.memory_space<vmem>> -> memref<128x128xf32, #tpu.memory_space<vmem>>
      %dma_wait3A_66 = arith.constant 0 : i32
      %dma_wait3A_67 = tpu.memref_slice %arg11[%add3A_36, %dma_wait3A_66] : memref<10112x128xf32, #tpu.memory_space<vmem_shared>> -> memref<128x128xf32, #tpu.memory_space<vmem_shared>>
      %dma_wait3A_68 = arith.constant 0 : i32
      %dma_wait3A_69 = arith.constant 0 : i32
      %dma_wait3A_70 = tpu.memref_slice %arg9[%dma_wait3A_68, %dma_wait3A_69] : memref<128x128xf32, #tpu.memory_space<vmem>> -> memref<128x128xf32, #tpu.memory_space<vmem>>
      %dma_wait3A_71 = arith.constant 0 : i32
      %dma_wait3A_72 = tpu.memref_slice %arg11[%add3A_36, %dma_wait3A_71] : memref<10112x128xf32, #tpu.memory_space<vmem_shared>> -> memref<128x128xf32, #tpu.memory_space<vmem_shared>>
      tpu.wait_dma2 semaphore(%run_scoped3A : memref<!tpu.dma_semaphore, #tpu.memory_space<semaphore_mem>>) src(%dma_wait3A_72 : memref<128x128xf32, #tpu.memory_space<vmem_shared>>) dst(%dma_wait3A_70 : memref<128x128xf32, #tpu.memory_space<vmem>>)
      tpu.yield
    }) : () -> ()
    %add3A_37 = arith.constant 0 : i32
    %add3A_38 = arith.addi %mul3A_4, %add3A_37 : i32
    "tpu.region"() ({
      %run_scoped3A = tpu.sem_alloc : memref<!tpu.dma_semaphore, #tpu.memory_space<semaphore_mem>>
      %dma_start3A = arith.constant 0 : i32
      %dma_start3A_55 = arith.constant 0 : i32
      %dma_start3A_56 = tpu.memref_slice %arg9[%dma_start3A, %dma_start3A_55] : memref<128x128xf32, #tpu.memory_space<vmem>> -> memref<128x128xf32, #tpu.memory_space<vmem>>
      %dma_start3A_57 = arith.constant 0 : i32
      %dma_start3A_58 = tpu.memref_slice %arg6[%arg0, %add3A_38, %dma_start3A_57] : memref<2x10112x128xf32, #tpu.memory_space<hbm>> -> memref<1x128x128xf32, #tpu.memory_space<hbm>>
      %dma_start3A_59 = tpu.memref_squeeze %dma_start3A_58 : memref<1x128x128xf32, #tpu.memory_space<hbm>> -> memref<128x128xf32, #tpu.memory_space<hbm>>
      %dma_start3A_60 = arith.constant 0 : i32
      %dma_start3A_61 = tpu.memref_slice %arg6[%arg0, %add3A_38, %dma_start3A_60] : memref<2x10112x128xf32, #tpu.memory_space<hbm>> -> memref<1x128x128xf32, #tpu.memory_space<hbm>>
      %dma_start3A_62 = tpu.memref_squeeze %dma_start3A_61 : memref<1x128x128xf32, #tpu.memory_space<hbm>> -> memref<128x128xf32, #tpu.memory_space<hbm>>
      %dma_start3A_63 = arith.constant 0 : i32
      %dma_start3A_64 = arith.constant 0 : i32
      %dma_start3A_65 = tpu.memref_slice %arg9[%dma_start3A_63, %dma_start3A_64] : memref<128x128xf32, #tpu.memory_space<vmem>> -> memref<128x128xf32, #tpu.memory_space<vmem>>
      tpu.enqueue_dma source(%dma_start3A_65 : memref<128x128xf32, #tpu.memory_space<vmem>>) target(%dma_start3A_62 : memref<128x128xf32, #tpu.memory_space<hbm>>) target_semaphore(%run_scoped3A : memref<!tpu.dma_semaphore, #tpu.memory_space<semaphore_mem>>)
      %dma_wait3A = arith.constant 0 : i32
      %dma_wait3A_66 = arith.constant 0 : i32
      %dma_wait3A_67 = tpu.memref_slice %arg9[%dma_wait3A, %dma_wait3A_66] : memref<128x128xf32, #tpu.memory_space<vmem>> -> memref<128x128xf32, #tpu.memory_space<vmem>>
      %dma_wait3A_68 = arith.constant 0 : i32
      %dma_wait3A_69 = tpu.memref_slice %arg6[%arg0, %add3A_38, %dma_wait3A_68] : memref<2x10112x128xf32, #tpu.memory_space<hbm>> -> memref<1x128x128xf32, #tpu.memory_space<hbm>>
      %dma_wait3A_70 = tpu.memref_squeeze %dma_wait3A_69 : memref<1x128x128xf32, #tpu.memory_space<hbm>> -> memref<128x128xf32, #tpu.memory_space<hbm>>
      %dma_wait3A_71 = arith.constant 0 : i32
      %dma_wait3A_72 = tpu.memref_slice %arg6[%arg0, %add3A_38, %dma_wait3A_71] : memref<2x10112x128xf32, #tpu.memory_space<hbm>> -> memref<1x128x128xf32, #tpu.memory_space<hbm>>
      %dma_wait3A_73 = tpu.memref_squeeze %dma_wait3A_72 : memref<1x128x128xf32, #tpu.memory_space<hbm>> -> memref<128x128xf32, #tpu.memory_space<hbm>>
      %dma_wait3A_74 = arith.constant 0 : i32
      %dma_wait3A_75 = arith.constant 0 : i32
      %dma_wait3A_76 = tpu.memref_slice %arg9[%dma_wait3A_74, %dma_wait3A_75] : memref<128x128xf32, #tpu.memory_space<vmem>> -> memref<128x128xf32, #tpu.memory_space<vmem>>
      tpu.wait_dma2 semaphore(%run_scoped3A : memref<!tpu.dma_semaphore, #tpu.memory_space<semaphore_mem>>) src(%dma_wait3A_76 : memref<128x128xf32, #tpu.memory_space<vmem>>) dst(%dma_wait3A_73 : memref<128x128xf32, #tpu.memory_space<hbm>>)
      tpu.yield
    }) : () -> ()
    %add3A_39 = arith.constant 128 : i32
    %add3A_40 = arith.addi %mul3A_4, %add3A_39 : i32
    "tpu.region"() ({
      %run_scoped3A = tpu.sem_alloc : memref<!tpu.dma_semaphore, #tpu.memory_space<semaphore_mem>>
      %dma_start3A = arith.constant 0 : i32
      %dma_start3A_55 = arith.constant 0 : i32
      %dma_start3A_56 = tpu.memref_slice %arg9[%dma_start3A, %dma_start3A_55] : memref<128x128xf32, #tpu.memory_space<vmem>> -> memref<128x128xf32, #tpu.memory_space<vmem>>
      %dma_start3A_57 = arith.constant 0 : i32
      %dma_start3A_58 = tpu.memref_slice %arg11[%add3A_40, %dma_start3A_57] : memref<10112x128xf32, #tpu.memory_space<vmem_shared>> -> memref<128x128xf32, #tpu.memory_space<vmem_shared>>
      %dma_start3A_59 = arith.constant 0 : i32
      %dma_start3A_60 = arith.constant 0 : i32
      %dma_start3A_61 = tpu.memref_slice %arg9[%dma_start3A_59, %dma_start3A_60] : memref<128x128xf32, #tpu.memory_space<vmem>> -> memref<128x128xf32, #tpu.memory_space<vmem>>
      %dma_start3A_62 = arith.constant 0 : i32
      %dma_start3A_63 = tpu.memref_slice %arg11[%add3A_40, %dma_start3A_62] : memref<10112x128xf32, #tpu.memory_space<vmem_shared>> -> memref<128x128xf32, #tpu.memory_space<vmem_shared>>
      tpu.enqueue_dma source(%dma_start3A_63 : memref<128x128xf32, #tpu.memory_space<vmem_shared>>) target(%dma_start3A_61 : memref<128x128xf32, #tpu.memory_space<vmem>>) target_semaphore(%run_scoped3A : memref<!tpu.dma_semaphore, #tpu.memory_space<semaphore_mem>>)
      %dma_wait3A = arith.constant 0 : i32
      %dma_wait3A_64 = arith.constant 0 : i32
      %dma_wait3A_65 = tpu.memref_slice %arg9[%dma_wait3A, %dma_wait3A_64] : memref<128x128xf32, #tpu.memory_space<vmem>> -> memref<128x128xf32, #tpu.memory_space<vmem>>
      %dma_wait3A_66 = arith.constant 0 : i32
      %dma_wait3A_67 = tpu.memref_slice %arg11[%add3A_40, %dma_wait3A_66] : memref<10112x128xf32, #tpu.memory_space<vmem_shared>> -> memref<128x128xf32, #tpu.memory_space<vmem_shared>>
      %dma_wait3A_68 = arith.constant 0 : i32
      %dma_wait3A_69 = arith.constant 0 : i32
      %dma_wait3A_70 = tpu.memref_slice %arg9[%dma_wait3A_68, %dma_wait3A_69] : memref<128x128xf32, #tpu.memory_space<vmem>> -> memref<128x128xf32, #tpu.memory_space<vmem>>
      %dma_wait3A_71 = arith.constant 0 : i32
      %dma_wait3A_72 = tpu.memref_slice %arg11[%add3A_40, %dma_wait3A_71] : memref<10112x128xf32, #tpu.memory_space<vmem_shared>> -> memref<128x128xf32, #tpu.memory_space<vmem_shared>>
      tpu.wait_dma2 semaphore(%run_scoped3A : memref<!tpu.dma_semaphore, #tpu.memory_space<semaphore_mem>>) src(%dma_wait3A_72 : memref<128x128xf32, #tpu.memory_space<vmem_shared>>) dst(%dma_wait3A_70 : memref<128x128xf32, #tpu.memory_space<vmem>>)
      tpu.yield
    }) : () -> ()
    %add3A_41 = arith.constant 128 : i32
    %add3A_42 = arith.addi %mul3A_4, %add3A_41 : i32
    "tpu.region"() ({
      %run_scoped3A = tpu.sem_alloc : memref<!tpu.dma_semaphore, #tpu.memory_space<semaphore_mem>>
      %dma_start3A = arith.constant 0 : i32
      %dma_start3A_55 = arith.constant 0 : i32
      %dma_start3A_56 = tpu.memref_slice %arg9[%dma_start3A, %dma_start3A_55] : memref<128x128xf32, #tpu.memory_space<vmem>> -> memref<128x128xf32, #tpu.memory_space<vmem>>
      %dma_start3A_57 = arith.constant 0 : i32
      %dma_start3A_58 = tpu.memref_slice %arg6[%arg0, %add3A_42, %dma_start3A_57] : memref<2x10112x128xf32, #tpu.memory_space<hbm>> -> memref<1x128x128xf32, #tpu.memory_space<hbm>>
      %dma_start3A_59 = tpu.memref_squeeze %dma_start3A_58 : memref<1x128x128xf32, #tpu.memory_space<hbm>> -> memref<128x128xf32, #tpu.memory_space<hbm>>
      %dma_start3A_60 = arith.constant 0 : i32
      %dma_start3A_61 = tpu.memref_slice %arg6[%arg0, %add3A_42, %dma_start3A_60] : memref<2x10112x128xf32, #tpu.memory_space<hbm>> -> memref<1x128x128xf32, #tpu.memory_space<hbm>>
      %dma_start3A_62 = tpu.memref_squeeze %dma_start3A_61 : memref<1x128x128xf32, #tpu.memory_space<hbm>> -> memref<128x128xf32, #tpu.memory_space<hbm>>
      %dma_start3A_63 = arith.constant 0 : i32
      %dma_start3A_64 = arith.constant 0 : i32
      %dma_start3A_65 = tpu.memref_slice %arg9[%dma_start3A_63, %dma_start3A_64] : memref<128x128xf32, #tpu.memory_space<vmem>> -> memref<128x128xf32, #tpu.memory_space<vmem>>
      tpu.enqueue_dma source(%dma_start3A_65 : memref<128x128xf32, #tpu.memory_space<vmem>>) target(%dma_start3A_62 : memref<128x128xf32, #tpu.memory_space<hbm>>) target_semaphore(%run_scoped3A : memref<!tpu.dma_semaphore, #tpu.memory_space<semaphore_mem>>)
      %dma_wait3A = arith.constant 0 : i32
      %dma_wait3A_66 = arith.constant 0 : i32
      %dma_wait3A_67 = tpu.memref_slice %arg9[%dma_wait3A, %dma_wait3A_66] : memref<128x128xf32, #tpu.memory_space<vmem>> -> memref<128x128xf32, #tpu.memory_space<vmem>>
      %dma_wait3A_68 = arith.constant 0 : i32
      %dma_wait3A_69 = tpu.memref_slice %arg6[%arg0, %add3A_42, %dma_wait3A_68] : memref<2x10112x128xf32, #tpu.memory_space<hbm>> -> memref<1x128x128xf32, #tpu.memory_space<hbm>>
      %dma_wait3A_70 = tpu.memref_squeeze %dma_wait3A_69 : memref<1x128x128xf32, #tpu.memory_space<hbm>> -> memref<128x128xf32, #tpu.memory_space<hbm>>
      %dma_wait3A_71 = arith.constant 0 : i32
      %dma_wait3A_72 = tpu.memref_slice %arg6[%arg0, %add3A_42, %dma_wait3A_71] : memref<2x10112x128xf32, #tpu.memory_space<hbm>> -> memref<1x128x128xf32, #tpu.memory_space<hbm>>
      %dma_wait3A_73 = tpu.memref_squeeze %dma_wait3A_72 : memref<1x128x128xf32, #tpu.memory_space<hbm>> -> memref<128x128xf32, #tpu.memory_space<hbm>>
      %dma_wait3A_74 = arith.constant 0 : i32
      %dma_wait3A_75 = arith.constant 0 : i32
      %dma_wait3A_76 = tpu.memref_slice %arg9[%dma_wait3A_74, %dma_wait3A_75] : memref<128x128xf32, #tpu.memory_space<vmem>> -> memref<128x128xf32, #tpu.memory_space<vmem>>
      tpu.wait_dma2 semaphore(%run_scoped3A : memref<!tpu.dma_semaphore, #tpu.memory_space<semaphore_mem>>) src(%dma_wait3A_76 : memref<128x128xf32, #tpu.memory_space<vmem>>) dst(%dma_wait3A_73 : memref<128x128xf32, #tpu.memory_space<hbm>>)
      tpu.yield
    }) : () -> ()
    %add3A_43 = arith.constant 256 : i32
    %add3A_44 = arith.addi %mul3A_4, %add3A_43 : i32
    "tpu.region"() ({
      %run_scoped3A = tpu.sem_alloc : memref<!tpu.dma_semaphore, #tpu.memory_space<semaphore_mem>>
      %dma_start3A = arith.constant 0 : i32
      %dma_start3A_55 = arith.constant 0 : i32
      %dma_start3A_56 = tpu.memref_slice %arg9[%dma_start3A, %dma_start3A_55] : memref<128x128xf32, #tpu.memory_space<vmem>> -> memref<128x128xf32, #tpu.memory_space<vmem>>
      %dma_start3A_57 = arith.constant 0 : i32
      %dma_start3A_58 = tpu.memref_slice %arg11[%add3A_44, %dma_start3A_57] : memref<10112x128xf32, #tpu.memory_space<vmem_shared>> -> memref<128x128xf32, #tpu.memory_space<vmem_shared>>
      %dma_start3A_59 = arith.constant 0 : i32
      %dma_start3A_60 = arith.constant 0 : i32
      %dma_start3A_61 = tpu.memref_slice %arg9[%dma_start3A_59, %dma_start3A_60] : memref<128x128xf32, #tpu.memory_space<vmem>> -> memref<128x128xf32, #tpu.memory_space<vmem>>
      %dma_start3A_62 = arith.constant 0 : i32
      %dma_start3A_63 = tpu.memref_slice %arg11[%add3A_44, %dma_start3A_62] : memref<10112x128xf32, #tpu.memory_space<vmem_shared>> -> memref<128x128xf32, #tpu.memory_space<vmem_shared>>
      tpu.enqueue_dma source(%dma_start3A_63 : memref<128x128xf32, #tpu.memory_space<vmem_shared>>) target(%dma_start3A_61 : memref<128x128xf32, #tpu.memory_space<vmem>>) target_semaphore(%run_scoped3A : memref<!tpu.dma_semaphore, #tpu.memory_space<semaphore_mem>>)
      %dma_wait3A = arith.constant 0 : i32
      %dma_wait3A_64 = arith.constant 0 : i32
      %dma_wait3A_65 = tpu.memref_slice %arg9[%dma_wait3A, %dma_wait3A_64] : memref<128x128xf32, #tpu.memory_space<vmem>> -> memref<128x128xf32, #tpu.memory_space<vmem>>
      %dma_wait3A_66 = arith.constant 0 : i32
      %dma_wait3A_67 = tpu.memref_slice %arg11[%add3A_44, %dma_wait3A_66] : memref<10112x128xf32, #tpu.memory_space<vmem_shared>> -> memref<128x128xf32, #tpu.memory_space<vmem_shared>>
      %dma_wait3A_68 = arith.constant 0 : i32
      %dma_wait3A_69 = arith.constant 0 : i32
      %dma_wait3A_70 = tpu.memref_slice %arg9[%dma_wait3A_68, %dma_wait3A_69] : memref<128x128xf32, #tpu.memory_space<vmem>> -> memref<128x128xf32, #tpu.memory_space<vmem>>
      %dma_wait3A_71 = arith.constant 0 : i32
      %dma_wait3A_72 = tpu.memref_slice %arg11[%add3A_44, %dma_wait3A_71] : memref<10112x128xf32, #tpu.memory_space<vmem_shared>> -> memref<128x128xf32, #tpu.memory_space<vmem_shared>>
      tpu.wait_dma2 semaphore(%run_scoped3A : memref<!tpu.dma_semaphore, #tpu.memory_space<semaphore_mem>>) src(%dma_wait3A_72 : memref<128x128xf32, #tpu.memory_space<vmem_shared>>) dst(%dma_wait3A_70 : memref<128x128xf32, #tpu.memory_space<vmem>>)
      tpu.yield
    }) : () -> ()
    %add3A_45 = arith.constant 256 : i32
    %add3A_46 = arith.addi %mul3A_4, %add3A_45 : i32
    "tpu.region"() ({
      %run_scoped3A = tpu.sem_alloc : memref<!tpu.dma_semaphore, #tpu.memory_space<semaphore_mem>>
      %dma_start3A = arith.constant 0 : i32
      %dma_start3A_55 = arith.constant 0 : i32
      %dma_start3A_56 = tpu.memref_slice %arg9[%dma_start3A, %dma_start3A_55] : memref<128x128xf32, #tpu.memory_space<vmem>> -> memref<128x128xf32, #tpu.memory_space<vmem>>
      %dma_start3A_57 = arith.constant 0 : i32
      %dma_start3A_58 = tpu.memref_slice %arg6[%arg0, %add3A_46, %dma_start3A_57] : memref<2x10112x128xf32, #tpu.memory_space<hbm>> -> memref<1x128x128xf32, #tpu.memory_space<hbm>>
      %dma_start3A_59 = tpu.memref_squeeze %dma_start3A_58 : memref<1x128x128xf32, #tpu.memory_space<hbm>> -> memref<128x128xf32, #tpu.memory_space<hbm>>
      %dma_start3A_60 = arith.constant 0 : i32
      %dma_start3A_61 = tpu.memref_slice %arg6[%arg0, %add3A_46, %dma_start3A_60] : memref<2x10112x128xf32, #tpu.memory_space<hbm>> -> memref<1x128x128xf32, #tpu.memory_space<hbm>>
      %dma_start3A_62 = tpu.memref_squeeze %dma_start3A_61 : memref<1x128x128xf32, #tpu.memory_space<hbm>> -> memref<128x128xf32, #tpu.memory_space<hbm>>
      %dma_start3A_63 = arith.constant 0 : i32
      %dma_start3A_64 = arith.constant 0 : i32
      %dma_start3A_65 = tpu.memref_slice %arg9[%dma_start3A_63, %dma_start3A_64] : memref<128x128xf32, #tpu.memory_space<vmem>> -> memref<128x128xf32, #tpu.memory_space<vmem>>
      tpu.enqueue_dma source(%dma_start3A_65 : memref<128x128xf32, #tpu.memory_space<vmem>>) target(%dma_start3A_62 : memref<128x128xf32, #tpu.memory_space<hbm>>) target_semaphore(%run_scoped3A : memref<!tpu.dma_semaphore, #tpu.memory_space<semaphore_mem>>)
      %dma_wait3A = arith.constant 0 : i32
      %dma_wait3A_66 = arith.constant 0 : i32
      %dma_wait3A_67 = tpu.memref_slice %arg9[%dma_wait3A, %dma_wait3A_66] : memref<128x128xf32, #tpu.memory_space<vmem>> -> memref<128x128xf32, #tpu.memory_space<vmem>>
      %dma_wait3A_68 = arith.constant 0 : i32
      %dma_wait3A_69 = tpu.memref_slice %arg6[%arg0, %add3A_46, %dma_wait3A_68] : memref<2x10112x128xf32, #tpu.memory_space<hbm>> -> memref<1x128x128xf32, #tpu.memory_space<hbm>>
      %dma_wait3A_70 = tpu.memref_squeeze %dma_wait3A_69 : memref<1x128x128xf32, #tpu.memory_space<hbm>> -> memref<128x128xf32, #tpu.memory_space<hbm>>
      %dma_wait3A_71 = arith.constant 0 : i32
      %dma_wait3A_72 = tpu.memref_slice %arg6[%arg0, %add3A_46, %dma_wait3A_71] : memref<2x10112x128xf32, #tpu.memory_space<hbm>> -> memref<1x128x128xf32, #tpu.memory_space<hbm>>
      %dma_wait3A_73 = tpu.memref_squeeze %dma_wait3A_72 : memref<1x128x128xf32, #tpu.memory_space<hbm>> -> memref<128x128xf32, #tpu.memory_space<hbm>>
      %dma_wait3A_74 = arith.constant 0 : i32
      %dma_wait3A_75 = arith.constant 0 : i32
      %dma_wait3A_76 = tpu.memref_slice %arg9[%dma_wait3A_74, %dma_wait3A_75] : memref<128x128xf32, #tpu.memory_space<vmem>> -> memref<128x128xf32, #tpu.memory_space<vmem>>
      tpu.wait_dma2 semaphore(%run_scoped3A : memref<!tpu.dma_semaphore, #tpu.memory_space<semaphore_mem>>) src(%dma_wait3A_76 : memref<128x128xf32, #tpu.memory_space<vmem>>) dst(%dma_wait3A_73 : memref<128x128xf32, #tpu.memory_space<hbm>>)
      tpu.yield
    }) : () -> ()
    %add3A_47 = arith.constant 384 : i32
    %add3A_48 = arith.addi %mul3A_4, %add3A_47 : i32
    "tpu.region"() ({
      %run_scoped3A = tpu.sem_alloc : memref<!tpu.dma_semaphore, #tpu.memory_space<semaphore_mem>>
      %dma_start3A = arith.constant 0 : i32
      %dma_start3A_55 = arith.constant 0 : i32
      %dma_start3A_56 = tpu.memref_slice %arg9[%dma_start3A, %dma_start3A_55] : memref<128x128xf32, #tpu.memory_space<vmem>> -> memref<128x128xf32, #tpu.memory_space<vmem>>
      %dma_start3A_57 = arith.constant 0 : i32
      %dma_start3A_58 = tpu.memref_slice %arg11[%add3A_48, %dma_start3A_57] : memref<10112x128xf32, #tpu.memory_space<vmem_shared>> -> memref<128x128xf32, #tpu.memory_space<vmem_shared>>
      %dma_start3A_59 = arith.constant 0 : i32
      %dma_start3A_60 = arith.constant 0 : i32
      %dma_start3A_61 = tpu.memref_slice %arg9[%dma_start3A_59, %dma_start3A_60] : memref<128x128xf32, #tpu.memory_space<vmem>> -> memref<128x128xf32, #tpu.memory_space<vmem>>
      %dma_start3A_62 = arith.constant 0 : i32
      %dma_start3A_63 = tpu.memref_slice %arg11[%add3A_48, %dma_start3A_62] : memref<10112x128xf32, #tpu.memory_space<vmem_shared>> -> memref<128x128xf32, #tpu.memory_space<vmem_shared>>
      tpu.enqueue_dma source(%dma_start3A_63 : memref<128x128xf32, #tpu.memory_space<vmem_shared>>) target(%dma_start3A_61 : memref<128x128xf32, #tpu.memory_space<vmem>>) target_semaphore(%run_scoped3A : memref<!tpu.dma_semaphore, #tpu.memory_space<semaphore_mem>>)
      %dma_wait3A = arith.constant 0 : i32
      %dma_wait3A_64 = arith.constant 0 : i32
      %dma_wait3A_65 = tpu.memref_slice %arg9[%dma_wait3A, %dma_wait3A_64] : memref<128x128xf32, #tpu.memory_space<vmem>> -> memref<128x128xf32, #tpu.memory_space<vmem>>
      %dma_wait3A_66 = arith.constant 0 : i32
      %dma_wait3A_67 = tpu.memref_slice %arg11[%add3A_48, %dma_wait3A_66] : memref<10112x128xf32, #tpu.memory_space<vmem_shared>> -> memref<128x128xf32, #tpu.memory_space<vmem_shared>>
      %dma_wait3A_68 = arith.constant 0 : i32
      %dma_wait3A_69 = arith.constant 0 : i32
      %dma_wait3A_70 = tpu.memref_slice %arg9[%dma_wait3A_68, %dma_wait3A_69] : memref<128x128xf32, #tpu.memory_space<vmem>> -> memref<128x128xf32, #tpu.memory_space<vmem>>
      %dma_wait3A_71 = arith.constant 0 : i32
      %dma_wait3A_72 = tpu.memref_slice %arg11[%add3A_48, %dma_wait3A_71] : memref<10112x128xf32, #tpu.memory_space<vmem_shared>> -> memref<128x128xf32, #tpu.memory_space<vmem_shared>>
      tpu.wait_dma2 semaphore(%run_scoped3A : memref<!tpu.dma_semaphore, #tpu.memory_space<semaphore_mem>>) src(%dma_wait3A_72 : memref<128x128xf32, #tpu.memory_space<vmem_shared>>) dst(%dma_wait3A_70 : memref<128x128xf32, #tpu.memory_space<vmem>>)
      tpu.yield
    }) : () -> ()
    %add3A_49 = arith.constant 384 : i32
    %add3A_50 = arith.addi %mul3A_4, %add3A_49 : i32
    "tpu.region"() ({
      %run_scoped3A = tpu.sem_alloc : memref<!tpu.dma_semaphore, #tpu.memory_space<semaphore_mem>>
      %dma_start3A = arith.constant 0 : i32
      %dma_start3A_55 = arith.constant 0 : i32
      %dma_start3A_56 = tpu.memref_slice %arg9[%dma_start3A, %dma_start3A_55] : memref<128x128xf32, #tpu.memory_space<vmem>> -> memref<128x128xf32, #tpu.memory_space<vmem>>
      %dma_start3A_57 = arith.constant 0 : i32
      %dma_start3A_58 = tpu.memref_slice %arg6[%arg0, %add3A_50, %dma_start3A_57] : memref<2x10112x128xf32, #tpu.memory_space<hbm>> -> memref<1x128x128xf32, #tpu.memory_space<hbm>>
      %dma_start3A_59 = tpu.memref_squeeze %dma_start3A_58 : memref<1x128x128xf32, #tpu.memory_space<hbm>> -> memref<128x128xf32, #tpu.memory_space<hbm>>
      %dma_start3A_60 = arith.constant 0 : i32
      %dma_start3A_61 = tpu.memref_slice %arg6[%arg0, %add3A_50, %dma_start3A_60] : memref<2x10112x128xf32, #tpu.memory_space<hbm>> -> memref<1x128x128xf32, #tpu.memory_space<hbm>>
      %dma_start3A_62 = tpu.memref_squeeze %dma_start3A_61 : memref<1x128x128xf32, #tpu.memory_space<hbm>> -> memref<128x128xf32, #tpu.memory_space<hbm>>
      %dma_start3A_63 = arith.constant 0 : i32
      %dma_start3A_64 = arith.constant 0 : i32
      %dma_start3A_65 = tpu.memref_slice %arg9[%dma_start3A_63, %dma_start3A_64] : memref<128x128xf32, #tpu.memory_space<vmem>> -> memref<128x128xf32, #tpu.memory_space<vmem>>
      tpu.enqueue_dma source(%dma_start3A_65 : memref<128x128xf32, #tpu.memory_space<vmem>>) target(%dma_start3A_62 : memref<128x128xf32, #tpu.memory_space<hbm>>) target_semaphore(%run_scoped3A : memref<!tpu.dma_semaphore, #tpu.memory_space<semaphore_mem>>)
      %dma_wait3A = arith.constant 0 : i32
      %dma_wait3A_66 = arith.constant 0 : i32
      %dma_wait3A_67 = tpu.memref_slice %arg9[%dma_wait3A, %dma_wait3A_66] : memref<128x128xf32, #tpu.memory_space<vmem>> -> memref<128x128xf32, #tpu.memory_space<vmem>>
      %dma_wait3A_68 = arith.constant 0 : i32
      %dma_wait3A_69 = tpu.memref_slice %arg6[%arg0, %add3A_50, %dma_wait3A_68] : memref<2x10112x128xf32, #tpu.memory_space<hbm>> -> memref<1x128x128xf32, #tpu.memory_space<hbm>>
      %dma_wait3A_70 = tpu.memref_squeeze %dma_wait3A_69 : memref<1x128x128xf32, #tpu.memory_space<hbm>> -> memref<128x128xf32, #tpu.memory_space<hbm>>
      %dma_wait3A_71 = arith.constant 0 : i32
      %dma_wait3A_72 = tpu.memref_slice %arg6[%arg0, %add3A_50, %dma_wait3A_71] : memref<2x10112x128xf32, #tpu.memory_space<hbm>> -> memref<1x128x128xf32, #tpu.memory_space<hbm>>
      %dma_wait3A_73 = tpu.memref_squeeze %dma_wait3A_72 : memref<1x128x128xf32, #tpu.memory_space<hbm>> -> memref<128x128xf32, #tpu.memory_space<hbm>>
      %dma_wait3A_74 = arith.constant 0 : i32
      %dma_wait3A_75 = arith.constant 0 : i32
      %dma_wait3A_76 = tpu.memref_slice %arg9[%dma_wait3A_74, %dma_wait3A_75] : memref<128x128xf32, #tpu.memory_space<vmem>> -> memref<128x128xf32, #tpu.memory_space<vmem>>
      tpu.wait_dma2 semaphore(%run_scoped3A : memref<!tpu.dma_semaphore, #tpu.memory_space<semaphore_mem>>) src(%dma_wait3A_76 : memref<128x128xf32, #tpu.memory_space<vmem>>) dst(%dma_wait3A_73 : memref<128x128xf32, #tpu.memory_space<hbm>>)
      tpu.yield
    }) : () -> ()
    %add3A_51 = arith.constant 512 : i32
    %add3A_52 = arith.addi %mul3A_4, %add3A_51 : i32
    "tpu.region"() ({
      %run_scoped3A = tpu.sem_alloc : memref<!tpu.dma_semaphore, #tpu.memory_space<semaphore_mem>>
      %dma_start3A = arith.constant 0 : i32
      %dma_start3A_55 = arith.constant 0 : i32
      %dma_start3A_56 = tpu.memref_slice %arg9[%dma_start3A, %dma_start3A_55] : memref<128x128xf32, #tpu.memory_space<vmem>> -> memref<120x128xf32, #tpu.memory_space<vmem>>
      %dma_start3A_57 = arith.constant 0 : i32
      %dma_start3A_58 = tpu.memref_slice %arg11[%add3A_52, %dma_start3A_57] : memref<10112x128xf32, #tpu.memory_space<vmem_shared>> -> memref<120x128xf32, #tpu.memory_space<vmem_shared>>
      %dma_start3A_59 = arith.constant 0 : i32
      %dma_start3A_60 = arith.constant 0 : i32
      %dma_start3A_61 = tpu.memref_slice %arg9[%dma_start3A_59, %dma_start3A_60] : memref<128x128xf32, #tpu.memory_space<vmem>> -> memref<120x128xf32, #tpu.memory_space<vmem>>
      %dma_start3A_62 = arith.constant 0 : i32
      %dma_start3A_63 = tpu.memref_slice %arg11[%add3A_52, %dma_start3A_62] : memref<10112x128xf32, #tpu.memory_space<vmem_shared>> -> memref<120x128xf32, #tpu.memory_space<vmem_shared>>
      tpu.enqueue_dma source(%dma_start3A_63 : memref<120x128xf32, #tpu.memory_space<vmem_shared>>) target(%dma_start3A_61 : memref<120x128xf32, #tpu.memory_space<vmem>>) target_semaphore(%run_scoped3A : memref<!tpu.dma_semaphore, #tpu.memory_space<semaphore_mem>>)
      %dma_wait3A = arith.constant 0 : i32
      %dma_wait3A_64 = arith.constant 0 : i32
      %dma_wait3A_65 = tpu.memref_slice %arg9[%dma_wait3A, %dma_wait3A_64] : memref<128x128xf32, #tpu.memory_space<vmem>> -> memref<120x128xf32, #tpu.memory_space<vmem>>
      %dma_wait3A_66 = arith.constant 0 : i32
      %dma_wait3A_67 = tpu.memref_slice %arg11[%add3A_52, %dma_wait3A_66] : memref<10112x128xf32, #tpu.memory_space<vmem_shared>> -> memref<120x128xf32, #tpu.memory_space<vmem_shared>>
      %dma_wait3A_68 = arith.constant 0 : i32
      %dma_wait3A_69 = arith.constant 0 : i32
      %dma_wait3A_70 = tpu.memref_slice %arg9[%dma_wait3A_68, %dma_wait3A_69] : memref<128x128xf32, #tpu.memory_space<vmem>> -> memref<120x128xf32, #tpu.memory_space<vmem>>
      %dma_wait3A_71 = arith.constant 0 : i32
      %dma_wait3A_72 = tpu.memref_slice %arg11[%add3A_52, %dma_wait3A_71] : memref<10112x128xf32, #tpu.memory_space<vmem_shared>> -> memref<120x128xf32, #tpu.memory_space<vmem_shared>>
      tpu.wait_dma2 semaphore(%run_scoped3A : memref<!tpu.dma_semaphore, #tpu.memory_space<semaphore_mem>>) src(%dma_wait3A_72 : memref<120x128xf32, #tpu.memory_space<vmem_shared>>) dst(%dma_wait3A_70 : memref<120x128xf32, #tpu.memory_space<vmem>>)
      tpu.yield
    }) : () -> ()
    %add3A_53 = arith.constant 512 : i32
    %add3A_54 = arith.addi %mul3A_4, %add3A_53 : i32
    "tpu.region"() ({
      %run_scoped3A = tpu.sem_alloc : memref<!tpu.dma_semaphore, #tpu.memory_space<semaphore_mem>>
      %dma_start3A = arith.constant 0 : i32
      %dma_start3A_55 = arith.constant 0 : i32
      %dma_start3A_56 = tpu.memref_slice %arg9[%dma_start3A, %dma_start3A_55] : memref<128x128xf32, #tpu.memory_space<vmem>> -> memref<120x128xf32, #tpu.memory_space<vmem>>
      %dma_start3A_57 = arith.constant 0 : i32
      %dma_start3A_58 = tpu.memref_slice %arg6[%arg0, %add3A_54, %dma_start3A_57] : memref<2x10112x128xf32, #tpu.memory_space<hbm>> -> memref<1x120x128xf32, #tpu.memory_space<hbm>>
      %dma_start3A_59 = tpu.memref_squeeze %dma_start3A_58 : memref<1x120x128xf32, #tpu.memory_space<hbm>> -> memref<120x128xf32, #tpu.memory_space<hbm>>
      %dma_start3A_60 = arith.constant 0 : i32
      %dma_start3A_61 = tpu.memref_slice %arg6[%arg0, %add3A_54, %dma_start3A_60] : memref<2x10112x128xf32, #tpu.memory_space<hbm>> -> memref<1x120x128xf32, #tpu.memory_space<hbm>>
      %dma_start3A_62 = tpu.memref_squeeze %dma_start3A_61 : memref<1x120x128xf32, #tpu.memory_space<hbm>> -> memref<120x128xf32, #tpu.memory_space<hbm>>
      %dma_start3A_63 = arith.constant 0 : i32
      %dma_start3A_64 = arith.constant 0 : i32
      %dma_start3A_65 = tpu.memref_slice %arg9[%dma_start3A_63, %dma_start3A_64] : memref<128x128xf32, #tpu.memory_space<vmem>> -> memref<120x128xf32, #tpu.memory_space<vmem>>
      tpu.enqueue_dma source(%dma_start3A_65 : memref<120x128xf32, #tpu.memory_space<vmem>>) target(%dma_start3A_62 : memref<120x128xf32, #tpu.memory_space<hbm>>) target_semaphore(%run_scoped3A : memref<!tpu.dma_semaphore, #tpu.memory_space<semaphore_mem>>)
      %dma_wait3A = arith.constant 0 : i32
      %dma_wait3A_66 = arith.constant 0 : i32
      %dma_wait3A_67 = tpu.memref_slice %arg9[%dma_wait3A, %dma_wait3A_66] : memref<128x128xf32, #tpu.memory_space<vmem>> -> memref<120x128xf32, #tpu.memory_space<vmem>>
      %dma_wait3A_68 = arith.constant 0 : i32
      %dma_wait3A_69 = tpu.memref_slice %arg6[%arg0, %add3A_54, %dma_wait3A_68] : memref<2x10112x128xf32, #tpu.memory_space<hbm>> -> memref<1x120x128xf32, #tpu.memory_space<hbm>>
      %dma_wait3A_70 = tpu.memref_squeeze %dma_wait3A_69 : memref<1x120x128xf32, #tpu.memory_space<hbm>> -> memref<120x128xf32, #tpu.memory_space<hbm>>
      %dma_wait3A_71 = arith.constant 0 : i32
      %dma_wait3A_72 = tpu.memref_slice %arg6[%arg0, %add3A_54, %dma_wait3A_71] : memref<2x10112x128xf32, #tpu.memory_space<hbm>> -> memref<1x120x128xf32, #tpu.memory_space<hbm>>
      %dma_wait3A_73 = tpu.memref_squeeze %dma_wait3A_72 : memref<1x120x128xf32, #tpu.memory_space<hbm>> -> memref<120x128xf32, #tpu.memory_space<hbm>>
      %dma_wait3A_74 = arith.constant 0 : i32
      %dma_wait3A_75 = arith.constant 0 : i32
      %dma_wait3A_76 = tpu.memref_slice %arg9[%dma_wait3A_74, %dma_wait3A_75] : memref<128x128xf32, #tpu.memory_space<vmem>> -> memref<120x128xf32, #tpu.memory_space<vmem>>
      tpu.wait_dma2 semaphore(%run_scoped3A : memref<!tpu.dma_semaphore, #tpu.memory_space<semaphore_mem>>) src(%dma_wait3A_76 : memref<120x128xf32, #tpu.memory_space<vmem>>) dst(%dma_wait3A_73 : memref<120x128xf32, #tpu.memory_space<hbm>>)
      tpu.yield
    }) : () -> ()
    return
  }
}

#map = affine_map<(d0, d1) -> (0, 0)>
#map1 = affine_map<(d0, d1) -> (0, 0, 0)>
module attributes {stable_mosaic.version = 14 : i64} {
  func.func @_sc_prop(%arg0: i32, %arg1: i32, %arg2: memref<10000x128xf32, #tpu.memory_space<hbm>>, %arg3: memref<2560x128xi32, #tpu.memory_space<hbm>>, %arg4: memref<2560x128xi32, #tpu.memory_space<hbm>>, %arg5: memref<128x128xf32, #tpu.memory_space<hbm>>, %arg6: memref<2x10112x128xf32, #tpu.memory_space<hbm>>, %arg7: memref<40x128xi32, #tpu.memory_space<vmem>>, %arg8: memref<80x128xi32, #tpu.memory_space<vmem>>, %arg9: memref<128x128xf32, #tpu.memory_space<vmem>>, %arg10: memref<128x128xf32, #tpu.memory_space<vmem>>, %arg11: memref<10112x128xf32, #tpu.memory_space<vmem_shared>>, %arg12: memref<!tpu.dma_semaphore, #tpu.memory_space<semaphore_mem>>, %arg13: memref<!tpu.dma_semaphore, #tpu.memory_space<semaphore_mem>>) attributes {dimension_semantics = [#tpu.dimension_semantics<core_parallel>, #tpu.dimension_semantics<subcore_parallel>], iteration_bounds = array<i64: 2, 16>, scalar_prefetch = 0 : i64, scratch_operands = 7 : i64, tpu.core_type = #tpu.core_type<sc_vector_subcore>, window_params = [{transform_indices = #map}, {transform_indices = #map}, {transform_indices = #map}, {transform_indices = #map}, {transform_indices = #map1}]} {
    %mul3A = arith.constant 16 : i32
    %mul3A_0 = arith.muli %arg0, %mul3A : i32
    %add3A = arith.addi %mul3A_0, %arg1 : i32
    %mul3A_1 = arith.constant 80 : i32
    %mul3A_2 = arith.muli %add3A, %mul3A_1 : i32
    "tpu.region"() ({
      %run_scoped3A = tpu.sem_alloc : memref<!tpu.dma_semaphore, #tpu.memory_space<semaphore_mem>>
      %dma_start3A = arith.constant 0 : i32
      %dma_start3A_55 = tpu.memref_slice %arg4[%mul3A_2, %dma_start3A] : memref<2560x128xi32, #tpu.memory_space<hbm>> -> memref<80x128xi32, #tpu.memory_space<hbm>>
      %dma_start3A_56 = arith.constant 0 : i32
      %dma_start3A_57 = tpu.memref_slice %arg4[%mul3A_2, %dma_start3A_56] : memref<2560x128xi32, #tpu.memory_space<hbm>> -> memref<80x128xi32, #tpu.memory_space<hbm>>
      tpu.enqueue_dma source(%dma_start3A_57 : memref<80x128xi32, #tpu.memory_space<hbm>>) target(%arg8 : memref<80x128xi32, #tpu.memory_space<vmem>>) target_semaphore(%run_scoped3A : memref<!tpu.dma_semaphore, #tpu.memory_space<semaphore_mem>>)
      %dma_wait3A = arith.constant 0 : i32
      %dma_wait3A_58 = tpu.memref_slice %arg4[%mul3A_2, %dma_wait3A] : memref<2560x128xi32, #tpu.memory_space<hbm>> -> memref<80x128xi32, #tpu.memory_space<hbm>>
      %dma_wait3A_59 = arith.constant 0 : i32
      %dma_wait3A_60 = tpu.memref_slice %arg4[%mul3A_2, %dma_wait3A_59] : memref<2560x128xi32, #tpu.memory_space<hbm>> -> memref<80x128xi32, #tpu.memory_space<hbm>>
      tpu.wait_dma2 semaphore(%run_scoped3A : memref<!tpu.dma_semaphore, #tpu.memory_space<semaphore_mem>>) src(%dma_wait3A_60 : memref<80x128xi32, #tpu.memory_space<hbm>>) dst(%arg8 : memref<80x128xi32, #tpu.memory_space<vmem>>)
      tpu.yield
    }) : () -> ()
    "tpu.region"() ({
      %run_scoped3A = tpu.sem_alloc : memref<!tpu.dma_semaphore, #tpu.memory_space<semaphore_mem>>
      tpu.enqueue_dma source(%arg5 : memref<128x128xf32, #tpu.memory_space<hbm>>) target(%arg9 : memref<128x128xf32, #tpu.memory_space<vmem>>) target_semaphore(%run_scoped3A : memref<!tpu.dma_semaphore, #tpu.memory_space<semaphore_mem>>)
      tpu.wait_dma2 semaphore(%run_scoped3A : memref<!tpu.dma_semaphore, #tpu.memory_space<semaphore_mem>>) src(%arg5 : memref<128x128xf32, #tpu.memory_space<hbm>>) dst(%arg9 : memref<128x128xf32, #tpu.memory_space<vmem>>)
      tpu.yield
    }) : () -> ()
    %mul3A_3 = arith.constant 632 : i32
    %mul3A_4 = arith.muli %arg1, %mul3A_3 : i32
    %add3A_5 = arith.constant 0 : i32
    %add3A_6 = arith.addi %mul3A_4, %add3A_5 : i32
    "tpu.region"() ({
      %run_scoped3A = tpu.sem_alloc : memref<!tpu.dma_semaphore, #tpu.memory_space<semaphore_mem>>
      %dma_start3A = arith.constant 0 : i32
      %dma_start3A_55 = arith.constant 0 : i32
      %dma_start3A_56 = tpu.memref_slice %arg9[%dma_start3A, %dma_start3A_55] : memref<128x128xf32, #tpu.memory_space<vmem>> -> memref<128x128xf32, #tpu.memory_space<vmem>>
      %dma_start3A_57 = arith.constant 0 : i32
      %dma_start3A_58 = tpu.memref_slice %arg11[%add3A_6, %dma_start3A_57] : memref<10112x128xf32, #tpu.memory_space<vmem_shared>> -> memref<128x128xf32, #tpu.memory_space<vmem_shared>>
      %dma_start3A_59 = arith.constant 0 : i32
      %dma_start3A_60 = tpu.memref_slice %arg11[%add3A_6, %dma_start3A_59] : memref<10112x128xf32, #tpu.memory_space<vmem_shared>> -> memref<128x128xf32, #tpu.memory_space<vmem_shared>>
      %dma_start3A_61 = arith.constant 0 : i32
      %dma_start3A_62 = arith.constant 0 : i32
      %dma_start3A_63 = tpu.memref_slice %arg9[%dma_start3A_61, %dma_start3A_62] : memref<128x128xf32, #tpu.memory_space<vmem>> -> memref<128x128xf32, #tpu.memory_space<vmem>>
      tpu.enqueue_dma source(%dma_start3A_63 : memref<128x128xf32, #tpu.memory_space<vmem>>) target(%dma_start3A_60 : memref<128x128xf32, #tpu.memory_space<vmem_shared>>) target_semaphore(%run_scoped3A : memref<!tpu.dma_semaphore, #tpu.memory_space<semaphore_mem>>)
      %dma_wait3A = arith.constant 0 : i32
      %dma_wait3A_64 = arith.constant 0 : i32
      %dma_wait3A_65 = tpu.memref_slice %arg9[%dma_wait3A, %dma_wait3A_64] : memref<128x128xf32, #tpu.memory_space<vmem>> -> memref<128x128xf32, #tpu.memory_space<vmem>>
      %dma_wait3A_66 = arith.constant 0 : i32
      %dma_wait3A_67 = tpu.memref_slice %arg11[%add3A_6, %dma_wait3A_66] : memref<10112x128xf32, #tpu.memory_space<vmem_shared>> -> memref<128x128xf32, #tpu.memory_space<vmem_shared>>
      %dma_wait3A_68 = arith.constant 0 : i32
      %dma_wait3A_69 = tpu.memref_slice %arg11[%add3A_6, %dma_wait3A_68] : memref<10112x128xf32, #tpu.memory_space<vmem_shared>> -> memref<128x128xf32, #tpu.memory_space<vmem_shared>>
      %dma_wait3A_70 = arith.constant 0 : i32
      %dma_wait3A_71 = arith.constant 0 : i32
      %dma_wait3A_72 = tpu.memref_slice %arg9[%dma_wait3A_70, %dma_wait3A_71] : memref<128x128xf32, #tpu.memory_space<vmem>> -> memref<128x128xf32, #tpu.memory_space<vmem>>
      tpu.wait_dma2 semaphore(%run_scoped3A : memref<!tpu.dma_semaphore, #tpu.memory_space<semaphore_mem>>) src(%dma_wait3A_72 : memref<128x128xf32, #tpu.memory_space<vmem>>) dst(%dma_wait3A_69 : memref<128x128xf32, #tpu.memory_space<vmem_shared>>)
      tpu.yield
    }) : () -> ()
    %add3A_7 = arith.constant 128 : i32
    %add3A_8 = arith.addi %mul3A_4, %add3A_7 : i32
    "tpu.region"() ({
      %run_scoped3A = tpu.sem_alloc : memref<!tpu.dma_semaphore, #tpu.memory_space<semaphore_mem>>
      %dma_start3A = arith.constant 0 : i32
      %dma_start3A_55 = arith.constant 0 : i32
      %dma_start3A_56 = tpu.memref_slice %arg9[%dma_start3A, %dma_start3A_55] : memref<128x128xf32, #tpu.memory_space<vmem>> -> memref<128x128xf32, #tpu.memory_space<vmem>>
      %dma_start3A_57 = arith.constant 0 : i32
      %dma_start3A_58 = tpu.memref_slice %arg11[%add3A_8, %dma_start3A_57] : memref<10112x128xf32, #tpu.memory_space<vmem_shared>> -> memref<128x128xf32, #tpu.memory_space<vmem_shared>>
      %dma_start3A_59 = arith.constant 0 : i32
      %dma_start3A_60 = tpu.memref_slice %arg11[%add3A_8, %dma_start3A_59] : memref<10112x128xf32, #tpu.memory_space<vmem_shared>> -> memref<128x128xf32, #tpu.memory_space<vmem_shared>>
      %dma_start3A_61 = arith.constant 0 : i32
      %dma_start3A_62 = arith.constant 0 : i32
      %dma_start3A_63 = tpu.memref_slice %arg9[%dma_start3A_61, %dma_start3A_62] : memref<128x128xf32, #tpu.memory_space<vmem>> -> memref<128x128xf32, #tpu.memory_space<vmem>>
      tpu.enqueue_dma source(%dma_start3A_63 : memref<128x128xf32, #tpu.memory_space<vmem>>) target(%dma_start3A_60 : memref<128x128xf32, #tpu.memory_space<vmem_shared>>) target_semaphore(%run_scoped3A : memref<!tpu.dma_semaphore, #tpu.memory_space<semaphore_mem>>)
      %dma_wait3A = arith.constant 0 : i32
      %dma_wait3A_64 = arith.constant 0 : i32
      %dma_wait3A_65 = tpu.memref_slice %arg9[%dma_wait3A, %dma_wait3A_64] : memref<128x128xf32, #tpu.memory_space<vmem>> -> memref<128x128xf32, #tpu.memory_space<vmem>>
      %dma_wait3A_66 = arith.constant 0 : i32
      %dma_wait3A_67 = tpu.memref_slice %arg11[%add3A_8, %dma_wait3A_66] : memref<10112x128xf32, #tpu.memory_space<vmem_shared>> -> memref<128x128xf32, #tpu.memory_space<vmem_shared>>
      %dma_wait3A_68 = arith.constant 0 : i32
      %dma_wait3A_69 = tpu.memref_slice %arg11[%add3A_8, %dma_wait3A_68] : memref<10112x128xf32, #tpu.memory_space<vmem_shared>> -> memref<128x128xf32, #tpu.memory_space<vmem_shared>>
      %dma_wait3A_70 = arith.constant 0 : i32
      %dma_wait3A_71 = arith.constant 0 : i32
      %dma_wait3A_72 = tpu.memref_slice %arg9[%dma_wait3A_70, %dma_wait3A_71] : memref<128x128xf32, #tpu.memory_space<vmem>> -> memref<128x128xf32, #tpu.memory_space<vmem>>
      tpu.wait_dma2 semaphore(%run_scoped3A : memref<!tpu.dma_semaphore, #tpu.memory_space<semaphore_mem>>) src(%dma_wait3A_72 : memref<128x128xf32, #tpu.memory_space<vmem>>) dst(%dma_wait3A_69 : memref<128x128xf32, #tpu.memory_space<vmem_shared>>)
      tpu.yield
    }) : () -> ()
    %add3A_9 = arith.constant 256 : i32
    %add3A_10 = arith.addi %mul3A_4, %add3A_9 : i32
    "tpu.region"() ({
      %run_scoped3A = tpu.sem_alloc : memref<!tpu.dma_semaphore, #tpu.memory_space<semaphore_mem>>
      %dma_start3A = arith.constant 0 : i32
      %dma_start3A_55 = arith.constant 0 : i32
      %dma_start3A_56 = tpu.memref_slice %arg9[%dma_start3A, %dma_start3A_55] : memref<128x128xf32, #tpu.memory_space<vmem>> -> memref<128x128xf32, #tpu.memory_space<vmem>>
      %dma_start3A_57 = arith.constant 0 : i32
      %dma_start3A_58 = tpu.memref_slice %arg11[%add3A_10, %dma_start3A_57] : memref<10112x128xf32, #tpu.memory_space<vmem_shared>> -> memref<128x128xf32, #tpu.memory_space<vmem_shared>>
      %dma_start3A_59 = arith.constant 0 : i32
      %dma_start3A_60 = tpu.memref_slice %arg11[%add3A_10, %dma_start3A_59] : memref<10112x128xf32, #tpu.memory_space<vmem_shared>> -> memref<128x128xf32, #tpu.memory_space<vmem_shared>>
      %dma_start3A_61 = arith.constant 0 : i32
      %dma_start3A_62 = arith.constant 0 : i32
      %dma_start3A_63 = tpu.memref_slice %arg9[%dma_start3A_61, %dma_start3A_62] : memref<128x128xf32, #tpu.memory_space<vmem>> -> memref<128x128xf32, #tpu.memory_space<vmem>>
      tpu.enqueue_dma source(%dma_start3A_63 : memref<128x128xf32, #tpu.memory_space<vmem>>) target(%dma_start3A_60 : memref<128x128xf32, #tpu.memory_space<vmem_shared>>) target_semaphore(%run_scoped3A : memref<!tpu.dma_semaphore, #tpu.memory_space<semaphore_mem>>)
      %dma_wait3A = arith.constant 0 : i32
      %dma_wait3A_64 = arith.constant 0 : i32
      %dma_wait3A_65 = tpu.memref_slice %arg9[%dma_wait3A, %dma_wait3A_64] : memref<128x128xf32, #tpu.memory_space<vmem>> -> memref<128x128xf32, #tpu.memory_space<vmem>>
      %dma_wait3A_66 = arith.constant 0 : i32
      %dma_wait3A_67 = tpu.memref_slice %arg11[%add3A_10, %dma_wait3A_66] : memref<10112x128xf32, #tpu.memory_space<vmem_shared>> -> memref<128x128xf32, #tpu.memory_space<vmem_shared>>
      %dma_wait3A_68 = arith.constant 0 : i32
      %dma_wait3A_69 = tpu.memref_slice %arg11[%add3A_10, %dma_wait3A_68] : memref<10112x128xf32, #tpu.memory_space<vmem_shared>> -> memref<128x128xf32, #tpu.memory_space<vmem_shared>>
      %dma_wait3A_70 = arith.constant 0 : i32
      %dma_wait3A_71 = arith.constant 0 : i32
      %dma_wait3A_72 = tpu.memref_slice %arg9[%dma_wait3A_70, %dma_wait3A_71] : memref<128x128xf32, #tpu.memory_space<vmem>> -> memref<128x128xf32, #tpu.memory_space<vmem>>
      tpu.wait_dma2 semaphore(%run_scoped3A : memref<!tpu.dma_semaphore, #tpu.memory_space<semaphore_mem>>) src(%dma_wait3A_72 : memref<128x128xf32, #tpu.memory_space<vmem>>) dst(%dma_wait3A_69 : memref<128x128xf32, #tpu.memory_space<vmem_shared>>)
      tpu.yield
    }) : () -> ()
    %add3A_11 = arith.constant 384 : i32
    %add3A_12 = arith.addi %mul3A_4, %add3A_11 : i32
    "tpu.region"() ({
      %run_scoped3A = tpu.sem_alloc : memref<!tpu.dma_semaphore, #tpu.memory_space<semaphore_mem>>
      %dma_start3A = arith.constant 0 : i32
      %dma_start3A_55 = arith.constant 0 : i32
      %dma_start3A_56 = tpu.memref_slice %arg9[%dma_start3A, %dma_start3A_55] : memref<128x128xf32, #tpu.memory_space<vmem>> -> memref<128x128xf32, #tpu.memory_space<vmem>>
      %dma_start3A_57 = arith.constant 0 : i32
      %dma_start3A_58 = tpu.memref_slice %arg11[%add3A_12, %dma_start3A_57] : memref<10112x128xf32, #tpu.memory_space<vmem_shared>> -> memref<128x128xf32, #tpu.memory_space<vmem_shared>>
      %dma_start3A_59 = arith.constant 0 : i32
      %dma_start3A_60 = tpu.memref_slice %arg11[%add3A_12, %dma_start3A_59] : memref<10112x128xf32, #tpu.memory_space<vmem_shared>> -> memref<128x128xf32, #tpu.memory_space<vmem_shared>>
      %dma_start3A_61 = arith.constant 0 : i32
      %dma_start3A_62 = arith.constant 0 : i32
      %dma_start3A_63 = tpu.memref_slice %arg9[%dma_start3A_61, %dma_start3A_62] : memref<128x128xf32, #tpu.memory_space<vmem>> -> memref<128x128xf32, #tpu.memory_space<vmem>>
      tpu.enqueue_dma source(%dma_start3A_63 : memref<128x128xf32, #tpu.memory_space<vmem>>) target(%dma_start3A_60 : memref<128x128xf32, #tpu.memory_space<vmem_shared>>) target_semaphore(%run_scoped3A : memref<!tpu.dma_semaphore, #tpu.memory_space<semaphore_mem>>)
      %dma_wait3A = arith.constant 0 : i32
      %dma_wait3A_64 = arith.constant 0 : i32
      %dma_wait3A_65 = tpu.memref_slice %arg9[%dma_wait3A, %dma_wait3A_64] : memref<128x128xf32, #tpu.memory_space<vmem>> -> memref<128x128xf32, #tpu.memory_space<vmem>>
      %dma_wait3A_66 = arith.constant 0 : i32
      %dma_wait3A_67 = tpu.memref_slice %arg11[%add3A_12, %dma_wait3A_66] : memref<10112x128xf32, #tpu.memory_space<vmem_shared>> -> memref<128x128xf32, #tpu.memory_space<vmem_shared>>
      %dma_wait3A_68 = arith.constant 0 : i32
      %dma_wait3A_69 = tpu.memref_slice %arg11[%add3A_12, %dma_wait3A_68] : memref<10112x128xf32, #tpu.memory_space<vmem_shared>> -> memref<128x128xf32, #tpu.memory_space<vmem_shared>>
      %dma_wait3A_70 = arith.constant 0 : i32
      %dma_wait3A_71 = arith.constant 0 : i32
      %dma_wait3A_72 = tpu.memref_slice %arg9[%dma_wait3A_70, %dma_wait3A_71] : memref<128x128xf32, #tpu.memory_space<vmem>> -> memref<128x128xf32, #tpu.memory_space<vmem>>
      tpu.wait_dma2 semaphore(%run_scoped3A : memref<!tpu.dma_semaphore, #tpu.memory_space<semaphore_mem>>) src(%dma_wait3A_72 : memref<128x128xf32, #tpu.memory_space<vmem>>) dst(%dma_wait3A_69 : memref<128x128xf32, #tpu.memory_space<vmem_shared>>)
      tpu.yield
    }) : () -> ()
    %add3A_13 = arith.constant 512 : i32
    %add3A_14 = arith.addi %mul3A_4, %add3A_13 : i32
    "tpu.region"() ({
      %run_scoped3A = tpu.sem_alloc : memref<!tpu.dma_semaphore, #tpu.memory_space<semaphore_mem>>
      %dma_start3A = arith.constant 0 : i32
      %dma_start3A_55 = arith.constant 0 : i32
      %dma_start3A_56 = tpu.memref_slice %arg9[%dma_start3A, %dma_start3A_55] : memref<128x128xf32, #tpu.memory_space<vmem>> -> memref<120x128xf32, #tpu.memory_space<vmem>>
      %dma_start3A_57 = arith.constant 0 : i32
      %dma_start3A_58 = tpu.memref_slice %arg11[%add3A_14, %dma_start3A_57] : memref<10112x128xf32, #tpu.memory_space<vmem_shared>> -> memref<120x128xf32, #tpu.memory_space<vmem_shared>>
      %dma_start3A_59 = arith.constant 0 : i32
      %dma_start3A_60 = tpu.memref_slice %arg11[%add3A_14, %dma_start3A_59] : memref<10112x128xf32, #tpu.memory_space<vmem_shared>> -> memref<120x128xf32, #tpu.memory_space<vmem_shared>>
      %dma_start3A_61 = arith.constant 0 : i32
      %dma_start3A_62 = arith.constant 0 : i32
      %dma_start3A_63 = tpu.memref_slice %arg9[%dma_start3A_61, %dma_start3A_62] : memref<128x128xf32, #tpu.memory_space<vmem>> -> memref<120x128xf32, #tpu.memory_space<vmem>>
      tpu.enqueue_dma source(%dma_start3A_63 : memref<120x128xf32, #tpu.memory_space<vmem>>) target(%dma_start3A_60 : memref<120x128xf32, #tpu.memory_space<vmem_shared>>) target_semaphore(%run_scoped3A : memref<!tpu.dma_semaphore, #tpu.memory_space<semaphore_mem>>)
      %dma_wait3A = arith.constant 0 : i32
      %dma_wait3A_64 = arith.constant 0 : i32
      %dma_wait3A_65 = tpu.memref_slice %arg9[%dma_wait3A, %dma_wait3A_64] : memref<128x128xf32, #tpu.memory_space<vmem>> -> memref<120x128xf32, #tpu.memory_space<vmem>>
      %dma_wait3A_66 = arith.constant 0 : i32
      %dma_wait3A_67 = tpu.memref_slice %arg11[%add3A_14, %dma_wait3A_66] : memref<10112x128xf32, #tpu.memory_space<vmem_shared>> -> memref<120x128xf32, #tpu.memory_space<vmem_shared>>
      %dma_wait3A_68 = arith.constant 0 : i32
      %dma_wait3A_69 = tpu.memref_slice %arg11[%add3A_14, %dma_wait3A_68] : memref<10112x128xf32, #tpu.memory_space<vmem_shared>> -> memref<120x128xf32, #tpu.memory_space<vmem_shared>>
      %dma_wait3A_70 = arith.constant 0 : i32
      %dma_wait3A_71 = arith.constant 0 : i32
      %dma_wait3A_72 = tpu.memref_slice %arg9[%dma_wait3A_70, %dma_wait3A_71] : memref<128x128xf32, #tpu.memory_space<vmem>> -> memref<120x128xf32, #tpu.memory_space<vmem>>
      tpu.wait_dma2 semaphore(%run_scoped3A : memref<!tpu.dma_semaphore, #tpu.memory_space<semaphore_mem>>) src(%dma_wait3A_72 : memref<120x128xf32, #tpu.memory_space<vmem>>) dst(%dma_wait3A_69 : memref<120x128xf32, #tpu.memory_space<vmem_shared>>)
      tpu.yield
    }) : () -> ()
    %barrier3A = arith.constant 0 : index
    tpu.barrier barrier_id(%barrier3A)
    %mul3A_15 = arith.constant 80 : i32
    %mul3A_16 = arith.muli %add3A, %mul3A_15 : i32
    %add3A_17 = arith.constant 0 : i32
    %add3A_18 = arith.addi %mul3A_16, %add3A_17 : i32
    "tpu.region"() ({
      %run_scoped3A = tpu.sem_alloc : memref<!tpu.dma_semaphore, #tpu.memory_space<semaphore_mem>>
      %dma_start3A = arith.constant 0 : i32
      %dma_start3A_55 = tpu.memref_slice %arg3[%add3A_18, %dma_start3A] : memref<2560x128xi32, #tpu.memory_space<hbm>> -> memref<40x128xi32, #tpu.memory_space<hbm>>
      %dma_start3A_56 = arith.constant 0 : i32
      %dma_start3A_57 = tpu.memref_slice %arg3[%add3A_18, %dma_start3A_56] : memref<2560x128xi32, #tpu.memory_space<hbm>> -> memref<40x128xi32, #tpu.memory_space<hbm>>
      tpu.enqueue_dma source(%dma_start3A_57 : memref<40x128xi32, #tpu.memory_space<hbm>>) target(%arg7 : memref<40x128xi32, #tpu.memory_space<vmem>>) target_semaphore(%run_scoped3A : memref<!tpu.dma_semaphore, #tpu.memory_space<semaphore_mem>>)
      %dma_wait3A = arith.constant 0 : i32
      %dma_wait3A_58 = tpu.memref_slice %arg3[%add3A_18, %dma_wait3A] : memref<2560x128xi32, #tpu.memory_space<hbm>> -> memref<40x128xi32, #tpu.memory_space<hbm>>
      %dma_wait3A_59 = arith.constant 0 : i32
      %dma_wait3A_60 = tpu.memref_slice %arg3[%add3A_18, %dma_wait3A_59] : memref<2560x128xi32, #tpu.memory_space<hbm>> -> memref<40x128xi32, #tpu.memory_space<hbm>>
      tpu.wait_dma2 semaphore(%run_scoped3A : memref<!tpu.dma_semaphore, #tpu.memory_space<semaphore_mem>>) src(%dma_wait3A_60 : memref<40x128xi32, #tpu.memory_space<hbm>>) dst(%arg7 : memref<40x128xi32, #tpu.memory_space<vmem>>)
      tpu.yield
    }) : () -> ()
    %scan3A = arith.constant 0 : i32
    %scan3A_19 = arith.constant 0 : i32
    %scan3A_20 = arith.constant 41 : i32
    %scan3A_21 = arith.addi %scan3A_19, %scan3A_20 : i32
    %scan3A_22 = arith.constant 1 : i32
    scf.for %scan3A_55 = %scan3A_19 to %scan3A_21 step %scan3A_22  : i32 {
      %lt3A = arith.constant 40 : i32
      %lt3A_56 = arith.cmpi slt, %scan3A_55, %lt3A : i32
      %jit3A = arith.constant 2 : i32
      %eq3A = arith.constant 0 : i32
      %eq3A_57 = arith.cmpi eq, %jit3A, %eq3A : i32
      %jit3A_58 = arith.constant 1 : i32
      %select_n3A = arith.select %eq3A_57, %jit3A_58, %jit3A : i32
      %rem3A = arith.remsi %scan3A_55, %select_n3A : i32
      %ne3A = arith.constant 0 : i32
      %ne3A_59 = arith.cmpi ne, %rem3A, %ne3A : i32
      %lt3A_60 = arith.constant 0 : i32
      %lt3A_61 = arith.cmpi slt, %rem3A, %lt3A_60 : i32
      %lt3A_62 = arith.constant 0 : i32
      %lt3A_63 = arith.cmpi slt, %select_n3A, %lt3A_62 : i32
      %ne3A_64 = arith.xori %lt3A_61, %lt3A_63 : i1
      %and3A = arith.andi %ne3A_64, %ne3A_59 : i1
      %add3A_65 = arith.addi %rem3A, %select_n3A : i32
      %select_n3A_66 = arith.select %and3A, %add3A_65, %rem3A : i32
      %eq3A_67 = arith.constant 0 : i32
      %eq3A_68 = arith.cmpi eq, %select_n3A_66, %eq3A_67 : i32
      %and3A_69 = arith.andi %lt3A_56, %eq3A_68 : i1
      %convert_element_type3A = arith.extui %and3A_69 : i1 to i32
      %cond3A = arith.constant 0 : i32
      %cond3A_70 = arith.cmpi ne, %convert_element_type3A, %cond3A : i32
      scf.if %cond3A_70 {
        %dma_start3A = arith.constant 0 : i32
        %dma_start3A_142 = tpu.memref_slice %arg7[%scan3A_55, %dma_start3A] : memref<40x128xi32, #tpu.memory_space<vmem>> -> memref<1x128xi32, #tpu.memory_space<vmem>>
        %dma_start3A_143 = tpu.memref_squeeze %dma_start3A_142 : memref<1x128xi32, #tpu.memory_space<vmem>> -> memref<128xi32, #tpu.memory_space<vmem>>
        %dma_start3A_144 = arith.constant 0 : i32
        %dma_start3A_145 = arith.constant 0 : i32
        %dma_start3A_146 = tpu.memref_slice %arg2[%dma_start3A_144, %dma_start3A_145] : memref<10000x128xf32, #tpu.memory_space<hbm>> -> memref<10000x128xf32, #tpu.memory_space<hbm>>
        tpu.enqueue_indirect_dma source(%dma_start3A_146 : memref<10000x128xf32, #tpu.memory_space<hbm>>) target(%arg9 : memref<128x128xf32, #tpu.memory_space<vmem>>) offsets(%dma_start3A_143 : memref<128xi32, #tpu.memory_space<vmem>>) semaphore(%arg12 : memref<!tpu.dma_semaphore, #tpu.memory_space<semaphore_mem>>)
      } else {
      }
      %lt3A_71 = arith.constant 40 : i32
      %lt3A_72 = arith.cmpi slt, %scan3A_55, %lt3A_71 : i32
      %jit3A_73 = arith.constant 2 : i32
      %eq3A_74 = arith.constant 0 : i32
      %eq3A_75 = arith.cmpi eq, %jit3A_73, %eq3A_74 : i32
      %jit3A_76 = arith.constant 1 : i32
      %select_n3A_77 = arith.select %eq3A_75, %jit3A_76, %jit3A_73 : i32
      %rem3A_78 = arith.remsi %scan3A_55, %select_n3A_77 : i32
      %ne3A_79 = arith.constant 0 : i32
      %ne3A_80 = arith.cmpi ne, %rem3A_78, %ne3A_79 : i32
      %lt3A_81 = arith.constant 0 : i32
      %lt3A_82 = arith.cmpi slt, %rem3A_78, %lt3A_81 : i32
      %lt3A_83 = arith.constant 0 : i32
      %lt3A_84 = arith.cmpi slt, %select_n3A_77, %lt3A_83 : i32
      %ne3A_85 = arith.xori %lt3A_82, %lt3A_84 : i1
      %and3A_86 = arith.andi %ne3A_85, %ne3A_80 : i1
      %add3A_87 = arith.addi %rem3A_78, %select_n3A_77 : i32
      %select_n3A_88 = arith.select %and3A_86, %add3A_87, %rem3A_78 : i32
      %eq3A_89 = arith.constant 1 : i32
      %eq3A_90 = arith.cmpi eq, %select_n3A_88, %eq3A_89 : i32
      %and3A_91 = arith.andi %lt3A_72, %eq3A_90 : i1
      %convert_element_type3A_92 = arith.extui %and3A_91 : i1 to i32
      %cond3A_93 = arith.constant 0 : i32
      %cond3A_94 = arith.cmpi ne, %convert_element_type3A_92, %cond3A_93 : i32
      scf.if %cond3A_94 {
        %dma_start3A = arith.constant 0 : i32
        %dma_start3A_142 = tpu.memref_slice %arg7[%scan3A_55, %dma_start3A] : memref<40x128xi32, #tpu.memory_space<vmem>> -> memref<1x128xi32, #tpu.memory_space<vmem>>
        %dma_start3A_143 = tpu.memref_squeeze %dma_start3A_142 : memref<1x128xi32, #tpu.memory_space<vmem>> -> memref<128xi32, #tpu.memory_space<vmem>>
        %dma_start3A_144 = arith.constant 0 : i32
        %dma_start3A_145 = arith.constant 0 : i32
        %dma_start3A_146 = tpu.memref_slice %arg2[%dma_start3A_144, %dma_start3A_145] : memref<10000x128xf32, #tpu.memory_space<hbm>> -> memref<10000x128xf32, #tpu.memory_space<hbm>>
        tpu.enqueue_indirect_dma source(%dma_start3A_146 : memref<10000x128xf32, #tpu.memory_space<hbm>>) target(%arg10 : memref<128x128xf32, #tpu.memory_space<vmem>>) offsets(%dma_start3A_143 : memref<128xi32, #tpu.memory_space<vmem>>) semaphore(%arg13 : memref<!tpu.dma_semaphore, #tpu.memory_space<semaphore_mem>>)
      } else {
      }
      %ge3A = arith.constant 1 : i32
      %ge3A_95 = arith.cmpi sge, %scan3A_55, %ge3A : i32
      %jit3A_96 = arith.constant 2 : i32
      %eq3A_97 = arith.constant 0 : i32
      %eq3A_98 = arith.cmpi eq, %jit3A_96, %eq3A_97 : i32
      %jit3A_99 = arith.constant 1 : i32
      %select_n3A_100 = arith.select %eq3A_98, %jit3A_99, %jit3A_96 : i32
      %rem3A_101 = arith.remsi %scan3A_55, %select_n3A_100 : i32
      %ne3A_102 = arith.constant 0 : i32
      %ne3A_103 = arith.cmpi ne, %rem3A_101, %ne3A_102 : i32
      %lt3A_104 = arith.constant 0 : i32
      %lt3A_105 = arith.cmpi slt, %rem3A_101, %lt3A_104 : i32
      %lt3A_106 = arith.constant 0 : i32
      %lt3A_107 = arith.cmpi slt, %select_n3A_100, %lt3A_106 : i32
      %ne3A_108 = arith.xori %lt3A_105, %lt3A_107 : i1
      %and3A_109 = arith.andi %ne3A_108, %ne3A_103 : i1
      %add3A_110 = arith.addi %rem3A_101, %select_n3A_100 : i32
      %select_n3A_111 = arith.select %and3A_109, %add3A_110, %rem3A_101 : i32
      %eq3A_112 = arith.constant 1 : i32
      %eq3A_113 = arith.cmpi eq, %select_n3A_111, %eq3A_112 : i32
      %and3A_114 = arith.andi %ge3A_95, %eq3A_113 : i1
      %convert_element_type3A_115 = arith.extui %and3A_114 : i1 to i32
      %cond3A_116 = arith.constant 0 : i32
      %cond3A_117 = arith.cmpi ne, %convert_element_type3A_115, %cond3A_116 : i32
      scf.if %cond3A_117 {
        %sub3A = arith.constant 1 : i32
        %sub3A_142 = arith.subi %scan3A_55, %sub3A : i32
        %dma_wait3A = arith.constant 0 : i32
        %dma_wait3A_143 = tpu.memref_slice %arg7[%sub3A_142, %dma_wait3A] : memref<40x128xi32, #tpu.memory_space<vmem>> -> memref<1x128xi32, #tpu.memory_space<vmem>>
        %dma_wait3A_144 = tpu.memref_squeeze %dma_wait3A_143 : memref<1x128xi32, #tpu.memory_space<vmem>> -> memref<128xi32, #tpu.memory_space<vmem>>
        %dma_wait3A_145 = arith.constant 0 : i32
        %dma_wait3A_146 = arith.constant 0 : i32
        %dma_wait3A_147 = tpu.memref_slice %arg2[%dma_wait3A_145, %dma_wait3A_146] : memref<10000x128xf32, #tpu.memory_space<hbm>> -> memref<10000x128xf32, #tpu.memory_space<hbm>>
        tpu.wait_indirect_dma semaphore(%arg12 : memref<!tpu.dma_semaphore, #tpu.memory_space<semaphore_mem>>) src(%dma_wait3A_147 : memref<10000x128xf32, #tpu.memory_space<hbm>>) dst(%arg9 : memref<128x128xf32, #tpu.memory_space<vmem>>)
        %add3A_148 = arith.constant 0 : i32
        %add3A_149 = arith.addi %add3A_148, %scan3A_55 : i32
        %sub3A_150 = arith.constant 1 : i32
        %sub3A_151 = arith.subi %add3A_149, %sub3A_150 : i32
        "tpu.region"() ({
          %run_scoped3A = tpu.sem_alloc : memref<!tpu.dma_semaphore, #tpu.memory_space<semaphore_mem>>
          %dma_start3A = arith.constant 0 : i32
          %dma_start3A_152 = tpu.memref_slice %arg8[%sub3A_151, %dma_start3A] : memref<80x128xi32, #tpu.memory_space<vmem>> -> memref<1x128xi32, #tpu.memory_space<vmem>>
          %dma_start3A_153 = tpu.memref_squeeze %dma_start3A_152 : memref<1x128xi32, #tpu.memory_space<vmem>> -> memref<128xi32, #tpu.memory_space<vmem>>
          %dma_start3A_154 = arith.constant 0 : i32
          %dma_start3A_155 = arith.constant 0 : i32
          %dma_start3A_156 = tpu.memref_slice %arg11[%dma_start3A_154, %dma_start3A_155] : memref<10112x128xf32, #tpu.memory_space<vmem_shared>> -> memref<10112x128xf32, #tpu.memory_space<vmem_shared>>
          tpu.enqueue_indirect_dma source(%arg9 : memref<128x128xf32, #tpu.memory_space<vmem>>) target(%dma_start3A_156 : memref<10112x128xf32, #tpu.memory_space<vmem_shared>>) offsets(%dma_start3A_153 : memref<128xi32, #tpu.memory_space<vmem>>) semaphore(%run_scoped3A : memref<!tpu.dma_semaphore, #tpu.memory_space<semaphore_mem>>) {add = true}
          %dma_wait3A_157 = arith.constant 0 : i32
          %dma_wait3A_158 = tpu.memref_slice %arg8[%sub3A_151, %dma_wait3A_157] : memref<80x128xi32, #tpu.memory_space<vmem>> -> memref<1x128xi32, #tpu.memory_space<vmem>>
          %dma_wait3A_159 = tpu.memref_squeeze %dma_wait3A_158 : memref<1x128xi32, #tpu.memory_space<vmem>> -> memref<128xi32, #tpu.memory_space<vmem>>
          %dma_wait3A_160 = arith.constant 0 : i32
          %dma_wait3A_161 = arith.constant 0 : i32
          %dma_wait3A_162 = tpu.memref_slice %arg11[%dma_wait3A_160, %dma_wait3A_161] : memref<10112x128xf32, #tpu.memory_space<vmem_shared>> -> memref<10112x128xf32, #tpu.memory_space<vmem_shared>>
          tpu.wait_indirect_dma semaphore(%run_scoped3A : memref<!tpu.dma_semaphore, #tpu.memory_space<semaphore_mem>>) src(%arg9 : memref<128x128xf32, #tpu.memory_space<vmem>>) dst(%dma_wait3A_162 : memref<10112x128xf32, #tpu.memory_space<vmem_shared>>)
          tpu.yield
        }) : () -> ()
      } else {
      }
      %ge3A_118 = arith.constant 1 : i32
      %ge3A_119 = arith.cmpi sge, %scan3A_55, %ge3A_118 : i32
      %jit3A_120 = arith.constant 2 : i32
      %eq3A_121 = arith.constant 0 : i32
      %eq3A_122 = arith.cmpi eq, %jit3A_120, %eq3A_121 : i32
      %jit3A_123 = arith.constant 1 : i32
      %select_n3A_124 = arith.select %eq3A_122, %jit3A_123, %jit3A_120 : i32
      %rem3A_125 = arith.remsi %scan3A_55, %select_n3A_124 : i32
      %ne3A_126 = arith.constant 0 : i32
      %ne3A_127 = arith.cmpi ne, %rem3A_125, %ne3A_126 : i32
      %lt3A_128 = arith.constant 0 : i32
      %lt3A_129 = arith.cmpi slt, %rem3A_125, %lt3A_128 : i32
      %lt3A_130 = arith.constant 0 : i32
      %lt3A_131 = arith.cmpi slt, %select_n3A_124, %lt3A_130 : i32
      %ne3A_132 = arith.xori %lt3A_129, %lt3A_131 : i1
      %and3A_133 = arith.andi %ne3A_132, %ne3A_127 : i1
      %add3A_134 = arith.addi %rem3A_125, %select_n3A_124 : i32
      %select_n3A_135 = arith.select %and3A_133, %add3A_134, %rem3A_125 : i32
      %eq3A_136 = arith.constant 0 : i32
      %eq3A_137 = arith.cmpi eq, %select_n3A_135, %eq3A_136 : i32
      %and3A_138 = arith.andi %ge3A_119, %eq3A_137 : i1
      %convert_element_type3A_139 = arith.extui %and3A_138 : i1 to i32
      %cond3A_140 = arith.constant 0 : i32
      %cond3A_141 = arith.cmpi ne, %convert_element_type3A_139, %cond3A_140 : i32
      scf.if %cond3A_141 {
        %sub3A = arith.constant 1 : i32
        %sub3A_142 = arith.subi %scan3A_55, %sub3A : i32
        %dma_wait3A = arith.constant 0 : i32
        %dma_wait3A_143 = tpu.memref_slice %arg7[%sub3A_142, %dma_wait3A] : memref<40x128xi32, #tpu.memory_space<vmem>> -> memref<1x128xi32, #tpu.memory_space<vmem>>
        %dma_wait3A_144 = tpu.memref_squeeze %dma_wait3A_143 : memref<1x128xi32, #tpu.memory_space<vmem>> -> memref<128xi32, #tpu.memory_space<vmem>>
        %dma_wait3A_145 = arith.constant 0 : i32
        %dma_wait3A_146 = arith.constant 0 : i32
        %dma_wait3A_147 = tpu.memref_slice %arg2[%dma_wait3A_145, %dma_wait3A_146] : memref<10000x128xf32, #tpu.memory_space<hbm>> -> memref<10000x128xf32, #tpu.memory_space<hbm>>
        tpu.wait_indirect_dma semaphore(%arg13 : memref<!tpu.dma_semaphore, #tpu.memory_space<semaphore_mem>>) src(%dma_wait3A_147 : memref<10000x128xf32, #tpu.memory_space<hbm>>) dst(%arg10 : memref<128x128xf32, #tpu.memory_space<vmem>>)
        %add3A_148 = arith.constant 0 : i32
        %add3A_149 = arith.addi %add3A_148, %scan3A_55 : i32
        %sub3A_150 = arith.constant 1 : i32
        %sub3A_151 = arith.subi %add3A_149, %sub3A_150 : i32
        "tpu.region"() ({
          %run_scoped3A = tpu.sem_alloc : memref<!tpu.dma_semaphore, #tpu.memory_space<semaphore_mem>>
          %dma_start3A = arith.constant 0 : i32
          %dma_start3A_152 = tpu.memref_slice %arg8[%sub3A_151, %dma_start3A] : memref<80x128xi32, #tpu.memory_space<vmem>> -> memref<1x128xi32, #tpu.memory_space<vmem>>
          %dma_start3A_153 = tpu.memref_squeeze %dma_start3A_152 : memref<1x128xi32, #tpu.memory_space<vmem>> -> memref<128xi32, #tpu.memory_space<vmem>>
          %dma_start3A_154 = arith.constant 0 : i32
          %dma_start3A_155 = arith.constant 0 : i32
          %dma_start3A_156 = tpu.memref_slice %arg11[%dma_start3A_154, %dma_start3A_155] : memref<10112x128xf32, #tpu.memory_space<vmem_shared>> -> memref<10112x128xf32, #tpu.memory_space<vmem_shared>>
          tpu.enqueue_indirect_dma source(%arg10 : memref<128x128xf32, #tpu.memory_space<vmem>>) target(%dma_start3A_156 : memref<10112x128xf32, #tpu.memory_space<vmem_shared>>) offsets(%dma_start3A_153 : memref<128xi32, #tpu.memory_space<vmem>>) semaphore(%run_scoped3A : memref<!tpu.dma_semaphore, #tpu.memory_space<semaphore_mem>>) {add = true}
          %dma_wait3A_157 = arith.constant 0 : i32
          %dma_wait3A_158 = tpu.memref_slice %arg8[%sub3A_151, %dma_wait3A_157] : memref<80x128xi32, #tpu.memory_space<vmem>> -> memref<1x128xi32, #tpu.memory_space<vmem>>
          %dma_wait3A_159 = tpu.memref_squeeze %dma_wait3A_158 : memref<1x128xi32, #tpu.memory_space<vmem>> -> memref<128xi32, #tpu.memory_space<vmem>>
          %dma_wait3A_160 = arith.constant 0 : i32
          %dma_wait3A_161 = arith.constant 0 : i32
          %dma_wait3A_162 = tpu.memref_slice %arg11[%dma_wait3A_160, %dma_wait3A_161] : memref<10112x128xf32, #tpu.memory_space<vmem_shared>> -> memref<10112x128xf32, #tpu.memory_space<vmem_shared>>
          tpu.wait_indirect_dma semaphore(%run_scoped3A : memref<!tpu.dma_semaphore, #tpu.memory_space<semaphore_mem>>) src(%arg10 : memref<128x128xf32, #tpu.memory_space<vmem>>) dst(%dma_wait3A_162 : memref<10112x128xf32, #tpu.memory_space<vmem_shared>>)
          tpu.yield
        }) : () -> ()
      } else {
      }
    }
    %scan3A_23 = arith.constant 41 : i32
    %mul3A_24 = arith.constant 80 : i32
    %mul3A_25 = arith.muli %add3A, %mul3A_24 : i32
    %add3A_26 = arith.constant 40 : i32
    %add3A_27 = arith.addi %mul3A_25, %add3A_26 : i32
    "tpu.region"() ({
      %run_scoped3A = tpu.sem_alloc : memref<!tpu.dma_semaphore, #tpu.memory_space<semaphore_mem>>
      %dma_start3A = arith.constant 0 : i32
      %dma_start3A_55 = tpu.memref_slice %arg3[%add3A_27, %dma_start3A] : memref<2560x128xi32, #tpu.memory_space<hbm>> -> memref<40x128xi32, #tpu.memory_space<hbm>>
      %dma_start3A_56 = arith.constant 0 : i32
      %dma_start3A_57 = tpu.memref_slice %arg3[%add3A_27, %dma_start3A_56] : memref<2560x128xi32, #tpu.memory_space<hbm>> -> memref<40x128xi32, #tpu.memory_space<hbm>>
      tpu.enqueue_dma source(%dma_start3A_57 : memref<40x128xi32, #tpu.memory_space<hbm>>) target(%arg7 : memref<40x128xi32, #tpu.memory_space<vmem>>) target_semaphore(%run_scoped3A : memref<!tpu.dma_semaphore, #tpu.memory_space<semaphore_mem>>)
      %dma_wait3A = arith.constant 0 : i32
      %dma_wait3A_58 = tpu.memref_slice %arg3[%add3A_27, %dma_wait3A] : memref<2560x128xi32, #tpu.memory_space<hbm>> -> memref<40x128xi32, #tpu.memory_space<hbm>>
      %dma_wait3A_59 = arith.constant 0 : i32
      %dma_wait3A_60 = tpu.memref_slice %arg3[%add3A_27, %dma_wait3A_59] : memref<2560x128xi32, #tpu.memory_space<hbm>> -> memref<40x128xi32, #tpu.memory_space<hbm>>
      tpu.wait_dma2 semaphore(%run_scoped3A : memref<!tpu.dma_semaphore, #tpu.memory_space<semaphore_mem>>) src(%dma_wait3A_60 : memref<40x128xi32, #tpu.memory_space<hbm>>) dst(%arg7 : memref<40x128xi32, #tpu.memory_space<vmem>>)
      tpu.yield
    }) : () -> ()
    %scan3A_28 = arith.constant 0 : i32
    %scan3A_29 = arith.constant 0 : i32
    %scan3A_30 = arith.constant 41 : i32
    %scan3A_31 = arith.addi %scan3A_29, %scan3A_30 : i32
    %scan3A_32 = arith.constant 1 : i32
    scf.for %scan3A_55 = %scan3A_29 to %scan3A_31 step %scan3A_32  : i32 {
      %lt3A = arith.constant 40 : i32
      %lt3A_56 = arith.cmpi slt, %scan3A_55, %lt3A : i32
      %jit3A = arith.constant 2 : i32
      %eq3A = arith.constant 0 : i32
      %eq3A_57 = arith.cmpi eq, %jit3A, %eq3A : i32
      %jit3A_58 = arith.constant 1 : i32
      %select_n3A = arith.select %eq3A_57, %jit3A_58, %jit3A : i32
      %rem3A = arith.remsi %scan3A_55, %select_n3A : i32
      %ne3A = arith.constant 0 : i32
      %ne3A_59 = arith.cmpi ne, %rem3A, %ne3A : i32
      %lt3A_60 = arith.constant 0 : i32
      %lt3A_61 = arith.cmpi slt, %rem3A, %lt3A_60 : i32
      %lt3A_62 = arith.constant 0 : i32
      %lt3A_63 = arith.cmpi slt, %select_n3A, %lt3A_62 : i32
      %ne3A_64 = arith.xori %lt3A_61, %lt3A_63 : i1
      %and3A = arith.andi %ne3A_64, %ne3A_59 : i1
      %add3A_65 = arith.addi %rem3A, %select_n3A : i32
      %select_n3A_66 = arith.select %and3A, %add3A_65, %rem3A : i32
      %eq3A_67 = arith.constant 0 : i32
      %eq3A_68 = arith.cmpi eq, %select_n3A_66, %eq3A_67 : i32
      %and3A_69 = arith.andi %lt3A_56, %eq3A_68 : i1
      %convert_element_type3A = arith.extui %and3A_69 : i1 to i32
      %cond3A = arith.constant 0 : i32
      %cond3A_70 = arith.cmpi ne, %convert_element_type3A, %cond3A : i32
      scf.if %cond3A_70 {
        %dma_start3A = arith.constant 0 : i32
        %dma_start3A_142 = tpu.memref_slice %arg7[%scan3A_55, %dma_start3A] : memref<40x128xi32, #tpu.memory_space<vmem>> -> memref<1x128xi32, #tpu.memory_space<vmem>>
        %dma_start3A_143 = tpu.memref_squeeze %dma_start3A_142 : memref<1x128xi32, #tpu.memory_space<vmem>> -> memref<128xi32, #tpu.memory_space<vmem>>
        %dma_start3A_144 = arith.constant 0 : i32
        %dma_start3A_145 = arith.constant 0 : i32
        %dma_start3A_146 = tpu.memref_slice %arg2[%dma_start3A_144, %dma_start3A_145] : memref<10000x128xf32, #tpu.memory_space<hbm>> -> memref<10000x128xf32, #tpu.memory_space<hbm>>
        tpu.enqueue_indirect_dma source(%dma_start3A_146 : memref<10000x128xf32, #tpu.memory_space<hbm>>) target(%arg9 : memref<128x128xf32, #tpu.memory_space<vmem>>) offsets(%dma_start3A_143 : memref<128xi32, #tpu.memory_space<vmem>>) semaphore(%arg12 : memref<!tpu.dma_semaphore, #tpu.memory_space<semaphore_mem>>)
      } else {
      }
      %lt3A_71 = arith.constant 40 : i32
      %lt3A_72 = arith.cmpi slt, %scan3A_55, %lt3A_71 : i32
      %jit3A_73 = arith.constant 2 : i32
      %eq3A_74 = arith.constant 0 : i32
      %eq3A_75 = arith.cmpi eq, %jit3A_73, %eq3A_74 : i32
      %jit3A_76 = arith.constant 1 : i32
      %select_n3A_77 = arith.select %eq3A_75, %jit3A_76, %jit3A_73 : i32
      %rem3A_78 = arith.remsi %scan3A_55, %select_n3A_77 : i32
      %ne3A_79 = arith.constant 0 : i32
      %ne3A_80 = arith.cmpi ne, %rem3A_78, %ne3A_79 : i32
      %lt3A_81 = arith.constant 0 : i32
      %lt3A_82 = arith.cmpi slt, %rem3A_78, %lt3A_81 : i32
      %lt3A_83 = arith.constant 0 : i32
      %lt3A_84 = arith.cmpi slt, %select_n3A_77, %lt3A_83 : i32
      %ne3A_85 = arith.xori %lt3A_82, %lt3A_84 : i1
      %and3A_86 = arith.andi %ne3A_85, %ne3A_80 : i1
      %add3A_87 = arith.addi %rem3A_78, %select_n3A_77 : i32
      %select_n3A_88 = arith.select %and3A_86, %add3A_87, %rem3A_78 : i32
      %eq3A_89 = arith.constant 1 : i32
      %eq3A_90 = arith.cmpi eq, %select_n3A_88, %eq3A_89 : i32
      %and3A_91 = arith.andi %lt3A_72, %eq3A_90 : i1
      %convert_element_type3A_92 = arith.extui %and3A_91 : i1 to i32
      %cond3A_93 = arith.constant 0 : i32
      %cond3A_94 = arith.cmpi ne, %convert_element_type3A_92, %cond3A_93 : i32
      scf.if %cond3A_94 {
        %dma_start3A = arith.constant 0 : i32
        %dma_start3A_142 = tpu.memref_slice %arg7[%scan3A_55, %dma_start3A] : memref<40x128xi32, #tpu.memory_space<vmem>> -> memref<1x128xi32, #tpu.memory_space<vmem>>
        %dma_start3A_143 = tpu.memref_squeeze %dma_start3A_142 : memref<1x128xi32, #tpu.memory_space<vmem>> -> memref<128xi32, #tpu.memory_space<vmem>>
        %dma_start3A_144 = arith.constant 0 : i32
        %dma_start3A_145 = arith.constant 0 : i32
        %dma_start3A_146 = tpu.memref_slice %arg2[%dma_start3A_144, %dma_start3A_145] : memref<10000x128xf32, #tpu.memory_space<hbm>> -> memref<10000x128xf32, #tpu.memory_space<hbm>>
        tpu.enqueue_indirect_dma source(%dma_start3A_146 : memref<10000x128xf32, #tpu.memory_space<hbm>>) target(%arg10 : memref<128x128xf32, #tpu.memory_space<vmem>>) offsets(%dma_start3A_143 : memref<128xi32, #tpu.memory_space<vmem>>) semaphore(%arg13 : memref<!tpu.dma_semaphore, #tpu.memory_space<semaphore_mem>>)
      } else {
      }
      %ge3A = arith.constant 1 : i32
      %ge3A_95 = arith.cmpi sge, %scan3A_55, %ge3A : i32
      %jit3A_96 = arith.constant 2 : i32
      %eq3A_97 = arith.constant 0 : i32
      %eq3A_98 = arith.cmpi eq, %jit3A_96, %eq3A_97 : i32
      %jit3A_99 = arith.constant 1 : i32
      %select_n3A_100 = arith.select %eq3A_98, %jit3A_99, %jit3A_96 : i32
      %rem3A_101 = arith.remsi %scan3A_55, %select_n3A_100 : i32
      %ne3A_102 = arith.constant 0 : i32
      %ne3A_103 = arith.cmpi ne, %rem3A_101, %ne3A_102 : i32
      %lt3A_104 = arith.constant 0 : i32
      %lt3A_105 = arith.cmpi slt, %rem3A_101, %lt3A_104 : i32
      %lt3A_106 = arith.constant 0 : i32
      %lt3A_107 = arith.cmpi slt, %select_n3A_100, %lt3A_106 : i32
      %ne3A_108 = arith.xori %lt3A_105, %lt3A_107 : i1
      %and3A_109 = arith.andi %ne3A_108, %ne3A_103 : i1
      %add3A_110 = arith.addi %rem3A_101, %select_n3A_100 : i32
      %select_n3A_111 = arith.select %and3A_109, %add3A_110, %rem3A_101 : i32
      %eq3A_112 = arith.constant 1 : i32
      %eq3A_113 = arith.cmpi eq, %select_n3A_111, %eq3A_112 : i32
      %and3A_114 = arith.andi %ge3A_95, %eq3A_113 : i1
      %convert_element_type3A_115 = arith.extui %and3A_114 : i1 to i32
      %cond3A_116 = arith.constant 0 : i32
      %cond3A_117 = arith.cmpi ne, %convert_element_type3A_115, %cond3A_116 : i32
      scf.if %cond3A_117 {
        %sub3A = arith.constant 1 : i32
        %sub3A_142 = arith.subi %scan3A_55, %sub3A : i32
        %dma_wait3A = arith.constant 0 : i32
        %dma_wait3A_143 = tpu.memref_slice %arg7[%sub3A_142, %dma_wait3A] : memref<40x128xi32, #tpu.memory_space<vmem>> -> memref<1x128xi32, #tpu.memory_space<vmem>>
        %dma_wait3A_144 = tpu.memref_squeeze %dma_wait3A_143 : memref<1x128xi32, #tpu.memory_space<vmem>> -> memref<128xi32, #tpu.memory_space<vmem>>
        %dma_wait3A_145 = arith.constant 0 : i32
        %dma_wait3A_146 = arith.constant 0 : i32
        %dma_wait3A_147 = tpu.memref_slice %arg2[%dma_wait3A_145, %dma_wait3A_146] : memref<10000x128xf32, #tpu.memory_space<hbm>> -> memref<10000x128xf32, #tpu.memory_space<hbm>>
        tpu.wait_indirect_dma semaphore(%arg12 : memref<!tpu.dma_semaphore, #tpu.memory_space<semaphore_mem>>) src(%dma_wait3A_147 : memref<10000x128xf32, #tpu.memory_space<hbm>>) dst(%arg9 : memref<128x128xf32, #tpu.memory_space<vmem>>)
        %add3A_148 = arith.constant 40 : i32
        %add3A_149 = arith.addi %add3A_148, %scan3A_55 : i32
        %sub3A_150 = arith.constant 1 : i32
        %sub3A_151 = arith.subi %add3A_149, %sub3A_150 : i32
        "tpu.region"() ({
          %run_scoped3A = tpu.sem_alloc : memref<!tpu.dma_semaphore, #tpu.memory_space<semaphore_mem>>
          %dma_start3A = arith.constant 0 : i32
          %dma_start3A_152 = tpu.memref_slice %arg8[%sub3A_151, %dma_start3A] : memref<80x128xi32, #tpu.memory_space<vmem>> -> memref<1x128xi32, #tpu.memory_space<vmem>>
          %dma_start3A_153 = tpu.memref_squeeze %dma_start3A_152 : memref<1x128xi32, #tpu.memory_space<vmem>> -> memref<128xi32, #tpu.memory_space<vmem>>
          %dma_start3A_154 = arith.constant 0 : i32
          %dma_start3A_155 = arith.constant 0 : i32
          %dma_start3A_156 = tpu.memref_slice %arg11[%dma_start3A_154, %dma_start3A_155] : memref<10112x128xf32, #tpu.memory_space<vmem_shared>> -> memref<10112x128xf32, #tpu.memory_space<vmem_shared>>
          tpu.enqueue_indirect_dma source(%arg9 : memref<128x128xf32, #tpu.memory_space<vmem>>) target(%dma_start3A_156 : memref<10112x128xf32, #tpu.memory_space<vmem_shared>>) offsets(%dma_start3A_153 : memref<128xi32, #tpu.memory_space<vmem>>) semaphore(%run_scoped3A : memref<!tpu.dma_semaphore, #tpu.memory_space<semaphore_mem>>) {add = true}
          %dma_wait3A_157 = arith.constant 0 : i32
          %dma_wait3A_158 = tpu.memref_slice %arg8[%sub3A_151, %dma_wait3A_157] : memref<80x128xi32, #tpu.memory_space<vmem>> -> memref<1x128xi32, #tpu.memory_space<vmem>>
          %dma_wait3A_159 = tpu.memref_squeeze %dma_wait3A_158 : memref<1x128xi32, #tpu.memory_space<vmem>> -> memref<128xi32, #tpu.memory_space<vmem>>
          %dma_wait3A_160 = arith.constant 0 : i32
          %dma_wait3A_161 = arith.constant 0 : i32
          %dma_wait3A_162 = tpu.memref_slice %arg11[%dma_wait3A_160, %dma_wait3A_161] : memref<10112x128xf32, #tpu.memory_space<vmem_shared>> -> memref<10112x128xf32, #tpu.memory_space<vmem_shared>>
          tpu.wait_indirect_dma semaphore(%run_scoped3A : memref<!tpu.dma_semaphore, #tpu.memory_space<semaphore_mem>>) src(%arg9 : memref<128x128xf32, #tpu.memory_space<vmem>>) dst(%dma_wait3A_162 : memref<10112x128xf32, #tpu.memory_space<vmem_shared>>)
          tpu.yield
        }) : () -> ()
      } else {
      }
      %ge3A_118 = arith.constant 1 : i32
      %ge3A_119 = arith.cmpi sge, %scan3A_55, %ge3A_118 : i32
      %jit3A_120 = arith.constant 2 : i32
      %eq3A_121 = arith.constant 0 : i32
      %eq3A_122 = arith.cmpi eq, %jit3A_120, %eq3A_121 : i32
      %jit3A_123 = arith.constant 1 : i32
      %select_n3A_124 = arith.select %eq3A_122, %jit3A_123, %jit3A_120 : i32
      %rem3A_125 = arith.remsi %scan3A_55, %select_n3A_124 : i32
      %ne3A_126 = arith.constant 0 : i32
      %ne3A_127 = arith.cmpi ne, %rem3A_125, %ne3A_126 : i32
      %lt3A_128 = arith.constant 0 : i32
      %lt3A_129 = arith.cmpi slt, %rem3A_125, %lt3A_128 : i32
      %lt3A_130 = arith.constant 0 : i32
      %lt3A_131 = arith.cmpi slt, %select_n3A_124, %lt3A_130 : i32
      %ne3A_132 = arith.xori %lt3A_129, %lt3A_131 : i1
      %and3A_133 = arith.andi %ne3A_132, %ne3A_127 : i1
      %add3A_134 = arith.addi %rem3A_125, %select_n3A_124 : i32
      %select_n3A_135 = arith.select %and3A_133, %add3A_134, %rem3A_125 : i32
      %eq3A_136 = arith.constant 0 : i32
      %eq3A_137 = arith.cmpi eq, %select_n3A_135, %eq3A_136 : i32
      %and3A_138 = arith.andi %ge3A_119, %eq3A_137 : i1
      %convert_element_type3A_139 = arith.extui %and3A_138 : i1 to i32
      %cond3A_140 = arith.constant 0 : i32
      %cond3A_141 = arith.cmpi ne, %convert_element_type3A_139, %cond3A_140 : i32
      scf.if %cond3A_141 {
        %sub3A = arith.constant 1 : i32
        %sub3A_142 = arith.subi %scan3A_55, %sub3A : i32
        %dma_wait3A = arith.constant 0 : i32
        %dma_wait3A_143 = tpu.memref_slice %arg7[%sub3A_142, %dma_wait3A] : memref<40x128xi32, #tpu.memory_space<vmem>> -> memref<1x128xi32, #tpu.memory_space<vmem>>
        %dma_wait3A_144 = tpu.memref_squeeze %dma_wait3A_143 : memref<1x128xi32, #tpu.memory_space<vmem>> -> memref<128xi32, #tpu.memory_space<vmem>>
        %dma_wait3A_145 = arith.constant 0 : i32
        %dma_wait3A_146 = arith.constant 0 : i32
        %dma_wait3A_147 = tpu.memref_slice %arg2[%dma_wait3A_145, %dma_wait3A_146] : memref<10000x128xf32, #tpu.memory_space<hbm>> -> memref<10000x128xf32, #tpu.memory_space<hbm>>
        tpu.wait_indirect_dma semaphore(%arg13 : memref<!tpu.dma_semaphore, #tpu.memory_space<semaphore_mem>>) src(%dma_wait3A_147 : memref<10000x128xf32, #tpu.memory_space<hbm>>) dst(%arg10 : memref<128x128xf32, #tpu.memory_space<vmem>>)
        %add3A_148 = arith.constant 40 : i32
        %add3A_149 = arith.addi %add3A_148, %scan3A_55 : i32
        %sub3A_150 = arith.constant 1 : i32
        %sub3A_151 = arith.subi %add3A_149, %sub3A_150 : i32
        "tpu.region"() ({
          %run_scoped3A = tpu.sem_alloc : memref<!tpu.dma_semaphore, #tpu.memory_space<semaphore_mem>>
          %dma_start3A = arith.constant 0 : i32
          %dma_start3A_152 = tpu.memref_slice %arg8[%sub3A_151, %dma_start3A] : memref<80x128xi32, #tpu.memory_space<vmem>> -> memref<1x128xi32, #tpu.memory_space<vmem>>
          %dma_start3A_153 = tpu.memref_squeeze %dma_start3A_152 : memref<1x128xi32, #tpu.memory_space<vmem>> -> memref<128xi32, #tpu.memory_space<vmem>>
          %dma_start3A_154 = arith.constant 0 : i32
          %dma_start3A_155 = arith.constant 0 : i32
          %dma_start3A_156 = tpu.memref_slice %arg11[%dma_start3A_154, %dma_start3A_155] : memref<10112x128xf32, #tpu.memory_space<vmem_shared>> -> memref<10112x128xf32, #tpu.memory_space<vmem_shared>>
          tpu.enqueue_indirect_dma source(%arg10 : memref<128x128xf32, #tpu.memory_space<vmem>>) target(%dma_start3A_156 : memref<10112x128xf32, #tpu.memory_space<vmem_shared>>) offsets(%dma_start3A_153 : memref<128xi32, #tpu.memory_space<vmem>>) semaphore(%run_scoped3A : memref<!tpu.dma_semaphore, #tpu.memory_space<semaphore_mem>>) {add = true}
          %dma_wait3A_157 = arith.constant 0 : i32
          %dma_wait3A_158 = tpu.memref_slice %arg8[%sub3A_151, %dma_wait3A_157] : memref<80x128xi32, #tpu.memory_space<vmem>> -> memref<1x128xi32, #tpu.memory_space<vmem>>
          %dma_wait3A_159 = tpu.memref_squeeze %dma_wait3A_158 : memref<1x128xi32, #tpu.memory_space<vmem>> -> memref<128xi32, #tpu.memory_space<vmem>>
          %dma_wait3A_160 = arith.constant 0 : i32
          %dma_wait3A_161 = arith.constant 0 : i32
          %dma_wait3A_162 = tpu.memref_slice %arg11[%dma_wait3A_160, %dma_wait3A_161] : memref<10112x128xf32, #tpu.memory_space<vmem_shared>> -> memref<10112x128xf32, #tpu.memory_space<vmem_shared>>
          tpu.wait_indirect_dma semaphore(%run_scoped3A : memref<!tpu.dma_semaphore, #tpu.memory_space<semaphore_mem>>) src(%arg10 : memref<128x128xf32, #tpu.memory_space<vmem>>) dst(%dma_wait3A_162 : memref<10112x128xf32, #tpu.memory_space<vmem_shared>>)
          tpu.yield
        }) : () -> ()
      } else {
      }
    }
    %scan3A_33 = arith.constant 41 : i32
    %barrier3A_34 = arith.constant 0 : index
    tpu.barrier barrier_id(%barrier3A_34)
    %add3A_35 = arith.constant 0 : i32
    %add3A_36 = arith.addi %mul3A_4, %add3A_35 : i32
    "tpu.region"() ({
      %run_scoped3A = tpu.sem_alloc : memref<!tpu.dma_semaphore, #tpu.memory_space<semaphore_mem>>
      %dma_start3A = arith.constant 0 : i32
      %dma_start3A_55 = arith.constant 0 : i32
      %dma_start3A_56 = tpu.memref_slice %arg9[%dma_start3A, %dma_start3A_55] : memref<128x128xf32, #tpu.memory_space<vmem>> -> memref<128x128xf32, #tpu.memory_space<vmem>>
      %dma_start3A_57 = arith.constant 0 : i32
      %dma_start3A_58 = tpu.memref_slice %arg11[%add3A_36, %dma_start3A_57] : memref<10112x128xf32, #tpu.memory_space<vmem_shared>> -> memref<128x128xf32, #tpu.memory_space<vmem_shared>>
      %dma_start3A_59 = arith.constant 0 : i32
      %dma_start3A_60 = arith.constant 0 : i32
      %dma_start3A_61 = tpu.memref_slice %arg9[%dma_start3A_59, %dma_start3A_60] : memref<128x128xf32, #tpu.memory_space<vmem>> -> memref<128x128xf32, #tpu.memory_space<vmem>>
      %dma_start3A_62 = arith.constant 0 : i32
      %dma_start3A_63 = tpu.memref_slice %arg11[%add3A_36, %dma_start3A_62] : memref<10112x128xf32, #tpu.memory_space<vmem_shared>> -> memref<128x128xf32, #tpu.memory_space<vmem_shared>>
      tpu.enqueue_dma source(%dma_start3A_63 : memref<128x128xf32, #tpu.memory_space<vmem_shared>>) target(%dma_start3A_61 : memref<128x128xf32, #tpu.memory_space<vmem>>) target_semaphore(%run_scoped3A : memref<!tpu.dma_semaphore, #tpu.memory_space<semaphore_mem>>)
      %dma_wait3A = arith.constant 0 : i32
      %dma_wait3A_64 = arith.constant 0 : i32
      %dma_wait3A_65 = tpu.memref_slice %arg9[%dma_wait3A, %dma_wait3A_64] : memref<128x128xf32, #tpu.memory_space<vmem>> -> memref<128x128xf32, #tpu.memory_space<vmem>>
      %dma_wait3A_66 = arith.constant 0 : i32
      %dma_wait3A_67 = tpu.memref_slice %arg11[%add3A_36, %dma_wait3A_66] : memref<10112x128xf32, #tpu.memory_space<vmem_shared>> -> memref<128x128xf32, #tpu.memory_space<vmem_shared>>
      %dma_wait3A_68 = arith.constant 0 : i32
      %dma_wait3A_69 = arith.constant 0 : i32
      %dma_wait3A_70 = tpu.memref_slice %arg9[%dma_wait3A_68, %dma_wait3A_69] : memref<128x128xf32, #tpu.memory_space<vmem>> -> memref<128x128xf32, #tpu.memory_space<vmem>>
      %dma_wait3A_71 = arith.constant 0 : i32
      %dma_wait3A_72 = tpu.memref_slice %arg11[%add3A_36, %dma_wait3A_71] : memref<10112x128xf32, #tpu.memory_space<vmem_shared>> -> memref<128x128xf32, #tpu.memory_space<vmem_shared>>
      tpu.wait_dma2 semaphore(%run_scoped3A : memref<!tpu.dma_semaphore, #tpu.memory_space<semaphore_mem>>) src(%dma_wait3A_72 : memref<128x128xf32, #tpu.memory_space<vmem_shared>>) dst(%dma_wait3A_70 : memref<128x128xf32, #tpu.memory_space<vmem>>)
      tpu.yield
    }) : () -> ()
    %add3A_37 = arith.constant 0 : i32
    %add3A_38 = arith.addi %mul3A_4, %add3A_37 : i32
    "tpu.region"() ({
      %run_scoped3A = tpu.sem_alloc : memref<!tpu.dma_semaphore, #tpu.memory_space<semaphore_mem>>
      %dma_start3A = arith.constant 0 : i32
      %dma_start3A_55 = arith.constant 0 : i32
      %dma_start3A_56 = tpu.memref_slice %arg9[%dma_start3A, %dma_start3A_55] : memref<128x128xf32, #tpu.memory_space<vmem>> -> memref<128x128xf32, #tpu.memory_space<vmem>>
      %dma_start3A_57 = arith.constant 0 : i32
      %dma_start3A_58 = tpu.memref_slice %arg6[%arg0, %add3A_38, %dma_start3A_57] : memref<2x10112x128xf32, #tpu.memory_space<hbm>> -> memref<1x128x128xf32, #tpu.memory_space<hbm>>
      %dma_start3A_59 = tpu.memref_squeeze %dma_start3A_58 : memref<1x128x128xf32, #tpu.memory_space<hbm>> -> memref<128x128xf32, #tpu.memory_space<hbm>>
      %dma_start3A_60 = arith.constant 0 : i32
      %dma_start3A_61 = tpu.memref_slice %arg6[%arg0, %add3A_38, %dma_start3A_60] : memref<2x10112x128xf32, #tpu.memory_space<hbm>> -> memref<1x128x128xf32, #tpu.memory_space<hbm>>
      %dma_start3A_62 = tpu.memref_squeeze %dma_start3A_61 : memref<1x128x128xf32, #tpu.memory_space<hbm>> -> memref<128x128xf32, #tpu.memory_space<hbm>>
      %dma_start3A_63 = arith.constant 0 : i32
      %dma_start3A_64 = arith.constant 0 : i32
      %dma_start3A_65 = tpu.memref_slice %arg9[%dma_start3A_63, %dma_start3A_64] : memref<128x128xf32, #tpu.memory_space<vmem>> -> memref<128x128xf32, #tpu.memory_space<vmem>>
      tpu.enqueue_dma source(%dma_start3A_65 : memref<128x128xf32, #tpu.memory_space<vmem>>) target(%dma_start3A_62 : memref<128x128xf32, #tpu.memory_space<hbm>>) target_semaphore(%run_scoped3A : memref<!tpu.dma_semaphore, #tpu.memory_space<semaphore_mem>>)
      %dma_wait3A = arith.constant 0 : i32
      %dma_wait3A_66 = arith.constant 0 : i32
      %dma_wait3A_67 = tpu.memref_slice %arg9[%dma_wait3A, %dma_wait3A_66] : memref<128x128xf32, #tpu.memory_space<vmem>> -> memref<128x128xf32, #tpu.memory_space<vmem>>
      %dma_wait3A_68 = arith.constant 0 : i32
      %dma_wait3A_69 = tpu.memref_slice %arg6[%arg0, %add3A_38, %dma_wait3A_68] : memref<2x10112x128xf32, #tpu.memory_space<hbm>> -> memref<1x128x128xf32, #tpu.memory_space<hbm>>
      %dma_wait3A_70 = tpu.memref_squeeze %dma_wait3A_69 : memref<1x128x128xf32, #tpu.memory_space<hbm>> -> memref<128x128xf32, #tpu.memory_space<hbm>>
      %dma_wait3A_71 = arith.constant 0 : i32
      %dma_wait3A_72 = tpu.memref_slice %arg6[%arg0, %add3A_38, %dma_wait3A_71] : memref<2x10112x128xf32, #tpu.memory_space<hbm>> -> memref<1x128x128xf32, #tpu.memory_space<hbm>>
      %dma_wait3A_73 = tpu.memref_squeeze %dma_wait3A_72 : memref<1x128x128xf32, #tpu.memory_space<hbm>> -> memref<128x128xf32, #tpu.memory_space<hbm>>
      %dma_wait3A_74 = arith.constant 0 : i32
      %dma_wait3A_75 = arith.constant 0 : i32
      %dma_wait3A_76 = tpu.memref_slice %arg9[%dma_wait3A_74, %dma_wait3A_75] : memref<128x128xf32, #tpu.memory_space<vmem>> -> memref<128x128xf32, #tpu.memory_space<vmem>>
      tpu.wait_dma2 semaphore(%run_scoped3A : memref<!tpu.dma_semaphore, #tpu.memory_space<semaphore_mem>>) src(%dma_wait3A_76 : memref<128x128xf32, #tpu.memory_space<vmem>>) dst(%dma_wait3A_73 : memref<128x128xf32, #tpu.memory_space<hbm>>)
      tpu.yield
    }) : () -> ()
    %add3A_39 = arith.constant 128 : i32
    %add3A_40 = arith.addi %mul3A_4, %add3A_39 : i32
    "tpu.region"() ({
      %run_scoped3A = tpu.sem_alloc : memref<!tpu.dma_semaphore, #tpu.memory_space<semaphore_mem>>
      %dma_start3A = arith.constant 0 : i32
      %dma_start3A_55 = arith.constant 0 : i32
      %dma_start3A_56 = tpu.memref_slice %arg9[%dma_start3A, %dma_start3A_55] : memref<128x128xf32, #tpu.memory_space<vmem>> -> memref<128x128xf32, #tpu.memory_space<vmem>>
      %dma_start3A_57 = arith.constant 0 : i32
      %dma_start3A_58 = tpu.memref_slice %arg11[%add3A_40, %dma_start3A_57] : memref<10112x128xf32, #tpu.memory_space<vmem_shared>> -> memref<128x128xf32, #tpu.memory_space<vmem_shared>>
      %dma_start3A_59 = arith.constant 0 : i32
      %dma_start3A_60 = arith.constant 0 : i32
      %dma_start3A_61 = tpu.memref_slice %arg9[%dma_start3A_59, %dma_start3A_60] : memref<128x128xf32, #tpu.memory_space<vmem>> -> memref<128x128xf32, #tpu.memory_space<vmem>>
      %dma_start3A_62 = arith.constant 0 : i32
      %dma_start3A_63 = tpu.memref_slice %arg11[%add3A_40, %dma_start3A_62] : memref<10112x128xf32, #tpu.memory_space<vmem_shared>> -> memref<128x128xf32, #tpu.memory_space<vmem_shared>>
      tpu.enqueue_dma source(%dma_start3A_63 : memref<128x128xf32, #tpu.memory_space<vmem_shared>>) target(%dma_start3A_61 : memref<128x128xf32, #tpu.memory_space<vmem>>) target_semaphore(%run_scoped3A : memref<!tpu.dma_semaphore, #tpu.memory_space<semaphore_mem>>)
      %dma_wait3A = arith.constant 0 : i32
      %dma_wait3A_64 = arith.constant 0 : i32
      %dma_wait3A_65 = tpu.memref_slice %arg9[%dma_wait3A, %dma_wait3A_64] : memref<128x128xf32, #tpu.memory_space<vmem>> -> memref<128x128xf32, #tpu.memory_space<vmem>>
      %dma_wait3A_66 = arith.constant 0 : i32
      %dma_wait3A_67 = tpu.memref_slice %arg11[%add3A_40, %dma_wait3A_66] : memref<10112x128xf32, #tpu.memory_space<vmem_shared>> -> memref<128x128xf32, #tpu.memory_space<vmem_shared>>
      %dma_wait3A_68 = arith.constant 0 : i32
      %dma_wait3A_69 = arith.constant 0 : i32
      %dma_wait3A_70 = tpu.memref_slice %arg9[%dma_wait3A_68, %dma_wait3A_69] : memref<128x128xf32, #tpu.memory_space<vmem>> -> memref<128x128xf32, #tpu.memory_space<vmem>>
      %dma_wait3A_71 = arith.constant 0 : i32
      %dma_wait3A_72 = tpu.memref_slice %arg11[%add3A_40, %dma_wait3A_71] : memref<10112x128xf32, #tpu.memory_space<vmem_shared>> -> memref<128x128xf32, #tpu.memory_space<vmem_shared>>
      tpu.wait_dma2 semaphore(%run_scoped3A : memref<!tpu.dma_semaphore, #tpu.memory_space<semaphore_mem>>) src(%dma_wait3A_72 : memref<128x128xf32, #tpu.memory_space<vmem_shared>>) dst(%dma_wait3A_70 : memref<128x128xf32, #tpu.memory_space<vmem>>)
      tpu.yield
    }) : () -> ()
    %add3A_41 = arith.constant 128 : i32
    %add3A_42 = arith.addi %mul3A_4, %add3A_41 : i32
    "tpu.region"() ({
      %run_scoped3A = tpu.sem_alloc : memref<!tpu.dma_semaphore, #tpu.memory_space<semaphore_mem>>
      %dma_start3A = arith.constant 0 : i32
      %dma_start3A_55 = arith.constant 0 : i32
      %dma_start3A_56 = tpu.memref_slice %arg9[%dma_start3A, %dma_start3A_55] : memref<128x128xf32, #tpu.memory_space<vmem>> -> memref<128x128xf32, #tpu.memory_space<vmem>>
      %dma_start3A_57 = arith.constant 0 : i32
      %dma_start3A_58 = tpu.memref_slice %arg6[%arg0, %add3A_42, %dma_start3A_57] : memref<2x10112x128xf32, #tpu.memory_space<hbm>> -> memref<1x128x128xf32, #tpu.memory_space<hbm>>
      %dma_start3A_59 = tpu.memref_squeeze %dma_start3A_58 : memref<1x128x128xf32, #tpu.memory_space<hbm>> -> memref<128x128xf32, #tpu.memory_space<hbm>>
      %dma_start3A_60 = arith.constant 0 : i32
      %dma_start3A_61 = tpu.memref_slice %arg6[%arg0, %add3A_42, %dma_start3A_60] : memref<2x10112x128xf32, #tpu.memory_space<hbm>> -> memref<1x128x128xf32, #tpu.memory_space<hbm>>
      %dma_start3A_62 = tpu.memref_squeeze %dma_start3A_61 : memref<1x128x128xf32, #tpu.memory_space<hbm>> -> memref<128x128xf32, #tpu.memory_space<hbm>>
      %dma_start3A_63 = arith.constant 0 : i32
      %dma_start3A_64 = arith.constant 0 : i32
      %dma_start3A_65 = tpu.memref_slice %arg9[%dma_start3A_63, %dma_start3A_64] : memref<128x128xf32, #tpu.memory_space<vmem>> -> memref<128x128xf32, #tpu.memory_space<vmem>>
      tpu.enqueue_dma source(%dma_start3A_65 : memref<128x128xf32, #tpu.memory_space<vmem>>) target(%dma_start3A_62 : memref<128x128xf32, #tpu.memory_space<hbm>>) target_semaphore(%run_scoped3A : memref<!tpu.dma_semaphore, #tpu.memory_space<semaphore_mem>>)
      %dma_wait3A = arith.constant 0 : i32
      %dma_wait3A_66 = arith.constant 0 : i32
      %dma_wait3A_67 = tpu.memref_slice %arg9[%dma_wait3A, %dma_wait3A_66] : memref<128x128xf32, #tpu.memory_space<vmem>> -> memref<128x128xf32, #tpu.memory_space<vmem>>
      %dma_wait3A_68 = arith.constant 0 : i32
      %dma_wait3A_69 = tpu.memref_slice %arg6[%arg0, %add3A_42, %dma_wait3A_68] : memref<2x10112x128xf32, #tpu.memory_space<hbm>> -> memref<1x128x128xf32, #tpu.memory_space<hbm>>
      %dma_wait3A_70 = tpu.memref_squeeze %dma_wait3A_69 : memref<1x128x128xf32, #tpu.memory_space<hbm>> -> memref<128x128xf32, #tpu.memory_space<hbm>>
      %dma_wait3A_71 = arith.constant 0 : i32
      %dma_wait3A_72 = tpu.memref_slice %arg6[%arg0, %add3A_42, %dma_wait3A_71] : memref<2x10112x128xf32, #tpu.memory_space<hbm>> -> memref<1x128x128xf32, #tpu.memory_space<hbm>>
      %dma_wait3A_73 = tpu.memref_squeeze %dma_wait3A_72 : memref<1x128x128xf32, #tpu.memory_space<hbm>> -> memref<128x128xf32, #tpu.memory_space<hbm>>
      %dma_wait3A_74 = arith.constant 0 : i32
      %dma_wait3A_75 = arith.constant 0 : i32
      %dma_wait3A_76 = tpu.memref_slice %arg9[%dma_wait3A_74, %dma_wait3A_75] : memref<128x128xf32, #tpu.memory_space<vmem>> -> memref<128x128xf32, #tpu.memory_space<vmem>>
      tpu.wait_dma2 semaphore(%run_scoped3A : memref<!tpu.dma_semaphore, #tpu.memory_space<semaphore_mem>>) src(%dma_wait3A_76 : memref<128x128xf32, #tpu.memory_space<vmem>>) dst(%dma_wait3A_73 : memref<128x128xf32, #tpu.memory_space<hbm>>)
      tpu.yield
    }) : () -> ()
    %add3A_43 = arith.constant 256 : i32
    %add3A_44 = arith.addi %mul3A_4, %add3A_43 : i32
    "tpu.region"() ({
      %run_scoped3A = tpu.sem_alloc : memref<!tpu.dma_semaphore, #tpu.memory_space<semaphore_mem>>
      %dma_start3A = arith.constant 0 : i32
      %dma_start3A_55 = arith.constant 0 : i32
      %dma_start3A_56 = tpu.memref_slice %arg9[%dma_start3A, %dma_start3A_55] : memref<128x128xf32, #tpu.memory_space<vmem>> -> memref<128x128xf32, #tpu.memory_space<vmem>>
      %dma_start3A_57 = arith.constant 0 : i32
      %dma_start3A_58 = tpu.memref_slice %arg11[%add3A_44, %dma_start3A_57] : memref<10112x128xf32, #tpu.memory_space<vmem_shared>> -> memref<128x128xf32, #tpu.memory_space<vmem_shared>>
      %dma_start3A_59 = arith.constant 0 : i32
      %dma_start3A_60 = arith.constant 0 : i32
      %dma_start3A_61 = tpu.memref_slice %arg9[%dma_start3A_59, %dma_start3A_60] : memref<128x128xf32, #tpu.memory_space<vmem>> -> memref<128x128xf32, #tpu.memory_space<vmem>>
      %dma_start3A_62 = arith.constant 0 : i32
      %dma_start3A_63 = tpu.memref_slice %arg11[%add3A_44, %dma_start3A_62] : memref<10112x128xf32, #tpu.memory_space<vmem_shared>> -> memref<128x128xf32, #tpu.memory_space<vmem_shared>>
      tpu.enqueue_dma source(%dma_start3A_63 : memref<128x128xf32, #tpu.memory_space<vmem_shared>>) target(%dma_start3A_61 : memref<128x128xf32, #tpu.memory_space<vmem>>) target_semaphore(%run_scoped3A : memref<!tpu.dma_semaphore, #tpu.memory_space<semaphore_mem>>)
      %dma_wait3A = arith.constant 0 : i32
      %dma_wait3A_64 = arith.constant 0 : i32
      %dma_wait3A_65 = tpu.memref_slice %arg9[%dma_wait3A, %dma_wait3A_64] : memref<128x128xf32, #tpu.memory_space<vmem>> -> memref<128x128xf32, #tpu.memory_space<vmem>>
      %dma_wait3A_66 = arith.constant 0 : i32
      %dma_wait3A_67 = tpu.memref_slice %arg11[%add3A_44, %dma_wait3A_66] : memref<10112x128xf32, #tpu.memory_space<vmem_shared>> -> memref<128x128xf32, #tpu.memory_space<vmem_shared>>
      %dma_wait3A_68 = arith.constant 0 : i32
      %dma_wait3A_69 = arith.constant 0 : i32
      %dma_wait3A_70 = tpu.memref_slice %arg9[%dma_wait3A_68, %dma_wait3A_69] : memref<128x128xf32, #tpu.memory_space<vmem>> -> memref<128x128xf32, #tpu.memory_space<vmem>>
      %dma_wait3A_71 = arith.constant 0 : i32
      %dma_wait3A_72 = tpu.memref_slice %arg11[%add3A_44, %dma_wait3A_71] : memref<10112x128xf32, #tpu.memory_space<vmem_shared>> -> memref<128x128xf32, #tpu.memory_space<vmem_shared>>
      tpu.wait_dma2 semaphore(%run_scoped3A : memref<!tpu.dma_semaphore, #tpu.memory_space<semaphore_mem>>) src(%dma_wait3A_72 : memref<128x128xf32, #tpu.memory_space<vmem_shared>>) dst(%dma_wait3A_70 : memref<128x128xf32, #tpu.memory_space<vmem>>)
      tpu.yield
    }) : () -> ()
    %add3A_45 = arith.constant 256 : i32
    %add3A_46 = arith.addi %mul3A_4, %add3A_45 : i32
    "tpu.region"() ({
      %run_scoped3A = tpu.sem_alloc : memref<!tpu.dma_semaphore, #tpu.memory_space<semaphore_mem>>
      %dma_start3A = arith.constant 0 : i32
      %dma_start3A_55 = arith.constant 0 : i32
      %dma_start3A_56 = tpu.memref_slice %arg9[%dma_start3A, %dma_start3A_55] : memref<128x128xf32, #tpu.memory_space<vmem>> -> memref<128x128xf32, #tpu.memory_space<vmem>>
      %dma_start3A_57 = arith.constant 0 : i32
      %dma_start3A_58 = tpu.memref_slice %arg6[%arg0, %add3A_46, %dma_start3A_57] : memref<2x10112x128xf32, #tpu.memory_space<hbm>> -> memref<1x128x128xf32, #tpu.memory_space<hbm>>
      %dma_start3A_59 = tpu.memref_squeeze %dma_start3A_58 : memref<1x128x128xf32, #tpu.memory_space<hbm>> -> memref<128x128xf32, #tpu.memory_space<hbm>>
      %dma_start3A_60 = arith.constant 0 : i32
      %dma_start3A_61 = tpu.memref_slice %arg6[%arg0, %add3A_46, %dma_start3A_60] : memref<2x10112x128xf32, #tpu.memory_space<hbm>> -> memref<1x128x128xf32, #tpu.memory_space<hbm>>
      %dma_start3A_62 = tpu.memref_squeeze %dma_start3A_61 : memref<1x128x128xf32, #tpu.memory_space<hbm>> -> memref<128x128xf32, #tpu.memory_space<hbm>>
      %dma_start3A_63 = arith.constant 0 : i32
      %dma_start3A_64 = arith.constant 0 : i32
      %dma_start3A_65 = tpu.memref_slice %arg9[%dma_start3A_63, %dma_start3A_64] : memref<128x128xf32, #tpu.memory_space<vmem>> -> memref<128x128xf32, #tpu.memory_space<vmem>>
      tpu.enqueue_dma source(%dma_start3A_65 : memref<128x128xf32, #tpu.memory_space<vmem>>) target(%dma_start3A_62 : memref<128x128xf32, #tpu.memory_space<hbm>>) target_semaphore(%run_scoped3A : memref<!tpu.dma_semaphore, #tpu.memory_space<semaphore_mem>>)
      %dma_wait3A = arith.constant 0 : i32
      %dma_wait3A_66 = arith.constant 0 : i32
      %dma_wait3A_67 = tpu.memref_slice %arg9[%dma_wait3A, %dma_wait3A_66] : memref<128x128xf32, #tpu.memory_space<vmem>> -> memref<128x128xf32, #tpu.memory_space<vmem>>
      %dma_wait3A_68 = arith.constant 0 : i32
      %dma_wait3A_69 = tpu.memref_slice %arg6[%arg0, %add3A_46, %dma_wait3A_68] : memref<2x10112x128xf32, #tpu.memory_space<hbm>> -> memref<1x128x128xf32, #tpu.memory_space<hbm>>
      %dma_wait3A_70 = tpu.memref_squeeze %dma_wait3A_69 : memref<1x128x128xf32, #tpu.memory_space<hbm>> -> memref<128x128xf32, #tpu.memory_space<hbm>>
      %dma_wait3A_71 = arith.constant 0 : i32
      %dma_wait3A_72 = tpu.memref_slice %arg6[%arg0, %add3A_46, %dma_wait3A_71] : memref<2x10112x128xf32, #tpu.memory_space<hbm>> -> memref<1x128x128xf32, #tpu.memory_space<hbm>>
      %dma_wait3A_73 = tpu.memref_squeeze %dma_wait3A_72 : memref<1x128x128xf32, #tpu.memory_space<hbm>> -> memref<128x128xf32, #tpu.memory_space<hbm>>
      %dma_wait3A_74 = arith.constant 0 : i32
      %dma_wait3A_75 = arith.constant 0 : i32
      %dma_wait3A_76 = tpu.memref_slice %arg9[%dma_wait3A_74, %dma_wait3A_75] : memref<128x128xf32, #tpu.memory_space<vmem>> -> memref<128x128xf32, #tpu.memory_space<vmem>>
      tpu.wait_dma2 semaphore(%run_scoped3A : memref<!tpu.dma_semaphore, #tpu.memory_space<semaphore_mem>>) src(%dma_wait3A_76 : memref<128x128xf32, #tpu.memory_space<vmem>>) dst(%dma_wait3A_73 : memref<128x128xf32, #tpu.memory_space<hbm>>)
      tpu.yield
    }) : () -> ()
    %add3A_47 = arith.constant 384 : i32
    %add3A_48 = arith.addi %mul3A_4, %add3A_47 : i32
    "tpu.region"() ({
      %run_scoped3A = tpu.sem_alloc : memref<!tpu.dma_semaphore, #tpu.memory_space<semaphore_mem>>
      %dma_start3A = arith.constant 0 : i32
      %dma_start3A_55 = arith.constant 0 : i32
      %dma_start3A_56 = tpu.memref_slice %arg9[%dma_start3A, %dma_start3A_55] : memref<128x128xf32, #tpu.memory_space<vmem>> -> memref<128x128xf32, #tpu.memory_space<vmem>>
      %dma_start3A_57 = arith.constant 0 : i32
      %dma_start3A_58 = tpu.memref_slice %arg11[%add3A_48, %dma_start3A_57] : memref<10112x128xf32, #tpu.memory_space<vmem_shared>> -> memref<128x128xf32, #tpu.memory_space<vmem_shared>>
      %dma_start3A_59 = arith.constant 0 : i32
      %dma_start3A_60 = arith.constant 0 : i32
      %dma_start3A_61 = tpu.memref_slice %arg9[%dma_start3A_59, %dma_start3A_60] : memref<128x128xf32, #tpu.memory_space<vmem>> -> memref<128x128xf32, #tpu.memory_space<vmem>>
      %dma_start3A_62 = arith.constant 0 : i32
      %dma_start3A_63 = tpu.memref_slice %arg11[%add3A_48, %dma_start3A_62] : memref<10112x128xf32, #tpu.memory_space<vmem_shared>> -> memref<128x128xf32, #tpu.memory_space<vmem_shared>>
      tpu.enqueue_dma source(%dma_start3A_63 : memref<128x128xf32, #tpu.memory_space<vmem_shared>>) target(%dma_start3A_61 : memref<128x128xf32, #tpu.memory_space<vmem>>) target_semaphore(%run_scoped3A : memref<!tpu.dma_semaphore, #tpu.memory_space<semaphore_mem>>)
      %dma_wait3A = arith.constant 0 : i32
      %dma_wait3A_64 = arith.constant 0 : i32
      %dma_wait3A_65 = tpu.memref_slice %arg9[%dma_wait3A, %dma_wait3A_64] : memref<128x128xf32, #tpu.memory_space<vmem>> -> memref<128x128xf32, #tpu.memory_space<vmem>>
      %dma_wait3A_66 = arith.constant 0 : i32
      %dma_wait3A_67 = tpu.memref_slice %arg11[%add3A_48, %dma_wait3A_66] : memref<10112x128xf32, #tpu.memory_space<vmem_shared>> -> memref<128x128xf32, #tpu.memory_space<vmem_shared>>
      %dma_wait3A_68 = arith.constant 0 : i32
      %dma_wait3A_69 = arith.constant 0 : i32
      %dma_wait3A_70 = tpu.memref_slice %arg9[%dma_wait3A_68, %dma_wait3A_69] : memref<128x128xf32, #tpu.memory_space<vmem>> -> memref<128x128xf32, #tpu.memory_space<vmem>>
      %dma_wait3A_71 = arith.constant 0 : i32
      %dma_wait3A_72 = tpu.memref_slice %arg11[%add3A_48, %dma_wait3A_71] : memref<10112x128xf32, #tpu.memory_space<vmem_shared>> -> memref<128x128xf32, #tpu.memory_space<vmem_shared>>
      tpu.wait_dma2 semaphore(%run_scoped3A : memref<!tpu.dma_semaphore, #tpu.memory_space<semaphore_mem>>) src(%dma_wait3A_72 : memref<128x128xf32, #tpu.memory_space<vmem_shared>>) dst(%dma_wait3A_70 : memref<128x128xf32, #tpu.memory_space<vmem>>)
      tpu.yield
    }) : () -> ()
    %add3A_49 = arith.constant 384 : i32
    %add3A_50 = arith.addi %mul3A_4, %add3A_49 : i32
    "tpu.region"() ({
      %run_scoped3A = tpu.sem_alloc : memref<!tpu.dma_semaphore, #tpu.memory_space<semaphore_mem>>
      %dma_start3A = arith.constant 0 : i32
      %dma_start3A_55 = arith.constant 0 : i32
      %dma_start3A_56 = tpu.memref_slice %arg9[%dma_start3A, %dma_start3A_55] : memref<128x128xf32, #tpu.memory_space<vmem>> -> memref<128x128xf32, #tpu.memory_space<vmem>>
      %dma_start3A_57 = arith.constant 0 : i32
      %dma_start3A_58 = tpu.memref_slice %arg6[%arg0, %add3A_50, %dma_start3A_57] : memref<2x10112x128xf32, #tpu.memory_space<hbm>> -> memref<1x128x128xf32, #tpu.memory_space<hbm>>
      %dma_start3A_59 = tpu.memref_squeeze %dma_start3A_58 : memref<1x128x128xf32, #tpu.memory_space<hbm>> -> memref<128x128xf32, #tpu.memory_space<hbm>>
      %dma_start3A_60 = arith.constant 0 : i32
      %dma_start3A_61 = tpu.memref_slice %arg6[%arg0, %add3A_50, %dma_start3A_60] : memref<2x10112x128xf32, #tpu.memory_space<hbm>> -> memref<1x128x128xf32, #tpu.memory_space<hbm>>
      %dma_start3A_62 = tpu.memref_squeeze %dma_start3A_61 : memref<1x128x128xf32, #tpu.memory_space<hbm>> -> memref<128x128xf32, #tpu.memory_space<hbm>>
      %dma_start3A_63 = arith.constant 0 : i32
      %dma_start3A_64 = arith.constant 0 : i32
      %dma_start3A_65 = tpu.memref_slice %arg9[%dma_start3A_63, %dma_start3A_64] : memref<128x128xf32, #tpu.memory_space<vmem>> -> memref<128x128xf32, #tpu.memory_space<vmem>>
      tpu.enqueue_dma source(%dma_start3A_65 : memref<128x128xf32, #tpu.memory_space<vmem>>) target(%dma_start3A_62 : memref<128x128xf32, #tpu.memory_space<hbm>>) target_semaphore(%run_scoped3A : memref<!tpu.dma_semaphore, #tpu.memory_space<semaphore_mem>>)
      %dma_wait3A = arith.constant 0 : i32
      %dma_wait3A_66 = arith.constant 0 : i32
      %dma_wait3A_67 = tpu.memref_slice %arg9[%dma_wait3A, %dma_wait3A_66] : memref<128x128xf32, #tpu.memory_space<vmem>> -> memref<128x128xf32, #tpu.memory_space<vmem>>
      %dma_wait3A_68 = arith.constant 0 : i32
      %dma_wait3A_69 = tpu.memref_slice %arg6[%arg0, %add3A_50, %dma_wait3A_68] : memref<2x10112x128xf32, #tpu.memory_space<hbm>> -> memref<1x128x128xf32, #tpu.memory_space<hbm>>
      %dma_wait3A_70 = tpu.memref_squeeze %dma_wait3A_69 : memref<1x128x128xf32, #tpu.memory_space<hbm>> -> memref<128x128xf32, #tpu.memory_space<hbm>>
      %dma_wait3A_71 = arith.constant 0 : i32
      %dma_wait3A_72 = tpu.memref_slice %arg6[%arg0, %add3A_50, %dma_wait3A_71] : memref<2x10112x128xf32, #tpu.memory_space<hbm>> -> memref<1x128x128xf32, #tpu.memory_space<hbm>>
      %dma_wait3A_73 = tpu.memref_squeeze %dma_wait3A_72 : memref<1x128x128xf32, #tpu.memory_space<hbm>> -> memref<128x128xf32, #tpu.memory_space<hbm>>
      %dma_wait3A_74 = arith.constant 0 : i32
      %dma_wait3A_75 = arith.constant 0 : i32
      %dma_wait3A_76 = tpu.memref_slice %arg9[%dma_wait3A_74, %dma_wait3A_75] : memref<128x128xf32, #tpu.memory_space<vmem>> -> memref<128x128xf32, #tpu.memory_space<vmem>>
      tpu.wait_dma2 semaphore(%run_scoped3A : memref<!tpu.dma_semaphore, #tpu.memory_space<semaphore_mem>>) src(%dma_wait3A_76 : memref<128x128xf32, #tpu.memory_space<vmem>>) dst(%dma_wait3A_73 : memref<128x128xf32, #tpu.memory_space<hbm>>)
      tpu.yield
    }) : () -> ()
    %add3A_51 = arith.constant 512 : i32
    %add3A_52 = arith.addi %mul3A_4, %add3A_51 : i32
    "tpu.region"() ({
      %run_scoped3A = tpu.sem_alloc : memref<!tpu.dma_semaphore, #tpu.memory_space<semaphore_mem>>
      %dma_start3A = arith.constant 0 : i32
      %dma_start3A_55 = arith.constant 0 : i32
      %dma_start3A_56 = tpu.memref_slice %arg9[%dma_start3A, %dma_start3A_55] : memref<128x128xf32, #tpu.memory_space<vmem>> -> memref<120x128xf32, #tpu.memory_space<vmem>>
      %dma_start3A_57 = arith.constant 0 : i32
      %dma_start3A_58 = tpu.memref_slice %arg11[%add3A_52, %dma_start3A_57] : memref<10112x128xf32, #tpu.memory_space<vmem_shared>> -> memref<120x128xf32, #tpu.memory_space<vmem_shared>>
      %dma_start3A_59 = arith.constant 0 : i32
      %dma_start3A_60 = arith.constant 0 : i32
      %dma_start3A_61 = tpu.memref_slice %arg9[%dma_start3A_59, %dma_start3A_60] : memref<128x128xf32, #tpu.memory_space<vmem>> -> memref<120x128xf32, #tpu.memory_space<vmem>>
      %dma_start3A_62 = arith.constant 0 : i32
      %dma_start3A_63 = tpu.memref_slice %arg11[%add3A_52, %dma_start3A_62] : memref<10112x128xf32, #tpu.memory_space<vmem_shared>> -> memref<120x128xf32, #tpu.memory_space<vmem_shared>>
      tpu.enqueue_dma source(%dma_start3A_63 : memref<120x128xf32, #tpu.memory_space<vmem_shared>>) target(%dma_start3A_61 : memref<120x128xf32, #tpu.memory_space<vmem>>) target_semaphore(%run_scoped3A : memref<!tpu.dma_semaphore, #tpu.memory_space<semaphore_mem>>)
      %dma_wait3A = arith.constant 0 : i32
      %dma_wait3A_64 = arith.constant 0 : i32
      %dma_wait3A_65 = tpu.memref_slice %arg9[%dma_wait3A, %dma_wait3A_64] : memref<128x128xf32, #tpu.memory_space<vmem>> -> memref<120x128xf32, #tpu.memory_space<vmem>>
      %dma_wait3A_66 = arith.constant 0 : i32
      %dma_wait3A_67 = tpu.memref_slice %arg11[%add3A_52, %dma_wait3A_66] : memref<10112x128xf32, #tpu.memory_space<vmem_shared>> -> memref<120x128xf32, #tpu.memory_space<vmem_shared>>
      %dma_wait3A_68 = arith.constant 0 : i32
      %dma_wait3A_69 = arith.constant 0 : i32
      %dma_wait3A_70 = tpu.memref_slice %arg9[%dma_wait3A_68, %dma_wait3A_69] : memref<128x128xf32, #tpu.memory_space<vmem>> -> memref<120x128xf32, #tpu.memory_space<vmem>>
      %dma_wait3A_71 = arith.constant 0 : i32
      %dma_wait3A_72 = tpu.memref_slice %arg11[%add3A_52, %dma_wait3A_71] : memref<10112x128xf32, #tpu.memory_space<vmem_shared>> -> memref<120x128xf32, #tpu.memory_space<vmem_shared>>
      tpu.wait_dma2 semaphore(%run_scoped3A : memref<!tpu.dma_semaphore, #tpu.memory_space<semaphore_mem>>) src(%dma_wait3A_72 : memref<120x128xf32, #tpu.memory_space<vmem_shared>>) dst(%dma_wait3A_70 : memref<120x128xf32, #tpu.memory_space<vmem>>)
      tpu.yield
    }) : () -> ()
    %add3A_53 = arith.constant 512 : i32
    %add3A_54 = arith.addi %mul3A_4, %add3A_53 : i32
    "tpu.region"() ({
      %run_scoped3A = tpu.sem_alloc : memref<!tpu.dma_semaphore, #tpu.memory_space<semaphore_mem>>
      %dma_start3A = arith.constant 0 : i32
      %dma_start3A_55 = arith.constant 0 : i32
      %dma_start3A_56 = tpu.memref_slice %arg9[%dma_start3A, %dma_start3A_55] : memref<128x128xf32, #tpu.memory_space<vmem>> -> memref<120x128xf32, #tpu.memory_space<vmem>>
      %dma_start3A_57 = arith.constant 0 : i32
      %dma_start3A_58 = tpu.memref_slice %arg6[%arg0, %add3A_54, %dma_start3A_57] : memref<2x10112x128xf32, #tpu.memory_space<hbm>> -> memref<1x120x128xf32, #tpu.memory_space<hbm>>
      %dma_start3A_59 = tpu.memref_squeeze %dma_start3A_58 : memref<1x120x128xf32, #tpu.memory_space<hbm>> -> memref<120x128xf32, #tpu.memory_space<hbm>>
      %dma_start3A_60 = arith.constant 0 : i32
      %dma_start3A_61 = tpu.memref_slice %arg6[%arg0, %add3A_54, %dma_start3A_60] : memref<2x10112x128xf32, #tpu.memory_space<hbm>> -> memref<1x120x128xf32, #tpu.memory_space<hbm>>
      %dma_start3A_62 = tpu.memref_squeeze %dma_start3A_61 : memref<1x120x128xf32, #tpu.memory_space<hbm>> -> memref<120x128xf32, #tpu.memory_space<hbm>>
      %dma_start3A_63 = arith.constant 0 : i32
      %dma_start3A_64 = arith.constant 0 : i32
      %dma_start3A_65 = tpu.memref_slice %arg9[%dma_start3A_63, %dma_start3A_64] : memref<128x128xf32, #tpu.memory_space<vmem>> -> memref<120x128xf32, #tpu.memory_space<vmem>>
      tpu.enqueue_dma source(%dma_start3A_65 : memref<120x128xf32, #tpu.memory_space<vmem>>) target(%dma_start3A_62 : memref<120x128xf32, #tpu.memory_space<hbm>>) target_semaphore(%run_scoped3A : memref<!tpu.dma_semaphore, #tpu.memory_space<semaphore_mem>>)
      %dma_wait3A = arith.constant 0 : i32
      %dma_wait3A_66 = arith.constant 0 : i32
      %dma_wait3A_67 = tpu.memref_slice %arg9[%dma_wait3A, %dma_wait3A_66] : memref<128x128xf32, #tpu.memory_space<vmem>> -> memref<120x128xf32, #tpu.memory_space<vmem>>
      %dma_wait3A_68 = arith.constant 0 : i32
      %dma_wait3A_69 = tpu.memref_slice %arg6[%arg0, %add3A_54, %dma_wait3A_68] : memref<2x10112x128xf32, #tpu.memory_space<hbm>> -> memref<1x120x128xf32, #tpu.memory_space<hbm>>
      %dma_wait3A_70 = tpu.memref_squeeze %dma_wait3A_69 : memref<1x120x128xf32, #tpu.memory_space<hbm>> -> memref<120x128xf32, #tpu.memory_space<hbm>>
      %dma_wait3A_71 = arith.constant 0 : i32
      %dma_wait3A_72 = tpu.memref_slice %arg6[%arg0, %add3A_54, %dma_wait3A_71] : memref<2x10112x128xf32, #tpu.memory_space<hbm>> -> memref<1x120x128xf32, #tpu.memory_space<hbm>>
      %dma_wait3A_73 = tpu.memref_squeeze %dma_wait3A_72 : memref<1x120x128xf32, #tpu.memory_space<hbm>> -> memref<120x128xf32, #tpu.memory_space<hbm>>
      %dma_wait3A_74 = arith.constant 0 : i32
      %dma_wait3A_75 = arith.constant 0 : i32
      %dma_wait3A_76 = tpu.memref_slice %arg9[%dma_wait3A_74, %dma_wait3A_75] : memref<128x128xf32, #tpu.memory_space<vmem>> -> memref<120x128xf32, #tpu.memory_space<vmem>>
      tpu.wait_dma2 semaphore(%run_scoped3A : memref<!tpu.dma_semaphore, #tpu.memory_space<semaphore_mem>>) src(%dma_wait3A_76 : memref<120x128xf32, #tpu.memory_space<vmem>>) dst(%dma_wait3A_73 : memref<120x128xf32, #tpu.memory_space<hbm>>)
      tpu.yield
    }) : () -> ()
    return
  }
}

module attributes {stable_mosaic.version = 14 : i64} {
  func.func @_tc_mm_body(%arg0: i32, %arg1: memref<1000x128xf32, #tpu.memory_space<vmem>>, %arg2: memref<128x128xf32, #tpu.memory_space<vmem>>, %arg3: memref<1000x128xf32, #tpu.memory_space<vmem>>) attributes {dimension_semantics = [#tpu.dimension_semantics<arbitrary>], iteration_bounds = array<i64: 10>, scalar_prefetch = 0 : i64, scratch_operands = 0 : i64, tpu.core_type = #tpu.core_type<tc>, window_params = [{transform_indices = @transform_0, window_bounds = array<i64: 1000, 128>}, {pipeline_mode = #tpu.pipeline_mode<synchronous>, transform_indices = @transform_1, window_bounds = array<i64: 128, 128>}, {transform_indices = @transform_2, window_bounds = array<i64: 1000, 128>}]} {
    %get3A = arith.constant 0 : index
    %get3A_0 = arith.constant 0 : index
    %get3A_1 = vector.load %arg1[%get3A, %get3A_0] : memref<1000x128xf32, #tpu.memory_space<vmem>>, vector<1000x128xf32>
    %get3A_2 = arith.constant 0 : index
    %get3A_3 = arith.constant 0 : index
    %get3A_4 = vector.load %arg2[%get3A_2, %get3A_3] : memref<128x128xf32, #tpu.memory_space<vmem>>, vector<128x128xf32>
    %dot_general3A = arith.constant dense<0.000000e+00> : vector<1000x128xf32>
    %dot_general3A_5 = tpu.matmul %get3A_1, %get3A_4, %dot_general3A {dimension_numbers = #tpu.dot_dimension_numbers<[1], [0], [0], [1], [0, 0, 1, 1], [], []>, precision = #tpu.contract_precision<fp32>, transpose_lhs_hint = false} : vector<1000x128xf32>, vector<128x128xf32>, vector<1000x128xf32> -> vector<1000x128xf32>
    %swap3A = arith.constant 0 : index
    %swap3A_6 = arith.constant 0 : index
    %swap3A_7 = vector.load %arg3[%swap3A, %swap3A_6] : memref<1000x128xf32, #tpu.memory_space<vmem>>, vector<1000x128xf32>
    tpu.vector_store %arg3[%swap3A, %swap3A_6], %dot_general3A_5 {strides = array<i32>} : memref<1000x128xf32, #tpu.memory_space<vmem>>, vector<1000x128xf32>,
    return
  }
  func.func @transform_0(%arg0: i32) -> (i32, i32) {
    %c0_i32 = arith.constant 0 : i32
    %c0_i32_0 = arith.constant 0 : i32
    return %arg0, %c0_i32 : i32, i32
  }
  func.func @transform_1(%arg0: i32) -> (i32, i32) {
    %c0_i32 = arith.constant 0 : i32
    %c0_i32_0 = arith.constant 0 : i32
    %c0_i32_1 = arith.constant 0 : i32
    return %c0_i32, %c0_i32_0 : i32, i32
  }
  func.func @transform_2(%arg0: i32) -> (i32, i32) {
    %c0_i32 = arith.constant 0 : i32
    %c0_i32_0 = arith.constant 0 : i32
    return %arg0, %c0_i32 : i32, i32
  }
}

module attributes {stable_mosaic.version = 14 : i64} {
  func.func @_tc_dinv_body(%arg0: i32, %arg1: memref<2x1000x128xf32, #tpu.memory_space<vmem>>, %arg2: memref<1000x128xf32, #tpu.memory_space<vmem>>, %arg3: memref<1000x128xf32, #tpu.memory_space<vmem>>, %arg4: memref<1000x128xf32, #tpu.memory_space<vmem>>) attributes {dimension_semantics = [#tpu.dimension_semantics<arbitrary>], iteration_bounds = array<i64: 10>, scalar_prefetch = 0 : i64, scratch_operands = 0 : i64, tpu.core_type = #tpu.core_type<tc>, window_params = [{transform_indices = @transform_0, window_bounds = array<i64: 2, 1000, 128>}, {transform_indices = @transform_1, window_bounds = array<i64: 1000, 128>}, {transform_indices = @transform_2, window_bounds = array<i64: 1000, 128>}, {transform_indices = @transform_3, window_bounds = array<i64: 1000, 128>}]} {
    %get3A = arith.constant 0 : index
    %get3A_0 = arith.constant 0 : index
    %get3A_1 = arith.constant 0 : index
    %get3A_2 = vector.load %arg1[%get3A, %get3A_0, %get3A_1] : memref<2x1000x128xf32, #tpu.memory_space<vmem>>, vector<1x1000x128xf32>
    %get3A_3 = vector.shape_cast %get3A_2 : vector<1x1000x128xf32> to vector<1000x128xf32>
    %get3A_4 = arith.constant 1 : index
    %get3A_5 = arith.constant 0 : index
    %get3A_6 = arith.constant 0 : index
    %get3A_7 = vector.load %arg1[%get3A_4, %get3A_5, %get3A_6] : memref<2x1000x128xf32, #tpu.memory_space<vmem>>, vector<1x1000x128xf32>
    %get3A_8 = vector.shape_cast %get3A_7 : vector<1x1000x128xf32> to vector<1000x128xf32>
    %add3A = arith.addf %get3A_3, %get3A_8 : vector<1000x128xf32>
    %slice3A = vector.extract_strided_slice %add3A {offsets = [0, 0], sizes = [1000, 1], strides = [1, 1]} : vector<1000x128xf32> to vector<1000x1xf32>
    %add3A_9 = arith.constant 1.000000e+00 : f32
    %add3A_10 = vector.broadcast %add3A_9 : f32 to vector<1000x1xf32>
    %add3A_11 = arith.addf %slice3A, %add3A_10 : vector<1000x1xf32>
    %rsqrt3A = math.rsqrt %add3A_11 : vector<1000x1xf32>
    %broadcast_in_dim3A = vector.shape_cast %rsqrt3A : vector<1000x1xf32> to vector<1000x1xf32>
    %broadcast_in_dim3A_12 = vector.broadcast %broadcast_in_dim3A : vector<1000x1xf32> to vector<1000x128xf32>
    %swap3A = arith.constant 0 : index
    %swap3A_13 = arith.constant 0 : index
    %swap3A_14 = vector.load %arg3[%swap3A, %swap3A_13] : memref<1000x128xf32, #tpu.memory_space<vmem>>, vector<1000x128xf32>
    tpu.vector_store %arg3[%swap3A, %swap3A_13], %broadcast_in_dim3A_12 {strides = array<i32>} : memref<1000x128xf32, #tpu.memory_space<vmem>>, vector<1000x128xf32>,
    %get3A_15 = arith.constant 0 : index
    %get3A_16 = arith.constant 0 : index
    %get3A_17 = vector.load %arg2[%get3A_15, %get3A_16] : memref<1000x128xf32, #tpu.memory_space<vmem>>, vector<1000x128xf32>
    %mul3A = arith.mulf %broadcast_in_dim3A_12, %get3A_17 : vector<1000x128xf32>
    %swap3A_18 = arith.constant 0 : index
    %swap3A_19 = arith.constant 0 : index
    %swap3A_20 = vector.load %arg4[%swap3A_18, %swap3A_19] : memref<1000x128xf32, #tpu.memory_space<vmem>>, vector<1000x128xf32>
    tpu.vector_store %arg4[%swap3A_18, %swap3A_19], %mul3A {strides = array<i32>} : memref<1000x128xf32, #tpu.memory_space<vmem>>, vector<1000x128xf32>,
    return
  }
  func.func @transform_0(%arg0: i32) -> (i32, i32, i32) {
    %c0_i32 = arith.constant 0 : i32
    %c0_i32_0 = arith.constant 0 : i32
    %c0_i32_1 = arith.constant 0 : i32
    return %c0_i32, %arg0, %c0_i32_0 : i32, i32, i32
  }
  func.func @transform_1(%arg0: i32) -> (i32, i32) {
    %c0_i32 = arith.constant 0 : i32
    %c0_i32_0 = arith.constant 0 : i32
    return %arg0, %c0_i32 : i32, i32
  }
  func.func @transform_2(%arg0: i32) -> (i32, i32) {
    %c0_i32 = arith.constant 0 : i32
    %c0_i32_0 = arith.constant 0 : i32
    return %arg0, %c0_i32 : i32, i32
  }
  func.func @transform_3(%arg0: i32) -> (i32, i32) {
    %c0_i32 = arith.constant 0 : i32
    %c0_i32_0 = arith.constant 0 : i32
    return %arg0, %c0_i32 : i32, i32
  }
}

module attributes {stable_mosaic.version = 14 : i64} {
  func.func @_tc_layer_body(%arg0: i32, %arg1: memref<2x1000x128xf32, #tpu.memory_space<vmem>>, %arg2: memref<1000x128xf32, #tpu.memory_space<vmem>>, %arg3: memref<1000x128xf32, #tpu.memory_space<vmem>>, %arg4: memref<1x128xf32, #tpu.memory_space<vmem>>, %arg5: memref<1x128xf32, #tpu.memory_space<vmem>>, %arg6: memref<1x128xf32, #tpu.memory_space<vmem>>, %arg7: memref<128x128xf32, #tpu.memory_space<vmem>>, %arg8: memref<1000x128xf32, #tpu.memory_space<vmem>>, %arg9: memref<1000x128xf32, #tpu.memory_space<vmem>>) attributes {dimension_semantics = [#tpu.dimension_semantics<arbitrary>], iteration_bounds = array<i64: 10>, scalar_prefetch = 0 : i64, scratch_operands = 0 : i64, tpu.core_type = #tpu.core_type<tc>, window_params = [{transform_indices = @transform_0, window_bounds = array<i64: 2, 1000, 128>}, {transform_indices = @transform_1, window_bounds = array<i64: 1000, 128>}, {transform_indices = @transform_2, window_bounds = array<i64: 1000, 128>}, {pipeline_mode = #tpu.pipeline_mode<synchronous>, transform_indices = @transform_3, window_bounds = array<i64: 1, 128>}, {pipeline_mode = #tpu.pipeline_mode<synchronous>, transform_indices = @transform_4, window_bounds = array<i64: 1, 128>}, {pipeline_mode = #tpu.pipeline_mode<synchronous>, transform_indices = @transform_5, window_bounds = array<i64: 1, 128>}, {pipeline_mode = #tpu.pipeline_mode<synchronous>, transform_indices = @transform_6, window_bounds = array<i64: 128, 128>}, {transform_indices = @transform_7, window_bounds = array<i64: 1000, 128>}, {transform_indices = @transform_8, window_bounds = array<i64: 1000, 128>}]} {
    %get3A = arith.constant 0 : index
    %get3A_0 = arith.constant 0 : index
    %get3A_1 = vector.load %arg3[%get3A, %get3A_0] : memref<1000x128xf32, #tpu.memory_space<vmem>>, vector<1000x128xf32>
    %get3A_2 = arith.constant 0 : index
    %get3A_3 = arith.constant 0 : index
    %get3A_4 = arith.constant 0 : index
    %get3A_5 = vector.load %arg1[%get3A_2, %get3A_3, %get3A_4] : memref<2x1000x128xf32, #tpu.memory_space<vmem>>, vector<1x1000x128xf32>
    %get3A_6 = vector.shape_cast %get3A_5 : vector<1x1000x128xf32> to vector<1000x128xf32>
    %get3A_7 = arith.constant 1 : index
    %get3A_8 = arith.constant 0 : index
    %get3A_9 = arith.constant 0 : index
    %get3A_10 = vector.load %arg1[%get3A_7, %get3A_8, %get3A_9] : memref<2x1000x128xf32, #tpu.memory_space<vmem>>, vector<1x1000x128xf32>
    %get3A_11 = vector.shape_cast %get3A_10 : vector<1x1000x128xf32> to vector<1000x128xf32>
    %add3A = arith.addf %get3A_6, %get3A_11 : vector<1000x128xf32>
    %get3A_12 = arith.constant 0 : index
    %get3A_13 = arith.constant 0 : index
    %get3A_14 = vector.load %arg2[%get3A_12, %get3A_13] : memref<1000x128xf32, #tpu.memory_space<vmem>>, vector<1000x128xf32>
    %add3A_15 = arith.addf %add3A, %get3A_14 : vector<1000x128xf32>
    %mul3A = arith.mulf %get3A_1, %add3A_15 : vector<1000x128xf32>
    %get3A_16 = arith.constant 0 : index
    %get3A_17 = arith.constant 0 : index
    %get3A_18 = vector.load %arg4[%get3A_16, %get3A_17] : memref<1x128xf32, #tpu.memory_space<vmem>>, vector<1x128xf32>
    %add3A_19 = vector.broadcast %get3A_18 : vector<1x128xf32> to vector<1000x128xf32>
    %add3A_20 = arith.addf %mul3A, %add3A_19 : vector<1000x128xf32>
    %get3A_21 = arith.constant 0 : index
    %get3A_22 = arith.constant 0 : index
    %get3A_23 = vector.load %arg5[%get3A_21, %get3A_22] : memref<1x128xf32, #tpu.memory_space<vmem>>, vector<1x128xf32>
    %rsqrt3A = arith.constant 1.000010e+00 : f32
    %rsqrt3A_24 = math.rsqrt %rsqrt3A : f32
    %mul3A_25 = vector.broadcast %rsqrt3A_24 : f32 to vector<1x128xf32>
    %mul3A_26 = arith.mulf %get3A_23, %mul3A_25 : vector<1x128xf32>
    %mul3A_27 = vector.broadcast %mul3A_26 : vector<1x128xf32> to vector<1000x128xf32>
    %mul3A_28 = arith.mulf %add3A_20, %mul3A_27 : vector<1000x128xf32>
    %get3A_29 = arith.constant 0 : index
    %get3A_30 = arith.constant 0 : index
    %get3A_31 = vector.load %arg6[%get3A_29, %get3A_30] : memref<1x128xf32, #tpu.memory_space<vmem>>, vector<1x128xf32>
    %add3A_32 = vector.broadcast %get3A_31 : vector<1x128xf32> to vector<1000x128xf32>
    %add3A_33 = arith.addf %mul3A_28, %add3A_32 : vector<1000x128xf32>
    %max3A = arith.constant 0.000000e+00 : f32
    %max3A_34 = vector.broadcast %max3A : f32 to vector<1000x128xf32>
    %max3A_35 = arith.maximumf %add3A_33, %max3A_34 : vector<1000x128xf32>
    %swap3A = arith.constant 0 : index
    %swap3A_36 = arith.constant 0 : index
    %swap3A_37 = vector.load %arg8[%swap3A, %swap3A_36] : memref<1000x128xf32, #tpu.memory_space<vmem>>, vector<1000x128xf32>
    tpu.vector_store %arg8[%swap3A, %swap3A_36], %max3A_35 {strides = array<i32>} : memref<1000x128xf32, #tpu.memory_space<vmem>>, vector<1000x128xf32>,
    %get3A_38 = arith.constant 0 : index
    %get3A_39 = arith.constant 0 : index
    %get3A_40 = vector.load %arg7[%get3A_38, %get3A_39] : memref<128x128xf32, #tpu.memory_space<vmem>>, vector<128x128xf32>
    %dot_general3A = arith.constant dense<0.000000e+00> : vector<1000x128xf32>
    %dot_general3A_41 = tpu.matmul %max3A_35, %get3A_40, %dot_general3A {dimension_numbers = #tpu.dot_dimension_numbers<[1], [0], [0], [1], [0, 0, 1, 1], [], []>, precision = #tpu.contract_precision<fp32>, transpose_lhs_hint = false} : vector<1000x128xf32>, vector<128x128xf32>, vector<1000x128xf32> -> vector<1000x128xf32>
    %mul3A_42 = arith.mulf %get3A_1, %dot_general3A_41 : vector<1000x128xf32>
    %swap3A_43 = arith.constant 0 : index
    %swap3A_44 = arith.constant 0 : index
    %swap3A_45 = vector.load %arg9[%swap3A_43, %swap3A_44] : memref<1000x128xf32, #tpu.memory_space<vmem>>, vector<1000x128xf32>
    tpu.vector_store %arg9[%swap3A_43, %swap3A_44], %mul3A_42 {strides = array<i32>} : memref<1000x128xf32, #tpu.memory_space<vmem>>, vector<1000x128xf32>,
    return
  }
  func.func @transform_0(%arg0: i32) -> (i32, i32, i32) {
    %c0_i32 = arith.constant 0 : i32
    %c0_i32_0 = arith.constant 0 : i32
    %c0_i32_1 = arith.constant 0 : i32
    return %c0_i32, %arg0, %c0_i32_0 : i32, i32, i32
  }
  func.func @transform_1(%arg0: i32) -> (i32, i32) {
    %c0_i32 = arith.constant 0 : i32
    %c0_i32_0 = arith.constant 0 : i32
    return %arg0, %c0_i32 : i32, i32
  }
  func.func @transform_2(%arg0: i32) -> (i32, i32) {
    %c0_i32 = arith.constant 0 : i32
    %c0_i32_0 = arith.constant 0 : i32
    return %arg0, %c0_i32 : i32, i32
  }
  func.func @transform_3(%arg0: i32) -> (i32, i32) {
    %c0_i32 = arith.constant 0 : i32
    %c0_i32_0 = arith.constant 0 : i32
    %c0_i32_1 = arith.constant 0 : i32
    return %c0_i32, %c0_i32_0 : i32, i32
  }
  func.func @transform_4(%arg0: i32) -> (i32, i32) {
    %c0_i32 = arith.constant 0 : i32
    %c0_i32_0 = arith.constant 0 : i32
    %c0_i32_1 = arith.constant 0 : i32
    return %c0_i32, %c0_i32_0 : i32, i32
  }
  func.func @transform_5(%arg0: i32) -> (i32, i32) {
    %c0_i32 = arith.constant 0 : i32
    %c0_i32_0 = arith.constant 0 : i32
    %c0_i32_1 = arith.constant 0 : i32
    return %c0_i32, %c0_i32_0 : i32, i32
  }
  func.func @transform_6(%arg0: i32) -> (i32, i32) {
    %c0_i32 = arith.constant 0 : i32
    %c0_i32_0 = arith.constant 0 : i32
    %c0_i32_1 = arith.constant 0 : i32
    return %c0_i32, %c0_i32_0 : i32, i32
  }
  func.func @transform_7(%arg0: i32) -> (i32, i32) {
    %c0_i32 = arith.constant 0 : i32
    %c0_i32_0 = arith.constant 0 : i32
    return %arg0, %c0_i32 : i32, i32
  }
  func.func @transform_8(%arg0: i32) -> (i32, i32) {
    %c0_i32 = arith.constant 0 : i32
    %c0_i32_0 = arith.constant 0 : i32
    return %arg0, %c0_i32 : i32, i32
  }
}

module attributes {stable_mosaic.version = 14 : i64} {
  func.func @_tc_final_body(%arg0: i32, %arg1: memref<2x1000x128xf32, #tpu.memory_space<vmem>>, %arg2: memref<1000x128xf32, #tpu.memory_space<vmem>>, %arg3: memref<1000x128xf32, #tpu.memory_space<vmem>>, %arg4: memref<1x128xf32, #tpu.memory_space<vmem>>, %arg5: memref<1x128xf32, #tpu.memory_space<vmem>>, %arg6: memref<1x128xf32, #tpu.memory_space<vmem>>, %arg7: memref<1000x128xf32, #tpu.memory_space<vmem>>, %arg8: memref<128x128xf32, #tpu.memory_space<vmem>>, %arg9: memref<128x128xf32, #tpu.memory_space<vmem>>, %arg10: memref<1x128xf32, #tpu.memory_space<vmem>>, %arg11: memref<128x128xf32, #tpu.memory_space<vmem>>, %arg12: memref<1x128xf32, #tpu.memory_space<vmem>>, %arg13: memref<1000x128xf32, #tpu.memory_space<vmem>>) attributes {dimension_semantics = [#tpu.dimension_semantics<arbitrary>], iteration_bounds = array<i64: 10>, scalar_prefetch = 0 : i64, scratch_operands = 0 : i64, tpu.core_type = #tpu.core_type<tc>, window_params = [{transform_indices = @transform_0, window_bounds = array<i64: 2, 1000, 128>}, {transform_indices = @transform_1, window_bounds = array<i64: 1000, 128>}, {transform_indices = @transform_2, window_bounds = array<i64: 1000, 128>}, {pipeline_mode = #tpu.pipeline_mode<synchronous>, transform_indices = @transform_3, window_bounds = array<i64: 1, 128>}, {pipeline_mode = #tpu.pipeline_mode<synchronous>, transform_indices = @transform_4, window_bounds = array<i64: 1, 128>}, {pipeline_mode = #tpu.pipeline_mode<synchronous>, transform_indices = @transform_5, window_bounds = array<i64: 1, 128>}, {transform_indices = @transform_6, window_bounds = array<i64: 1000, 128>}, {pipeline_mode = #tpu.pipeline_mode<synchronous>, transform_indices = @transform_7, window_bounds = array<i64: 128, 128>}, {pipeline_mode = #tpu.pipeline_mode<synchronous>, transform_indices = @transform_8, window_bounds = array<i64: 128, 128>}, {pipeline_mode = #tpu.pipeline_mode<synchronous>, transform_indices = @transform_9, window_bounds = array<i64: 1, 128>}, {pipeline_mode = #tpu.pipeline_mode<synchronous>, transform_indices = @transform_10, window_bounds = array<i64: 128, 128>}, {pipeline_mode = #tpu.pipeline_mode<synchronous>, transform_indices = @transform_11, window_bounds = array<i64: 1, 128>}, {transform_indices = @transform_12, window_bounds = array<i64: 1000, 128>}]} {
    %get3A = arith.constant 0 : index
    %get3A_0 = arith.constant 0 : index
    %get3A_1 = vector.load %arg3[%get3A, %get3A_0] : memref<1000x128xf32, #tpu.memory_space<vmem>>, vector<1000x128xf32>
    %get3A_2 = arith.constant 0 : index
    %get3A_3 = arith.constant 0 : index
    %get3A_4 = arith.constant 0 : index
    %get3A_5 = vector.load %arg1[%get3A_2, %get3A_3, %get3A_4] : memref<2x1000x128xf32, #tpu.memory_space<vmem>>, vector<1x1000x128xf32>
    %get3A_6 = vector.shape_cast %get3A_5 : vector<1x1000x128xf32> to vector<1000x128xf32>
    %get3A_7 = arith.constant 1 : index
    %get3A_8 = arith.constant 0 : index
    %get3A_9 = arith.constant 0 : index
    %get3A_10 = vector.load %arg1[%get3A_7, %get3A_8, %get3A_9] : memref<2x1000x128xf32, #tpu.memory_space<vmem>>, vector<1x1000x128xf32>
    %get3A_11 = vector.shape_cast %get3A_10 : vector<1x1000x128xf32> to vector<1000x128xf32>
    %add3A = arith.addf %get3A_6, %get3A_11 : vector<1000x128xf32>
    %get3A_12 = arith.constant 0 : index
    %get3A_13 = arith.constant 0 : index
    %get3A_14 = vector.load %arg2[%get3A_12, %get3A_13] : memref<1000x128xf32, #tpu.memory_space<vmem>>, vector<1000x128xf32>
    %add3A_15 = arith.addf %add3A, %get3A_14 : vector<1000x128xf32>
    %mul3A = arith.mulf %get3A_1, %add3A_15 : vector<1000x128xf32>
    %get3A_16 = arith.constant 0 : index
    %get3A_17 = arith.constant 0 : index
    %get3A_18 = vector.load %arg4[%get3A_16, %get3A_17] : memref<1x128xf32, #tpu.memory_space<vmem>>, vector<1x128xf32>
    %add3A_19 = vector.broadcast %get3A_18 : vector<1x128xf32> to vector<1000x128xf32>
    %add3A_20 = arith.addf %mul3A, %add3A_19 : vector<1000x128xf32>
    %get3A_21 = arith.constant 0 : index
    %get3A_22 = arith.constant 0 : index
    %get3A_23 = vector.load %arg5[%get3A_21, %get3A_22] : memref<1x128xf32, #tpu.memory_space<vmem>>, vector<1x128xf32>
    %rsqrt3A = arith.constant 1.000010e+00 : f32
    %rsqrt3A_24 = math.rsqrt %rsqrt3A : f32
    %mul3A_25 = vector.broadcast %rsqrt3A_24 : f32 to vector<1x128xf32>
    %mul3A_26 = arith.mulf %get3A_23, %mul3A_25 : vector<1x128xf32>
    %mul3A_27 = vector.broadcast %mul3A_26 : vector<1x128xf32> to vector<1000x128xf32>
    %mul3A_28 = arith.mulf %add3A_20, %mul3A_27 : vector<1000x128xf32>
    %get3A_29 = arith.constant 0 : index
    %get3A_30 = arith.constant 0 : index
    %get3A_31 = vector.load %arg6[%get3A_29, %get3A_30] : memref<1x128xf32, #tpu.memory_space<vmem>>, vector<1x128xf32>
    %add3A_32 = vector.broadcast %get3A_31 : vector<1x128xf32> to vector<1000x128xf32>
    %add3A_33 = arith.addf %mul3A_28, %add3A_32 : vector<1000x128xf32>
    %max3A = arith.constant 0.000000e+00 : f32
    %max3A_34 = vector.broadcast %max3A : f32 to vector<1000x128xf32>
    %max3A_35 = arith.maximumf %add3A_33, %max3A_34 : vector<1000x128xf32>
    %get3A_36 = arith.constant 0 : index
    %get3A_37 = arith.constant 0 : index
    %get3A_38 = vector.load %arg7[%get3A_36, %get3A_37] : memref<1000x128xf32, #tpu.memory_space<vmem>>, vector<1000x128xf32>
    %get3A_39 = arith.constant 0 : index
    %get3A_40 = arith.constant 0 : index
    %get3A_41 = vector.load %arg8[%get3A_39, %get3A_40] : memref<128x128xf32, #tpu.memory_space<vmem>>, vector<128x128xf32>
    %dot_general3A = arith.constant dense<0.000000e+00> : vector<1000x128xf32>
    %dot_general3A_42 = tpu.matmul %get3A_38, %get3A_41, %dot_general3A {dimension_numbers = #tpu.dot_dimension_numbers<[1], [0], [0], [1], [0, 0, 1, 1], [], []>, precision = #tpu.contract_precision<fp32>, transpose_lhs_hint = false} : vector<1000x128xf32>, vector<128x128xf32>, vector<1000x128xf32> -> vector<1000x128xf32>
    %get3A_43 = arith.constant 0 : index
    %get3A_44 = arith.constant 0 : index
    %get3A_45 = vector.load %arg9[%get3A_43, %get3A_44] : memref<128x128xf32, #tpu.memory_space<vmem>>, vector<128x128xf32>
    %dot_general3A_46 = arith.constant dense<0.000000e+00> : vector<1000x128xf32>
    %dot_general3A_47 = tpu.matmul %max3A_35, %get3A_45, %dot_general3A_46 {dimension_numbers = #tpu.dot_dimension_numbers<[1], [0], [0], [1], [0, 0, 1, 1], [], []>, precision = #tpu.contract_precision<fp32>, transpose_lhs_hint = false} : vector<1000x128xf32>, vector<128x128xf32>, vector<1000x128xf32> -> vector<1000x128xf32>
    %add3A_48 = arith.addf %dot_general3A_42, %dot_general3A_47 : vector<1000x128xf32>
    %get3A_49 = arith.constant 0 : index
    %get3A_50 = arith.constant 0 : index
    %get3A_51 = vector.load %arg10[%get3A_49, %get3A_50] : memref<1x128xf32, #tpu.memory_space<vmem>>, vector<1x128xf32>
    %add3A_52 = vector.broadcast %get3A_51 : vector<1x128xf32> to vector<1000x128xf32>
    %add3A_53 = arith.addf %add3A_48, %add3A_52 : vector<1000x128xf32>
    %max3A_54 = arith.constant 0.000000e+00 : f32
    %max3A_55 = vector.broadcast %max3A_54 : f32 to vector<1000x128xf32>
    %max3A_56 = arith.maximumf %add3A_53, %max3A_55 : vector<1000x128xf32>
    %get3A_57 = arith.constant 0 : index
    %get3A_58 = arith.constant 0 : index
    %get3A_59 = vector.load %arg11[%get3A_57, %get3A_58] : memref<128x128xf32, #tpu.memory_space<vmem>>, vector<128x128xf32>
    %dot_general3A_60 = arith.constant dense<0.000000e+00> : vector<1000x128xf32>
    %dot_general3A_61 = tpu.matmul %max3A_56, %get3A_59, %dot_general3A_60 {dimension_numbers = #tpu.dot_dimension_numbers<[1], [0], [0], [1], [0, 0, 1, 1], [], []>, precision = #tpu.contract_precision<fp32>, transpose_lhs_hint = false} : vector<1000x128xf32>, vector<128x128xf32>, vector<1000x128xf32> -> vector<1000x128xf32>
    %get3A_62 = arith.constant 0 : index
    %get3A_63 = arith.constant 0 : index
    %get3A_64 = vector.load %arg12[%get3A_62, %get3A_63] : memref<1x128xf32, #tpu.memory_space<vmem>>, vector<1x128xf32>
    %add3A_65 = vector.broadcast %get3A_64 : vector<1x128xf32> to vector<1000x128xf32>
    %add3A_66 = arith.addf %dot_general3A_61, %add3A_65 : vector<1000x128xf32>
    %swap3A = arith.constant 0 : index
    %swap3A_67 = arith.constant 0 : index
    %swap3A_68 = vector.load %arg13[%swap3A, %swap3A_67] : memref<1000x128xf32, #tpu.memory_space<vmem>>, vector<1000x128xf32>
    tpu.vector_store %arg13[%swap3A, %swap3A_67], %add3A_66 {strides = array<i32>} : memref<1000x128xf32, #tpu.memory_space<vmem>>, vector<1000x128xf32>,
    return
  }
  func.func @transform_0(%arg0: i32) -> (i32, i32, i32) {
    %c0_i32 = arith.constant 0 : i32
    %c0_i32_0 = arith.constant 0 : i32
    %c0_i32_1 = arith.constant 0 : i32
    return %c0_i32, %arg0, %c0_i32_0 : i32, i32, i32
  }
  func.func @transform_1(%arg0: i32) -> (i32, i32) {
    %c0_i32 = arith.constant 0 : i32
    %c0_i32_0 = arith.constant 0 : i32
    return %arg0, %c0_i32 : i32, i32
  }
  func.func @transform_2(%arg0: i32) -> (i32, i32) {
    %c0_i32 = arith.constant 0 : i32
    %c0_i32_0 = arith.constant 0 : i32
    return %arg0, %c0_i32 : i32, i32
  }
  func.func @transform_3(%arg0: i32) -> (i32, i32) {
    %c0_i32 = arith.constant 0 : i32
    %c0_i32_0 = arith.constant 0 : i32
    %c0_i32_1 = arith.constant 0 : i32
    return %c0_i32, %c0_i32_0 : i32, i32
  }
  func.func @transform_4(%arg0: i32) -> (i32, i32) {
    %c0_i32 = arith.constant 0 : i32
    %c0_i32_0 = arith.constant 0 : i32
    %c0_i32_1 = arith.constant 0 : i32
    return %c0_i32, %c0_i32_0 : i32, i32
  }
  func.func @transform_5(%arg0: i32) -> (i32, i32) {
    %c0_i32 = arith.constant 0 : i32
    %c0_i32_0 = arith.constant 0 : i32
    %c0_i32_1 = arith.constant 0 : i32
    return %c0_i32, %c0_i32_0 : i32, i32
  }
  func.func @transform_6(%arg0: i32) -> (i32, i32) {
    %c0_i32 = arith.constant 0 : i32
    %c0_i32_0 = arith.constant 0 : i32
    return %arg0, %c0_i32 : i32, i32
  }
  func.func @transform_7(%arg0: i32) -> (i32, i32) {
    %c0_i32 = arith.constant 0 : i32
    %c0_i32_0 = arith.constant 0 : i32
    %c0_i32_1 = arith.constant 0 : i32
    return %c0_i32, %c0_i32_0 : i32, i32
  }
  func.func @transform_8(%arg0: i32) -> (i32, i32) {
    %c0_i32 = arith.constant 0 : i32
    %c0_i32_0 = arith.constant 0 : i32
    %c0_i32_1 = arith.constant 0 : i32
    return %c0_i32, %c0_i32_0 : i32, i32
  }
  func.func @transform_9(%arg0: i32) -> (i32, i32) {
    %c0_i32 = arith.constant 0 : i32
    %c0_i32_0 = arith.constant 0 : i32
    %c0_i32_1 = arith.constant 0 : i32
    return %c0_i32, %c0_i32_0 : i32, i32
  }
  func.func @transform_10(%arg0: i32) -> (i32, i32) {
    %c0_i32 = arith.constant 0 : i32
    %c0_i32_0 = arith.constant 0 : i32
    %c0_i32_1 = arith.constant 0 : i32
    return %c0_i32, %c0_i32_0 : i32, i32
  }
  func.func @transform_11(%arg0: i32) -> (i32, i32) {
    %c0_i32 = arith.constant 0 : i32
    %c0_i32_0 = arith.constant 0 : i32
    %c0_i32_1 = arith.constant 0 : i32
    return %c0_i32, %c0_i32_0 : i32, i32
  }
  func.func @transform_12(%arg0: i32) -> (i32, i32) {
    %c0_i32 = arith.constant 0 : i32
    %c0_i32_0 = arith.constant 0 : i32
    return %arg0, %c0_i32 : i32, i32
  }
}

</mosaic_0001>

<sc_bundles>
// kernel: kernel.12.cloned.1.call-start
scs
__scs_entry_jumppad:
0x0: {  	(pc) =	sbr.rel $0x88, $3  }
0x1: {  	(tag) =	ssettag $0x0;
	lr =	simm.s32 $0x1  }
0x2: {  	[smem:$0x3F93] =	sst lr;
	_ =	strace $0xD0000000  }
0x3: {  	_ = 	snop  }
0x4: {  	_ = 	snop  }
0x5: {  	_ = 	snop  }
0x6: {  	_ = 	snop  }
0x7: {  	_ = 	snop  }
__scs_overlays_trampoline_lowered:
0x8: {  	[smem:$0x3FA2] =	sst s0  }
0x9: {  	[smem:$0x3FA3] =	sst s1  }
0xa: {  	[smem:$0x3FA4] =	sst s2  }
0xb: {  	[smem:$0x3FA5] =	sst s3  }
0xc: {  	[smem:$0x3FA6] =	sst s4  }
0xd: {  	[smem:$0x3FA7] =	sst s5  }
0xe: {  	[smem:$0x3FA8] =	sst s6  }
0xf: {  	[smem:$0x3FA9] =	sst s7  }
0x10: {  	[smem:$0x3FAA] =	sst s8  }
0x11: {  	[smem:$0x3FAB] =	sst s9;
	s0 =	simm.s32 @!p0 $0x0  }
0x12: {  	s1 =	sld [smem:$0x3F91];
	s0 =	simm.s32 @p0 $0x1  }
0x13: {  	[smem:$0x3FAC] =	sst s0;
	s0 =	simm.s32 @!p1 $0x0  }
0x14: {  	s2 =	sld [smem:$0x3F90];
	s0 =	simm.s32 @p1 $0x1  }
0x15: {  	[smem:$0x3FAD] =	sst s0;
	s0 =	simm.s32 @!p2 $0x0  }
0x16: {  	s3 =	sld [smem:$0x3FDB];
	s0 =	simm.s32 @p2 $0x1  }
0x17: {  	s4 =	simm.s32 $0x1BF5;
	[smem:$0x3FAF] =	sst s0  }
0x18: {  	s0 =	sld [smem:$0x3F92];
	_ =	swait.ge [sflag:s4], $0x0  }
0x19: {  	s7 =	sld [smem:$0x3F93]  }
0x1a: {  	s8 =	sadd.s32 $0xFFFFE003, lr  }
0x1b: {  	s9 =	sadd.s32 $0xFFFFFEF7, lr;
	s5 =	simm.s32 $0xFFFFFFFF;
	p2 =	slt.u32 s8, $0xFFFFF086  }
0x1c: {  	p1 =	slt.u32 s9, $0xF7A;
	s5 =	simm.s32 @!p2 $0x0  }
0x1d: {  	s5 =	simm.s32 @p1 $0x1;
	p0 =	seq.s32 s7, s2  }
0x1e: {  	s7 =	smul.u32 @!p0 $0xF7A, s2;
	p2 =	seq.s32 @!p0 s5, $0x0  }
0x1f: {  	s9 =	smul.u32 $0xF7A, s1;
	s8 =	simm.s32 @!p0 $0x1BF5;
	p2 =	por !p2, p0  }
0x20: {  	[sflag:s8] =	ssyncset.s32 @!p0 $0xFFFFF086;
	s6 =	sadd.s32 @!p0 s3, s7;
	s7 =	simm.s32 @!p0 $0x108  }
0x21: {  	s3 =	sadd.s32 s3, s9;
	s6 =	sadd.s32 @!p0 $0x88, s6;
	s7 =	simm.s32 @p2 $0x1082  }
0x22: {  	[simem:s7], [sflag:s8] =	dma.local @!p0 [hbm:s6], $0xF7A  }
0x23: {  	s9 =	sor.u32 $0xD0000000, s2;
	s6 =	simm.s32 $0x108;
	_ =	swait.ge @!p0 [sflag:s8], $0x0  }
0x24: {  	s3 =	sadd.s32 $0x88, s3;
	s6 =	simm.s32 @!p1 $0x1082;
	[sflag:s4] =	ssyncset.s32 $0xFFFFF086  }
0x25: {  	[simem:s6], [sflag:s4] =	dma.local [hbm:s3], $0xF7A  }
0x26: {  	[smem:$0x3F93] =	sst s1;
	(tag) =	ssettag s2;
	_ =	strace s9  }
0x27: {  	s1 =	sld [smem:$0x3FA3]  }
0x28: {  	s2 =	sld [smem:$0x3FA4]  }
0x29: {  	s4 =	sld [smem:$0x3FA6]  }
0x2a: {  	p0 =	seq.s32 s5, $0x0;
	s5 =	sld [smem:$0x3FA7]  }
0x2b: {  	s6 =	sld [smem:$0x3FA8]  }
0x2c: {  	s7 =	sld [smem:$0x3FA9]  }
0x2d: {  	s3 =	simm.s32 $0x108;
	s8 =	sld [smem:$0x3FAA]  }
0x2e: {  	s3 =	simm.s32 @!p0 $0x1082;
	s9 =	sld [smem:$0x3FAB]  }
0x2f: {  	lr =	sadd.s32 s0, s3;
	s0 =	sld [smem:$0x3FA2]  }
0x30: {  	s3 =	sld [smem:$0x3FA5]  }
0x31: {  	[smem:$0x3FAE] =	sst s10  }
0x32: {  	s10 =	sld [smem:$0x3FAC];
	_ =	sdelay $0x3  }
0x33: {  	p0 =	seq.s32 s10, $0x1;
	s10 =	sld [smem:$0x3FAE];
	_ =	sdelay $0x3  }
0x34: {  	[smem:$0x3FAE] =	sst s10  }
0x35: {  	s10 =	sld [smem:$0x3FAD];
	_ =	sdelay $0x3  }
0x36: {  	p1 =	seq.s32 s10, $0x1;
	s10 =	sld [smem:$0x3FAE];
	_ =	sdelay $0x3  }
0x37: {  	[smem:$0x3FAE] =	sst s10  }
0x38: {  	s10 =	sld [smem:$0x3FAF]  }
0x39: {  	_ = 	snop;
	(pc) =	sbr.ind lr, $3  }
0x3a: {  	_ = 	snop  }
0x3b: {  	_ = 	snop  }
0x3c: {  	p2 =	seq.s32 s10, $0x1;
	s10 =	sld [smem:$0x3FAE]  }
0x3d: {  	_ =	shalt  }
0x3e: {  	_ =	shalt  }
0x3f: {  	_ =	shalt  }
0x40: {  	_ =	shalt  }
0x41: {  	_ =	shalt  }
0x42: {  	_ =	shalt  }
0x43: {  	_ =	shalt  }
0x44: {  	_ =	shalt  }
0x45: {  	_ =	shalt  }
0x46: {  	_ =	shalt  }
0x47: {  	_ =	shalt  }
0x48: {  	_ =	shalt  }
0x49: {  	_ =	shalt  }
0x4a: {  	_ =	shalt  }
0x4b: {  	_ =	shalt  }
0x4c: {  	_ =	shalt  }
0x4d: {  	_ =	shalt  }
0x4e: {  	_ =	shalt  }
0x4f: {  	_ =	shalt  }
0x50: {  	_ =	shalt  }
0x51: {  	_ =	shalt  }
0x52: {  	_ =	shalt  }
0x53: {  	_ =	shalt  }
0x54: {  	_ =	shalt  }
0x55: {  	_ =	shalt  }
0x56: {  	_ =	shalt  }
0x57: {  	_ =	shalt  }
0x58: {  	_ =	shalt  }
0x59: {  	_ =	shalt  }
0x5a: {  	_ =	shalt  }
0x5b: {  	_ =	shalt  }
0x5c: {  	_ =	shalt  }
0x5d: {  	_ =	shalt  }
0x5e: {  	_ =	shalt  }
0x5f: {  	_ =	shalt  }
0x60: {  	_ =	shalt  }
0x61: {  	_ =	shalt  }
0x62: {  	_ =	shalt  }
0x63: {  	_ =	shalt  }
0x64: {  	_ =	shalt  }
0x65: {  	_ =	shalt  }
0x66: {  	_ =	shalt  }
0x67: {  	_ =	shalt  }
0x68: {  	_ =	shalt  }
0x69: {  	_ =	shalt  }
0x6a: {  	_ =	shalt  }
0x6b: {  	_ =	shalt  }
0x6c: {  	_ =	shalt  }
0x6d: {  	_ =	shalt  }
0x6e: {  	_ =	shalt  }
0x6f: {  	_ =	shalt  }
0x70: {  	_ =	shalt  }
0x71: {  	_ =	shalt  }
0x72: {  	_ =	shalt  }
0x73: {  	_ =	shalt  }
0x74: {  	_ =	shalt  }
0x75: {  	_ =	shalt  }
0x76: {  	_ =	shalt  }
0x77: {  	_ =	shalt  }
0x78: {  	_ =	shalt  }
0x79: {  	_ =	shalt  }
0x7a: {  	_ =	shalt  }
0x7b: {  	_ =	shalt  }
0x7c: {  	_ =	shalt  }
0x7d: {  	_ =	shalt  }
0x7e: {  	_ =	shalt  }
0x7f: {  	_ =	shalt  }
0x80: {  	_ =	shalt  }
0x81: {  	_ =	shalt  }
0x82: {  	_ =	shalt  }
0x83: {  	_ =	shalt  }
0x84: {  	_ =	shalt  }
0x85: {  	_ =	shalt  }
0x86: {  	_ =	shalt  }
0x87: {  	_ =	shalt  }
.Lfunc_end0:
.L_simem_size_0:
called_computation.1_lowered:
.L_overlay_start_0:
0x88: {  	s2 =	sld [smem:$0x3FD9]  }
0x89: {  	s3 =	sld [smem:$0x3FFE];
	_ =	sdelay $0x1  }
0x8a: {  	s1 =	srdreg.scid  }
0x8b: {  	s0 =	sand.u32 $0x1, s1  }
0x8c: {  	s17 =	sshll.u32 s0, $0xA;
	s2 =	sadd.s32 s3, s2  }
0x8d: {  	s2 =	sadd.s32 s2, s17  }
0x8e: {  	[smem:$0x3FBA] =	sst s2  }
0x8f: {  	_ = 	snop  }
0x90: {  	s2 =	sld [smem:$0x3FD0];
	(tm) =	ssettm $0x1  }
0x91: {  	s18 =	sld [smem:$0x3FFB];
	_ =	sdelay $0x3  }
0x92: {  	_ =	strace s18  }
0x93: {  	s3 =	sld [smem:$0x3FFC];
	_ =	sdelay $0x3  }
0x94: {  	_ =	strace s3  }
0x95: {  	s3 =	sld [smem:$0x3FFD];
	_ =	sdelay $0x3  }
0x96: {  	_ =	strace s3  }
0x97: {  	_ =	strace $0x8FFFFFFF  }
0x98: {  	s19 =	sld [smem:$0x3FDB];
	_ =	sdelay $0x1  }
0x99: {  	s4 =	simm.s32 $_scs_section_size  }
0x9a: {  	s5 =	simm.s32 $_size__tile_overlayer_lowered;
	s6 =	simm.s32 $_tile_overlayer_lowered  }
0x9b: {  	s22 =	simm.s32 $0x1BFF;
	s21 =	sshll.u32 s6, $0x1;
	s3 =	sadd.s32 s4, s19  }
0x9c: {  	s7 =	simm.s32 $0x0;
	s20 =	sshll.u32 s5, $0x1;
	s5 =	sadd.s32 s21, s3  }
0x9d: {  	[timem:s7], [sflag:s22] =	dma.local [hbm:s5], s20  }
0x9e: {  	_ =	swait.ge [sflag:s22], s20  }
0x9f: {  	s4 =	ssub.s32 $0x0, s20;
	[sflag:s22] =	ssyncset.done $0x0  }
0xa0: {  	[sflag:s22] =	ssyncadd.s32 s4;
	_ =	sdelay $0x1  }
0xa1: {  	s23 =	simm.s32 $0x1B8B  }
0xa2: {  	_ =	swait.ge [sflag:s23], $0x1  }
0xa3: {  	[sflag:s23] =	ssyncset.done $0x0  }
0xa4: {  	s25 =	simm.s32 $0x1B8E;
	s24 =	sld [smem:$0x3FFE];
	[sflag:s23] =	ssyncadd.s32 $0xFFFFFFFF  }
0xa5: {  	s26 =	simm.s32 $execute0_lowered;
	[smem:$0x3FD2] =	sst s25  }
0xa6: {  	s5 =	sshll.u32 s26, $0x1;
	_ =	strace $0x80000049;
	[dreg:$0x1] =	wrdreg $0xFFFFFFFF  }
0xa7: {  	s28 =	simm.s32 $_size_execute0_lowered;
	s3 =	sadd.s32 s3, s5;
	[dreg:$0x0] =	wrdreg $0x0  }
0xa8: {  	s5 =	sshll.u32 s28, $0x1;
	[dreg:$0x2] =	wrdreg s3  }
0xa9: {  	[dreg:$0x3] =	wrdreg s5  }
0xaa: {  	[dreg:$0x4] =	wrdreg $0xC0  }
0xab: {  	_ =	task [dreg:s7], $0x5FFFF  }
0xac: {  	[dreg:$0x1] =	wrdreg $0xFFFFFFFF  }
0xad: {  	[dreg:$0x0] =	wrdreg $0x60  }
0xae: {  	[dreg:$0x2] =	wrdreg s2  }
0xaf: {  	[dreg:$0x3] =	wrdreg s24  }
0xb0: {  	[dreg:$0x4] =	wrdreg $0xBC000  }
0xb1: {  	[dreg:$0x5] =	wrdreg $0x9  }
0xb2: {  	_ =	task.clear_ibuf [dreg:s7], $0x6FFFF;
	_ =	strace $0x90000049  }
0xb3: {  	s29 =	simm.s32 $0x9;
	_ =	strace $0x8000004B  }
0xb4: {  	_ =	swait.ge [sflag:s29], $0x1  }
0xb5: {  	[sflag:s29] =	ssyncadd.s32 $0xFFFFFFFF  }
0xb6: {  	_ =	strace $0x9000004B  }
0xb7: {  	_ =	sfence  }
0xb8: {  	s30 =	sld [smem:$0x0];
	_ =	sdelay $0x2  }
0xb9: {  	s31 =	sshll.u32 s1, $0xD;
	s1 =	sshrl.u32 s1, $0x2  }
0xba: {  	s3 =	sand.u32 $0x4000, s31;
	s1 =	sadd.s32 s1, s30  }
0xbb: {  	s0 =	sor.u32 s3, s0;
	s1 =	sshll.u32 s1, $0x11  }
0xbc: {  	s0 =	sor.u32 s1, s0  }
0xbd: {  	s0 =	sadd.s32 $0x8F2B, s0  }
0xbe: {  	[sflag:s0] =	ssyncadd.remote.s32 $0x1  }
0xbf: {  	_ =	sfence.sel $0xFFFF  }
0xc0: {  	[dreg:$0x0] =	wrdreg $0xFFFFFFFF;
	(pc) =	sbr.abs _section_cstart, $3  }
0xc1: {  	[dreg:$0x1] =	wrdreg $0xFFFFFFFF  }
0xc2: {  	_ =	task.clear_ibuf [dreg:s7], $0x2FFFF;
	_ =	strace $0x9FFFFFFF  }
0xc3: {  	(tm) =	ssettm $0x7FFFFFFF  }
tec
execute0_lowered:
.L_overlay_start_1:
0x0: {  	(tag) =	ssettag $0x1  }
0x1: {  	s0 =	rddreg [dreg:$0x0]  }
0x2: {  	s2 =	rddreg [dreg:$0x1]  }
0x3: {  	s1 =	srdreg.scid;
	s3 =	rddreg [dreg:$0x2]  }
0x4: {  	s11 =	stileid.u32;
	s4 =	simm.s32 $0x0;
	s21 =	simm.s32 $0x3C00  }
0x5: {  	s22 =	simm.s32 $0x80;
	s23 =	simm.s32 $0x7C00;
	s24 =	simm.s32 $0x1  }
0x6: {  	s25 =	simm.s32 $0x4;
	s26 =	simm.s32 $0x2;
	s30 =	simm.s32 $0x0  }
0x7: {  	s1 =	sand.u32 $0x1, s1;
	[smem:$0x7FF] =	sst s4;
	s8 =	smul.u32 $0x4F000, s11  }
0x8: {  	s13 =	sadd.s32 $0xE000, s2;
	s28 =	sadd.s32 $0x18000, s2;
	s14 =	smul.u32 $0x13C00, s11  }
0x9: {  	s5 =	sshll.u32 s1, $0x4;
	_ =	strace $0x8000004A;
	s7 =	ssub.s32 $0x2, s1  }
0xa: {  	[dreg:$0x4] =	wrdreg s28;
	s1 =	smul.u32 $0x13C000, s1;
	s9 =	sor.u32 s11, s5  }
0xb: {  	s10 =	sshrl.u32 s7, $0x1;
	s29 =	sshrl.u32 s8, $0x2;
	s15 =	sadd.s32 $0x4000, s14  }
0xc: {  	s16 =	sadd.s32 $0x8000, s14;
	s18 =	sadd.s32 $0xC000, s14;
	s20 =	sadd.s32 $0x10000, s14  }
0xd: {  	s12 =	smul.u32 $0x500, s9;
	s19 =	ssub.s32 s7, s10;
	s7 =	sadd.s32 s29, s3  }
0xe: {  	s8 =	sadd.s32 s15, s3;
	s17 =	smul.u32 $0x2800, s9;
	s9 =	sadd.s32 s16, s3  }
0xf: {  	s10 =	sadd.s32 s18, s3;
	s11 =	sadd.s32 s20, s3;
	s14 =	sadd.s32 s14, s1  }
0x10: {  	s15 =	sadd.s32 s1, s15;
	s16 =	sadd.s32 s1, s16;
	s31 =	sadd.s32 s1, s18  }
0x11: {  	s1 =	sadd.s32 s1, s20;
	s20 =	simm.s32 $0x3;
	s14 =	sshrl.u32 s14, $0x3  }
0x12: {  	s15 =	sshrl.u32 s15, $0x3;
	s16 =	sshrl.u32 s16, $0x3;
	s1 =	sshrl.u32 s1, $0x3  }
.Ltmp0:
0x13: {  	s19 =	smax.u32 s19, $0x1;
	s6 =	sadd.s32 s12, s2;
	(pc) =	sbr.rel .LBB2_1-.Ltmp0, $4  }
0x14: {  	s2 =	sadd.s32 $0x18800, s2;
	s12 =	sadd.s32 s13, s12;
	s17 =	sshrl.u32 s17, $0x3  }
0x15: {  	s6 =	sadd.s32 $0x4000, s6;
	s13 =	sadd.s32 s13, s17;
	s14 =	sadd.s32 s2, s14  }
0x16: {  	s15 =	sadd.s32 s2, s15;
	s17 =	sshrl.u32 s31, $0x3;
	s16 =	sadd.s32 s2, s16  }
0x17: {  	s18 =	sadd.s32 s2, s1;
	s13 =	sadd.s32 $0x280, s13;
	s17 =	sadd.s32 s2, s17  }
.LBB2_13:
0x18: {  	_ =	swait.ge [sflag:s26], $0x4000  }
0x19: {  	[sflag:s26] =	ssyncset.done $0x0  }
0x1a: {  	s1 =	simm.s32 $0x3B80;
	[sflag:s26] =	ssyncadd.s32 $0xFFFFC000  }
0x1b: {  	[spmem:s3] =	stream.indirect.scatter.add.f32 [tilespmem:s23], [sflag:$0x3], $0x80, s1, s22, $0xb8;
	[tilespmem:$0x1F800] =	vst v63  }
0x1c: {  	_ =	swait.ge [sflag:s20], $0x4000  }
0x1d: {  	[sflag:s20] =	ssyncset.done $0x0  }
0x1e: {  	[sflag:s20] =	ssyncadd.s32 $0xFFFFC000  }
0x1f: {  	[bflag:$0x0] =	sbarrier.arrive $0xFFFF  }
0x20: {  	[tilespmem:s21], [sflag:$0x3] =	stream.linear.gather [spmem:s7], $0x4000, $0x38;
	[tilespmem:$0x1F800] =	vst v63  }
0x21: {  	_ =	swait.ge [sflag:s20], $0x4000  }
0x22: {  	[sflag:s20] =	ssyncset.done $0x0  }
0x23: {  	[sflag:s20] =	ssyncadd.s32 $0xFFFFC000  }
0x24: {  	[hbm4b:s14+s4] =	stream.linear.scatter [tilespmem:s21], [sflag:$0x3], $0x4000, $0x38;
	[tilespmem:$0x1F800] =	vst v63  }
0x25: {  	_ =	swait.ge [sflag:s20], $0x4000  }
0x26: {  	[sflag:s20] =	ssyncset.done $0x0  }
0x27: {  	[sflag:s20] =	ssyncadd.s32 $0xFFFFC000  }
0x28: {  	[tilespmem:s21], [sflag:$0x3] =	stream.linear.gather [spmem:s8], $0x4000, $0x38;
	[tilespmem:$0x1F800] =	vst v63  }
0x29: {  	_ =	swait.ge [sflag:s20], $0x4000  }
0x2a: {  	[sflag:s20] =	ssyncset.done $0x0  }
0x2b: {  	[sflag:s20] =	ssyncadd.s32 $0xFFFFC000  }
0x2c: {  	[hbm4b:s15+s4] =	stream.linear.scatter [tilespmem:s21], [sflag:$0x3], $0x4000, $0x38;
	[tilespmem:$0x1F800] =	vst v63  }
0x2d: {  	_ =	swait.ge [sflag:s20], $0x4000  }
0x2e: {  	[sflag:s20] =	ssyncset.done $0x0  }
0x2f: {  	[sflag:s20] =	ssyncadd.s32 $0xFFFFC000  }
0x30: {  	[tilespmem:s21], [sflag:$0x3] =	stream.linear.gather [spmem:s9], $0x4000, $0x38;
	[tilespmem:$0x1F800] =	vst v63  }
0x31: {  	_ =	swait.ge [sflag:s20], $0x4000  }
0x32: {  	[sflag:s20] =	ssyncset.done $0x0  }
0x33: {  	[sflag:s20] =	ssyncadd.s32 $0xFFFFC000  }
0x34: {  	[hbm4b:s16+s4] =	stream.linear.scatter [tilespmem:s21], [sflag:$0x3], $0x4000, $0x38;
	[tilespmem:$0x1F800] =	vst v63  }
0x35: {  	_ =	swait.ge [sflag:s20], $0x4000  }
0x36: {  	[sflag:s20] =	ssyncset.done $0x0  }
0x37: {  	[sflag:s20] =	ssyncadd.s32 $0xFFFFC000  }
0x38: {  	[tilespmem:s21], [sflag:$0x3] =	stream.linear.gather [spmem:s10], $0x4000, $0x38;
	[tilespmem:$0x1F800] =	vst v63  }
0x39: {  	_ =	swait.ge [sflag:s20], $0x4000  }
0x3a: {  	[sflag:s20] =	ssyncset.done $0x0  }
0x3b: {  	[sflag:s20] =	ssyncadd.s32 $0xFFFFC000  }
0x3c: {  	[hbm4b:s17+s4] =	stream.linear.scatter [tilespmem:s21], [sflag:$0x3], $0x4000, $0x38;
	[tilespmem:$0x1F800] =	vst v63  }
0x3d: {  	_ =	swait.ge [sflag:s20], $0x4000  }
0x3e: {  	[sflag:s20] =	ssyncset.done $0x0  }
0x3f: {  	[sflag:s20] =	ssyncadd.s32 $0xFFFFC000  }
0x40: {  	[tilespmem:s21], [sflag:$0x3] =	stream.linear.gather [spmem:s11], $0x3C00, $0x38;
	[tilespmem:$0x1F800] =	vst v63  }
0x41: {  	s30 =	sadd.s32 $0x1, s30;
	_ =	swait.ge [sflag:s20], $0x3C00  }
0x42: {  	p0 =	sne.s32 s30, s19;
	[sflag:s20] =	ssyncset.done $0x0  }
.Ltmp1:
0x43: {  	[sflag:s20] =	ssyncadd.s32 $0xFFFFC400;
	(pc) =	sbr.rel @!p0 .LBB2_14-.Ltmp1, $4  }
0x44: {  	[hbm4b:s18+s4] =	stream.linear.scatter [tilespmem:s21], [sflag:$0x3], $0x3C00, $0x38;
	[tilespmem:$0x1F800] =	vst v63  }
0x45: {  	_ =	swait.ge [sflag:s20], $0x3C00  }
0x46: {  	[sflag:s20] =	ssyncset.done $0x0  }
0x47: {  	[sflag:s20] =	ssyncadd.s32 $0xFFFFC400  }
.LBB2_1:
0x48: {  	s31 =	simm.s32 $0x1400  }
0x49: {  	[tilespmem:s31], [sflag:$0x3] =	stream.linear.gather [hbm4b:s6+s4], $0x2800, $0x38;
	[tilespmem:$0x1F800] =	vst v63  }
0x4a: {  	_ =	swait.ge [sflag:s20], $0x2800  }
0x4b: {  	[sflag:s20] =	ssyncset.done $0x0  }
0x4c: {  	s1 =	rddreg [dreg:$0x4];
	[sflag:s20] =	ssyncadd.s32 $0xFFFFD800  }
0x4d: {  	[tilespmem:s21], [sflag:$0x3] =	stream.linear.gather [hbm4b:s1+s4], $0x4000, $0x38;
	[tilespmem:$0x1F800] =	vst v63  }
0x4e: {  	_ =	swait.ge [sflag:s20], $0x4000  }
0x4f: {  	[sflag:s20] =	ssyncset.done $0x0  }
0x50: {  	[sflag:s20] =	ssyncadd.s32 $0xFFFFC000  }
0x51: {  	[spmem:s7] =	stream.linear.scatter [tilespmem:s21], [sflag:$0x3], $0x4000, $0x38;
	[tilespmem:$0x1F800] =	vst v63  }
0x52: {  	_ =	swait.ge [sflag:s20], $0x4000  }
0x53: {  	[sflag:s20] =	ssyncset.done $0x0  }
0x54: {  	[sflag:s20] =	ssyncadd.s32 $0xFFFFC000  }
0x55: {  	[spmem:s8] =	stream.linear.scatter [tilespmem:s21], [sflag:$0x3], $0x4000, $0x38;
	[tilespmem:$0x1F800] =	vst v63  }
0x56: {  	_ =	swait.ge [sflag:s20], $0x4000  }
0x57: {  	[sflag:s20] =	ssyncset.done $0x0  }
0x58: {  	[sflag:s20] =	ssyncadd.s32 $0xFFFFC000  }
0x59: {  	[spmem:s9] =	stream.linear.scatter [tilespmem:s21], [sflag:$0x3], $0x4000, $0x38;
	[tilespmem:$0x1F800] =	vst v63  }
0x5a: {  	_ =	swait.ge [sflag:s20], $0x4000  }
0x5b: {  	[sflag:s20] =	ssyncset.done $0x0  }
0x5c: {  	[sflag:s20] =	ssyncadd.s32 $0xFFFFC000  }
0x5d: {  	[spmem:s10] =	stream.linear.scatter [tilespmem:s21], [sflag:$0x3], $0x4000, $0x38;
	[tilespmem:$0x1F800] =	vst v63  }
0x5e: {  	_ =	swait.ge [sflag:s20], $0x4000  }
0x5f: {  	[sflag:s20] =	ssyncset.done $0x0  }
0x60: {  	[sflag:s20] =	ssyncadd.s32 $0xFFFFC000  }
0x61: {  	[spmem:s11] =	stream.linear.scatter [tilespmem:s21], [sflag:$0x3], $0x3C00, $0x38;
	[tilespmem:$0x1F800] =	vst v63  }
0x62: {  	_ =	swait.ge [sflag:s20], $0x3C00  }
0x63: {  	[sflag:s20] =	ssyncset.done $0x0  }
0x64: {  	[sflag:s20] =	ssyncadd.s32 $0xFFFFC400  }
0x65: {  	[bflag:$0x0] =	sbarrier.arrive $0xFFFF  }
0x66: {  	[tilespmem:s4], [sflag:$0x3] =	stream.linear.gather [hbm4b:s12+s4], $0x1400, $0x38;
	[tilespmem:$0x1F800] =	vst v63  }
.Ltmp2:
0x67: {  	_ = 	snop;
	(pc) =	sbr.rel .LBB2_2-.Ltmp2, $4  }
0x68: {  	_ =	swait.ge [sflag:s20], $0x1400  }
0x69: {  	[sflag:s20] =	ssyncset.done $0x0  }
0x6a: {  	s2 =	simm.s32 $0x1;
	s1 =	simm.s32 $0x80;
	[sflag:s20] =	ssyncadd.s32 $0xFFFFEC00  }
0x6b: {  	[tilespmem:s21], [sflag:$0x1] =	stream.indirect.gather [hbm4b:s0+s22], $0x80, s4, s22, $0xb8;
	[tilespmem:$0x1F800] =	vst v63  }
.LBB2_5:
0x6c: {  	_ =	swait.ge [sflag:s26], $0x4000  }
0x6d: {  	[sflag:s26] =	ssyncset.done $0x0  }
0x6e: {  	[sflag:s26] =	ssyncadd.s32 $0xFFFFC000  }
0x6f: {  	[spmem:s3] =	stream.indirect.scatter.add.f32 [tilespmem:s23], [sflag:$0x3], $0x80, s31, s22, $0xb8;
	[tilespmem:$0x1F800] =	vst v63  }
0x70: {  	_ =	swait.ge [sflag:s20], $0x4000  }
0x71: {  	[sflag:s20] =	ssyncset.done $0x0  }
0x72: {  	[sflag:s20] =	ssyncadd.s32 $0xFFFFC000  }
.LBB2_6:
0x73: {  	s2 =	sadd.s32 $0x1, s2  }
0x74: {  	p0 =	sne.s32 s2, $0x28  }
.Ltmp3:
0x75: {  	_ = 	snop;
	(pc) =	sbr.rel @!p0 .LBB2_7-.Ltmp3, $2  }
0x76: {  	_ =	sdelay $0x2  }
0x77: {  	s31 =	sadd.s32 $0x80, s31;
	s1 =	sadd.s32 $0x80, s1  }
.LBB2_2:
0x78: {  	s28 =	sand.u32 $0x1, s2  }
0x79: {  	p0 =	seq.s32 s28, $0x1  }
0x7a: {  	s29 =	simm.s32 @!p0 $0x80;
	s5 =	simm.s32 @!p0 $0x3C00  }
0x7b: {  	[tilespmem:s5], [sflag:$0x1] =	stream.indirect.gather @!p0 [hbm4b:s0+s29], $0x80, s1, s29, $0xb8;
	[tilespmem:$0x1F800] =	vst v63  }
0x7c: {  	p0 =	seq.s32 s28, $0x0  }
.Ltmp4:
0x7d: {  	_ = 	snop;
	(pc) =	sbr.rel @p0 .LBB2_4-.Ltmp4, $1  }
0x7e: {  	_ =	sdelay $0x3  }
0x7f: {  	[tilespmem:s23], [sflag:$0x2] =	stream.indirect.gather [hbm4b:s0+s22], $0x80, s1, s22, $0xb8;
	[tilespmem:$0x1F800] =	vst v63  }
0x80: {  	_ =	swait.ge [sflag:s24], $0x4000  }
0x81: {  	[sflag:s24] =	ssyncset.done $0x0  }
0x82: {  	[sflag:s24] =	ssyncadd.s32 $0xFFFFC000  }
0x83: {  	[spmem:s3] =	stream.indirect.scatter.add.f32 [tilespmem:s21], [sflag:$0x4], $0x80, s31, s22, $0xb8;
	[tilespmem:$0x1F800] =	vst v63  }
.Ltmp5:
0x84: {  	_ = 	snop;
	(pc) =	sbr.rel @p0 .LBB2_5-.Ltmp5, $4  }
.Ltmp6:
0x85: {  	_ = 	snop;
	(pc) =	sbr.rel @!p0 .LBB2_6-.Ltmp6, $4  }
0x86: {  	_ =	swait.ge [sflag:s25], $0x4000  }
0x87: {  	[sflag:s25] =	ssyncset.done $0x0  }
0x88: {  	[sflag:s25] =	ssyncadd.s32 $0xFFFFC000  }
0x89: {  	_ = 	snop  }
.LBB2_4:
0x8a: {  	p0 =	sne.s32 s28, $0x0  }
.Ltmp7:
0x8b: {  	_ = 	snop;
	(pc) =	sbr.rel @p0 .LBB2_6-.Ltmp7, $4  }
.Ltmp8:
0x8c: {  	_ = 	snop;
	(pc) =	sbr.rel @!p0 .LBB2_5-.Ltmp8, $4  }
0x8d: {  	_ = 	snop  }
0x8e: {  	_ = 	snop  }
0x8f: {  	_ = 	snop  }
0x90: {  	_ = 	snop  }
.LBB2_7:
0x91: {  	_ =	swait.ge [sflag:s26], $0x4000  }
0x92: {  	[sflag:s26] =	ssyncset.done $0x0  }
0x93: {  	s31 =	simm.s32 $0x80;
	s1 =	simm.s32 $0x2780;
	[sflag:s26] =	ssyncadd.s32 $0xFFFFC000  }
0x94: {  	[spmem:s3] =	stream.indirect.scatter.add.f32 [tilespmem:s23], [sflag:$0x3], $0x80, s1, s31, $0xb8;
	[tilespmem:$0x1F800] =	vst v63  }
0x95: {  	_ =	swait.ge [sflag:s20], $0x4000  }
0x96: {  	[sflag:s20] =	ssyncset.done $0x0  }
0x97: {  	[sflag:s20] =	ssyncadd.s32 $0xFFFFC000  }
0x98: {  	[tilespmem:s4], [sflag:$0x3] =	stream.linear.gather [hbm4b:s13+s4], $0x1400, $0x38;
	[tilespmem:$0x1F800] =	vst v63  }
.Ltmp9:
0x99: {  	_ = 	snop;
	(pc) =	sbr.rel .LBB2_8-.Ltmp9, $4  }
0x9a: {  	_ =	swait.ge [sflag:s20], $0x1400  }
0x9b: {  	[sflag:s20] =	ssyncset.done $0x0  }
0x9c: {  	s2 =	simm.s32 $0x2800;
	s1 =	simm.s32 $0x1;
	[sflag:s20] =	ssyncadd.s32 $0xFFFFEC00  }
0x9d: {  	[tilespmem:s21], [sflag:$0x1] =	stream.indirect.gather [hbm4b:s0+s31], $0x80, s4, s31, $0xb8;
	[tilespmem:$0x1F800] =	vst v63  }
.LBB2_11:
0x9e: {  	_ =	swait.ge [sflag:s26], $0x4000  }
0x9f: {  	[sflag:s26] =	ssyncset.done $0x0  }
0xa0: {  	[sflag:s26] =	ssyncadd.s32 $0xFFFFC000  }
0xa1: {  	[spmem:s3] =	stream.indirect.scatter.add.f32 [tilespmem:s23], [sflag:$0x3], $0x80, s2, s22, $0xb8;
	[tilespmem:$0x1F800] =	vst v63  }
0xa2: {  	_ =	swait.ge [sflag:s20], $0x4000  }
0xa3: {  	[sflag:s20] =	ssyncset.done $0x0  }
0xa4: {  	[sflag:s20] =	ssyncadd.s32 $0xFFFFC000  }
.LBB2_12:
0xa5: {  	s1 =	sadd.s32 $0x1, s1  }
0xa6: {  	p0 =	sne.s32 s1, $0x28  }
.Ltmp10:
0xa7: {  	_ = 	snop;
	(pc) =	sbr.rel @!p0 .LBB2_13-.Ltmp10, $2  }
0xa8: {  	_ =	sdelay $0x2  }
0xa9: {  	s2 =	sadd.s32 $0x80, s2;
	s31 =	sadd.s32 $0x80, s31  }
.LBB2_8:
0xaa: {  	s28 =	sand.u32 $0x1, s1  }
0xab: {  	p0 =	seq.s32 s28, $0x1  }
0xac: {  	s5 =	simm.s32 @!p0 $0x80;
	s29 =	simm.s32 @!p0 $0x3C00  }
0xad: {  	[tilespmem:s29], [sflag:$0x1] =	stream.indirect.gather @!p0 [hbm4b:s0+s5], $0x80, s31, s5, $0xb8;
	[tilespmem:$0x1F800] =	vst v63  }
0xae: {  	p0 =	seq.s32 s28, $0x0  }
.Ltmp11:
0xaf: {  	_ = 	snop;
	(pc) =	sbr.rel @p0 .LBB2_10-.Ltmp11, $1  }
0xb0: {  	_ =	sdelay $0x3  }
0xb1: {  	[tilespmem:s23], [sflag:$0x2] =	stream.indirect.gather [hbm4b:s0+s22], $0x80, s31, s22, $0xb8;
	[tilespmem:$0x1F800] =	vst v63  }
0xb2: {  	_ =	swait.ge [sflag:s24], $0x4000  }
0xb3: {  	[sflag:s24] =	ssyncset.done $0x0  }
0xb4: {  	[sflag:s24] =	ssyncadd.s32 $0xFFFFC000  }
0xb5: {  	[spmem:s3] =	stream.indirect.scatter.add.f32 [tilespmem:s21], [sflag:$0x4], $0x80, s2, s22, $0xb8;
	[tilespmem:$0x1F800] =	vst v63  }
.Ltmp12:
0xb6: {  	_ = 	snop;
	(pc) =	sbr.rel @p0 .LBB2_11-.Ltmp12, $4  }
.Ltmp13:
0xb7: {  	_ = 	snop;
	(pc) =	sbr.rel @!p0 .LBB2_12-.Ltmp13, $4  }
0xb8: {  	_ =	swait.ge [sflag:s25], $0x4000  }
0xb9: {  	[sflag:s25] =	ssyncset.done $0x0  }
0xba: {  	[sflag:s25] =	ssyncadd.s32 $0xFFFFC000  }
0xbb: {  	_ = 	snop  }
.LBB2_10:
0xbc: {  	p0 =	sne.s32 s28, $0x0  }
.Ltmp14:
0xbd: {  	_ = 	snop;
	(pc) =	sbr.rel @p0 .LBB2_12-.Ltmp14, $4  }
.Ltmp15:
0xbe: {  	_ = 	snop;
	(pc) =	sbr.rel @!p0 .LBB2_11-.Ltmp15, $4  }
0xbf: {  	_ = 	snop  }
0xc0: {  	_ = 	snop  }
0xc1: {  	_ = 	snop  }
0xc2: {  	_ = 	snop  }
.LBB2_14:
0xc3: {  	_ =	sfence.sel $0x180000  }
0xc4: {  	[bflag:$0x0] =	sbarrier.arrive $0xFFFF  }
0xc5: {  	_ =	strace $0x9000004A  }
0xc6: {  	s0 =	stileid.u32;
	[bflag:$0x2] =	sbarrier.arrive $0xFFFF  }
0xc7: {  	p0 =	sne.s32 s0, $0x0;
	s0 =	rddreg [dreg:$0x3]  }
0xc8: {  	s0 =	sadd.s32 @!p0 $0x100000, s0  }
0xc9: {  	[sflag:s0] =	ssyncadd.tile.s32 @!p0 $0x1;
	_ =	shalt  }
.Lfunc_end2:
_tile_overlayer_lowered:
.L_overlay_start_2:
0xca: {  	(tag) =	ssettag $0x2  }
0xcb: {  	s0 =	rddreg [dreg:$0x0];
	s2 =	stileid.u32  }
0xcc: {  	s1 =	rddreg [dreg:$0x1];
	p0 =	sne.s32 s2, $0x0  }
0xcd: {  	s3 =	rddreg [dreg:$0x2];
	[bflag:$0x3] =	sbarrier.arrive $0xFFFF;
	s2 =	simm.s32 @!p0 $0x1C03  }
0xce: {  	[timem:s3], [sflag:s2] =	dma.local @!p0 [hbm:s0], s1  }
0xcf: {  	s0 =	simm.s32 @!p0 $0x3  }
0xd0: {  	_ =	swait.ge @!p0 [sflag:s0], s1  }
0xd1: {  	s1 =	ssub.s32 @!p0 $0x0, s1;
	[sflag:s0] =	ssyncset.done @!p0 $0x0  }
0xd2: {  	[sflag:s0] =	ssyncadd.s32 @!p0 s1  }
0xd3: {  	[bflag:$0x3] =	sbarrier.arrive $0xFFFF  }
0xd4: {  	_ =	shalt  }

// kernel: kernel.15.cloned.1.call-start
scs
__scs_entry_jumppad:
0x0: {  	(pc) =	sbr.rel $0x88, $3  }
0x1: {  	(tag) =	ssettag $0x0;
	lr =	simm.s32 $0x1  }
0x2: {  	[smem:$0x3F93] =	sst lr;
	_ =	strace $0xD0000000  }
0x3: {  	_ = 	snop  }
0x4: {  	_ = 	snop  }
0x5: {  	_ = 	snop  }
0x6: {  	_ = 	snop  }
0x7: {  	_ = 	snop  }
__scs_overlays_trampoline_lowered:
0x8: {  	[smem:$0x3FA2] =	sst s0  }
0x9: {  	[smem:$0x3FA3] =	sst s1  }
0xa: {  	[smem:$0x3FA4] =	sst s2  }
0xb: {  	[smem:$0x3FA5] =	sst s3  }
0xc: {  	[smem:$0x3FA6] =	sst s4  }
0xd: {  	[smem:$0x3FA7] =	sst s5  }
0xe: {  	[smem:$0x3FA8] =	sst s6  }
0xf: {  	[smem:$0x3FA9] =	sst s7  }
0x10: {  	[smem:$0x3FAA] =	sst s8  }
0x11: {  	[smem:$0x3FAB] =	sst s9;
	s0 =	simm.s32 @!p0 $0x0  }
0x12: {  	s1 =	sld [smem:$0x3F91];
	s0 =	simm.s32 @p0 $0x1  }
0x13: {  	[smem:$0x3FAC] =	sst s0;
	s0 =	simm.s32 @!p1 $0x0  }
0x14: {  	s2 =	sld [smem:$0x3F90];
	s0 =	simm.s32 @p1 $0x1  }
0x15: {  	[smem:$0x3FAD] =	sst s0;
	s0 =	simm.s32 @!p2 $0x0  }
0x16: {  	s3 =	sld [smem:$0x3FDB];
	s0 =	simm.s32 @p2 $0x1  }
0x17: {  	s4 =	simm.s32 $0x1BF5;
	[smem:$0x3FAF] =	sst s0  }
0x18: {  	s0 =	sld [smem:$0x3F92];
	_ =	swait.ge [sflag:s4], $0x0  }
0x19: {  	s7 =	sld [smem:$0x3F93]  }
0x1a: {  	s8 =	sadd.s32 $0xFFFFE003, lr  }
0x1b: {  	s9 =	sadd.s32 $0xFFFFFEF7, lr;
	s5 =	simm.s32 $0xFFFFFFFF;
	p2 =	slt.u32 s8, $0xFFFFF086  }
0x1c: {  	p1 =	slt.u32 s9, $0xF7A;
	s5 =	simm.s32 @!p2 $0x0  }
0x1d: {  	s5 =	simm.s32 @p1 $0x1;
	p0 =	seq.s32 s7, s2  }
0x1e: {  	s7 =	smul.u32 @!p0 $0xF7A, s2;
	p2 =	seq.s32 @!p0 s5, $0x0  }
0x1f: {  	s9 =	smul.u32 $0xF7A, s1;
	s8 =	simm.s32 @!p0 $0x1BF5;
	p2 =	por !p2, p0  }
0x20: {  	[sflag:s8] =	ssyncset.s32 @!p0 $0xFFFFF086;
	s6 =	sadd.s32 @!p0 s3, s7;
	s7 =	simm.s32 @!p0 $0x108  }
0x21: {  	s3 =	sadd.s32 s3, s9;
	s6 =	sadd.s32 @!p0 $0x88, s6;
	s7 =	simm.s32 @p2 $0x1082  }
0x22: {  	[simem:s7], [sflag:s8] =	dma.local @!p0 [hbm:s6], $0xF7A  }
0x23: {  	s9 =	sor.u32 $0xD0000000, s2;
	s6 =	simm.s32 $0x108;
	_ =	swait.ge @!p0 [sflag:s8], $0x0  }
0x24: {  	s3 =	sadd.s32 $0x88, s3;
	s6 =	simm.s32 @!p1 $0x1082;
	[sflag:s4] =	ssyncset.s32 $0xFFFFF086  }
0x25: {  	[simem:s6], [sflag:s4] =	dma.local [hbm:s3], $0xF7A  }
0x26: {  	[smem:$0x3F93] =	sst s1;
	(tag) =	ssettag s2;
	_ =	strace s9  }
0x27: {  	s1 =	sld [smem:$0x3FA3]  }
0x28: {  	s2 =	sld [smem:$0x3FA4]  }
0x29: {  	s4 =	sld [smem:$0x3FA6]  }
0x2a: {  	p0 =	seq.s32 s5, $0x0;
	s5 =	sld [smem:$0x3FA7]  }
0x2b: {  	s6 =	sld [smem:$0x3FA8]  }
0x2c: {  	s7 =	sld [smem:$0x3FA9]  }
0x2d: {  	s3 =	simm.s32 $0x108;
	s8 =	sld [smem:$0x3FAA]  }
0x2e: {  	s3 =	simm.s32 @!p0 $0x1082;
	s9 =	sld [smem:$0x3FAB]  }
0x2f: {  	lr =	sadd.s32 s0, s3;
	s0 =	sld [smem:$0x3FA2]  }
0x30: {  	s3 =	sld [smem:$0x3FA5]  }
0x31: {  	[smem:$0x3FAE] =	sst s10  }
0x32: {  	s10 =	sld [smem:$0x3FAC];
	_ =	sdelay $0x3  }
0x33: {  	p0 =	seq.s32 s10, $0x1;
	s10 =	sld [smem:$0x3FAE];
	_ =	sdelay $0x3  }
0x34: {  	[smem:$0x3FAE] =	sst s10  }
0x35: {  	s10 =	sld [smem:$0x3FAD];
	_ =	sdelay $0x3  }
0x36: {  	p1 =	seq.s32 s10, $0x1;
	s10 =	sld [smem:$0x3FAE];
	_ =	sdelay $0x3  }
0x37: {  	[smem:$0x3FAE] =	sst s10  }
0x38: {  	s10 =	sld [smem:$0x3FAF]  }
0x39: {  	_ = 	snop;
	(pc) =	sbr.ind lr, $3  }
0x3a: {  	_ = 	snop  }
0x3b: {  	_ = 	snop  }
0x3c: {  	p2 =	seq.s32 s10, $0x1;
	s10 =	sld [smem:$0x3FAE]  }
0x3d: {  	_ =	shalt  }
0x3e: {  	_ =	shalt  }
0x3f: {  	_ =	shalt  }
0x40: {  	_ =	shalt  }
0x41: {  	_ =	shalt  }
0x42: {  	_ =	shalt  }
0x43: {  	_ =	shalt  }
0x44: {  	_ =	shalt  }
0x45: {  	_ =	shalt  }
0x46: {  	_ =	shalt  }
0x47: {  	_ =	shalt  }
0x48: {  	_ =	shalt  }
0x49: {  	_ =	shalt  }
0x4a: {  	_ =	shalt  }
0x4b: {  	_ =	shalt  }
0x4c: {  	_ =	shalt  }
0x4d: {  	_ =	shalt  }
0x4e: {  	_ =	shalt  }
0x4f: {  	_ =	shalt  }
0x50: {  	_ =	shalt  }
0x51: {  	_ =	shalt  }
0x52: {  	_ =	shalt  }
0x53: {  	_ =	shalt  }
0x54: {  	_ =	shalt  }
0x55: {  	_ =	shalt  }
0x56: {  	_ =	shalt  }
0x57: {  	_ =	shalt  }
0x58: {  	_ =	shalt  }
0x59: {  	_ =	shalt  }
0x5a: {  	_ =	shalt  }
0x5b: {  	_ =	shalt  }
0x5c: {  	_ =	shalt  }
0x5d: {  	_ =	shalt  }
0x5e: {  	_ =	shalt  }
0x5f: {  	_ =	shalt  }
0x60: {  	_ =	shalt  }
0x61: {  	_ =	shalt  }
0x62: {  	_ =	shalt  }
0x63: {  	_ =	shalt  }
0x64: {  	_ =	shalt  }
0x65: {  	_ =	shalt  }
0x66: {  	_ =	shalt  }
0x67: {  	_ =	shalt  }
0x68: {  	_ =	shalt  }
0x69: {  	_ =	shalt  }
0x6a: {  	_ =	shalt  }
0x6b: {  	_ =	shalt  }
0x6c: {  	_ =	shalt  }
0x6d: {  	_ =	shalt  }
0x6e: {  	_ =	shalt  }
0x6f: {  	_ =	shalt  }
0x70: {  	_ =	shalt  }
0x71: {  	_ =	shalt  }
0x72: {  	_ =	shalt  }
0x73: {  	_ =	shalt  }
0x74: {  	_ =	shalt  }
0x75: {  	_ =	shalt  }
0x76: {  	_ =	shalt  }
0x77: {  	_ =	shalt  }
0x78: {  	_ =	shalt  }
0x79: {  	_ =	shalt  }
0x7a: {  	_ =	shalt  }
0x7b: {  	_ =	shalt  }
0x7c: {  	_ =	shalt  }
0x7d: {  	_ =	shalt  }
0x7e: {  	_ =	shalt  }
0x7f: {  	_ =	shalt  }
0x80: {  	_ =	shalt  }
0x81: {  	_ =	shalt  }
0x82: {  	_ =	shalt  }
0x83: {  	_ =	shalt  }
0x84: {  	_ =	shalt  }
0x85: {  	_ =	shalt  }
0x86: {  	_ =	shalt  }
0x87: {  	_ =	shalt  }
.Lfunc_end0:
.L_simem_size_0:
called_computation.2_lowered:
.L_overlay_start_0:
0x88: {  	s2 =	sld [smem:$0x3FD9]  }
0x89: {  	s3 =	sld [smem:$0x3FFE];
	_ =	sdelay $0x1  }
0x8a: {  	s1 =	srdreg.scid  }
0x8b: {  	s0 =	sand.u32 $0x1, s1  }
0x8c: {  	s17 =	sshll.u32 s0, $0xA;
	s2 =	sadd.s32 s3, s2  }
0x8d: {  	s2 =	sadd.s32 s2, s17  }
0x8e: {  	[smem:$0x3FBA] =	sst s2  }
0x8f: {  	_ = 	snop  }
0x90: {  	s2 =	sld [smem:$0x3FD0];
	(tm) =	ssettm $0x1  }
0x91: {  	s18 =	sld [smem:$0x3FFB];
	_ =	sdelay $0x3  }
0x92: {  	_ =	strace s18  }
0x93: {  	s3 =	sld [smem:$0x3FFC];
	_ =	sdelay $0x3  }
0x94: {  	_ =	strace s3  }
0x95: {  	s3 =	sld [smem:$0x3FFD];
	_ =	sdelay $0x3  }
0x96: {  	_ =	strace s3  }
0x97: {  	_ =	strace $0x8FFFFFFF  }
0x98: {  	s19 =	sld [smem:$0x3FDB];
	_ =	sdelay $0x1  }
0x99: {  	s4 =	simm.s32 $_scs_section_size  }
0x9a: {  	s5 =	simm.s32 $_size__tile_overlayer_lowered;
	s6 =	simm.s32 $_tile_overlayer_lowered  }
0x9b: {  	s22 =	simm.s32 $0x1BFF;
	s21 =	sshll.u32 s6, $0x1;
	s3 =	sadd.s32 s4, s19  }
0x9c: {  	s7 =	simm.s32 $0x0;
	s20 =	sshll.u32 s5, $0x1;
	s5 =	sadd.s32 s21, s3  }
0x9d: {  	[timem:s7], [sflag:s22] =	dma.local [hbm:s5], s20  }
0x9e: {  	_ =	swait.ge [sflag:s22], s20  }
0x9f: {  	s4 =	ssub.s32 $0x0, s20;
	[sflag:s22] =	ssyncset.done $0x0  }
0xa0: {  	[sflag:s22] =	ssyncadd.s32 s4;
	_ =	sdelay $0x1  }
0xa1: {  	s23 =	simm.s32 $0x1B8B  }
0xa2: {  	_ =	swait.ge [sflag:s23], $0x1  }
0xa3: {  	[sflag:s23] =	ssyncset.done $0x0  }
0xa4: {  	s25 =	simm.s32 $0x1B8E;
	s24 =	sld [smem:$0x3FFE];
	[sflag:s23] =	ssyncadd.s32 $0xFFFFFFFF  }
0xa5: {  	s26 =	simm.s32 $execute0_lowered;
	[smem:$0x3FD2] =	sst s25  }
0xa6: {  	s5 =	sshll.u32 s26, $0x1;
	_ =	strace $0x8000004C;
	[dreg:$0x1] =	wrdreg $0xFFFFFFFF  }
0xa7: {  	s28 =	simm.s32 $_size_execute0_lowered;
	s3 =	sadd.s32 s3, s5;
	[dreg:$0x0] =	wrdreg $0x0  }
0xa8: {  	s5 =	sshll.u32 s28, $0x1;
	[dreg:$0x2] =	wrdreg s3  }
0xa9: {  	[dreg:$0x3] =	wrdreg s5  }
0xaa: {  	[dreg:$0x4] =	wrdreg $0xC0  }
0xab: {  	_ =	task [dreg:s7], $0x5FFFF  }
0xac: {  	[dreg:$0x1] =	wrdreg $0xFFFFFFFF  }
0xad: {  	[dreg:$0x0] =	wrdreg $0x60  }
0xae: {  	[dreg:$0x2] =	wrdreg s2  }
0xaf: {  	[dreg:$0x3] =	wrdreg s24  }
0xb0: {  	[dreg:$0x4] =	wrdreg $0xBC000  }
0xb1: {  	[dreg:$0x5] =	wrdreg $0x9  }
0xb2: {  	_ =	task.clear_ibuf [dreg:s7], $0x6FFFF;
	_ =	strace $0x9000004C  }
0xb3: {  	s29 =	simm.s32 $0x9;
	_ =	strace $0x8000004E  }
0xb4: {  	_ =	swait.ge [sflag:s29], $0x1  }
0xb5: {  	[sflag:s29] =	ssyncadd.s32 $0xFFFFFFFF  }
0xb6: {  	_ =	strace $0x9000004E  }
0xb7: {  	_ =	sfence  }
0xb8: {  	s30 =	sld [smem:$0x0];
	_ =	sdelay $0x2  }
0xb9: {  	s31 =	sshll.u32 s1, $0xD;
	s1 =	sshrl.u32 s1, $0x2  }
0xba: {  	s3 =	sand.u32 $0x4000, s31;
	s1 =	sadd.s32 s1, s30  }
0xbb: {  	s0 =	sor.u32 s3, s0;
	s1 =	sshll.u32 s1, $0x11  }
0xbc: {  	s0 =	sor.u32 s1, s0  }
0xbd: {  	s0 =	sadd.s32 $0x8F2B, s0  }
0xbe: {  	[sflag:s0] =	ssyncadd.remote.s32 $0x1  }
0xbf: {  	_ =	sfence.sel $0xFFFF  }
0xc0: {  	[dreg:$0x0] =	wrdreg $0xFFFFFFFF;
	(pc) =	sbr.abs _section_cstart, $3  }
0xc1: {  	[dreg:$0x1] =	wrdreg $0xFFFFFFFF  }
0xc2: {  	_ =	task.clear_ibuf [dreg:s7], $0x2FFFF;
	_ =	strace $0x9FFFFFFF  }
0xc3: {  	(tm) =	ssettm $0x7FFFFFFF  }
tec
execute0_lowered:
.L_overlay_start_1:
0x0: {  	(tag) =	ssettag $0x1  }
0x1: {  	s0 =	rddreg [dreg:$0x0]  }
0x2: {  	s2 =	rddreg [dreg:$0x1]  }
0x3: {  	s1 =	srdreg.scid;
	s3 =	rddreg [dreg:$0x2]  }
0x4: {  	s11 =	stileid.u32;
	s4 =	simm.s32 $0x0;
	s21 =	simm.s32 $0x3C00  }
0x5: {  	s22 =	simm.s32 $0x80;
	s23 =	simm.s32 $0x7C00;
	s24 =	simm.s32 $0x1  }
0x6: {  	s25 =	simm.s32 $0x4;
	s26 =	simm.s32 $0x2;
	s30 =	simm.s32 $0x0  }
0x7: {  	s1 =	sand.u32 $0x1, s1;
	[smem:$0x7FF] =	sst s4;
	s8 =	smul.u32 $0x4F000, s11  }
0x8: {  	s13 =	sadd.s32 $0xE000, s2;
	s28 =	sadd.s32 $0x18000, s2;
	s14 =	smul.u32 $0x13C00, s11  }
0x9: {  	s5 =	sshll.u32 s1, $0x4;
	_ =	strace $0x8000004D;
	s7 =	ssub.s32 $0x2, s1  }
0xa: {  	[dreg:$0x4] =	wrdreg s28;
	s1 =	smul.u32 $0x13C000, s1;
	s9 =	sor.u32 s11, s5  }
0xb: {  	s10 =	sshrl.u32 s7, $0x1;
	s29 =	sshrl.u32 s8, $0x2;
	s15 =	sadd.s32 $0x4000, s14  }
0xc: {  	s16 =	sadd.s32 $0x8000, s14;
	s18 =	sadd.s32 $0xC000, s14;
	s20 =	sadd.s32 $0x10000, s14  }
0xd: {  	s12 =	smul.u32 $0x500, s9;
	s19 =	ssub.s32 s7, s10;
	s7 =	sadd.s32 s29, s3  }
0xe: {  	s8 =	sadd.s32 s15, s3;
	s17 =	smul.u32 $0x2800, s9;
	s9 =	sadd.s32 s16, s3  }
0xf: {  	s10 =	sadd.s32 s18, s3;
	s11 =	sadd.s32 s20, s3;
	s14 =	sadd.s32 s14, s1  }
0x10: {  	s15 =	sadd.s32 s1, s15;
	s16 =	sadd.s32 s1, s16;
	s31 =	sadd.s32 s1, s18  }
0x11: {  	s1 =	sadd.s32 s1, s20;
	s20 =	simm.s32 $0x3;
	s14 =	sshrl.u32 s14, $0x3  }
0x12: {  	s15 =	sshrl.u32 s15, $0x3;
	s16 =	sshrl.u32 s16, $0x3;
	s1 =	sshrl.u32 s1, $0x3  }
.Ltmp0:
0x13: {  	s19 =	smax.u32 s19, $0x1;
	s6 =	sadd.s32 s12, s2;
	(pc) =	sbr.rel .LBB2_1-.Ltmp0, $4  }
0x14: {  	s2 =	sadd.s32 $0x18800, s2;
	s12 =	sadd.s32 s13, s12;
	s17 =	sshrl.u32 s17, $0x3  }
0x15: {  	s6 =	sadd.s32 $0x4000, s6;
	s13 =	sadd.s32 s13, s17;
	s14 =	sadd.s32 s2, s14  }
0x16: {  	s15 =	sadd.s32 s2, s15;
	s17 =	sshrl.u32 s31, $0x3;
	s16 =	sadd.s32 s2, s16  }
0x17: {  	s18 =	sadd.s32 s2, s1;
	s13 =	sadd.s32 $0x280, s13;
	s17 =	sadd.s32 s2, s17  }
.LBB2_13:
0x18: {  	_ =	swait.ge [sflag:s26], $0x4000  }
0x19: {  	[sflag:s26] =	ssyncset.done $0x0  }
0x1a: {  	s1 =	simm.s32 $0x3B80;
	[sflag:s26] =	ssyncadd.s32 $0xFFFFC000  }
0x1b: {  	[spmem:s3] =	stream.indirect.scatter.add.f32 [tilespmem:s23], [sflag:$0x3], $0x80, s1, s22, $0xb8;
	[tilespmem:$0x1F800] =	vst v63  }
0x1c: {  	_ =	swait.ge [sflag:s20], $0x4000  }
0x1d: {  	[sflag:s20] =	ssyncset.done $0x0  }
0x1e: {  	[sflag:s20] =	ssyncadd.s32 $0xFFFFC000  }
0x1f: {  	[bflag:$0x0] =	sbarrier.arrive $0xFFFF  }
0x20: {  	[tilespmem:s21], [sflag:$0x3] =	stream.linear.gather [spmem:s7], $0x4000, $0x38;
	[tilespmem:$0x1F800] =	vst v63  }
0x21: {  	_ =	swait.ge [sflag:s20], $0x4000  }
0x22: {  	[sflag:s20] =	ssyncset.done $0x0  }
0x23: {  	[sflag:s20] =	ssyncadd.s32 $0xFFFFC000  }
0x24: {  	[hbm4b:s14+s4] =	stream.linear.scatter [tilespmem:s21], [sflag:$0x3], $0x4000, $0x38;
	[tilespmem:$0x1F800] =	vst v63  }
0x25: {  	_ =	swait.ge [sflag:s20], $0x4000  }
0x26: {  	[sflag:s20] =	ssyncset.done $0x0  }
0x27: {  	[sflag:s20] =	ssyncadd.s32 $0xFFFFC000  }
0x28: {  	[tilespmem:s21], [sflag:$0x3] =	stream.linear.gather [spmem:s8], $0x4000, $0x38;
	[tilespmem:$0x1F800] =	vst v63  }
0x29: {  	_ =	swait.ge [sflag:s20], $0x4000  }
0x2a: {  	[sflag:s20] =	ssyncset.done $0x0  }
0x2b: {  	[sflag:s20] =	ssyncadd.s32 $0xFFFFC000  }
0x2c: {  	[hbm4b:s15+s4] =	stream.linear.scatter [tilespmem:s21], [sflag:$0x3], $0x4000, $0x38;
	[tilespmem:$0x1F800] =	vst v63  }
0x2d: {  	_ =	swait.ge [sflag:s20], $0x4000  }
0x2e: {  	[sflag:s20] =	ssyncset.done $0x0  }
0x2f: {  	[sflag:s20] =	ssyncadd.s32 $0xFFFFC000  }
0x30: {  	[tilespmem:s21], [sflag:$0x3] =	stream.linear.gather [spmem:s9], $0x4000, $0x38;
	[tilespmem:$0x1F800] =	vst v63  }
0x31: {  	_ =	swait.ge [sflag:s20], $0x4000  }
0x32: {  	[sflag:s20] =	ssyncset.done $0x0  }
0x33: {  	[sflag:s20] =	ssyncadd.s32 $0xFFFFC000  }
0x34: {  	[hbm4b:s16+s4] =	stream.linear.scatter [tilespmem:s21], [sflag:$0x3], $0x4000, $0x38;
	[tilespmem:$0x1F800] =	vst v63  }
0x35: {  	_ =	swait.ge [sflag:s20], $0x4000  }
0x36: {  	[sflag:s20] =	ssyncset.done $0x0  }
0x37: {  	[sflag:s20] =	ssyncadd.s32 $0xFFFFC000  }
0x38: {  	[tilespmem:s21], [sflag:$0x3] =	stream.linear.gather [spmem:s10], $0x4000, $0x38;
	[tilespmem:$0x1F800] =	vst v63  }
0x39: {  	_ =	swait.ge [sflag:s20], $0x4000  }
0x3a: {  	[sflag:s20] =	ssyncset.done $0x0  }
0x3b: {  	[sflag:s20] =	ssyncadd.s32 $0xFFFFC000  }
0x3c: {  	[hbm4b:s17+s4] =	stream.linear.scatter [tilespmem:s21], [sflag:$0x3], $0x4000, $0x38;
	[tilespmem:$0x1F800] =	vst v63  }
0x3d: {  	_ =	swait.ge [sflag:s20], $0x4000  }
0x3e: {  	[sflag:s20] =	ssyncset.done $0x0  }
0x3f: {  	[sflag:s20] =	ssyncadd.s32 $0xFFFFC000  }
0x40: {  	[tilespmem:s21], [sflag:$0x3] =	stream.linear.gather [spmem:s11], $0x3C00, $0x38;
	[tilespmem:$0x1F800] =	vst v63  }
0x41: {  	s30 =	sadd.s32 $0x1, s30;
	_ =	swait.ge [sflag:s20], $0x3C00  }
0x42: {  	p0 =	sne.s32 s30, s19;
	[sflag:s20] =	ssyncset.done $0x0  }
.Ltmp1:
0x43: {  	[sflag:s20] =	ssyncadd.s32 $0xFFFFC400;
	(pc) =	sbr.rel @!p0 .LBB2_14-.Ltmp1, $4  }
0x44: {  	[hbm4b:s18+s4] =	stream.linear.scatter [tilespmem:s21], [sflag:$0x3], $0x3C00, $0x38;
	[tilespmem:$0x1F800] =	vst v63  }
0x45: {  	_ =	swait.ge [sflag:s20], $0x3C00  }
0x46: {  	[sflag:s20] =	ssyncset.done $0x0  }
0x47: {  	[sflag:s20] =	ssyncadd.s32 $0xFFFFC400  }
.LBB2_1:
0x48: {  	s31 =	simm.s32 $0x1400  }
0x49: {  	[tilespmem:s31], [sflag:$0x3] =	stream.linear.gather [hbm4b:s6+s4], $0x2800, $0x38;
	[tilespmem:$0x1F800] =	vst v63  }
0x4a: {  	_ =	swait.ge [sflag:s20], $0x2800  }
0x4b: {  	[sflag:s20] =	ssyncset.done $0x0  }
0x4c: {  	s1 =	rddreg [dreg:$0x4];
	[sflag:s20] =	ssyncadd.s32 $0xFFFFD800  }
0x4d: {  	[tilespmem:s21], [sflag:$0x3] =	stream.linear.gather [hbm4b:s1+s4], $0x4000, $0x38;
	[tilespmem:$0x1F800] =	vst v63  }
0x4e: {  	_ =	swait.ge [sflag:s20], $0x4000  }
0x4f: {  	[sflag:s20] =	ssyncset.done $0x0  }
0x50: {  	[sflag:s20] =	ssyncadd.s32 $0xFFFFC000  }
0x51: {  	[spmem:s7] =	stream.linear.scatter [tilespmem:s21], [sflag:$0x3], $0x4000, $0x38;
	[tilespmem:$0x1F800] =	vst v63  }
0x52: {  	_ =	swait.ge [sflag:s20], $0x4000  }
0x53: {  	[sflag:s20] =	ssyncset.done $0x0  }
0x54: {  	[sflag:s20] =	ssyncadd.s32 $0xFFFFC000  }
0x55: {  	[spmem:s8] =	stream.linear.scatter [tilespmem:s21], [sflag:$0x3], $0x4000, $0x38;
	[tilespmem:$0x1F800] =	vst v63  }
0x56: {  	_ =	swait.ge [sflag:s20], $0x4000  }
0x57: {  	[sflag:s20] =	ssyncset.done $0x0  }
0x58: {  	[sflag:s20] =	ssyncadd.s32 $0xFFFFC000  }
0x59: {  	[spmem:s9] =	stream.linear.scatter [tilespmem:s21], [sflag:$0x3], $0x4000, $0x38;
	[tilespmem:$0x1F800] =	vst v63  }
0x5a: {  	_ =	swait.ge [sflag:s20], $0x4000  }
0x5b: {  	[sflag:s20] =	ssyncset.done $0x0  }
0x5c: {  	[sflag:s20] =	ssyncadd.s32 $0xFFFFC000  }
0x5d: {  	[spmem:s10] =	stream.linear.scatter [tilespmem:s21], [sflag:$0x3], $0x4000, $0x38;
	[tilespmem:$0x1F800] =	vst v63  }
0x5e: {  	_ =	swait.ge [sflag:s20], $0x4000  }
0x5f: {  	[sflag:s20] =	ssyncset.done $0x0  }
0x60: {  	[sflag:s20] =	ssyncadd.s32 $0xFFFFC000  }
0x61: {  	[spmem:s11] =	stream.linear.scatter [tilespmem:s21], [sflag:$0x3], $0x3C00, $0x38;
	[tilespmem:$0x1F800] =	vst v63  }
0x62: {  	_ =	swait.ge [sflag:s20], $0x3C00  }
0x63: {  	[sflag:s20] =	ssyncset.done $0x0  }
0x64: {  	[sflag:s20] =	ssyncadd.s32 $0xFFFFC400  }
0x65: {  	[bflag:$0x0] =	sbarrier.arrive $0xFFFF  }
0x66: {  	[tilespmem:s4], [sflag:$0x3] =	stream.linear.gather [hbm4b:s12+s4], $0x1400, $0x38;
	[tilespmem:$0x1F800] =	vst v63  }
.Ltmp2:
0x67: {  	_ = 	snop;
	(pc) =	sbr.rel .LBB2_2-.Ltmp2, $4  }
0x68: {  	_ =	swait.ge [sflag:s20], $0x1400  }
0x69: {  	[sflag:s20] =	ssyncset.done $0x0  }
0x6a: {  	s2 =	simm.s32 $0x1;
	s1 =	simm.s32 $0x80;
	[sflag:s20] =	ssyncadd.s32 $0xFFFFEC00  }
0x6b: {  	[tilespmem:s21], [sflag:$0x1] =	stream.indirect.gather [hbm4b:s0+s22], $0x80, s4, s22, $0xb8;
	[tilespmem:$0x1F800] =	vst v63  }
.LBB2_5:
0x6c: {  	_ =	swait.ge [sflag:s26], $0x4000  }
0x6d: {  	[sflag:s26] =	ssyncset.done $0x0  }
0x6e: {  	[sflag:s26] =	ssyncadd.s32 $0xFFFFC000  }
0x6f: {  	[spmem:s3] =	stream.indirect.scatter.add.f32 [tilespmem:s23], [sflag:$0x3], $0x80, s31, s22, $0xb8;
	[tilespmem:$0x1F800] =	vst v63  }
0x70: {  	_ =	swait.ge [sflag:s20], $0x4000  }
0x71: {  	[sflag:s20] =	ssyncset.done $0x0  }
0x72: {  	[sflag:s20] =	ssyncadd.s32 $0xFFFFC000  }
.LBB2_6:
0x73: {  	s2 =	sadd.s32 $0x1, s2  }
0x74: {  	p0 =	sne.s32 s2, $0x28  }
.Ltmp3:
0x75: {  	_ = 	snop;
	(pc) =	sbr.rel @!p0 .LBB2_7-.Ltmp3, $2  }
0x76: {  	_ =	sdelay $0x2  }
0x77: {  	s31 =	sadd.s32 $0x80, s31;
	s1 =	sadd.s32 $0x80, s1  }
.LBB2_2:
0x78: {  	s28 =	sand.u32 $0x1, s2  }
0x79: {  	p0 =	seq.s32 s28, $0x1  }
0x7a: {  	s29 =	simm.s32 @!p0 $0x80;
	s5 =	simm.s32 @!p0 $0x3C00  }
0x7b: {  	[tilespmem:s5], [sflag:$0x1] =	stream.indirect.gather @!p0 [hbm4b:s0+s29], $0x80, s1, s29, $0xb8;
	[tilespmem:$0x1F800] =	vst v63  }
0x7c: {  	p0 =	seq.s32 s28, $0x0  }
.Ltmp4:
0x7d: {  	_ = 	snop;
	(pc) =	sbr.rel @p0 .LBB2_4-.Ltmp4, $1  }
0x7e: {  	_ =	sdelay $0x3  }
0x7f: {  	[tilespmem:s23], [sflag:$0x2] =	stream.indirect.gather [hbm4b:s0+s22], $0x80, s1, s22, $0xb8;
	[tilespmem:$0x1F800] =	vst v63  }
0x80: {  	_ =	swait.ge [sflag:s24], $0x4000  }
0x81: {  	[sflag:s24] =	ssyncset.done $0x0  }
0x82: {  	[sflag:s24] =	ssyncadd.s32 $0xFFFFC000  }
0x83: {  	[spmem:s3] =	stream.indirect.scatter.add.f32 [tilespmem:s21], [sflag:$0x4], $0x80, s31, s22, $0xb8;
	[tilespmem:$0x1F800] =	vst v63  }
.Ltmp5:
0x84: {  	_ = 	snop;
	(pc) =	sbr.rel @p0 .LBB2_5-.Ltmp5, $4  }
.Ltmp6:
0x85: {  	_ = 	snop;
	(pc) =	sbr.rel @!p0 .LBB2_6-.Ltmp6, $4  }
0x86: {  	_ =	swait.ge [sflag:s25], $0x4000  }
0x87: {  	[sflag:s25] =	ssyncset.done $0x0  }
0x88: {  	[sflag:s25] =	ssyncadd.s32 $0xFFFFC000  }
0x89: {  	_ = 	snop  }
.LBB2_4:
0x8a: {  	p0 =	sne.s32 s28, $0x0  }
.Ltmp7:
0x8b: {  	_ = 	snop;
	(pc) =	sbr.rel @p0 .LBB2_6-.Ltmp7, $4  }
.Ltmp8:
0x8c: {  	_ = 	snop;
	(pc) =	sbr.rel @!p0 .LBB2_5-.Ltmp8, $4  }
0x8d: {  	_ = 	snop  }
0x8e: {  	_ = 	snop  }
0x8f: {  	_ = 	snop  }
0x90: {  	_ = 	snop  }
.LBB2_7:
0x91: {  	_ =	swait.ge [sflag:s26], $0x4000  }
0x92: {  	[sflag:s26] =	ssyncset.done $0x0  }
0x93: {  	s31 =	simm.s32 $0x80;
	s1 =	simm.s32 $0x2780;
	[sflag:s26] =	ssyncadd.s32 $0xFFFFC000  }
0x94: {  	[spmem:s3] =	stream.indirect.scatter.add.f32 [tilespmem:s23], [sflag:$0x3], $0x80, s1, s31, $0xb8;
	[tilespmem:$0x1F800] =	vst v63  }
0x95: {  	_ =	swait.ge [sflag:s20], $0x4000  }
0x96: {  	[sflag:s20] =	ssyncset.done $0x0  }
0x97: {  	[sflag:s20] =	ssyncadd.s32 $0xFFFFC000  }
0x98: {  	[tilespmem:s4], [sflag:$0x3] =	stream.linear.gather [hbm4b:s13+s4], $0x1400, $0x38;
	[tilespmem:$0x1F800] =	vst v63  }
.Ltmp9:
0x99: {  	_ = 	snop;
	(pc) =	sbr.rel .LBB2_8-.Ltmp9, $4  }
0x9a: {  	_ =	swait.ge [sflag:s20], $0x1400  }
0x9b: {  	[sflag:s20] =	ssyncset.done $0x0  }
0x9c: {  	s2 =	simm.s32 $0x2800;
	s1 =	simm.s32 $0x1;
	[sflag:s20] =	ssyncadd.s32 $0xFFFFEC00  }
0x9d: {  	[tilespmem:s21], [sflag:$0x1] =	stream.indirect.gather [hbm4b:s0+s31], $0x80, s4, s31, $0xb8;
	[tilespmem:$0x1F800] =	vst v63  }
.LBB2_11:
0x9e: {  	_ =	swait.ge [sflag:s26], $0x4000  }
0x9f: {  	[sflag:s26] =	ssyncset.done $0x0  }
0xa0: {  	[sflag:s26] =	ssyncadd.s32 $0xFFFFC000  }
0xa1: {  	[spmem:s3] =	stream.indirect.scatter.add.f32 [tilespmem:s23], [sflag:$0x3], $0x80, s2, s22, $0xb8;
	[tilespmem:$0x1F800] =	vst v63  }
0xa2: {  	_ =	swait.ge [sflag:s20], $0x4000  }
0xa3: {  	[sflag:s20] =	ssyncset.done $0x0  }
0xa4: {  	[sflag:s20] =	ssyncadd.s32 $0xFFFFC000  }
.LBB2_12:
0xa5: {  	s1 =	sadd.s32 $0x1, s1  }
0xa6: {  	p0 =	sne.s32 s1, $0x28  }
.Ltmp10:
0xa7: {  	_ = 	snop;
	(pc) =	sbr.rel @!p0 .LBB2_13-.Ltmp10, $2  }
0xa8: {  	_ =	sdelay $0x2  }
0xa9: {  	s2 =	sadd.s32 $0x80, s2;
	s31 =	sadd.s32 $0x80, s31  }
.LBB2_8:
0xaa: {  	s28 =	sand.u32 $0x1, s1  }
0xab: {  	p0 =	seq.s32 s28, $0x1  }
0xac: {  	s5 =	simm.s32 @!p0 $0x80;
	s29 =	simm.s32 @!p0 $0x3C00  }
0xad: {  	[tilespmem:s29], [sflag:$0x1] =	stream.indirect.gather @!p0 [hbm4b:s0+s5], $0x80, s31, s5, $0xb8;
	[tilespmem:$0x1F800] =	vst v63  }
0xae: {  	p0 =	seq.s32 s28, $0x0  }
.Ltmp11:
0xaf: {  	_ = 	snop;
	(pc) =	sbr.rel @p0 .LBB2_10-.Ltmp11, $1  }
0xb0: {  	_ =	sdelay $0x3  }
0xb1: {  	[tilespmem:s23], [sflag:$0x2] =	stream.indirect.gather [hbm4b:s0+s22], $0x80, s31, s22, $0xb8;
	[tilespmem:$0x1F800] =	vst v63  }
0xb2: {  	_ =	swait.ge [sflag:s24], $0x4000  }
0xb3: {  	[sflag:s24] =	ssyncset.done $0x0  }
0xb4: {  	[sflag:s24] =	ssyncadd.s32 $0xFFFFC000  }
0xb5: {  	[spmem:s3] =	stream.indirect.scatter.add.f32 [tilespmem:s21], [sflag:$0x4], $0x80, s2, s22, $0xb8;
	[tilespmem:$0x1F800] =	vst v63  }
.Ltmp12:
0xb6: {  	_ = 	snop;
	(pc) =	sbr.rel @p0 .LBB2_11-.Ltmp12, $4  }
.Ltmp13:
0xb7: {  	_ = 	snop;
	(pc) =	sbr.rel @!p0 .LBB2_12-.Ltmp13, $4  }
0xb8: {  	_ =	swait.ge [sflag:s25], $0x4000  }
0xb9: {  	[sflag:s25] =	ssyncset.done $0x0  }
0xba: {  	[sflag:s25] =	ssyncadd.s32 $0xFFFFC000  }
0xbb: {  	_ = 	snop  }
.LBB2_10:
0xbc: {  	p0 =	sne.s32 s28, $0x0  }
.Ltmp14:
0xbd: {  	_ = 	snop;
	(pc) =	sbr.rel @p0 .LBB2_12-.Ltmp14, $4  }
.Ltmp15:
0xbe: {  	_ = 	snop;
	(pc) =	sbr.rel @!p0 .LBB2_11-.Ltmp15, $4  }
0xbf: {  	_ = 	snop  }
0xc0: {  	_ = 	snop  }
0xc1: {  	_ = 	snop  }
0xc2: {  	_ = 	snop  }
.LBB2_14:
0xc3: {  	_ =	sfence.sel $0x180000  }
0xc4: {  	[bflag:$0x0] =	sbarrier.arrive $0xFFFF  }
0xc5: {  	_ =	strace $0x9000004D  }
0xc6: {  	s0 =	stileid.u32;
	[bflag:$0x2] =	sbarrier.arrive $0xFFFF  }
0xc7: {  	p0 =	sne.s32 s0, $0x0;
	s0 =	rddreg [dreg:$0x3]  }
0xc8: {  	s0 =	sadd.s32 @!p0 $0x100000, s0  }
0xc9: {  	[sflag:s0] =	ssyncadd.tile.s32 @!p0 $0x1;
	_ =	shalt  }
.Lfunc_end2:
_tile_overlayer_lowered:
.L_overlay_start_2:
0xca: {  	(tag) =	ssettag $0x2  }
0xcb: {  	s0 =	rddreg [dreg:$0x0];
	s2 =	stileid.u32  }
0xcc: {  	s1 =	rddreg [dreg:$0x1];
	p0 =	sne.s32 s2, $0x0  }
0xcd: {  	s3 =	rddreg [dreg:$0x2];
	[bflag:$0x3] =	sbarrier.arrive $0xFFFF;
	s2 =	simm.s32 @!p0 $0x1C03  }
0xce: {  	[timem:s3], [sflag:s2] =	dma.local @!p0 [hbm:s0], s1  }
0xcf: {  	s0 =	simm.s32 @!p0 $0x3  }
0xd0: {  	_ =	swait.ge @!p0 [sflag:s0], s1  }
0xd1: {  	s1 =	ssub.s32 @!p0 $0x0, s1;
	[sflag:s0] =	ssyncset.done @!p0 $0x0  }
0xd2: {  	[sflag:s0] =	ssyncadd.s32 @!p0 s1  }
0xd3: {  	[bflag:$0x3] =	sbarrier.arrive $0xFFFF  }
0xd4: {  	_ =	shalt  }

// kernel: kernel.9.cloned.1.call-start
scs
__scs_entry_jumppad:
0x0: {  	(pc) =	sbr.rel $0x88, $3  }
0x1: {  	(tag) =	ssettag $0x0;
	lr =	simm.s32 $0x1  }
0x2: {  	[smem:$0x3F93] =	sst lr;
	_ =	strace $0xD0000000  }
0x3: {  	_ = 	snop  }
0x4: {  	_ = 	snop  }
0x5: {  	_ = 	snop  }
0x6: {  	_ = 	snop  }
0x7: {  	_ = 	snop  }
__scs_overlays_trampoline_lowered:
0x8: {  	[smem:$0x3FA2] =	sst s0  }
0x9: {  	[smem:$0x3FA3] =	sst s1  }
0xa: {  	[smem:$0x3FA4] =	sst s2  }
0xb: {  	[smem:$0x3FA5] =	sst s3  }
0xc: {  	[smem:$0x3FA6] =	sst s4  }
0xd: {  	[smem:$0x3FA7] =	sst s5  }
0xe: {  	[smem:$0x3FA8] =	sst s6  }
0xf: {  	[smem:$0x3FA9] =	sst s7  }
0x10: {  	[smem:$0x3FAA] =	sst s8  }
0x11: {  	[smem:$0x3FAB] =	sst s9;
	s0 =	simm.s32 @!p0 $0x0  }
0x12: {  	s1 =	sld [smem:$0x3F91];
	s0 =	simm.s32 @p0 $0x1  }
0x13: {  	[smem:$0x3FAC] =	sst s0;
	s0 =	simm.s32 @!p1 $0x0  }
0x14: {  	s2 =	sld [smem:$0x3F90];
	s0 =	simm.s32 @p1 $0x1  }
0x15: {  	[smem:$0x3FAD] =	sst s0;
	s0 =	simm.s32 @!p2 $0x0  }
0x16: {  	s3 =	sld [smem:$0x3FDB];
	s0 =	simm.s32 @p2 $0x1  }
0x17: {  	s4 =	simm.s32 $0x1BF5;
	[smem:$0x3FAF] =	sst s0  }
0x18: {  	s0 =	sld [smem:$0x3F92];
	_ =	swait.ge [sflag:s4], $0x0  }
0x19: {  	s7 =	sld [smem:$0x3F93]  }
0x1a: {  	s8 =	sadd.s32 $0xFFFFE003, lr  }
0x1b: {  	s9 =	sadd.s32 $0xFFFFFEF7, lr;
	s5 =	simm.s32 $0xFFFFFFFF;
	p2 =	slt.u32 s8, $0xFFFFF086  }
0x1c: {  	p1 =	slt.u32 s9, $0xF7A;
	s5 =	simm.s32 @!p2 $0x0  }
0x1d: {  	s5 =	simm.s32 @p1 $0x1;
	p0 =	seq.s32 s7, s2  }
0x1e: {  	s7 =	smul.u32 @!p0 $0xF7A, s2;
	p2 =	seq.s32 @!p0 s5, $0x0  }
0x1f: {  	s9 =	smul.u32 $0xF7A, s1;
	s8 =	simm.s32 @!p0 $0x1BF5;
	p2 =	por !p2, p0  }
0x20: {  	[sflag:s8] =	ssyncset.s32 @!p0 $0xFFFFF086;
	s6 =	sadd.s32 @!p0 s3, s7;
	s7 =	simm.s32 @!p0 $0x108  }
0x21: {  	s3 =	sadd.s32 s3, s9;
	s6 =	sadd.s32 @!p0 $0x88, s6;
	s7 =	simm.s32 @p2 $0x1082  }
0x22: {  	[simem:s7], [sflag:s8] =	dma.local @!p0 [hbm:s6], $0xF7A  }
0x23: {  	s9 =	sor.u32 $0xD0000000, s2;
	s6 =	simm.s32 $0x108;
	_ =	swait.ge @!p0 [sflag:s8], $0x0  }
0x24: {  	s3 =	sadd.s32 $0x88, s3;
	s6 =	simm.s32 @!p1 $0x1082;
	[sflag:s4] =	ssyncset.s32 $0xFFFFF086  }
0x25: {  	[simem:s6], [sflag:s4] =	dma.local [hbm:s3], $0xF7A  }
0x26: {  	[smem:$0x3F93] =	sst s1;
	(tag) =	ssettag s2;
	_ =	strace s9  }
0x27: {  	s1 =	sld [smem:$0x3FA3]  }
0x28: {  	s2 =	sld [smem:$0x3FA4]  }
0x29: {  	s4 =	sld [smem:$0x3FA6]  }
0x2a: {  	p0 =	seq.s32 s5, $0x0;
	s5 =	sld [smem:$0x3FA7]  }
0x2b: {  	s6 =	sld [smem:$0x3FA8]  }
0x2c: {  	s7 =	sld [smem:$0x3FA9]  }
0x2d: {  	s3 =	simm.s32 $0x108;
	s8 =	sld [smem:$0x3FAA]  }
0x2e: {  	s3 =	simm.s32 @!p0 $0x1082;
	s9 =	sld [smem:$0x3FAB]  }
0x2f: {  	lr =	sadd.s32 s0, s3;
	s0 =	sld [smem:$0x3FA2]  }
0x30: {  	s3 =	sld [smem:$0x3FA5]  }
0x31: {  	[smem:$0x3FAE] =	sst s10  }
0x32: {  	s10 =	sld [smem:$0x3FAC];
	_ =	sdelay $0x3  }
0x33: {  	p0 =	seq.s32 s10, $0x1;
	s10 =	sld [smem:$0x3FAE];
	_ =	sdelay $0x3  }
0x34: {  	[smem:$0x3FAE] =	sst s10  }
0x35: {  	s10 =	sld [smem:$0x3FAD];
	_ =	sdelay $0x3  }
0x36: {  	p1 =	seq.s32 s10, $0x1;
	s10 =	sld [smem:$0x3FAE];
	_ =	sdelay $0x3  }
0x37: {  	[smem:$0x3FAE] =	sst s10  }
0x38: {  	s10 =	sld [smem:$0x3FAF]  }
0x39: {  	_ = 	snop;
	(pc) =	sbr.ind lr, $3  }
0x3a: {  	_ = 	snop  }
0x3b: {  	_ = 	snop  }
0x3c: {  	p2 =	seq.s32 s10, $0x1;
	s10 =	sld [smem:$0x3FAE]  }
0x3d: {  	_ =	shalt  }
0x3e: {  	_ =	shalt  }
0x3f: {  	_ =	shalt  }
0x40: {  	_ =	shalt  }
0x41: {  	_ =	shalt  }
0x42: {  	_ =	shalt  }
0x43: {  	_ =	shalt  }
0x44: {  	_ =	shalt  }
0x45: {  	_ =	shalt  }
0x46: {  	_ =	shalt  }
0x47: {  	_ =	shalt  }
0x48: {  	_ =	shalt  }
0x49: {  	_ =	shalt  }
0x4a: {  	_ =	shalt  }
0x4b: {  	_ =	shalt  }
0x4c: {  	_ =	shalt  }
0x4d: {  	_ =	shalt  }
0x4e: {  	_ =	shalt  }
0x4f: {  	_ =	shalt  }
0x50: {  	_ =	shalt  }
0x51: {  	_ =	shalt  }
0x52: {  	_ =	shalt  }
0x53: {  	_ =	shalt  }
0x54: {  	_ =	shalt  }
0x55: {  	_ =	shalt  }
0x56: {  	_ =	shalt  }
0x57: {  	_ =	shalt  }
0x58: {  	_ =	shalt  }
0x59: {  	_ =	shalt  }
0x5a: {  	_ =	shalt  }
0x5b: {  	_ =	shalt  }
0x5c: {  	_ =	shalt  }
0x5d: {  	_ =	shalt  }
0x5e: {  	_ =	shalt  }
0x5f: {  	_ =	shalt  }
0x60: {  	_ =	shalt  }
0x61: {  	_ =	shalt  }
0x62: {  	_ =	shalt  }
0x63: {  	_ =	shalt  }
0x64: {  	_ =	shalt  }
0x65: {  	_ =	shalt  }
0x66: {  	_ =	shalt  }
0x67: {  	_ =	shalt  }
0x68: {  	_ =	shalt  }
0x69: {  	_ =	shalt  }
0x6a: {  	_ =	shalt  }
0x6b: {  	_ =	shalt  }
0x6c: {  	_ =	shalt  }
0x6d: {  	_ =	shalt  }
0x6e: {  	_ =	shalt  }
0x6f: {  	_ =	shalt  }
0x70: {  	_ =	shalt  }
0x71: {  	_ =	shalt  }
0x72: {  	_ =	shalt  }
0x73: {  	_ =	shalt  }
0x74: {  	_ =	shalt  }
0x75: {  	_ =	shalt  }
0x76: {  	_ =	shalt  }
0x77: {  	_ =	shalt  }
0x78: {  	_ =	shalt  }
0x79: {  	_ =	shalt  }
0x7a: {  	_ =	shalt  }
0x7b: {  	_ =	shalt  }
0x7c: {  	_ =	shalt  }
0x7d: {  	_ =	shalt  }
0x7e: {  	_ =	shalt  }
0x7f: {  	_ =	shalt  }
0x80: {  	_ =	shalt  }
0x81: {  	_ =	shalt  }
0x82: {  	_ =	shalt  }
0x83: {  	_ =	shalt  }
0x84: {  	_ =	shalt  }
0x85: {  	_ =	shalt  }
0x86: {  	_ =	shalt  }
0x87: {  	_ =	shalt  }
.Lfunc_end0:
.L_simem_size_0:
called_computation_lowered:
.L_overlay_start_0:
0x88: {  	s2 =	sld [smem:$0x3FD9]  }
0x89: {  	s3 =	sld [smem:$0x3FFE];
	_ =	sdelay $0x1  }
0x8a: {  	s1 =	srdreg.scid  }
0x8b: {  	s0 =	sand.u32 $0x1, s1  }
0x8c: {  	s17 =	sshll.u32 s0, $0xA;
	s2 =	sadd.s32 s3, s2  }
0x8d: {  	s2 =	sadd.s32 s2, s17  }
0x8e: {  	[smem:$0x3FBA] =	sst s2  }
0x8f: {  	_ = 	snop  }
0x90: {  	s2 =	sld [smem:$0x3FD0];
	(tm) =	ssettm $0x1  }
0x91: {  	s18 =	sld [smem:$0x3FFB];
	_ =	sdelay $0x3  }
0x92: {  	_ =	strace s18  }
0x93: {  	s3 =	sld [smem:$0x3FFC];
	_ =	sdelay $0x3  }
0x94: {  	_ =	strace s3  }
0x95: {  	s3 =	sld [smem:$0x3FFD];
	_ =	sdelay $0x3  }
0x96: {  	_ =	strace s3  }
0x97: {  	_ =	strace $0x8FFFFFFF  }
0x98: {  	s19 =	sld [smem:$0x3FDB];
	_ =	sdelay $0x1  }
0x99: {  	s4 =	simm.s32 $_scs_section_size  }
0x9a: {  	s5 =	simm.s32 $_size__tile_overlayer_lowered;
	s6 =	simm.s32 $_tile_overlayer_lowered  }
0x9b: {  	s22 =	simm.s32 $0x1BFF;
	s21 =	sshll.u32 s6, $0x1;
	s3 =	sadd.s32 s4, s19  }
0x9c: {  	s7 =	simm.s32 $0x0;
	s20 =	sshll.u32 s5, $0x1;
	s5 =	sadd.s32 s21, s3  }
0x9d: {  	[timem:s7], [sflag:s22] =	dma.local [hbm:s5], s20  }
0x9e: {  	_ =	swait.ge [sflag:s22], s20  }
0x9f: {  	s4 =	ssub.s32 $0x0, s20;
	[sflag:s22] =	ssyncset.done $0x0  }
0xa0: {  	[sflag:s22] =	ssyncadd.s32 s4;
	_ =	sdelay $0x1  }
0xa1: {  	s23 =	simm.s32 $0x1B8B  }
0xa2: {  	_ =	swait.ge [sflag:s23], $0x1  }
0xa3: {  	[sflag:s23] =	ssyncset.done $0x0  }
0xa4: {  	s25 =	simm.s32 $0x1B8E;
	s24 =	sld [smem:$0x3FFE];
	[sflag:s23] =	ssyncadd.s32 $0xFFFFFFFF  }
0xa5: {  	s26 =	simm.s32 $execute0_lowered;
	[smem:$0x3FD2] =	sst s25  }
0xa6: {  	s5 =	sshll.u32 s26, $0x1;
	_ =	strace $0x80000046;
	[dreg:$0x1] =	wrdreg $0xFFFFFFFF  }
0xa7: {  	s28 =	simm.s32 $_size_execute0_lowered;
	s3 =	sadd.s32 s3, s5;
	[dreg:$0x0] =	wrdreg $0x0  }
0xa8: {  	s5 =	sshll.u32 s28, $0x1;
	[dreg:$0x2] =	wrdreg s3  }
0xa9: {  	[dreg:$0x3] =	wrdreg s5  }
0xaa: {  	[dreg:$0x4] =	wrdreg $0xC0  }
0xab: {  	_ =	task [dreg:s7], $0x5FFFF  }
0xac: {  	[dreg:$0x1] =	wrdreg $0xFFFFFFFF  }
0xad: {  	[dreg:$0x0] =	wrdreg $0x60  }
0xae: {  	[dreg:$0x2] =	wrdreg s24  }
0xaf: {  	[dreg:$0x3] =	wrdreg s2  }
0xb0: {  	[dreg:$0x4] =	wrdreg $0x54000  }
0xb1: {  	[dreg:$0x5] =	wrdreg $0x9  }
0xb2: {  	_ =	task.clear_ibuf [dreg:s7], $0x6FFFF;
	_ =	strace $0x90000046  }
0xb3: {  	s29 =	simm.s32 $0x9;
	_ =	strace $0x80000048  }
0xb4: {  	_ =	swait.ge [sflag:s29], $0x1  }
0xb5: {  	[sflag:s29] =	ssyncadd.s32 $0xFFFFFFFF  }
0xb6: {  	_ =	strace $0x90000048  }
0xb7: {  	_ =	sfence  }
0xb8: {  	s30 =	sld [smem:$0x0];
	_ =	sdelay $0x2  }
0xb9: {  	s31 =	sshll.u32 s1, $0xD;
	s1 =	sshrl.u32 s1, $0x2  }
0xba: {  	s3 =	sand.u32 $0x4000, s31;
	s1 =	sadd.s32 s1, s30  }
0xbb: {  	s0 =	sor.u32 s3, s0;
	s1 =	sshll.u32 s1, $0x11  }
0xbc: {  	s0 =	sor.u32 s1, s0  }
0xbd: {  	s0 =	sadd.s32 $0x8F2B, s0  }
0xbe: {  	[sflag:s0] =	ssyncadd.remote.s32 $0x1  }
0xbf: {  	_ =	sfence.sel $0xFFFF  }
0xc0: {  	[dreg:$0x0] =	wrdreg $0xFFFFFFFF;
	(pc) =	sbr.abs _section_cstart, $3  }
0xc1: {  	[dreg:$0x1] =	wrdreg $0xFFFFFFFF  }
0xc2: {  	_ =	task.clear_ibuf [dreg:s7], $0x2FFFF;
	_ =	strace $0x9FFFFFFF  }
0xc3: {  	(tm) =	ssettm $0x7FFFFFFF  }
tec
execute0_lowered:
.L_overlay_start_1:
0x0: {  	(tag) =	ssettag $0x1  }
0x1: {  	s0 =	rddreg [dreg:$0x0];
	s1 =	srdreg.scid  }
0x2: {  	s3 =	rddreg [dreg:$0x2];
	s9 =	stileid.u32;
	s4 =	simm.s32 $0x0  }
0x3: {  	s28 =	simm.s32 $0xE00;
	s29 =	simm.s32 $0xE80;
	s30 =	simm.s32 $0xF00  }
0x4: {  	s31 =	simm.s32 $0xF80;
	s1 =	sand.u32 $0x1, s1;
	s7 =	smul.u32 $0x4F000, s9  }
0x5: {  	[smem:$0x7FF] =	sst s4;
	s12 =	sadd.s32 $0x4000, s0;
	s13 =	smul.u32 $0x13C00, s9  }
0x6: {  	s16 =	sadd.s32 $0x18000, s0;
	s0 =	sadd.s32 $0x18800, s0;
	s2 =	sshll.u32 s1, $0x4  }
0x7: {  	_ =	strace $0x80000047;
	s6 =	ssub.s32 $0x2, s1;
	[dreg:$0x4] =	wrdreg s16  }
0x8: {  	s1 =	smul.u32 $0x13C000, s1;
	s2 =	sor.u32 s9, s2;
	s8 =	sshrl.u32 s6, $0x1  }
0x9: {  	s17 =	sshrl.u32 s7, $0x2;
	s14 =	sadd.s32 $0x4000, s13;
	s18 =	sadd.s32 $0x8000, s13  }
0xa: {  	s15 =	sadd.s32 $0xC000, s13;
	s16 =	sadd.s32 $0x10000, s13;
	s5 =	smul.u32 $0x500, s2  }
0xb: {  	s6 =	ssub.s32 s6, s8;
	s7 =	sadd.s32 s17, s3;
	s8 =	sadd.s32 s14, s3  }
0xc: {  	s2 =	smul.u32 $0x2800, s2;
	s9 =	sadd.s32 s18, s3;
	s10 =	sadd.s32 s15, s3  }
0xd: {  	s11 =	sadd.s32 s16, s3;
	s13 =	sadd.s32 s13, s1;
	s20 =	sadd.s32 s1, s14  }
0xe: {  	s23 =	sadd.s32 s1, s18;
	s24 =	sadd.s32 s1, s15;
	s1 =	sadd.s32 s1, s16  }
0xf: {  	s18 =	simm.s32 $0xB80;
	s14 =	simm.s32 $0x1380;
	s15 =	simm.s32 $0x1  }
0x10: {  	s16 =	simm.s32 $0x0;
	s19 =	sshrl.u32 s13, $0x3;
	s22 =	sshrl.u32 s20, $0x3  }
0x11: {  	s1 =	sshrl.u32 s1, $0x3;
	s26 =	smax.u32 s6, $0x1;
	s20 =	simm.s32 $0x1400  }
0x12: {  	s6 =	simm.s32 $0x1200;
	s13 =	simm.s32 $0x1300;
	s5 =	sadd.s32 s12, s5  }
0x13: {  	s2 =	sshrl.u32 s2, $0x3;
	s21 =	sadd.s32 s0, s19;
	[dreg:$0xc] =	wrdreg s26  }
0x14: {  	s19 =	simm.s32 $0x2;
	s26 =	simm.s32 $0xD80;
	[dreg:$0x5] =	wrdreg s5  }
0x15: {  	s2 =	sadd.s32 s12, s2;
	[dreg:$0x7] =	wrdreg s21;
	s5 =	sshrl.u32 s24, $0x3  }
0x16: {  	s21 =	simm.s32 $0x80;
	s24 =	simm.s32 $0xC80;
	s2 =	sadd.s32 $0x280, s2  }
0x17: {  	s12 =	simm.s32 $0x1280;
	s25 =	sadd.s32 s0, s5;
	[dreg:$0x6] =	wrdreg s2  }
0x18: {  	s5 =	simm.s32 $0x1180;
	s2 =	sadd.s32 s0, s22;
	[dreg:$0xa] =	wrdreg s25  }
0x19: {  	s22 =	simm.s32 $0xB00;
	[dreg:$0x8] =	wrdreg s2;
	s2 =	sshrl.u32 s23, $0x3  }
0x1a: {  	s25 =	simm.s32 $0xD00;
	s23 =	simm.s32 $0xC00;
	s2 =	sadd.s32 s0, s2  }
0x1b: {  	s0 =	sadd.s32 s0, s1;
	s1 =	simm.s32 $0x1080;
	[dreg:$0x9] =	wrdreg s2  }
0x1c: {  	[dreg:$0xb] =	wrdreg s0;
	s0 =	simm.s32 $0x1000;
	s2 =	simm.s32 $0x1100  }
.LBB2_1:
0x1d: {  	s17 =	rddreg [dreg:$0x5]  }
0x1e: {  	[tilespmem:s4], [sflag:$0x2] =	stream.linear.gather [hbm4b:s17+s4], $0x1400, $0x38;
	[tilespmem:$0x19000] =	vst v63  }
0x1f: {  	_ =	swait.ge [sflag:s19], $0x1400  }
0x20: {  	[sflag:s19] =	ssyncset.done $0x0  }
0x21: {  	s17 =	rddreg [dreg:$0x4];
	[sflag:s19] =	ssyncadd.s32 $0xFFFFEC00  }
0x22: {  	[tilespmem:s20], [sflag:$0x2] =	stream.linear.gather [hbm4b:s17+s4], $0x4000, $0x38;
	[tilespmem:$0x19000] =	vst v63  }
0x23: {  	_ =	swait.ge [sflag:s19], $0x4000  }
0x24: {  	[sflag:s19] =	ssyncset.done $0x0  }
0x25: {  	[sflag:s19] =	ssyncadd.s32 $0xFFFFC000  }
0x26: {  	[spmem:s7] =	stream.linear.scatter [tilespmem:s20], [sflag:$0x2], $0x4000, $0x38;
	[tilespmem:$0x19000] =	vst v63  }
0x27: {  	_ =	swait.ge [sflag:s19], $0x4000  }
0x28: {  	[sflag:s19] =	ssyncset.done $0x0  }
0x29: {  	[sflag:s19] =	ssyncadd.s32 $0xFFFFC000  }
0x2a: {  	[spmem:s8] =	stream.linear.scatter [tilespmem:s20], [sflag:$0x2], $0x4000, $0x38;
	[tilespmem:$0x19000] =	vst v63  }
0x2b: {  	_ =	swait.ge [sflag:s19], $0x4000  }
0x2c: {  	[sflag:s19] =	ssyncset.done $0x0  }
0x2d: {  	[sflag:s19] =	ssyncadd.s32 $0xFFFFC000  }
0x2e: {  	[spmem:s9] =	stream.linear.scatter [tilespmem:s20], [sflag:$0x2], $0x4000, $0x38;
	[tilespmem:$0x19000] =	vst v63  }
0x2f: {  	_ =	swait.ge [sflag:s19], $0x4000  }
0x30: {  	[sflag:s19] =	ssyncset.done $0x0  }
0x31: {  	[sflag:s19] =	ssyncadd.s32 $0xFFFFC000  }
0x32: {  	[spmem:s10] =	stream.linear.scatter [tilespmem:s20], [sflag:$0x2], $0x4000, $0x38;
	[tilespmem:$0x19000] =	vst v63  }
0x33: {  	_ =	swait.ge [sflag:s19], $0x4000  }
0x34: {  	[sflag:s19] =	ssyncset.done $0x0  }
0x35: {  	[sflag:s19] =	ssyncadd.s32 $0xFFFFC000  }
0x36: {  	[spmem:s11] =	stream.linear.scatter [tilespmem:s20], [sflag:$0x2], $0x3C00, $0x38;
	[tilespmem:$0x19000] =	vst v63  }
0x37: {  	_ =	swait.ge [sflag:s19], $0x3C00  }
0x38: {  	[sflag:s19] =	ssyncset.done $0x0  }
0x39: {  	[sflag:s19] =	ssyncadd.s32 $0xFFFFC400  }
0x3a: {  	s17 =	rddreg [dreg:$0x1]  }
0x3b: {  	[tilespmem:s20], [sflag:$0x2] =	stream.linear.gather [hbm4b:s17+s4], $0x4000, $0x38;
	[tilespmem:$0x19000] =	vst v63  }
0x3c: {  	_ =	swait.ge [sflag:s19], $0x4000  }
0x3d: {  	[sflag:s19] =	ssyncset.done $0x0  }
0x3e: {  	[sflag:s19] =	ssyncadd.s32 $0xFFFFC000  }
0x3f: {  	[bflag:$0x0] =	sbarrier.arrive $0xFFFF  }
0x40: {  	[spmem:s3] =	stream.indirect.scatter.add.f32 [tilespmem:s20], [sflag:$0x1], $0x80, s4, s21, $0xb8;
	[tilespmem:$0x19000] =	vst v63  }
0x41: {  	_ = 	snop  }
0x42: {  	[spmem:s3] =	stream.indirect.scatter.add.f32 [tilespmem:s20], [sflag:$0x1], $0x80, s21, s21, $0xb8;
	[tilespmem:$0x19000] =	vst v63  }
0x43: {  	s17 =	simm.s32 $0x100  }
0x44: {  	[spmem:s3] =	stream.indirect.scatter.add.f32 [tilespmem:s20], [sflag:$0x1], $0x80, s17, s21, $0xb8;
	[tilespmem:$0x19000] =	vst v63  }
0x45: {  	s17 =	simm.s32 $0x180  }
0x46: {  	[spmem:s3] =	stream.indirect.scatter.add.f32 [tilespmem:s20], [sflag:$0x1], $0x80, s17, s21, $0xb8;
	[tilespmem:$0x19000] =	vst v63  }
0x47: {  	s17 =	simm.s32 $0x200  }
0x48: {  	[spmem:s3] =	stream.indirect.scatter.add.f32 [tilespmem:s20], [sflag:$0x1], $0x80, s17, s21, $0xb8;
	[tilespmem:$0x19000] =	vst v63  }
0x49: {  	s17 =	simm.s32 $0x280  }
0x4a: {  	[spmem:s3] =	stream.indirect.scatter.add.f32 [tilespmem:s20], [sflag:$0x1], $0x80, s17, s21, $0xb8;
	[tilespmem:$0x19000] =	vst v63  }
0x4b: {  	s17 =	simm.s32 $0x300  }
0x4c: {  	[spmem:s3] =	stream.indirect.scatter.add.f32 [tilespmem:s20], [sflag:$0x1], $0x80, s17, s21, $0xb8;
	[tilespmem:$0x19000] =	vst v63  }
0x4d: {  	s17 =	simm.s32 $0x380  }
0x4e: {  	[spmem:s3] =	stream.indirect.scatter.add.f32 [tilespmem:s20], [sflag:$0x1], $0x80, s17, s21, $0xb8;
	[tilespmem:$0x19000] =	vst v63  }
0x4f: {  	s17 =	simm.s32 $0x400  }
0x50: {  	[spmem:s3] =	stream.indirect.scatter.add.f32 [tilespmem:s20], [sflag:$0x1], $0x80, s17, s21, $0xb8;
	[tilespmem:$0x19000] =	vst v63  }
0x51: {  	s17 =	simm.s32 $0x480  }
0x52: {  	[spmem:s3] =	stream.indirect.scatter.add.f32 [tilespmem:s20], [sflag:$0x1], $0x80, s17, s21, $0xb8;
	[tilespmem:$0x19000] =	vst v63  }
0x53: {  	s17 =	simm.s32 $0x500  }
0x54: {  	[spmem:s3] =	stream.indirect.scatter.add.f32 [tilespmem:s20], [sflag:$0x1], $0x80, s17, s21, $0xb8;
	[tilespmem:$0x19000] =	vst v63  }
0x55: {  	s17 =	simm.s32 $0x580  }
0x56: {  	[spmem:s3] =	stream.indirect.scatter.add.f32 [tilespmem:s20], [sflag:$0x1], $0x80, s17, s21, $0xb8;
	[tilespmem:$0x19000] =	vst v63  }
0x57: {  	s17 =	simm.s32 $0x600  }
0x58: {  	[spmem:s3] =	stream.indirect.scatter.add.f32 [tilespmem:s20], [sflag:$0x1], $0x80, s17, s21, $0xb8;
	[tilespmem:$0x19000] =	vst v63  }
0x59: {  	s17 =	simm.s32 $0x680  }
0x5a: {  	[spmem:s3] =	stream.indirect.scatter.add.f32 [tilespmem:s20], [sflag:$0x1], $0x80, s17, s21, $0xb8;
	[tilespmem:$0x19000] =	vst v63  }
0x5b: {  	s17 =	simm.s32 $0x700  }
0x5c: {  	[spmem:s3] =	stream.indirect.scatter.add.f32 [tilespmem:s20], [sflag:$0x1], $0x80, s17, s21, $0xb8;
	[tilespmem:$0x19000] =	vst v63  }
0x5d: {  	s17 =	simm.s32 $0x780  }
0x5e: {  	[spmem:s3] =	stream.indirect.scatter.add.f32 [tilespmem:s20], [sflag:$0x1], $0x80, s17, s21, $0xb8;
	[tilespmem:$0x19000] =	vst v63  }
0x5f: {  	s17 =	simm.s32 $0x800  }
0x60: {  	[spmem:s3] =	stream.indirect.scatter.add.f32 [tilespmem:s20], [sflag:$0x1], $0x80, s17, s21, $0xb8;
	[tilespmem:$0x19000] =	vst v63  }
0x61: {  	s17 =	simm.s32 $0x880  }
0x62: {  	[spmem:s3] =	stream.indirect.scatter.add.f32 [tilespmem:s20], [sflag:$0x1], $0x80, s17, s21, $0xb8;
	[tilespmem:$0x19000] =	vst v63  }
0x63: {  	s17 =	simm.s32 $0x900  }
0x64: {  	[spmem:s3] =	stream.indirect.scatter.add.f32 [tilespmem:s20], [sflag:$0x1], $0x80, s17, s21, $0xb8;
	[tilespmem:$0x19000] =	vst v63  }
0x65: {  	s17 =	simm.s32 $0x980  }
0x66: {  	[spmem:s3] =	stream.indirect.scatter.add.f32 [tilespmem:s20], [sflag:$0x1], $0x80, s17, s21, $0xb8;
	[tilespmem:$0x19000] =	vst v63  }
0x67: {  	s17 =	simm.s32 $0xA00  }
0x68: {  	[spmem:s3] =	stream.indirect.scatter.add.f32 [tilespmem:s20], [sflag:$0x1], $0x80, s17, s21, $0xb8;
	[tilespmem:$0x19000] =	vst v63  }
0x69: {  	s17 =	simm.s32 $0xA80  }
0x6a: {  	[spmem:s3] =	stream.indirect.scatter.add.f32 [tilespmem:s20], [sflag:$0x1], $0x80, s17, s21, $0xb8;
	[tilespmem:$0x19000] =	vst v63  }
0x6b: {  	_ = 	snop  }
0x6c: {  	[spmem:s3] =	stream.indirect.scatter.add.f32 [tilespmem:s20], [sflag:$0x1], $0x80, s22, s21, $0xb8;
	[tilespmem:$0x19000] =	vst v63  }
0x6d: {  	_ = 	snop  }
0x6e: {  	[spmem:s3] =	stream.indirect.scatter.add.f32 [tilespmem:s20], [sflag:$0x1], $0x80, s18, s21, $0xb8;
	[tilespmem:$0x19000] =	vst v63  }
0x6f: {  	_ = 	snop  }
0x70: {  	[spmem:s3] =	stream.indirect.scatter.add.f32 [tilespmem:s20], [sflag:$0x1], $0x80, s23, s21, $0xb8;
	[tilespmem:$0x19000] =	vst v63  }
0x71: {  	_ = 	snop  }
0x72: {  	[spmem:s3] =	stream.indirect.scatter.add.f32 [tilespmem:s20], [sflag:$0x1], $0x80, s24, s21, $0xb8;
	[tilespmem:$0x19000] =	vst v63  }
0x73: {  	_ = 	snop  }
0x74: {  	[spmem:s3] =	stream.indirect.scatter.add.f32 [tilespmem:s20], [sflag:$0x1], $0x80, s25, s21, $0xb8;
	[tilespmem:$0x19000] =	vst v63  }
0x75: {  	_ = 	snop  }
0x76: {  	[spmem:s3] =	stream.indirect.scatter.add.f32 [tilespmem:s20], [sflag:$0x1], $0x80, s26, s21, $0xb8;
	[tilespmem:$0x19000] =	vst v63  }
0x77: {  	_ = 	snop  }
0x78: {  	[spmem:s3] =	stream.indirect.scatter.add.f32 [tilespmem:s20], [sflag:$0x1], $0x80, s28, s21, $0xb8;
	[tilespmem:$0x19000] =	vst v63  }
0x79: {  	_ = 	snop  }
0x7a: {  	[spmem:s3] =	stream.indirect.scatter.add.f32 [tilespmem:s20], [sflag:$0x1], $0x80, s29, s21, $0xb8;
	[tilespmem:$0x19000] =	vst v63  }
0x7b: {  	_ = 	snop  }
0x7c: {  	[spmem:s3] =	stream.indirect.scatter.add.f32 [tilespmem:s20], [sflag:$0x1], $0x80, s30, s21, $0xb8;
	[tilespmem:$0x19000] =	vst v63  }
0x7d: {  	_ = 	snop  }
0x7e: {  	[spmem:s3] =	stream.indirect.scatter.add.f32 [tilespmem:s20], [sflag:$0x1], $0x80, s31, s21, $0xb8;
	[tilespmem:$0x19000] =	vst v63  }
0x7f: {  	_ = 	snop  }
0x80: {  	[spmem:s3] =	stream.indirect.scatter.add.f32 [tilespmem:s20], [sflag:$0x1], $0x80, s0, s21, $0xb8;
	[tilespmem:$0x19000] =	vst v63  }
0x81: {  	_ = 	snop  }
0x82: {  	[spmem:s3] =	stream.indirect.scatter.add.f32 [tilespmem:s20], [sflag:$0x1], $0x80, s1, s21, $0xb8;
	[tilespmem:$0x19000] =	vst v63  }
0x83: {  	_ = 	snop  }
0x84: {  	[spmem:s3] =	stream.indirect.scatter.add.f32 [tilespmem:s20], [sflag:$0x1], $0x80, s2, s21, $0xb8;
	[tilespmem:$0x19000] =	vst v63  }
0x85: {  	_ = 	snop  }
0x86: {  	[spmem:s3] =	stream.indirect.scatter.add.f32 [tilespmem:s20], [sflag:$0x1], $0x80, s5, s21, $0xb8;
	[tilespmem:$0x19000] =	vst v63  }
0x87: {  	_ = 	snop  }
0x88: {  	[spmem:s3] =	stream.indirect.scatter.add.f32 [tilespmem:s20], [sflag:$0x1], $0x80, s6, s21, $0xb8;
	[tilespmem:$0x19000] =	vst v63  }
0x89: {  	_ = 	snop  }
0x8a: {  	[spmem:s3] =	stream.indirect.scatter.add.f32 [tilespmem:s20], [sflag:$0x1], $0x80, s12, s21, $0xb8;
	[tilespmem:$0x19000] =	vst v63  }
0x8b: {  	_ = 	snop  }
0x8c: {  	[spmem:s3] =	stream.indirect.scatter.add.f32 [tilespmem:s20], [sflag:$0x1], $0x80, s13, s21, $0xb8;
	[tilespmem:$0x19000] =	vst v63  }
0x8d: {  	_ = 	snop  }
0x8e: {  	[spmem:s3] =	stream.indirect.scatter.add.f32 [tilespmem:s20], [sflag:$0x1], $0x80, s14, s21, $0xb8;
	[tilespmem:$0x19000] =	vst v63  }
0x8f: {  	_ =	swait.ge [sflag:s15], $0x4000  }
0x90: {  	s17 =	simm.s32 $0x27;
	[sflag:s15] =	ssyncset.done $0x0  }
.LBB2_2:
0x91: {  	p0 =	sne.s32 s17, $0x1;
	s17 =	sadd.s32 $0xFFFFFFFF, s17;
	[sflag:s15] =	ssyncadd.s32 $0xFFFFC000  }
.Ltmp0:
0x92: {  	(pc) =	sbr.rel @p0 .LBB2_2-.Ltmp0, $3  }
0x93: {  	_ =	sdelay $0x1  }
0x94: {  	_ =	swait.ge [sflag:s15], $0x4000  }
0x95: {  	[sflag:s15] =	ssyncset.done $0x0  }
0x96: {  	[sflag:s15] =	ssyncadd.s32 $0xFFFFC000;
	s17 =	rddreg [dreg:$0x6]  }
0x97: {  	[tilespmem:s4], [sflag:$0x2] =	stream.linear.gather [hbm4b:s17+s4], $0x1400, $0x38;
	[tilespmem:$0x19000] =	vst v63  }
0x98: {  	_ =	swait.ge [sflag:s19], $0x1400  }
0x99: {  	[sflag:s19] =	ssyncset.done $0x0  }
0x9a: {  	[sflag:s19] =	ssyncadd.s32 $0xFFFFEC00  }
0x9b: {  	[spmem:s3] =	stream.indirect.scatter.add.f32 [tilespmem:s20], [sflag:$0x1], $0x80, s4, s21, $0xb8;
	[tilespmem:$0x19000] =	vst v63  }
0x9c: {  	_ = 	snop  }
0x9d: {  	[spmem:s3] =	stream.indirect.scatter.add.f32 [tilespmem:s20], [sflag:$0x1], $0x80, s21, s21, $0xb8;
	[tilespmem:$0x19000] =	vst v63  }
0x9e: {  	s17 =	simm.s32 $0x100  }
0x9f: {  	[spmem:s3] =	stream.indirect.scatter.add.f32 [tilespmem:s20], [sflag:$0x1], $0x80, s17, s21, $0xb8;
	[tilespmem:$0x19000] =	vst v63  }
0xa0: {  	s17 =	simm.s32 $0x180  }
0xa1: {  	[spmem:s3] =	stream.indirect.scatter.add.f32 [tilespmem:s20], [sflag:$0x1], $0x80, s17, s21, $0xb8;
	[tilespmem:$0x19000] =	vst v63  }
0xa2: {  	s17 =	simm.s32 $0x200  }
0xa3: {  	[spmem:s3] =	stream.indirect.scatter.add.f32 [tilespmem:s20], [sflag:$0x1], $0x80, s17, s21, $0xb8;
	[tilespmem:$0x19000] =	vst v63  }
0xa4: {  	s17 =	simm.s32 $0x280  }
0xa5: {  	[spmem:s3] =	stream.indirect.scatter.add.f32 [tilespmem:s20], [sflag:$0x1], $0x80, s17, s21, $0xb8;
	[tilespmem:$0x19000] =	vst v63  }
0xa6: {  	s17 =	simm.s32 $0x300  }
0xa7: {  	[spmem:s3] =	stream.indirect.scatter.add.f32 [tilespmem:s20], [sflag:$0x1], $0x80, s17, s21, $0xb8;
	[tilespmem:$0x19000] =	vst v63  }
0xa8: {  	s17 =	simm.s32 $0x380  }
0xa9: {  	[spmem:s3] =	stream.indirect.scatter.add.f32 [tilespmem:s20], [sflag:$0x1], $0x80, s17, s21, $0xb8;
	[tilespmem:$0x19000] =	vst v63  }
0xaa: {  	s17 =	simm.s32 $0x400  }
0xab: {  	[spmem:s3] =	stream.indirect.scatter.add.f32 [tilespmem:s20], [sflag:$0x1], $0x80, s17, s21, $0xb8;
	[tilespmem:$0x19000] =	vst v63  }
0xac: {  	s17 =	simm.s32 $0x480  }
0xad: {  	[spmem:s3] =	stream.indirect.scatter.add.f32 [tilespmem:s20], [sflag:$0x1], $0x80, s17, s21, $0xb8;
	[tilespmem:$0x19000] =	vst v63  }
0xae: {  	s17 =	simm.s32 $0x500  }
0xaf: {  	[spmem:s3] =	stream.indirect.scatter.add.f32 [tilespmem:s20], [sflag:$0x1], $0x80, s17, s21, $0xb8;
	[tilespmem:$0x19000] =	vst v63  }
0xb0: {  	s17 =	simm.s32 $0x580  }
0xb1: {  	[spmem:s3] =	stream.indirect.scatter.add.f32 [tilespmem:s20], [sflag:$0x1], $0x80, s17, s21, $0xb8;
	[tilespmem:$0x19000] =	vst v63  }
0xb2: {  	s17 =	simm.s32 $0x600  }
0xb3: {  	[spmem:s3] =	stream.indirect.scatter.add.f32 [tilespmem:s20], [sflag:$0x1], $0x80, s17, s21, $0xb8;
	[tilespmem:$0x19000] =	vst v63  }
0xb4: {  	s17 =	simm.s32 $0x680  }
0xb5: {  	[spmem:s3] =	stream.indirect.scatter.add.f32 [tilespmem:s20], [sflag:$0x1], $0x80, s17, s21, $0xb8;
	[tilespmem:$0x19000] =	vst v63  }
0xb6: {  	s17 =	simm.s32 $0x700  }
0xb7: {  	[spmem:s3] =	stream.indirect.scatter.add.f32 [tilespmem:s20], [sflag:$0x1], $0x80, s17, s21, $0xb8;
	[tilespmem:$0x19000] =	vst v63  }
0xb8: {  	s17 =	simm.s32 $0x780  }
0xb9: {  	[spmem:s3] =	stream.indirect.scatter.add.f32 [tilespmem:s20], [sflag:$0x1], $0x80, s17, s21, $0xb8;
	[tilespmem:$0x19000] =	vst v63  }
0xba: {  	s17 =	simm.s32 $0x800  }
0xbb: {  	[spmem:s3] =	stream.indirect.scatter.add.f32 [tilespmem:s20], [sflag:$0x1], $0x80, s17, s21, $0xb8;
	[tilespmem:$0x19000] =	vst v63  }
0xbc: {  	s17 =	simm.s32 $0x880  }
0xbd: {  	[spmem:s3] =	stream.indirect.scatter.add.f32 [tilespmem:s20], [sflag:$0x1], $0x80, s17, s21, $0xb8;
	[tilespmem:$0x19000] =	vst v63  }
0xbe: {  	s17 =	simm.s32 $0x900  }
0xbf: {  	[spmem:s3] =	stream.indirect.scatter.add.f32 [tilespmem:s20], [sflag:$0x1], $0x80, s17, s21, $0xb8;
	[tilespmem:$0x19000] =	vst v63  }
0xc0: {  	s17 =	simm.s32 $0x980  }
0xc1: {  	[spmem:s3] =	stream.indirect.scatter.add.f32 [tilespmem:s20], [sflag:$0x1], $0x80, s17, s21, $0xb8;
	[tilespmem:$0x19000] =	vst v63  }
0xc2: {  	s17 =	simm.s32 $0xA00  }
0xc3: {  	[spmem:s3] =	stream.indirect.scatter.add.f32 [tilespmem:s20], [sflag:$0x1], $0x80, s17, s21, $0xb8;
	[tilespmem:$0x19000] =	vst v63  }
0xc4: {  	s17 =	simm.s32 $0xA80  }
0xc5: {  	[spmem:s3] =	stream.indirect.scatter.add.f32 [tilespmem:s20], [sflag:$0x1], $0x80, s17, s21, $0xb8;
	[tilespmem:$0x19000] =	vst v63  }
0xc6: {  	_ = 	snop  }
0xc7: {  	[spmem:s3] =	stream.indirect.scatter.add.f32 [tilespmem:s20], [sflag:$0x1], $0x80, s22, s21, $0xb8;
	[tilespmem:$0x19000] =	vst v63  }
0xc8: {  	_ = 	snop  }
0xc9: {  	[spmem:s3] =	stream.indirect.scatter.add.f32 [tilespmem:s20], [sflag:$0x1], $0x80, s18, s21, $0xb8;
	[tilespmem:$0x19000] =	vst v63  }
0xca: {  	_ = 	snop  }
0xcb: {  	[spmem:s3] =	stream.indirect.scatter.add.f32 [tilespmem:s20], [sflag:$0x1], $0x80, s23, s21, $0xb8;
	[tilespmem:$0x19000] =	vst v63  }
0xcc: {  	_ = 	snop  }
0xcd: {  	[spmem:s3] =	stream.indirect.scatter.add.f32 [tilespmem:s20], [sflag:$0x1], $0x80, s24, s21, $0xb8;
	[tilespmem:$0x19000] =	vst v63  }
0xce: {  	_ = 	snop  }
0xcf: {  	[spmem:s3] =	stream.indirect.scatter.add.f32 [tilespmem:s20], [sflag:$0x1], $0x80, s25, s21, $0xb8;
	[tilespmem:$0x19000] =	vst v63  }
0xd0: {  	_ = 	snop  }
0xd1: {  	[spmem:s3] =	stream.indirect.scatter.add.f32 [tilespmem:s20], [sflag:$0x1], $0x80, s26, s21, $0xb8;
	[tilespmem:$0x19000] =	vst v63  }
0xd2: {  	_ = 	snop  }
0xd3: {  	[spmem:s3] =	stream.indirect.scatter.add.f32 [tilespmem:s20], [sflag:$0x1], $0x80, s28, s21, $0xb8;
	[tilespmem:$0x19000] =	vst v63  }
0xd4: {  	_ = 	snop  }
0xd5: {  	[spmem:s3] =	stream.indirect.scatter.add.f32 [tilespmem:s20], [sflag:$0x1], $0x80, s29, s21, $0xb8;
	[tilespmem:$0x19000] =	vst v63  }
0xd6: {  	_ = 	snop  }
0xd7: {  	[spmem:s3] =	stream.indirect.scatter.add.f32 [tilespmem:s20], [sflag:$0x1], $0x80, s30, s21, $0xb8;
	[tilespmem:$0x19000] =	vst v63  }
0xd8: {  	_ = 	snop  }
0xd9: {  	[spmem:s3] =	stream.indirect.scatter.add.f32 [tilespmem:s20], [sflag:$0x1], $0x80, s31, s21, $0xb8;
	[tilespmem:$0x19000] =	vst v63  }
0xda: {  	_ = 	snop  }
0xdb: {  	[spmem:s3] =	stream.indirect.scatter.add.f32 [tilespmem:s20], [sflag:$0x1], $0x80, s0, s21, $0xb8;
	[tilespmem:$0x19000] =	vst v63  }
0xdc: {  	_ = 	snop  }
0xdd: {  	[spmem:s3] =	stream.indirect.scatter.add.f32 [tilespmem:s20], [sflag:$0x1], $0x80, s1, s21, $0xb8;
	[tilespmem:$0x19000] =	vst v63  }
0xde: {  	_ = 	snop  }
0xdf: {  	[spmem:s3] =	stream.indirect.scatter.add.f32 [tilespmem:s20], [sflag:$0x1], $0x80, s2, s21, $0xb8;
	[tilespmem:$0x19000] =	vst v63  }
0xe0: {  	_ = 	snop  }
0xe1: {  	[spmem:s3] =	stream.indirect.scatter.add.f32 [tilespmem:s20], [sflag:$0x1], $0x80, s5, s21, $0xb8;
	[tilespmem:$0x19000] =	vst v63  }
0xe2: {  	_ = 	snop  }
0xe3: {  	[spmem:s3] =	stream.indirect.scatter.add.f32 [tilespmem:s20], [sflag:$0x1], $0x80, s6, s21, $0xb8;
	[tilespmem:$0x19000] =	vst v63  }
0xe4: {  	_ = 	snop  }
0xe5: {  	[spmem:s3] =	stream.indirect.scatter.add.f32 [tilespmem:s20], [sflag:$0x1], $0x80, s12, s21, $0xb8;
	[tilespmem:$0x19000] =	vst v63  }
0xe6: {  	_ = 	snop  }
0xe7: {  	[spmem:s3] =	stream.indirect.scatter.add.f32 [tilespmem:s20], [sflag:$0x1], $0x80, s13, s21, $0xb8;
	[tilespmem:$0x19000] =	vst v63  }
0xe8: {  	_ = 	snop  }
0xe9: {  	[spmem:s3] =	stream.indirect.scatter.add.f32 [tilespmem:s20], [sflag:$0x1], $0x80, s14, s21, $0xb8;
	[tilespmem:$0x19000] =	vst v63  }
0xea: {  	_ =	swait.ge [sflag:s15], $0x4000  }
0xeb: {  	s17 =	simm.s32 $0x27;
	[sflag:s15] =	ssyncset.done $0x0  }
.LBB2_4:
0xec: {  	p0 =	sne.s32 s17, $0x1;
	s17 =	sadd.s32 $0xFFFFFFFF, s17;
	[sflag:s15] =	ssyncadd.s32 $0xFFFFC000  }
.Ltmp1:
0xed: {  	(pc) =	sbr.rel @p0 .LBB2_4-.Ltmp1, $3  }
0xee: {  	_ =	sdelay $0x1  }
0xef: {  	_ =	swait.ge [sflag:s15], $0x4000  }
0xf0: {  	[sflag:s15] =	ssyncset.done $0x0  }
0xf1: {  	[sflag:s15] =	ssyncadd.s32 $0xFFFFC000  }
0xf2: {  	[bflag:$0x0] =	sbarrier.arrive $0xFFFF  }
0xf3: {  	[tilespmem:s20], [sflag:$0x2] =	stream.linear.gather [spmem:s7], $0x4000, $0x38;
	[tilespmem:$0x19000] =	vst v63  }
0xf4: {  	_ =	swait.ge [sflag:s19], $0x4000  }
0xf5: {  	[sflag:s19] =	ssyncset.done $0x0  }
0xf6: {  	s17 =	rddreg [dreg:$0x7];
	[sflag:s19] =	ssyncadd.s32 $0xFFFFC000  }
0xf7: {  	[hbm4b:s17+s4] =	stream.linear.scatter [tilespmem:s20], [sflag:$0x2], $0x4000, $0x38;
	[tilespmem:$0x19000] =	vst v63  }
0xf8: {  	_ =	swait.ge [sflag:s19], $0x4000  }
0xf9: {  	[sflag:s19] =	ssyncset.done $0x0  }
0xfa: {  	[sflag:s19] =	ssyncadd.s32 $0xFFFFC000  }
0xfb: {  	[tilespmem:s20], [sflag:$0x2] =	stream.linear.gather [spmem:s8], $0x4000, $0x38;
	[tilespmem:$0x19000] =	vst v63  }
0xfc: {  	_ =	swait.ge [sflag:s19], $0x4000  }
0xfd: {  	[sflag:s19] =	ssyncset.done $0x0  }
0xfe: {  	s17 =	rddreg [dreg:$0x8];
	[sflag:s19] =	ssyncadd.s32 $0xFFFFC000  }
0xff: {  	[hbm4b:s17+s4] =	stream.linear.scatter [tilespmem:s20], [sflag:$0x2], $0x4000, $0x38;
	[tilespmem:$0x19000] =	vst v63  }
0x100: {  	_ =	swait.ge [sflag:s19], $0x4000  }
0x101: {  	[sflag:s19] =	ssyncset.done $0x0  }
0x102: {  	[sflag:s19] =	ssyncadd.s32 $0xFFFFC000  }
0x103: {  	[tilespmem:s20], [sflag:$0x2] =	stream.linear.gather [spmem:s9], $0x4000, $0x38;
	[tilespmem:$0x19000] =	vst v63  }
0x104: {  	_ =	swait.ge [sflag:s19], $0x4000  }
0x105: {  	[sflag:s19] =	ssyncset.done $0x0  }
0x106: {  	s17 =	rddreg [dreg:$0x9];
	[sflag:s19] =	ssyncadd.s32 $0xFFFFC000  }
0x107: {  	[hbm4b:s17+s4] =	stream.linear.scatter [tilespmem:s20], [sflag:$0x2], $0x4000, $0x38;
	[tilespmem:$0x19000] =	vst v63  }
0x108: {  	_ =	swait.ge [sflag:s19], $0x4000  }
0x109: {  	[sflag:s19] =	ssyncset.done $0x0  }
0x10a: {  	[sflag:s19] =	ssyncadd.s32 $0xFFFFC000  }
0x10b: {  	[tilespmem:s20], [sflag:$0x2] =	stream.linear.gather [spmem:s10], $0x4000, $0x38;
	[tilespmem:$0x19000] =	vst v63  }
0x10c: {  	_ =	swait.ge [sflag:s19], $0x4000  }
0x10d: {  	[sflag:s19] =	ssyncset.done $0x0  }
0x10e: {  	s17 =	rddreg [dreg:$0xa];
	[sflag:s19] =	ssyncadd.s32 $0xFFFFC000  }
0x10f: {  	[hbm4b:s17+s4] =	stream.linear.scatter [tilespmem:s20], [sflag:$0x2], $0x4000, $0x38;
	[tilespmem:$0x19000] =	vst v63  }
0x110: {  	_ =	swait.ge [sflag:s19], $0x4000  }
0x111: {  	[sflag:s19] =	ssyncset.done $0x0  }
0x112: {  	[sflag:s19] =	ssyncadd.s32 $0xFFFFC000  }
0x113: {  	[tilespmem:s20], [sflag:$0x2] =	stream.linear.gather [spmem:s11], $0x3C00, $0x38;
	[tilespmem:$0x19000] =	vst v63  }
0x114: {  	_ =	swait.ge [sflag:s19], $0x3C00  }
0x115: {  	[sflag:s19] =	ssyncset.done $0x0  }
0x116: {  	s17 =	rddreg [dreg:$0xb];
	[sflag:s19] =	ssyncadd.s32 $0xFFFFC400  }
0x117: {  	[hbm4b:s17+s4] =	stream.linear.scatter [tilespmem:s20], [sflag:$0x2], $0x3C00, $0x38;
	[tilespmem:$0x19000] =	vst v63  }
0x118: {  	_ =	swait.ge [sflag:s19], $0x3C00  }
0x119: {  	s16 =	sadd.s32 $0x1, s16;
	s17 =	rddreg [dreg:$0xc]  }
0x11a: {  	p0 =	sne.s32 s16, s17  }
.Ltmp2:
0x11b: {  	_ = 	snop;
	(pc) =	sbr.rel @p0 .LBB2_1-.Ltmp2, $3  }
0x11c: {  	_ =	sdelay $0x1  }
0x11d: {  	[sflag:s19] =	ssyncset.done $0x0  }
0x11e: {  	[sflag:s19] =	ssyncadd.s32 $0xFFFFC400  }
0x11f: {  	_ =	sfence.sel $0x180000  }
0x120: {  	[bflag:$0x0] =	sbarrier.arrive $0xFFFF  }
0x121: {  	_ =	strace $0x90000047  }
0x122: {  	s0 =	stileid.u32;
	[bflag:$0x2] =	sbarrier.arrive $0xFFFF  }
0x123: {  	p0 =	sne.s32 s0, $0x0;
	s0 =	rddreg [dreg:$0x3]  }
0x124: {  	s0 =	sadd.s32 @!p0 $0x100000, s0  }
0x125: {  	[sflag:s0] =	ssyncadd.tile.s32 @!p0 $0x1;
	_ =	shalt  }
.Lfunc_end2:
_tile_overlayer_lowered:
.L_overlay_start_2:
0x126: {  	(tag) =	ssettag $0x2  }
0x127: {  	s0 =	rddreg [dreg:$0x0];
	s2 =	stileid.u32  }
0x128: {  	s1 =	rddreg [dreg:$0x1];
	p0 =	sne.s32 s2, $0x0  }
0x129: {  	s3 =	rddreg [dreg:$0x2];
	[bflag:$0x3] =	sbarrier.arrive $0xFFFF;
	s2 =	simm.s32 @!p0 $0x1C02  }
0x12a: {  	[timem:s3], [sflag:s2] =	dma.local @!p0 [hbm:s0], s1  }
0x12b: {  	s0 =	simm.s32 @!p0 $0x2  }
0x12c: {  	_ =	swait.ge @!p0 [sflag:s0], s1  }
0x12d: {  	s1 =	ssub.s32 @!p0 $0x0, s1;
	[sflag:s0] =	ssyncset.done @!p0 $0x0  }
0x12e: {  	[sflag:s0] =	ssyncadd.s32 @!p0 s1  }
0x12f: {  	[bflag:$0x3] =	sbarrier.arrive $0xFFFF  }
0x130: {  	_ =	shalt  }

</sc_bundles>
